<compile_context>
chip_gen: v7x
topology: tpu7x:2x2x1
jax: 0.10.2.dev20260603
libtpu: 0.0.44.dev20260713+nightly
codegen_flags: <defaults>
</compile_context>

<pallas_src>
import functools

import jax
import jax.numpy as jnp
from jax import lax
from jax.experimental import pallas as pl
from jax.experimental.pallas import tpu as pltpu
from jax.experimental.pallas import tpu_sc as plsc

_NUM_WORKERS = 32
_CHUNK = 1024
_VPC = _CHUNK // 16


def _lookup(idx, W, N, D):
    b_per_w = N // _NUM_WORKERS
    n_chunks = b_per_w // _CHUNK
    mesh = plsc.VectorSubcoreMesh(core_axis_name="c", subcore_axis_name="s")

    @functools.partial(
        pl.kernel,
        mesh=mesh,
        out_type=jax.ShapeDtypeStruct((N, D), jnp.float32),
        scratch_types=[
            pltpu.VMEM_SHARED((1000, 32), jnp.float32),
            pltpu.VMEM((2, 32, 1, 512), jnp.int32),
            pltpu.VMEM((_CHUNK,), jnp.int32),
            pltpu.VMEM((_CHUNK,), jnp.int32),
            pltpu.VMEM((2, _CHUNK), jnp.int32),
            pltpu.VMEM((2, _CHUNK, D), jnp.float32),
            pltpu.SemaphoreType.DMA,
            pltpu.SemaphoreType.DMA,
            pltpu.SemaphoreType.DMA,
            pltpu.SemaphoreType.DMA,
        ],
        compiler_params=pltpu.CompilerParams(
            use_tc_tiling_on_sc=False, needs_layout_passes=False),
    )
    def k(table_hbm, idx_hbm, out_hbm, table_v, idx_v, pat_bt, pat_p, idx_p,
          rows_v, gs0, gs1, ss0, ss1):
        wid = lax.axis_index("s") * 2 + lax.axis_index("c")
        base = wid * b_per_w

        @pl.when(lax.axis_index("s") == 0)
        def _():
            pltpu.sync_copy(table_hbm, table_v)
        pltpu.sync_copy(idx_hbm.at[pl.ds(wid * 2, 2)], idx_v)

        def mkpat(v, carry):
            j = lax.iota(jnp.int32, 16) + v * 16
            pat_bt[pl.ds(v * 16, 16)] = (((j >> 8) & 3) << 3) | ((j >> 2) & 7)
            pat_p[pl.ds(v * 16, 16)] = (((j >> 5) & 7) << 2) | (j & 3)
            return carry
        lax.fori_loop(0, _VPC, mkpat, 0)

        def permute(g, b):
            def body(v, carry):
                bt = pat_bt[pl.ds(v * 16, 16)] + g * 32
                p = pat_p[pl.ds(v * 16, 16)]
                idx_p[b, pl.ds(v * 16, 16)] = plsc.load_gather(
                    idx_v,
                    [bt >> 9, p, jnp.zeros((16,), jnp.int32), bt & 511])
                return carry
            lax.fori_loop(0, _VPC, body, 0)

        plsc.subcore_barrier()
        gsems = (gs0, gs1)
        ssems = (ss0, ss1)
        stores = [None, None]
        permute(0, 0)
        for g in range(n_chunks):
            b = g % 2
            if stores[b] is not None:
                stores[b].wait()
            gather = pltpu.async_copy(
                table_v.at[idx_p.at[b]], rows_v.at[b], gsems[b])
            if g + 1 < n_chunks:
                permute(g + 1, 1 - b)
            gather.wait()
            stores[b] = pltpu.async_copy(
                rows_v.at[b], out_hbm.at[pl.ds(base + g * _CHUNK, _CHUNK)],
                ssems[b])
        for b in (0, 1):
            stores[b].wait()

    return k(W, idx)


def kernel(spikes, W):
    bs, T, Pn, Pt = spikes.shape
    V, D = W.shape
    N = bs * T * Pn * Pt
    idx = spikes.transpose(0, 2, 3, 1)
    out = _lookup(idx, W, N, D)
    out = out.reshape(N // 8 // 32, 8, 8, 128)
    out = out.transpose(0, 2, 1, 3)
    return out.reshape(bs, T, Pn * Pt * D)

# --- scband reference (transcript-rebuilt; emitter-appended) ---
"""Pipeline reference for scband-spikes-patchifier-77876347011197 (READ-ONLY COPY).

The authoritative reference and input builder live on the scoring server;
editing this copy changes nothing except your own understanding.
"""

import jax, jax.numpy as jnp
import numpy as np

DIM = 1024
PATCH_SIZE = (32, 1)
MAX_NEURON_COUNT = 1000
PAD = 0
SPIKE_EMBED_DIM = round(DIM / PATCH_SIZE[0])  # 32


def setup_inputs(seed: int = 0) -> dict:
    key = jax.random.key(seed)
    k1, k2 = jax.random.split(key)
    spikes = jax.random.randint(k1, (64, 512, 32, 1), 0, MAX_NEURON_COUNT, dtype=jnp.int32)
    W = jax.random.normal(k2, (MAX_NEURON_COUNT, SPIKE_EMBED_DIM), dtype=jnp.float32)
    W = W.at[PAD].set(0.0)  # padding_idx row initialized to zero, like nn.Embedding(padding_idx=...)
    return {"spikes": spikes, "W": W}


def reference(spikes, W):
    # rearrange 'bs T Pn Pt -> bs T (Pn Pt)'
    bs, T, Pn, Pt = spikes.shape
    x = spikes.reshape(bs, T, Pn * Pt)
    # embedding lookup
    emb = jnp.take(W, x, axis=0)  # [bs, T, Pn*Pt, spike_embed_dim]
    # flatten(-2, -1)
    return emb.reshape(bs, T, Pn * Pt * emb.shape[-1])

if __name__ == "__main__":
    import jax
    _d = setup_inputs()
    print(jax.jit(kernel)(*tuple(_d.values())))

</pallas_src>

<mosaic_0001>
#map = affine_map<(d0, d1) -> (0, 0)>
#map1 = affine_map<(d0, d1) -> (0, 0, 0, 0)>
module attributes {stable_mosaic.version = 14 : i64} {
  func.func @k(%arg0: i32, %arg1: i32, %arg2: memref<1000x32xf32, #tpu.memory_space<hbm>>, %arg3: memref<64x32x1x512xi32, #tpu.memory_space<hbm>>, %arg4: memref<1048576x32xf32, #tpu.memory_space<hbm>>, %arg5: memref<1000x32xf32, #tpu.memory_space<vmem_shared>>, %arg6: memref<2x32x1x512xi32, #tpu.memory_space<vmem>>, %arg7: memref<1024xi32, #tpu.memory_space<vmem>>, %arg8: memref<1024xi32, #tpu.memory_space<vmem>>, %arg9: memref<2x1024xi32, #tpu.memory_space<vmem>>, %arg10: memref<2x1024x32xf32, #tpu.memory_space<vmem>>, %arg11: memref<!tpu.dma_semaphore, #tpu.memory_space<semaphore_mem>>, %arg12: memref<!tpu.dma_semaphore, #tpu.memory_space<semaphore_mem>>, %arg13: memref<!tpu.dma_semaphore, #tpu.memory_space<semaphore_mem>>, %arg14: memref<!tpu.dma_semaphore, #tpu.memory_space<semaphore_mem>>) attributes {dimension_semantics = [#tpu.dimension_semantics<core_parallel>, #tpu.dimension_semantics<subcore_parallel>], iteration_bounds = array<i64: 2, 16>, scalar_prefetch = 0 : i64, scratch_operands = 10 : i64, tpu.core_type = #tpu.core_type<sc_vector_subcore>, window_params = [{transform_indices = #map}, {transform_indices = #map1}, {transform_indices = #map}]} {
    %mul3A = arith.constant 2 : i32
    %mul3A_0 = arith.muli %arg1, %mul3A : i32
    %add3A = arith.addi %mul3A_0, %arg0 : i32
    %mul3A_1 = arith.constant 32768 : i32
    %mul3A_2 = arith.muli %add3A, %mul3A_1 : i32
    %eq3A = arith.constant 0 : i32
    %eq3A_3 = arith.cmpi eq, %arg1, %eq3A : i32
    %convert_element_type3A = arith.extui %eq3A_3 : i1 to i32
    %cond3A = arith.constant 0 : i32
    %cond3A_4 = arith.cmpi ne, %convert_element_type3A, %cond3A : i32
    scf.if %cond3A_4 {
      "tpu.region"() ({
        %run_scoped3A = tpu.sem_alloc : memref<!tpu.dma_semaphore, #tpu.memory_space<semaphore_mem>>
        tpu.enqueue_dma source(%arg2 : memref<1000x32xf32, #tpu.memory_space<hbm>>) target(%arg5 : memref<1000x32xf32, #tpu.memory_space<vmem_shared>>) target_semaphore(%run_scoped3A : memref<!tpu.dma_semaphore, #tpu.memory_space<semaphore_mem>>)
        tpu.wait_dma2 semaphore(%run_scoped3A : memref<!tpu.dma_semaphore, #tpu.memory_space<semaphore_mem>>) src(%arg2 : memref<1000x32xf32, #tpu.memory_space<hbm>>) dst(%arg5 : memref<1000x32xf32, #tpu.memory_space<vmem_shared>>)
        tpu.yield
      }) : () -> ()
    } else {
    }
    %mul3A_5 = arith.constant 2 : i32
    %mul3A_6 = arith.muli %add3A, %mul3A_5 : i32
    "tpu.region"() ({
      %run_scoped3A = tpu.sem_alloc : memref<!tpu.dma_semaphore, #tpu.memory_space<semaphore_mem>>
      %dma_start3A_1866 = arith.constant 0 : i32
      %dma_start3A_1867 = arith.constant 0 : i32
      %dma_start3A_1868 = arith.constant 0 : i32
      %dma_start3A_1869 = tpu.memref_slice %arg3[%mul3A_6, %dma_start3A_1866, %dma_start3A_1867, %dma_start3A_1868] : memref<64x32x1x512xi32, #tpu.memory_space<hbm>> -> memref<2x32x1x512xi32, #tpu.memory_space<hbm>>
      %dma_start3A_1870 = arith.constant 0 : i32
      %dma_start3A_1871 = arith.constant 0 : i32
      %dma_start3A_1872 = arith.constant 0 : i32
      %dma_start3A_1873 = tpu.memref_slice %arg3[%mul3A_6, %dma_start3A_1870, %dma_start3A_1871, %dma_start3A_1872] : memref<64x32x1x512xi32, #tpu.memory_space<hbm>> -> memref<2x32x1x512xi32, #tpu.memory_space<hbm>>
      tpu.enqueue_dma source(%dma_start3A_1873 : memref<2x32x1x512xi32, #tpu.memory_space<hbm>>) target(%arg6 : memref<2x32x1x512xi32, #tpu.memory_space<vmem>>) target_semaphore(%run_scoped3A : memref<!tpu.dma_semaphore, #tpu.memory_space<semaphore_mem>>)
      %dma_wait3A_1874 = arith.constant 0 : i32
      %dma_wait3A_1875 = arith.constant 0 : i32
      %dma_wait3A_1876 = arith.constant 0 : i32
      %dma_wait3A_1877 = tpu.memref_slice %arg3[%mul3A_6, %dma_wait3A_1874, %dma_wait3A_1875, %dma_wait3A_1876] : memref<64x32x1x512xi32, #tpu.memory_space<hbm>> -> memref<2x32x1x512xi32, #tpu.memory_space<hbm>>
      %dma_wait3A_1878 = arith.constant 0 : i32
      %dma_wait3A_1879 = arith.constant 0 : i32
      %dma_wait3A_1880 = arith.constant 0 : i32
      %dma_wait3A_1881 = tpu.memref_slice %arg3[%mul3A_6, %dma_wait3A_1878, %dma_wait3A_1879, %dma_wait3A_1880] : memref<64x32x1x512xi32, #tpu.memory_space<hbm>> -> memref<2x32x1x512xi32, #tpu.memory_space<hbm>>
      tpu.wait_dma2 semaphore(%run_scoped3A : memref<!tpu.dma_semaphore, #tpu.memory_space<semaphore_mem>>) src(%dma_wait3A_1881 : memref<2x32x1x512xi32, #tpu.memory_space<hbm>>) dst(%arg6 : memref<2x32x1x512xi32, #tpu.memory_space<vmem>>)
      tpu.yield
    }) : () -> ()
    %scan3A = arith.constant 0 : i32
    %scan3A_7 = arith.constant 0 : i32
    %scan3A_8 = arith.constant 64 : i32
    %scan3A_9 = arith.addi %scan3A_7, %scan3A_8 : i32
    %scan3A_10 = arith.constant 1 : i32
    scf.for %scan3A_1866 = %scan3A_7 to %scan3A_9 step %scan3A_10  : i32 {
      %iota3A = tpu.iota {dimensions = array<i32: 0>} : vector<16xi32>
      %mul3A_1867 = arith.constant 16 : i32
      %mul3A_1868 = arith.muli %scan3A_1866, %mul3A_1867 : i32
      %add3A_1869 = vector.broadcast %mul3A_1868 : i32 to vector<16xi32>
      %add3A_1870 = arith.addi %iota3A, %add3A_1869 : vector<16xi32>
      %shift_right_arithmetic3A = arith.constant 8 : i32
      %shift_right_arithmetic3A_1871 = vector.broadcast %shift_right_arithmetic3A : i32 to vector<16xi32>
      %shift_right_arithmetic3A_1872 = arith.shrsi %add3A_1870, %shift_right_arithmetic3A_1871 : vector<16xi32>
      %and3A = arith.constant 3 : i32
      %and3A_1873 = vector.broadcast %and3A : i32 to vector<16xi32>
      %and3A_1874 = arith.andi %shift_right_arithmetic3A_1872, %and3A_1873 : vector<16xi32>
      %shift_left3A = arith.constant 3 : i32
      %shift_left3A_1875 = vector.broadcast %shift_left3A : i32 to vector<16xi32>
      %shift_left3A_1876 = arith.shli %and3A_1874, %shift_left3A_1875 : vector<16xi32>
      %shift_right_arithmetic3A_1877 = arith.constant 2 : i32
      %shift_right_arithmetic3A_1878 = vector.broadcast %shift_right_arithmetic3A_1877 : i32 to vector<16xi32>
      %shift_right_arithmetic3A_1879 = arith.shrsi %add3A_1870, %shift_right_arithmetic3A_1878 : vector<16xi32>
      %and3A_1880 = arith.constant 7 : i32
      %and3A_1881 = vector.broadcast %and3A_1880 : i32 to vector<16xi32>
      %and3A_1882 = arith.andi %shift_right_arithmetic3A_1879, %and3A_1881 : vector<16xi32>
      %or3A = arith.ori %shift_left3A_1876, %and3A_1882 : vector<16xi32>
      %mul3A_1883 = arith.constant 16 : i32
      %mul3A_1884 = arith.muli %scan3A_1866, %mul3A_1883 : i32
      %swap3A = arith.index_cast %mul3A_1884 : i32 to index
      %swap3A_1885 = tpu.vector_load %arg7[%swap3A] {strides = array<i32>} : memref<1024xi32, #tpu.memory_space<vmem>>, vector<16xi32>,
      tpu.vector_store %arg7[%swap3A], %or3A {strides = array<i32>} : memref<1024xi32, #tpu.memory_space<vmem>>, vector<16xi32>,
      %shift_right_arithmetic3A_1886 = arith.constant 5 : i32
      %shift_right_arithmetic3A_1887 = vector.broadcast %shift_right_arithmetic3A_1886 : i32 to vector<16xi32>
      %shift_right_arithmetic3A_1888 = arith.shrsi %add3A_1870, %shift_right_arithmetic3A_1887 : vector<16xi32>
      %and3A_1889 = arith.constant 7 : i32
      %and3A_1890 = vector.broadcast %and3A_1889 : i32 to vector<16xi32>
      %and3A_1891 = arith.andi %shift_right_arithmetic3A_1888, %and3A_1890 : vector<16xi32>
      %shift_left3A_1892 = arith.constant 2 : i32
      %shift_left3A_1893 = vector.broadcast %shift_left3A_1892 : i32 to vector<16xi32>
      %shift_left3A_1894 = arith.shli %and3A_1891, %shift_left3A_1893 : vector<16xi32>
      %and3A_1895 = arith.constant 3 : i32
      %and3A_1896 = vector.broadcast %and3A_1895 : i32 to vector<16xi32>
      %and3A_1897 = arith.andi %add3A_1870, %and3A_1896 : vector<16xi32>
      %or3A_1898 = arith.ori %shift_left3A_1894, %and3A_1897 : vector<16xi32>
      %mul3A_1899 = arith.constant 16 : i32
      %mul3A_1900 = arith.muli %scan3A_1866, %mul3A_1899 : i32
      %swap3A_1901 = arith.index_cast %mul3A_1900 : i32 to index
      %swap3A_1902 = tpu.vector_load %arg8[%swap3A_1901] {strides = array<i32>} : memref<1024xi32, #tpu.memory_space<vmem>>, vector<16xi32>,
      tpu.vector_store %arg8[%swap3A_1901], %or3A_1898 {strides = array<i32>} : memref<1024xi32, #tpu.memory_space<vmem>>, vector<16xi32>,
    }
    %scan3A_11 = arith.constant 64 : i32
    %barrier3A = arith.constant 0 : index
    tpu.barrier barrier_id(%barrier3A)
    %scan3A_12 = arith.constant 0 : i32
    %scan3A_13 = arith.constant 0 : i32
    %scan3A_14 = arith.constant 64 : i32
    %scan3A_15 = arith.addi %scan3A_13, %scan3A_14 : i32
    %scan3A_16 = arith.constant 1 : i32
    scf.for %scan3A_1866 = %scan3A_13 to %scan3A_15 step %scan3A_16  : i32 {
      %mul3A_1867 = arith.constant 16 : i32
      %mul3A_1868 = arith.muli %scan3A_1866, %mul3A_1867 : i32
      %get3A = arith.index_cast %mul3A_1868 : i32 to index
      %get3A_1869 = tpu.vector_load %arg7[%get3A] {strides = array<i32>} : memref<1024xi32, #tpu.memory_space<vmem>>, vector<16xi32>,
      %add3A_1870 = arith.constant 0 : i32
      %add3A_1871 = vector.broadcast %add3A_1870 : i32 to vector<16xi32>
      %add3A_1872 = arith.addi %get3A_1869, %add3A_1871 : vector<16xi32>
      %mul3A_1873 = arith.constant 16 : i32
      %mul3A_1874 = arith.muli %scan3A_1866, %mul3A_1873 : i32
      %get3A_1875 = arith.index_cast %mul3A_1874 : i32 to index
      %get3A_1876 = tpu.vector_load %arg8[%get3A_1875] {strides = array<i32>} : memref<1024xi32, #tpu.memory_space<vmem>>, vector<16xi32>,
      %shift_right_arithmetic3A = arith.constant 9 : i32
      %shift_right_arithmetic3A_1877 = vector.broadcast %shift_right_arithmetic3A : i32 to vector<16xi32>
      %shift_right_arithmetic3A_1878 = arith.shrsi %add3A_1872, %shift_right_arithmetic3A_1877 : vector<16xi32>
      %broadcast_in_dim3A = arith.constant 0 : i32
      %broadcast_in_dim3A_1879 = vector.broadcast %broadcast_in_dim3A : i32 to vector<16xi32>
      %and3A = arith.constant 511 : i32
      %and3A_1880 = vector.broadcast %and3A : i32 to vector<16xi32>
      %and3A_1881 = arith.andi %add3A_1872, %and3A_1880 : vector<16xi32>
      %gather3A = tpu.vector_load_idx %arg6[%shift_right_arithmetic3A_1878, %get3A_1876, %broadcast_in_dim3A_1879, %and3A_1881] : memref<2x32x1x512xi32, #tpu.memory_space<vmem>>[vector<16xi32>, vector<16xi32>, vector<16xi32>, vector<16xi32>], vector<16xi32>,
      %mul3A_1882 = arith.constant 16 : i32
      %mul3A_1883 = arith.muli %scan3A_1866, %mul3A_1882 : i32
      %swap3A = arith.constant 0 : i32
      %swap3A_1884 = arith.index_cast %swap3A : i32 to index
      %swap3A_1885 = arith.index_cast %mul3A_1883 : i32 to index
      %swap3A_1886 = tpu.vector_load %arg9[%swap3A_1884, %swap3A_1885] {strides = array<i32>} : memref<2x1024xi32, #tpu.memory_space<vmem>>, vector<16xi32>,
      tpu.vector_store %arg9[%swap3A_1884, %swap3A_1885], %gather3A {strides = array<i32>} : memref<2x1024xi32, #tpu.memory_space<vmem>>, vector<16xi32>,
    }
    %scan3A_17 = arith.constant 64 : i32
    %dma_start3A = arith.constant 0 : i32
    %dma_start3A_18 = arith.constant 0 : i32
    %dma_start3A_19 = arith.constant 0 : i32
    %dma_start3A_20 = arith.constant 0 : i32
    %dma_start3A_21 = tpu.memref_slice %arg10[%dma_start3A_18, %dma_start3A_19, %dma_start3A_20] : memref<2x1024x32xf32, #tpu.memory_space<vmem>> -> memref<1x1024x32xf32, #tpu.memory_space<vmem>>
    %dma_start3A_22 = tpu.memref_squeeze %dma_start3A_21 : memref<1x1024x32xf32, #tpu.memory_space<vmem>> -> memref<1024x32xf32, #tpu.memory_space<vmem>>
    %dma_start3A_23 = arith.constant 0 : i32
    %dma_start3A_24 = tpu.memref_slice %arg9[%dma_start3A, %dma_start3A_23] : memref<2x1024xi32, #tpu.memory_space<vmem>> -> memref<1x1024xi32, #tpu.memory_space<vmem>>
    %dma_start3A_25 = tpu.memref_squeeze %dma_start3A_24 : memref<1x1024xi32, #tpu.memory_space<vmem>> -> memref<1024xi32, #tpu.memory_space<vmem>>
    %dma_start3A_26 = arith.constant 0 : i32
    %dma_start3A_27 = arith.constant 0 : i32
    %dma_start3A_28 = tpu.memref_slice %arg5[%dma_start3A_26, %dma_start3A_27] : memref<1000x32xf32, #tpu.memory_space<vmem_shared>> -> memref<1000x32xf32, #tpu.memory_space<vmem_shared>>
    tpu.enqueue_indirect_dma source(%dma_start3A_28 : memref<1000x32xf32, #tpu.memory_space<vmem_shared>>) target(%dma_start3A_22 : memref<1024x32xf32, #tpu.memory_space<vmem>>) offsets(%dma_start3A_25 : memref<1024xi32, #tpu.memory_space<vmem>>) semaphore(%arg11 : memref<!tpu.dma_semaphore, #tpu.memory_space<semaphore_mem>>)
    %scan3A_29 = arith.constant 0 : i32
    %scan3A_30 = arith.constant 0 : i32
    %scan3A_31 = arith.constant 64 : i32
    %scan3A_32 = arith.addi %scan3A_30, %scan3A_31 : i32
    %scan3A_33 = arith.constant 1 : i32
    scf.for %scan3A_1866 = %scan3A_30 to %scan3A_32 step %scan3A_33  : i32 {
      %mul3A_1867 = arith.constant 16 : i32
      %mul3A_1868 = arith.muli %scan3A_1866, %mul3A_1867 : i32
      %get3A = arith.index_cast %mul3A_1868 : i32 to index
      %get3A_1869 = tpu.vector_load %arg7[%get3A] {strides = array<i32>} : memref<1024xi32, #tpu.memory_space<vmem>>, vector<16xi32>,
      %add3A_1870 = arith.constant 32 : i32
      %add3A_1871 = vector.broadcast %add3A_1870 : i32 to vector<16xi32>
      %add3A_1872 = arith.addi %get3A_1869, %add3A_1871 : vector<16xi32>
      %mul3A_1873 = arith.constant 16 : i32
      %mul3A_1874 = arith.muli %scan3A_1866, %mul3A_1873 : i32
      %get3A_1875 = arith.index_cast %mul3A_1874 : i32 to index
      %get3A_1876 = tpu.vector_load %arg8[%get3A_1875] {strides = array<i32>} : memref<1024xi32, #tpu.memory_space<vmem>>, vector<16xi32>,
      %shift_right_arithmetic3A = arith.constant 9 : i32
      %shift_right_arithmetic3A_1877 = vector.broadcast %shift_right_arithmetic3A : i32 to vector<16xi32>
      %shift_right_arithmetic3A_1878 = arith.shrsi %add3A_1872, %shift_right_arithmetic3A_1877 : vector<16xi32>
      %broadcast_in_dim3A = arith.constant 0 : i32
      %broadcast_in_dim3A_1879 = vector.broadcast %broadcast_in_dim3A : i32 to vector<16xi32>
      %and3A = arith.constant 511 : i32
      %and3A_1880 = vector.broadcast %and3A : i32 to vector<16xi32>
      %and3A_1881 = arith.andi %add3A_1872, %and3A_1880 : vector<16xi32>
      %gather3A = tpu.vector_load_idx %arg6[%shift_right_arithmetic3A_1878, %get3A_1876, %broadcast_in_dim3A_1879, %and3A_1881] : memref<2x32x1x512xi32, #tpu.memory_space<vmem>>[vector<16xi32>, vector<16xi32>, vector<16xi32>, vector<16xi32>], vector<16xi32>,
      %mul3A_1882 = arith.constant 16 : i32
      %mul3A_1883 = arith.muli %scan3A_1866, %mul3A_1882 : i32
      %swap3A = arith.constant 1 : i32
      %swap3A_1884 = arith.index_cast %swap3A : i32 to index
      %swap3A_1885 = arith.index_cast %mul3A_1883 : i32 to index
      %swap3A_1886 = tpu.vector_load %arg9[%swap3A_1884, %swap3A_1885] {strides = array<i32>} : memref<2x1024xi32, #tpu.memory_space<vmem>>, vector<16xi32>,
      tpu.vector_store %arg9[%swap3A_1884, %swap3A_1885], %gather3A {strides = array<i32>} : memref<2x1024xi32, #tpu.memory_space<vmem>>, vector<16xi32>,
    }
    %scan3A_34 = arith.constant 64 : i32
    %dma_wait3A = arith.constant 0 : i32
    %dma_wait3A_35 = arith.constant 0 : i32
    %dma_wait3A_36 = arith.constant 0 : i32
    %dma_wait3A_37 = arith.constant 0 : i32
    %dma_wait3A_38 = tpu.memref_slice %arg10[%dma_wait3A_35, %dma_wait3A_36, %dma_wait3A_37] : memref<2x1024x32xf32, #tpu.memory_space<vmem>> -> memref<1x1024x32xf32, #tpu.memory_space<vmem>>
    %dma_wait3A_39 = tpu.memref_squeeze %dma_wait3A_38 : memref<1x1024x32xf32, #tpu.memory_space<vmem>> -> memref<1024x32xf32, #tpu.memory_space<vmem>>
    %dma_wait3A_40 = arith.constant 0 : i32
    %dma_wait3A_41 = tpu.memref_slice %arg9[%dma_wait3A, %dma_wait3A_40] : memref<2x1024xi32, #tpu.memory_space<vmem>> -> memref<1x1024xi32, #tpu.memory_space<vmem>>
    %dma_wait3A_42 = tpu.memref_squeeze %dma_wait3A_41 : memref<1x1024xi32, #tpu.memory_space<vmem>> -> memref<1024xi32, #tpu.memory_space<vmem>>
    %dma_wait3A_43 = arith.constant 0 : i32
    %dma_wait3A_44 = arith.constant 0 : i32
    %dma_wait3A_45 = tpu.memref_slice %arg5[%dma_wait3A_43, %dma_wait3A_44] : memref<1000x32xf32, #tpu.memory_space<vmem_shared>> -> memref<1000x32xf32, #tpu.memory_space<vmem_shared>>
    tpu.wait_indirect_dma semaphore(%arg11 : memref<!tpu.dma_semaphore, #tpu.memory_space<semaphore_mem>>) src(%dma_wait3A_45 : memref<1000x32xf32, #tpu.memory_space<vmem_shared>>) dst(%dma_wait3A_39 : memref<1024x32xf32, #tpu.memory_space<vmem>>)
    %add3A_46 = arith.constant 0 : i32
    %add3A_47 = arith.addi %mul3A_2, %add3A_46 : i32
    %dma_start3A_48 = arith.constant 0 : i32
    %dma_start3A_49 = arith.constant 0 : i32
    %dma_start3A_50 = arith.constant 0 : i32
    %dma_start3A_51 = tpu.memref_slice %arg10[%dma_start3A_48, %dma_start3A_49, %dma_start3A_50] : memref<2x1024x32xf32, #tpu.memory_space<vmem>> -> memref<1x1024x32xf32, #tpu.memory_space<vmem>>
    %dma_start3A_52 = tpu.memref_squeeze %dma_start3A_51 : memref<1x1024x32xf32, #tpu.memory_space<vmem>> -> memref<1024x32xf32, #tpu.memory_space<vmem>>
    %dma_start3A_53 = arith.constant 0 : i32
    %dma_start3A_54 = tpu.memref_slice %arg4[%add3A_47, %dma_start3A_53] : memref<1048576x32xf32, #tpu.memory_space<hbm>> -> memref<1024x32xf32, #tpu.memory_space<hbm>>
    %dma_start3A_55 = arith.constant 0 : i32
    %dma_start3A_56 = tpu.memref_slice %arg4[%add3A_47, %dma_start3A_55] : memref<1048576x32xf32, #tpu.memory_space<hbm>> -> memref<1024x32xf32, #tpu.memory_space<hbm>>
    %dma_start3A_57 = arith.constant 0 : i32
    %dma_start3A_58 = arith.constant 0 : i32
    %dma_start3A_59 = tpu.memref_slice %arg10[%dma_start3A_48, %dma_start3A_57, %dma_start3A_58] : memref<2x1024x32xf32, #tpu.memory_space<vmem>> -> memref<1x1024x32xf32, #tpu.memory_space<vmem>>
    %dma_start3A_60 = tpu.memref_squeeze %dma_start3A_59 : memref<1x1024x32xf32, #tpu.memory_space<vmem>> -> memref<1024x32xf32, #tpu.memory_space<vmem>>
    tpu.enqueue_dma source(%dma_start3A_60 : memref<1024x32xf32, #tpu.memory_space<vmem>>) target(%dma_start3A_56 : memref<1024x32xf32, #tpu.memory_space<hbm>>) target_semaphore(%arg13 : memref<!tpu.dma_semaphore, #tpu.memory_space<semaphore_mem>>)
    %dma_start3A_61 = arith.constant 1 : i32
    %dma_start3A_62 = arith.constant 1 : i32
    %dma_start3A_63 = arith.constant 0 : i32
    %dma_start3A_64 = arith.constant 0 : i32
    %dma_start3A_65 = tpu.memref_slice %arg10[%dma_start3A_62, %dma_start3A_63, %dma_start3A_64] : memref<2x1024x32xf32, #tpu.memory_space<vmem>> -> memref<1x1024x32xf32, #tpu.memory_space<vmem>>
    %dma_start3A_66 = tpu.memref_squeeze %dma_start3A_65 : memref<1x1024x32xf32, #tpu.memory_space<vmem>> -> memref<1024x32xf32, #tpu.memory_space<vmem>>
    %dma_start3A_67 = arith.constant 0 : i32
    %dma_start3A_68 = tpu.memref_slice %arg9[%dma_start3A_61, %dma_start3A_67] : memref<2x1024xi32, #tpu.memory_space<vmem>> -> memref<1x1024xi32, #tpu.memory_space<vmem>>
    %dma_start3A_69 = tpu.memref_squeeze %dma_start3A_68 : memref<1x1024xi32, #tpu.memory_space<vmem>> -> memref<1024xi32, #tpu.memory_space<vmem>>
    %dma_start3A_70 = arith.constant 0 : i32
    %dma_start3A_71 = arith.constant 0 : i32
    %dma_start3A_72 = tpu.memref_slice %arg5[%dma_start3A_70, %dma_start3A_71] : memref<1000x32xf32, #tpu.memory_space<vmem_shared>> -> memref<1000x32xf32, #tpu.memory_space<vmem_shared>>
    tpu.enqueue_indirect_dma source(%dma_start3A_72 : memref<1000x32xf32, #tpu.memory_space<vmem_shared>>) target(%dma_start3A_66 : memref<1024x32xf32, #tpu.memory_space<vmem>>) offsets(%dma_start3A_69 : memref<1024xi32, #tpu.memory_space<vmem>>) semaphore(%arg12 : memref<!tpu.dma_semaphore, #tpu.memory_space<semaphore_mem>>)
    %scan3A_73 = arith.constant 0 : i32
    %scan3A_74 = arith.constant 0 : i32
    %scan3A_75 = arith.constant 64 : i32
    %scan3A_76 = arith.addi %scan3A_74, %scan3A_75 : i32
    %scan3A_77 = arith.constant 1 : i32
    scf.for %scan3A_1866 = %scan3A_74 to %scan3A_76 step %scan3A_77  : i32 {
      %mul3A_1867 = arith.constant 16 : i32
      %mul3A_1868 = arith.muli %scan3A_1866, %mul3A_1867 : i32
      %get3A = arith.index_cast %mul3A_1868 : i32 to index
      %get3A_1869 = tpu.vector_load %arg7[%get3A] {strides = array<i32>} : memref<1024xi32, #tpu.memory_space<vmem>>, vector<16xi32>,
      %add3A_1870 = arith.constant 64 : i32
      %add3A_1871 = vector.broadcast %add3A_1870 : i32 to vector<16xi32>
      %add3A_1872 = arith.addi %get3A_1869, %add3A_1871 : vector<16xi32>
      %mul3A_1873 = arith.constant 16 : i32
      %mul3A_1874 = arith.muli %scan3A_1866, %mul3A_1873 : i32
      %get3A_1875 = arith.index_cast %mul3A_1874 : i32 to index
      %get3A_1876 = tpu.vector_load %arg8[%get3A_1875] {strides = array<i32>} : memref<1024xi32, #tpu.memory_space<vmem>>, vector<16xi32>,
      %shift_right_arithmetic3A = arith.constant 9 : i32
      %shift_right_arithmetic3A_1877 = vector.broadcast %shift_right_arithmetic3A : i32 to vector<16xi32>
      %shift_right_arithmetic3A_1878 = arith.shrsi %add3A_1872, %shift_right_arithmetic3A_1877 : vector<16xi32>
      %broadcast_in_dim3A = arith.constant 0 : i32
      %broadcast_in_dim3A_1879 = vector.broadcast %broadcast_in_dim3A : i32 to vector<16xi32>
      %and3A = arith.constant 511 : i32
      %and3A_1880 = vector.broadcast %and3A : i32 to vector<16xi32>
      %and3A_1881 = arith.andi %add3A_1872, %and3A_1880 : vector<16xi32>
      %gather3A = tpu.vector_load_idx %arg6[%shift_right_arithmetic3A_1878, %get3A_1876, %broadcast_in_dim3A_1879, %and3A_1881] : memref<2x32x1x512xi32, #tpu.memory_space<vmem>>[vector<16xi32>, vector<16xi32>, vector<16xi32>, vector<16xi32>], vector<16xi32>,
      %mul3A_1882 = arith.constant 16 : i32
      %mul3A_1883 = arith.muli %scan3A_1866, %mul3A_1882 : i32
      %swap3A = arith.constant 0 : i32
      %swap3A_1884 = arith.index_cast %swap3A : i32 to index
      %swap3A_1885 = arith.index_cast %mul3A_1883 : i32 to index
      %swap3A_1886 = tpu.vector_load %arg9[%swap3A_1884, %swap3A_1885] {strides = array<i32>} : memref<2x1024xi32, #tpu.memory_space<vmem>>, vector<16xi32>,
      tpu.vector_store %arg9[%swap3A_1884, %swap3A_1885], %gather3A {strides = array<i32>} : memref<2x1024xi32, #tpu.memory_space<vmem>>, vector<16xi32>,
    }
    %scan3A_78 = arith.constant 64 : i32
    %dma_wait3A_79 = arith.constant 1 : i32
    %dma_wait3A_80 = arith.constant 1 : i32
    %dma_wait3A_81 = arith.constant 0 : i32
    %dma_wait3A_82 = arith.constant 0 : i32
    %dma_wait3A_83 = tpu.memref_slice %arg10[%dma_wait3A_80, %dma_wait3A_81, %dma_wait3A_82] : memref<2x1024x32xf32, #tpu.memory_space<vmem>> -> memref<1x1024x32xf32, #tpu.memory_space<vmem>>
    %dma_wait3A_84 = tpu.memref_squeeze %dma_wait3A_83 : memref<1x1024x32xf32, #tpu.memory_space<vmem>> -> memref<1024x32xf32, #tpu.memory_space<vmem>>
    %dma_wait3A_85 = arith.constant 0 : i32
    %dma_wait3A_86 = tpu.memref_slice %arg9[%dma_wait3A_79, %dma_wait3A_85] : memref<2x1024xi32, #tpu.memory_space<vmem>> -> memref<1x1024xi32, #tpu.memory_space<vmem>>
    %dma_wait3A_87 = tpu.memref_squeeze %dma_wait3A_86 : memref<1x1024xi32, #tpu.memory_space<vmem>> -> memref<1024xi32, #tpu.memory_space<vmem>>
    %dma_wait3A_88 = arith.constant 0 : i32
    %dma_wait3A_89 = arith.constant 0 : i32
    %dma_wait3A_90 = tpu.memref_slice %arg5[%dma_wait3A_88, %dma_wait3A_89] : memref<1000x32xf32, #tpu.memory_space<vmem_shared>> -> memref<1000x32xf32, #tpu.memory_space<vmem_shared>>
    tpu.wait_indirect_dma semaphore(%arg12 : memref<!tpu.dma_semaphore, #tpu.memory_space<semaphore_mem>>) src(%dma_wait3A_90 : memref<1000x32xf32, #tpu.memory_space<vmem_shared>>) dst(%dma_wait3A_84 : memref<1024x32xf32, #tpu.memory_space<vmem>>)
    %add3A_91 = arith.constant 1024 : i32
    %add3A_92 = arith.addi %mul3A_2, %add3A_91 : i32
    %dma_start3A_93 = arith.constant 1 : i32
    %dma_start3A_94 = arith.constant 0 : i32
    %dma_start3A_95 = arith.constant 0 : i32
    %dma_start3A_96 = tpu.memref_slice %arg10[%dma_start3A_93, %dma_start3A_94, %dma_start3A_95] : memref<2x1024x32xf32, #tpu.memory_space<vmem>> -> memref<1x1024x32xf32, #tpu.memory_space<vmem>>
    %dma_start3A_97 = tpu.memref_squeeze %dma_start3A_96 : memref<1x1024x32xf32, #tpu.memory_space<vmem>> -> memref<1024x32xf32, #tpu.memory_space<vmem>>
    %dma_start3A_98 = arith.constant 0 : i32
    %dma_start3A_99 = tpu.memref_slice %arg4[%add3A_92, %dma_start3A_98] : memref<1048576x32xf32, #tpu.memory_space<hbm>> -> memref<1024x32xf32, #tpu.memory_space<hbm>>
    %dma_start3A_100 = arith.constant 0 : i32
    %dma_start3A_101 = tpu.memref_slice %arg4[%add3A_92, %dma_start3A_100] : memref<1048576x32xf32, #tpu.memory_space<hbm>> -> memref<1024x32xf32, #tpu.memory_space<hbm>>
    %dma_start3A_102 = arith.constant 0 : i32
    %dma_start3A_103 = arith.constant 0 : i32
    %dma_start3A_104 = tpu.memref_slice %arg10[%dma_start3A_93, %dma_start3A_102, %dma_start3A_103] : memref<2x1024x32xf32, #tpu.memory_space<vmem>> -> memref<1x1024x32xf32, #tpu.memory_space<vmem>>
    %dma_start3A_105 = tpu.memref_squeeze %dma_start3A_104 : memref<1x1024x32xf32, #tpu.memory_space<vmem>> -> memref<1024x32xf32, #tpu.memory_space<vmem>>
    tpu.enqueue_dma source(%dma_start3A_105 : memref<1024x32xf32, #tpu.memory_space<vmem>>) target(%dma_start3A_101 : memref<1024x32xf32, #tpu.memory_space<hbm>>) target_semaphore(%arg14 : memref<!tpu.dma_semaphore, #tpu.memory_space<semaphore_mem>>)
    %dma_wait3A_106 = arith.constant 0 : i32
    %dma_wait3A_107 = arith.constant 0 : i32
    %dma_wait3A_108 = arith.constant 0 : i32
    %dma_wait3A_109 = tpu.memref_slice %arg10[%dma_wait3A_106, %dma_wait3A_107, %dma_wait3A_108] : memref<2x1024x32xf32, #tpu.memory_space<vmem>> -> memref<1x1024x32xf32, #tpu.memory_space<vmem>>
    %dma_wait3A_110 = tpu.memref_squeeze %dma_wait3A_109 : memref<1x1024x32xf32, #tpu.memory_space<vmem>> -> memref<1024x32xf32, #tpu.memory_space<vmem>>
    %dma_wait3A_111 = arith.constant 0 : i32
    %dma_wait3A_112 = tpu.memref_slice %arg4[%add3A_47, %dma_wait3A_111] : memref<1048576x32xf32, #tpu.memory_space<hbm>> -> memref<1024x32xf32, #tpu.memory_space<hbm>>
    %dma_wait3A_113 = arith.constant 0 : i32
    %dma_wait3A_114 = tpu.memref_slice %arg4[%add3A_47, %dma_wait3A_113] : memref<1048576x32xf32, #tpu.memory_space<hbm>> -> memref<1024x32xf32, #tpu.memory_space<hbm>>
    %dma_wait3A_115 = arith.constant 0 : i32
    %dma_wait3A_116 = arith.constant 0 : i32
    %dma_wait3A_117 = tpu.memref_slice %arg10[%dma_wait3A_106, %dma_wait3A_115, %dma_wait3A_116] : memref<2x1024x32xf32, #tpu.memory_space<vmem>> -> memref<1x1024x32xf32, #tpu.memory_space<vmem>>
    %dma_wait3A_118 = tpu.memref_squeeze %dma_wait3A_117 : memref<1x1024x32xf32, #tpu.memory_space<vmem>> -> memref<1024x32xf32, #tpu.memory_space<vmem>>
    tpu.wait_dma2 semaphore(%arg13 : memref<!tpu.dma_semaphore, #tpu.memory_space<semaphore_mem>>) src(%dma_wait3A_118 : memref<1024x32xf32, #tpu.memory_space<vmem>>) dst(%dma_wait3A_114 : memref<1024x32xf32, #tpu.memory_space<hbm>>)
    %dma_start3A_119 = arith.constant 0 : i32
    %dma_start3A_120 = arith.constant 0 : i32
    %dma_start3A_121 = arith.constant 0 : i32
    %dma_start3A_122 = arith.constant 0 : i32
    %dma_start3A_123 = tpu.memref_slice %arg10[%dma_start3A_120, %dma_start3A_121, %dma_start3A_122] : memref<2x1024x32xf32, #tpu.memory_space<vmem>> -> memref<1x1024x32xf32, #tpu.memory_space<vmem>>
    %dma_start3A_124 = tpu.memref_squeeze %dma_start3A_123 : memref<1x1024x32xf32, #tpu.memory_space<vmem>> -> memref<1024x32xf32, #tpu.memory_space<vmem>>
    %dma_start3A_125 = arith.constant 0 : i32
    %dma_start3A_126 = tpu.memref_slice %arg9[%dma_start3A_119, %dma_start3A_125] : memref<2x1024xi32, #tpu.memory_space<vmem>> -> memref<1x1024xi32, #tpu.memory_space<vmem>>
    %dma_start3A_127 = tpu.memref_squeeze %dma_start3A_126 : memref<1x1024xi32, #tpu.memory_space<vmem>> -> memref<1024xi32, #tpu.memory_space<vmem>>
    %dma_start3A_128 = arith.constant 0 : i32
    %dma_start3A_129 = arith.constant 0 : i32
    %dma_start3A_130 = tpu.memref_slice %arg5[%dma_start3A_128, %dma_start3A_129] : memref<1000x32xf32, #tpu.memory_space<vmem_shared>> -> memref<1000x32xf32, #tpu.memory_space<vmem_shared>>
    tpu.enqueue_indirect_dma source(%dma_start3A_130 : memref<1000x32xf32, #tpu.memory_space<vmem_shared>>) target(%dma_start3A_124 : memref<1024x32xf32, #tpu.memory_space<vmem>>) offsets(%dma_start3A_127 : memref<1024xi32, #tpu.memory_space<vmem>>) semaphore(%arg11 : memref<!tpu.dma_semaphore, #tpu.memory_space<semaphore_mem>>)
    %scan3A_131 = arith.constant 0 : i32
    %scan3A_132 = arith.constant 0 : i32
    %scan3A_133 = arith.constant 64 : i32
    %scan3A_134 = arith.addi %scan3A_132, %scan3A_133 : i32
    %scan3A_135 = arith.constant 1 : i32
    scf.for %scan3A_1866 = %scan3A_132 to %scan3A_134 step %scan3A_135  : i32 {
      %mul3A_1867 = arith.constant 16 : i32
      %mul3A_1868 = arith.muli %scan3A_1866, %mul3A_1867 : i32
      %get3A = arith.index_cast %mul3A_1868 : i32 to index
      %get3A_1869 = tpu.vector_load %arg7[%get3A] {strides = array<i32>} : memref<1024xi32, #tpu.memory_space<vmem>>, vector<16xi32>,
      %add3A_1870 = arith.constant 96 : i32
      %add3A_1871 = vector.broadcast %add3A_1870 : i32 to vector<16xi32>
      %add3A_1872 = arith.addi %get3A_1869, %add3A_1871 : vector<16xi32>
      %mul3A_1873 = arith.constant 16 : i32
      %mul3A_1874 = arith.muli %scan3A_1866, %mul3A_1873 : i32
      %get3A_1875 = arith.index_cast %mul3A_1874 : i32 to index
      %get3A_1876 = tpu.vector_load %arg8[%get3A_1875] {strides = array<i32>} : memref<1024xi32, #tpu.memory_space<vmem>>, vector<16xi32>,
      %shift_right_arithmetic3A = arith.constant 9 : i32
      %shift_right_arithmetic3A_1877 = vector.broadcast %shift_right_arithmetic3A : i32 to vector<16xi32>
      %shift_right_arithmetic3A_1878 = arith.shrsi %add3A_1872, %shift_right_arithmetic3A_1877 : vector<16xi32>
      %broadcast_in_dim3A = arith.constant 0 : i32
      %broadcast_in_dim3A_1879 = vector.broadcast %broadcast_in_dim3A : i32 to vector<16xi32>
      %and3A = arith.constant 511 : i32
      %and3A_1880 = vector.broadcast %and3A : i32 to vector<16xi32>
      %and3A_1881 = arith.andi %add3A_1872, %and3A_1880 : vector<16xi32>
      %gather3A = tpu.vector_load_idx %arg6[%shift_right_arithmetic3A_1878, %get3A_1876, %broadcast_in_dim3A_1879, %and3A_1881] : memref<2x32x1x512xi32, #tpu.memory_space<vmem>>[vector<16xi32>, vector<16xi32>, vector<16xi32>, vector<16xi32>], vector<16xi32>,
      %mul3A_1882 = arith.constant 16 : i32
      %mul3A_1883 = arith.muli %scan3A_1866, %mul3A_1882 : i32
      %swap3A = arith.constant 1 : i32
      %swap3A_1884 = arith.index_cast %swap3A : i32 to index
      %swap3A_1885 = arith.index_cast %mul3A_1883 : i32 to index
      %swap3A_1886 = tpu.vector_load %arg9[%swap3A_1884, %swap3A_1885] {strides = array<i32>} : memref<2x1024xi32, #tpu.memory_space<vmem>>, vector<16xi32>,
      tpu.vector_store %arg9[%swap3A_1884, %swap3A_1885], %gather3A {strides = array<i32>} : memref<2x1024xi32, #tpu.memory_space<vmem>>, vector<16xi32>,
    }
    %scan3A_136 = arith.constant 64 : i32
    %dma_wait3A_137 = arith.constant 0 : i32
    %dma_wait3A_138 = arith.constant 0 : i32
    %dma_wait3A_139 = arith.constant 0 : i32
    %dma_wait3A_140 = arith.constant 0 : i32
    %dma_wait3A_141 = tpu.memref_slice %arg10[%dma_wait3A_138, %dma_wait3A_139, %dma_wait3A_140] : memref<2x1024x32xf32, #tpu.memory_space<vmem>> -> memref<1x1024x32xf32, #tpu.memory_space<vmem>>
    %dma_wait3A_142 = tpu.memref_squeeze %dma_wait3A_141 : memref<1x1024x32xf32, #tpu.memory_space<vmem>> -> memref<1024x32xf32, #tpu.memory_space<vmem>>
    %dma_wait3A_143 = arith.constant 0 : i32
    %dma_wait3A_144 = tpu.memref_slice %arg9[%dma_wait3A_137, %dma_wait3A_143] : memref<2x1024xi32, #tpu.memory_space<vmem>> -> memref<1x1024xi32, #tpu.memory_space<vmem>>
    %dma_wait3A_145 = tpu.memref_squeeze %dma_wait3A_144 : memref<1x1024xi32, #tpu.memory_space<vmem>> -> memref<1024xi32, #tpu.memory_space<vmem>>
    %dma_wait3A_146 = arith.constant 0 : i32
    %dma_wait3A_147 = arith.constant 0 : i32
    %dma_wait3A_148 = tpu.memref_slice %arg5[%dma_wait3A_146, %dma_wait3A_147] : memref<1000x32xf32, #tpu.memory_space<vmem_shared>> -> memref<1000x32xf32, #tpu.memory_space<vmem_shared>>
    tpu.wait_indirect_dma semaphore(%arg11 : memref<!tpu.dma_semaphore, #tpu.memory_space<semaphore_mem>>) src(%dma_wait3A_148 : memref<1000x32xf32, #tpu.memory_space<vmem_shared>>) dst(%dma_wait3A_142 : memref<1024x32xf32, #tpu.memory_space<vmem>>)
    %add3A_149 = arith.constant 2048 : i32
    %add3A_150 = arith.addi %mul3A_2, %add3A_149 : i32
    %dma_start3A_151 = arith.constant 0 : i32
    %dma_start3A_152 = arith.constant 0 : i32
    %dma_start3A_153 = arith.constant 0 : i32
    %dma_start3A_154 = tpu.memref_slice %arg10[%dma_start3A_151, %dma_start3A_152, %dma_start3A_153] : memref<2x1024x32xf32, #tpu.memory_space<vmem>> -> memref<1x1024x32xf32, #tpu.memory_space<vmem>>
    %dma_start3A_155 = tpu.memref_squeeze %dma_start3A_154 : memref<1x1024x32xf32, #tpu.memory_space<vmem>> -> memref<1024x32xf32, #tpu.memory_space<vmem>>
    %dma_start3A_156 = arith.constant 0 : i32
    %dma_start3A_157 = tpu.memref_slice %arg4[%add3A_150, %dma_start3A_156] : memref<1048576x32xf32, #tpu.memory_space<hbm>> -> memref<1024x32xf32, #tpu.memory_space<hbm>>
    %dma_start3A_158 = arith.constant 0 : i32
    %dma_start3A_159 = tpu.memref_slice %arg4[%add3A_150, %dma_start3A_158] : memref<1048576x32xf32, #tpu.memory_space<hbm>> -> memref<1024x32xf32, #tpu.memory_space<hbm>>
    %dma_start3A_160 = arith.constant 0 : i32
    %dma_start3A_161 = arith.constant 0 : i32
    %dma_start3A_162 = tpu.memref_slice %arg10[%dma_start3A_151, %dma_start3A_160, %dma_start3A_161] : memref<2x1024x32xf32, #tpu.memory_space<vmem>> -> memref<1x1024x32xf32, #tpu.memory_space<vmem>>
    %dma_start3A_163 = tpu.memref_squeeze %dma_start3A_162 : memref<1x1024x32xf32, #tpu.memory_space<vmem>> -> memref<1024x32xf32, #tpu.memory_space<vmem>>
    tpu.enqueue_dma source(%dma_start3A_163 : memref<1024x32xf32, #tpu.memory_space<vmem>>) target(%dma_start3A_159 : memref<1024x32xf32, #tpu.memory_space<hbm>>) target_semaphore(%arg13 : memref<!tpu.dma_semaphore, #tpu.memory_space<semaphore_mem>>)
    %dma_wait3A_164 = arith.constant 1 : i32
    %dma_wait3A_165 = arith.constant 0 : i32
    %dma_wait3A_166 = arith.constant 0 : i32
    %dma_wait3A_167 = tpu.memref_slice %arg10[%dma_wait3A_164, %dma_wait3A_165, %dma_wait3A_166] : memref<2x1024x32xf32, #tpu.memory_space<vmem>> -> memref<1x1024x32xf32, #tpu.memory_space<vmem>>
    %dma_wait3A_168 = tpu.memref_squeeze %dma_wait3A_167 : memref<1x1024x32xf32, #tpu.memory_space<vmem>> -> memref<1024x32xf32, #tpu.memory_space<vmem>>
    %dma_wait3A_169 = arith.constant 0 : i32
    %dma_wait3A_170 = tpu.memref_slice %arg4[%add3A_92, %dma_wait3A_169] : memref<1048576x32xf32, #tpu.memory_space<hbm>> -> memref<1024x32xf32, #tpu.memory_space<hbm>>
    %dma_wait3A_171 = arith.constant 0 : i32
    %dma_wait3A_172 = tpu.memref_slice %arg4[%add3A_92, %dma_wait3A_171] : memref<1048576x32xf32, #tpu.memory_space<hbm>> -> memref<1024x32xf32, #tpu.memory_space<hbm>>
    %dma_wait3A_173 = arith.constant 0 : i32
    %dma_wait3A_174 = arith.constant 0 : i32
    %dma_wait3A_175 = tpu.memref_slice %arg10[%dma_wait3A_164, %dma_wait3A_173, %dma_wait3A_174] : memref<2x1024x32xf32, #tpu.memory_space<vmem>> -> memref<1x1024x32xf32, #tpu.memory_space<vmem>>
    %dma_wait3A_176 = tpu.memref_squeeze %dma_wait3A_175 : memref<1x1024x32xf32, #tpu.memory_space<vmem>> -> memref<1024x32xf32, #tpu.memory_space<vmem>>
    tpu.wait_dma2 semaphore(%arg14 : memref<!tpu.dma_semaphore, #tpu.memory_space<semaphore_mem>>) src(%dma_wait3A_176 : memref<1024x32xf32, #tpu.memory_space<vmem>>) dst(%dma_wait3A_172 : memref<1024x32xf32, #tpu.memory_space<hbm>>)
    %dma_start3A_177 = arith.constant 1 : i32
    %dma_start3A_178 = arith.constant 1 : i32
    %dma_start3A_179 = arith.constant 0 : i32
    %dma_start3A_180 = arith.constant 0 : i32
    %dma_start3A_181 = tpu.memref_slice %arg10[%dma_start3A_178, %dma_start3A_179, %dma_start3A_180] : memref<2x1024x32xf32, #tpu.memory_space<vmem>> -> memref<1x1024x32xf32, #tpu.memory_space<vmem>>
    %dma_start3A_182 = tpu.memref_squeeze %dma_start3A_181 : memref<1x1024x32xf32, #tpu.memory_space<vmem>> -> memref<1024x32xf32, #tpu.memory_space<vmem>>
    %dma_start3A_183 = arith.constant 0 : i32
    %dma_start3A_184 = tpu.memref_slice %arg9[%dma_start3A_177, %dma_start3A_183] : memref<2x1024xi32, #tpu.memory_space<vmem>> -> memref<1x1024xi32, #tpu.memory_space<vmem>>
    %dma_start3A_185 = tpu.memref_squeeze %dma_start3A_184 : memref<1x1024xi32, #tpu.memory_space<vmem>> -> memref<1024xi32, #tpu.memory_space<vmem>>
    %dma_start3A_186 = arith.constant 0 : i32
    %dma_start3A_187 = arith.constant 0 : i32
    %dma_start3A_188 = tpu.memref_slice %arg5[%dma_start3A_186, %dma_start3A_187] : memref<1000x32xf32, #tpu.memory_space<vmem_shared>> -> memref<1000x32xf32, #tpu.memory_space<vmem_shared>>
    tpu.enqueue_indirect_dma source(%dma_start3A_188 : memref<1000x32xf32, #tpu.memory_space<vmem_shared>>) target(%dma_start3A_182 : memref<1024x32xf32, #tpu.memory_space<vmem>>) offsets(%dma_start3A_185 : memref<1024xi32, #tpu.memory_space<vmem>>) semaphore(%arg12 : memref<!tpu.dma_semaphore, #tpu.memory_space<semaphore_mem>>)
    %scan3A_189 = arith.constant 0 : i32
    %scan3A_190 = arith.constant 0 : i32
    %scan3A_191 = arith.constant 64 : i32
    %scan3A_192 = arith.addi %scan3A_190, %scan3A_191 : i32
    %scan3A_193 = arith.constant 1 : i32
    scf.for %scan3A_1866 = %scan3A_190 to %scan3A_192 step %scan3A_193  : i32 {
      %mul3A_1867 = arith.constant 16 : i32
      %mul3A_1868 = arith.muli %scan3A_1866, %mul3A_1867 : i32
      %get3A = arith.index_cast %mul3A_1868 : i32 to index
      %get3A_1869 = tpu.vector_load %arg7[%get3A] {strides = array<i32>} : memref<1024xi32, #tpu.memory_space<vmem>>, vector<16xi32>,
      %add3A_1870 = arith.constant 128 : i32
      %add3A_1871 = vector.broadcast %add3A_1870 : i32 to vector<16xi32>
      %add3A_1872 = arith.addi %get3A_1869, %add3A_1871 : vector<16xi32>
      %mul3A_1873 = arith.constant 16 : i32
      %mul3A_1874 = arith.muli %scan3A_1866, %mul3A_1873 : i32
      %get3A_1875 = arith.index_cast %mul3A_1874 : i32 to index
      %get3A_1876 = tpu.vector_load %arg8[%get3A_1875] {strides = array<i32>} : memref<1024xi32, #tpu.memory_space<vmem>>, vector<16xi32>,
      %shift_right_arithmetic3A = arith.constant 9 : i32
      %shift_right_arithmetic3A_1877 = vector.broadcast %shift_right_arithmetic3A : i32 to vector<16xi32>
      %shift_right_arithmetic3A_1878 = arith.shrsi %add3A_1872, %shift_right_arithmetic3A_1877 : vector<16xi32>
      %broadcast_in_dim3A = arith.constant 0 : i32
      %broadcast_in_dim3A_1879 = vector.broadcast %broadcast_in_dim3A : i32 to vector<16xi32>
      %and3A = arith.constant 511 : i32
      %and3A_1880 = vector.broadcast %and3A : i32 to vector<16xi32>
      %and3A_1881 = arith.andi %add3A_1872, %and3A_1880 : vector<16xi32>
      %gather3A = tpu.vector_load_idx %arg6[%shift_right_arithmetic3A_1878, %get3A_1876, %broadcast_in_dim3A_1879, %and3A_1881] : memref<2x32x1x512xi32, #tpu.memory_space<vmem>>[vector<16xi32>, vector<16xi32>, vector<16xi32>, vector<16xi32>], vector<16xi32>,
      %mul3A_1882 = arith.constant 16 : i32
      %mul3A_1883 = arith.muli %scan3A_1866, %mul3A_1882 : i32
      %swap3A = arith.constant 0 : i32
      %swap3A_1884 = arith.index_cast %swap3A : i32 to index
      %swap3A_1885 = arith.index_cast %mul3A_1883 : i32 to index
      %swap3A_1886 = tpu.vector_load %arg9[%swap3A_1884, %swap3A_1885] {strides = array<i32>} : memref<2x1024xi32, #tpu.memory_space<vmem>>, vector<16xi32>,
      tpu.vector_store %arg9[%swap3A_1884, %swap3A_1885], %gather3A {strides = array<i32>} : memref<2x1024xi32, #tpu.memory_space<vmem>>, vector<16xi32>,
    }
    %scan3A_194 = arith.constant 64 : i32
    %dma_wait3A_195 = arith.constant 1 : i32
    %dma_wait3A_196 = arith.constant 1 : i32
    %dma_wait3A_197 = arith.constant 0 : i32
    %dma_wait3A_198 = arith.constant 0 : i32
    %dma_wait3A_199 = tpu.memref_slice %arg10[%dma_wait3A_196, %dma_wait3A_197, %dma_wait3A_198] : memref<2x1024x32xf32, #tpu.memory_space<vmem>> -> memref<1x1024x32xf32, #tpu.memory_space<vmem>>
    %dma_wait3A_200 = tpu.memref_squeeze %dma_wait3A_199 : memref<1x1024x32xf32, #tpu.memory_space<vmem>> -> memref<1024x32xf32, #tpu.memory_space<vmem>>
    %dma_wait3A_201 = arith.constant 0 : i32
    %dma_wait3A_202 = tpu.memref_slice %arg9[%dma_wait3A_195, %dma_wait3A_201] : memref<2x1024xi32, #tpu.memory_space<vmem>> -> memref<1x1024xi32, #tpu.memory_space<vmem>>
    %dma_wait3A_203 = tpu.memref_squeeze %dma_wait3A_202 : memref<1x1024xi32, #tpu.memory_space<vmem>> -> memref<1024xi32, #tpu.memory_space<vmem>>
    %dma_wait3A_204 = arith.constant 0 : i32
    %dma_wait3A_205 = arith.constant 0 : i32
    %dma_wait3A_206 = tpu.memref_slice %arg5[%dma_wait3A_204, %dma_wait3A_205] : memref<1000x32xf32, #tpu.memory_space<vmem_shared>> -> memref<1000x32xf32, #tpu.memory_space<vmem_shared>>
    tpu.wait_indirect_dma semaphore(%arg12 : memref<!tpu.dma_semaphore, #tpu.memory_space<semaphore_mem>>) src(%dma_wait3A_206 : memref<1000x32xf32, #tpu.memory_space<vmem_shared>>) dst(%dma_wait3A_200 : memref<1024x32xf32, #tpu.memory_space<vmem>>)
    %add3A_207 = arith.constant 3072 : i32
    %add3A_208 = arith.addi %mul3A_2, %add3A_207 : i32
    %dma_start3A_209 = arith.constant 1 : i32
    %dma_start3A_210 = arith.constant 0 : i32
    %dma_start3A_211 = arith.constant 0 : i32
    %dma_start3A_212 = tpu.memref_slice %arg10[%dma_start3A_209, %dma_start3A_210, %dma_start3A_211] : memref<2x1024x32xf32, #tpu.memory_space<vmem>> -> memref<1x1024x32xf32, #tpu.memory_space<vmem>>
    %dma_start3A_213 = tpu.memref_squeeze %dma_start3A_212 : memref<1x1024x32xf32, #tpu.memory_space<vmem>> -> memref<1024x32xf32, #tpu.memory_space<vmem>>
    %dma_start3A_214 = arith.constant 0 : i32
    %dma_start3A_215 = tpu.memref_slice %arg4[%add3A_208, %dma_start3A_214] : memref<1048576x32xf32, #tpu.memory_space<hbm>> -> memref<1024x32xf32, #tpu.memory_space<hbm>>
    %dma_start3A_216 = arith.constant 0 : i32
    %dma_start3A_217 = tpu.memref_slice %arg4[%add3A_208, %dma_start3A_216] : memref<1048576x32xf32, #tpu.memory_space<hbm>> -> memref<1024x32xf32, #tpu.memory_space<hbm>>
    %dma_start3A_218 = arith.constant 0 : i32
    %dma_start3A_219 = arith.constant 0 : i32
    %dma_start3A_220 = tpu.memref_slice %arg10[%dma_start3A_209, %dma_start3A_218, %dma_start3A_219] : memref<2x1024x32xf32, #tpu.memory_space<vmem>> -> memref<1x1024x32xf32, #tpu.memory_space<vmem>>
    %dma_start3A_221 = tpu.memref_squeeze %dma_start3A_220 : memref<1x1024x32xf32, #tpu.memory_space<vmem>> -> memref<1024x32xf32, #tpu.memory_space<vmem>>
    tpu.enqueue_dma source(%dma_start3A_221 : memref<1024x32xf32, #tpu.memory_space<vmem>>) target(%dma_start3A_217 : memref<1024x32xf32, #tpu.memory_space<hbm>>) target_semaphore(%arg14 : memref<!tpu.dma_semaphore, #tpu.memory_space<semaphore_mem>>)
    %dma_wait3A_222 = arith.constant 0 : i32
    %dma_wait3A_223 = arith.constant 0 : i32
    %dma_wait3A_224 = arith.constant 0 : i32
    %dma_wait3A_225 = tpu.memref_slice %arg10[%dma_wait3A_222, %dma_wait3A_223, %dma_wait3A_224] : memref<2x1024x32xf32, #tpu.memory_space<vmem>> -> memref<1x1024x32xf32, #tpu.memory_space<vmem>>
    %dma_wait3A_226 = tpu.memref_squeeze %dma_wait3A_225 : memref<1x1024x32xf32, #tpu.memory_space<vmem>> -> memref<1024x32xf32, #tpu.memory_space<vmem>>
    %dma_wait3A_227 = arith.constant 0 : i32
    %dma_wait3A_228 = tpu.memref_slice %arg4[%add3A_150, %dma_wait3A_227] : memref<1048576x32xf32, #tpu.memory_space<hbm>> -> memref<1024x32xf32, #tpu.memory_space<hbm>>
    %dma_wait3A_229 = arith.constant 0 : i32
    %dma_wait3A_230 = tpu.memref_slice %arg4[%add3A_150, %dma_wait3A_229] : memref<1048576x32xf32, #tpu.memory_space<hbm>> -> memref<1024x32xf32, #tpu.memory_space<hbm>>
    %dma_wait3A_231 = arith.constant 0 : i32
    %dma_wait3A_232 = arith.constant 0 : i32
    %dma_wait3A_233 = tpu.memref_slice %arg10[%dma_wait3A_222, %dma_wait3A_231, %dma_wait3A_232] : memref<2x1024x32xf32, #tpu.memory_space<vmem>> -> memref<1x1024x32xf32, #tpu.memory_space<vmem>>
    %dma_wait3A_234 = tpu.memref_squeeze %dma_wait3A_233 : memref<1x1024x32xf32, #tpu.memory_space<vmem>> -> memref<1024x32xf32, #tpu.memory_space<vmem>>
    tpu.wait_dma2 semaphore(%arg13 : memref<!tpu.dma_semaphore, #tpu.memory_space<semaphore_mem>>) src(%dma_wait3A_234 : memref<1024x32xf32, #tpu.memory_space<vmem>>) dst(%dma_wait3A_230 : memref<1024x32xf32, #tpu.memory_space<hbm>>)
    %dma_start3A_235 = arith.constant 0 : i32
    %dma_start3A_236 = arith.constant 0 : i32
    %dma_start3A_237 = arith.constant 0 : i32
    %dma_start3A_238 = arith.constant 0 : i32
    %dma_start3A_239 = tpu.memref_slice %arg10[%dma_start3A_236, %dma_start3A_237, %dma_start3A_238] : memref<2x1024x32xf32, #tpu.memory_space<vmem>> -> memref<1x1024x32xf32, #tpu.memory_space<vmem>>
    %dma_start3A_240 = tpu.memref_squeeze %dma_start3A_239 : memref<1x1024x32xf32, #tpu.memory_space<vmem>> -> memref<1024x32xf32, #tpu.memory_space<vmem>>
    %dma_start3A_241 = arith.constant 0 : i32
    %dma_start3A_242 = tpu.memref_slice %arg9[%dma_start3A_235, %dma_start3A_241] : memref<2x1024xi32, #tpu.memory_space<vmem>> -> memref<1x1024xi32, #tpu.memory_space<vmem>>
    %dma_start3A_243 = tpu.memref_squeeze %dma_start3A_242 : memref<1x1024xi32, #tpu.memory_space<vmem>> -> memref<1024xi32, #tpu.memory_space<vmem>>
    %dma_start3A_244 = arith.constant 0 : i32
    %dma_start3A_245 = arith.constant 0 : i32
    %dma_start3A_246 = tpu.memref_slice %arg5[%dma_start3A_244, %dma_start3A_245] : memref<1000x32xf32, #tpu.memory_space<vmem_shared>> -> memref<1000x32xf32, #tpu.memory_space<vmem_shared>>
    tpu.enqueue_indirect_dma source(%dma_start3A_246 : memref<1000x32xf32, #tpu.memory_space<vmem_shared>>) target(%dma_start3A_240 : memref<1024x32xf32, #tpu.memory_space<vmem>>) offsets(%dma_start3A_243 : memref<1024xi32, #tpu.memory_space<vmem>>) semaphore(%arg11 : memref<!tpu.dma_semaphore, #tpu.memory_space<semaphore_mem>>)
    %scan3A_247 = arith.constant 0 : i32
    %scan3A_248 = arith.constant 0 : i32
    %scan3A_249 = arith.constant 64 : i32
    %scan3A_250 = arith.addi %scan3A_248, %scan3A_249 : i32
    %scan3A_251 = arith.constant 1 : i32
    scf.for %scan3A_1866 = %scan3A_248 to %scan3A_250 step %scan3A_251  : i32 {
      %mul3A_1867 = arith.constant 16 : i32
      %mul3A_1868 = arith.muli %scan3A_1866, %mul3A_1867 : i32
      %get3A = arith.index_cast %mul3A_1868 : i32 to index
      %get3A_1869 = tpu.vector_load %arg7[%get3A] {strides = array<i32>} : memref<1024xi32, #tpu.memory_space<vmem>>, vector<16xi32>,
      %add3A_1870 = arith.constant 160 : i32
      %add3A_1871 = vector.broadcast %add3A_1870 : i32 to vector<16xi32>
      %add3A_1872 = arith.addi %get3A_1869, %add3A_1871 : vector<16xi32>
      %mul3A_1873 = arith.constant 16 : i32
      %mul3A_1874 = arith.muli %scan3A_1866, %mul3A_1873 : i32
      %get3A_1875 = arith.index_cast %mul3A_1874 : i32 to index
      %get3A_1876 = tpu.vector_load %arg8[%get3A_1875] {strides = array<i32>} : memref<1024xi32, #tpu.memory_space<vmem>>, vector<16xi32>,
      %shift_right_arithmetic3A = arith.constant 9 : i32
      %shift_right_arithmetic3A_1877 = vector.broadcast %shift_right_arithmetic3A : i32 to vector<16xi32>
      %shift_right_arithmetic3A_1878 = arith.shrsi %add3A_1872, %shift_right_arithmetic3A_1877 : vector<16xi32>
      %broadcast_in_dim3A = arith.constant 0 : i32
      %broadcast_in_dim3A_1879 = vector.broadcast %broadcast_in_dim3A : i32 to vector<16xi32>
      %and3A = arith.constant 511 : i32
      %and3A_1880 = vector.broadcast %and3A : i32 to vector<16xi32>
      %and3A_1881 = arith.andi %add3A_1872, %and3A_1880 : vector<16xi32>
      %gather3A = tpu.vector_load_idx %arg6[%shift_right_arithmetic3A_1878, %get3A_1876, %broadcast_in_dim3A_1879, %and3A_1881] : memref<2x32x1x512xi32, #tpu.memory_space<vmem>>[vector<16xi32>, vector<16xi32>, vector<16xi32>, vector<16xi32>], vector<16xi32>,
      %mul3A_1882 = arith.constant 16 : i32
      %mul3A_1883 = arith.muli %scan3A_1866, %mul3A_1882 : i32
      %swap3A = arith.constant 1 : i32
      %swap3A_1884 = arith.index_cast %swap3A : i32 to index
      %swap3A_1885 = arith.index_cast %mul3A_1883 : i32 to index
      %swap3A_1886 = tpu.vector_load %arg9[%swap3A_1884, %swap3A_1885] {strides = array<i32>} : memref<2x1024xi32, #tpu.memory_space<vmem>>, vector<16xi32>,
      tpu.vector_store %arg9[%swap3A_1884, %swap3A_1885], %gather3A {strides = array<i32>} : memref<2x1024xi32, #tpu.memory_space<vmem>>, vector<16xi32>,
    }
    %scan3A_252 = arith.constant 64 : i32
    %dma_wait3A_253 = arith.constant 0 : i32
    %dma_wait3A_254 = arith.constant 0 : i32
    %dma_wait3A_255 = arith.constant 0 : i32
    %dma_wait3A_256 = arith.constant 0 : i32
    %dma_wait3A_257 = tpu.memref_slice %arg10[%dma_wait3A_254, %dma_wait3A_255, %dma_wait3A_256] : memref<2x1024x32xf32, #tpu.memory_space<vmem>> -> memref<1x1024x32xf32, #tpu.memory_space<vmem>>
    %dma_wait3A_258 = tpu.memref_squeeze %dma_wait3A_257 : memref<1x1024x32xf32, #tpu.memory_space<vmem>> -> memref<1024x32xf32, #tpu.memory_space<vmem>>
    %dma_wait3A_259 = arith.constant 0 : i32
    %dma_wait3A_260 = tpu.memref_slice %arg9[%dma_wait3A_253, %dma_wait3A_259] : memref<2x1024xi32, #tpu.memory_space<vmem>> -> memref<1x1024xi32, #tpu.memory_space<vmem>>
    %dma_wait3A_261 = tpu.memref_squeeze %dma_wait3A_260 : memref<1x1024xi32, #tpu.memory_space<vmem>> -> memref<1024xi32, #tpu.memory_space<vmem>>
    %dma_wait3A_262 = arith.constant 0 : i32
    %dma_wait3A_263 = arith.constant 0 : i32
    %dma_wait3A_264 = tpu.memref_slice %arg5[%dma_wait3A_262, %dma_wait3A_263] : memref<1000x32xf32, #tpu.memory_space<vmem_shared>> -> memref<1000x32xf32, #tpu.memory_space<vmem_shared>>
    tpu.wait_indirect_dma semaphore(%arg11 : memref<!tpu.dma_semaphore, #tpu.memory_space<semaphore_mem>>) src(%dma_wait3A_264 : memref<1000x32xf32, #tpu.memory_space<vmem_shared>>) dst(%dma_wait3A_258 : memref<1024x32xf32, #tpu.memory_space<vmem>>)
    %add3A_265 = arith.constant 4096 : i32
    %add3A_266 = arith.addi %mul3A_2, %add3A_265 : i32
    %dma_start3A_267 = arith.constant 0 : i32
    %dma_start3A_268 = arith.constant 0 : i32
    %dma_start3A_269 = arith.constant 0 : i32
    %dma_start3A_270 = tpu.memref_slice %arg10[%dma_start3A_267, %dma_start3A_268, %dma_start3A_269] : memref<2x1024x32xf32, #tpu.memory_space<vmem>> -> memref<1x1024x32xf32, #tpu.memory_space<vmem>>
    %dma_start3A_271 = tpu.memref_squeeze %dma_start3A_270 : memref<1x1024x32xf32, #tpu.memory_space<vmem>> -> memref<1024x32xf32, #tpu.memory_space<vmem>>
    %dma_start3A_272 = arith.constant 0 : i32
    %dma_start3A_273 = tpu.memref_slice %arg4[%add3A_266, %dma_start3A_272] : memref<1048576x32xf32, #tpu.memory_space<hbm>> -> memref<1024x32xf32, #tpu.memory_space<hbm>>
    %dma_start3A_274 = arith.constant 0 : i32
    %dma_start3A_275 = tpu.memref_slice %arg4[%add3A_266, %dma_start3A_274] : memref<1048576x32xf32, #tpu.memory_space<hbm>> -> memref<1024x32xf32, #tpu.memory_space<hbm>>
    %dma_start3A_276 = arith.constant 0 : i32
    %dma_start3A_277 = arith.constant 0 : i32
    %dma_start3A_278 = tpu.memref_slice %arg10[%dma_start3A_267, %dma_start3A_276, %dma_start3A_277] : memref<2x1024x32xf32, #tpu.memory_space<vmem>> -> memref<1x1024x32xf32, #tpu.memory_space<vmem>>
    %dma_start3A_279 = tpu.memref_squeeze %dma_start3A_278 : memref<1x1024x32xf32, #tpu.memory_space<vmem>> -> memref<1024x32xf32, #tpu.memory_space<vmem>>
    tpu.enqueue_dma source(%dma_start3A_279 : memref<1024x32xf32, #tpu.memory_space<vmem>>) target(%dma_start3A_275 : memref<1024x32xf32, #tpu.memory_space<hbm>>) target_semaphore(%arg13 : memref<!tpu.dma_semaphore, #tpu.memory_space<semaphore_mem>>)
    %dma_wait3A_280 = arith.constant 1 : i32
    %dma_wait3A_281 = arith.constant 0 : i32
    %dma_wait3A_282 = arith.constant 0 : i32
    %dma_wait3A_283 = tpu.memref_slice %arg10[%dma_wait3A_280, %dma_wait3A_281, %dma_wait3A_282] : memref<2x1024x32xf32, #tpu.memory_space<vmem>> -> memref<1x1024x32xf32, #tpu.memory_space<vmem>>
    %dma_wait3A_284 = tpu.memref_squeeze %dma_wait3A_283 : memref<1x1024x32xf32, #tpu.memory_space<vmem>> -> memref<1024x32xf32, #tpu.memory_space<vmem>>
    %dma_wait3A_285 = arith.constant 0 : i32
    %dma_wait3A_286 = tpu.memref_slice %arg4[%add3A_208, %dma_wait3A_285] : memref<1048576x32xf32, #tpu.memory_space<hbm>> -> memref<1024x32xf32, #tpu.memory_space<hbm>>
    %dma_wait3A_287 = arith.constant 0 : i32
    %dma_wait3A_288 = tpu.memref_slice %arg4[%add3A_208, %dma_wait3A_287] : memref<1048576x32xf32, #tpu.memory_space<hbm>> -> memref<1024x32xf32, #tpu.memory_space<hbm>>
    %dma_wait3A_289 = arith.constant 0 : i32
    %dma_wait3A_290 = arith.constant 0 : i32
    %dma_wait3A_291 = tpu.memref_slice %arg10[%dma_wait3A_280, %dma_wait3A_289, %dma_wait3A_290] : memref<2x1024x32xf32, #tpu.memory_space<vmem>> -> memref<1x1024x32xf32, #tpu.memory_space<vmem>>
    %dma_wait3A_292 = tpu.memref_squeeze %dma_wait3A_291 : memref<1x1024x32xf32, #tpu.memory_space<vmem>> -> memref<1024x32xf32, #tpu.memory_space<vmem>>
    tpu.wait_dma2 semaphore(%arg14 : memref<!tpu.dma_semaphore, #tpu.memory_space<semaphore_mem>>) src(%dma_wait3A_292 : memref<1024x32xf32, #tpu.memory_space<vmem>>) dst(%dma_wait3A_288 : memref<1024x32xf32, #tpu.memory_space<hbm>>)
    %dma_start3A_293 = arith.constant 1 : i32
    %dma_start3A_294 = arith.constant 1 : i32
    %dma_start3A_295 = arith.constant 0 : i32
    %dma_start3A_296 = arith.constant 0 : i32
    %dma_start3A_297 = tpu.memref_slice %arg10[%dma_start3A_294, %dma_start3A_295, %dma_start3A_296] : memref<2x1024x32xf32, #tpu.memory_space<vmem>> -> memref<1x1024x32xf32, #tpu.memory_space<vmem>>
    %dma_start3A_298 = tpu.memref_squeeze %dma_start3A_297 : memref<1x1024x32xf32, #tpu.memory_space<vmem>> -> memref<1024x32xf32, #tpu.memory_space<vmem>>
    %dma_start3A_299 = arith.constant 0 : i32
    %dma_start3A_300 = tpu.memref_slice %arg9[%dma_start3A_293, %dma_start3A_299] : memref<2x1024xi32, #tpu.memory_space<vmem>> -> memref<1x1024xi32, #tpu.memory_space<vmem>>
    %dma_start3A_301 = tpu.memref_squeeze %dma_start3A_300 : memref<1x1024xi32, #tpu.memory_space<vmem>> -> memref<1024xi32, #tpu.memory_space<vmem>>
    %dma_start3A_302 = arith.constant 0 : i32
    %dma_start3A_303 = arith.constant 0 : i32
    %dma_start3A_304 = tpu.memref_slice %arg5[%dma_start3A_302, %dma_start3A_303] : memref<1000x32xf32, #tpu.memory_space<vmem_shared>> -> memref<1000x32xf32, #tpu.memory_space<vmem_shared>>
    tpu.enqueue_indirect_dma source(%dma_start3A_304 : memref<1000x32xf32, #tpu.memory_space<vmem_shared>>) target(%dma_start3A_298 : memref<1024x32xf32, #tpu.memory_space<vmem>>) offsets(%dma_start3A_301 : memref<1024xi32, #tpu.memory_space<vmem>>) semaphore(%arg12 : memref<!tpu.dma_semaphore, #tpu.memory_space<semaphore_mem>>)
    %scan3A_305 = arith.constant 0 : i32
    %scan3A_306 = arith.constant 0 : i32
    %scan3A_307 = arith.constant 64 : i32
    %scan3A_308 = arith.addi %scan3A_306, %scan3A_307 : i32
    %scan3A_309 = arith.constant 1 : i32
    scf.for %scan3A_1866 = %scan3A_306 to %scan3A_308 step %scan3A_309  : i32 {
      %mul3A_1867 = arith.constant 16 : i32
      %mul3A_1868 = arith.muli %scan3A_1866, %mul3A_1867 : i32
      %get3A = arith.index_cast %mul3A_1868 : i32 to index
      %get3A_1869 = tpu.vector_load %arg7[%get3A] {strides = array<i32>} : memref<1024xi32, #tpu.memory_space<vmem>>, vector<16xi32>,
      %add3A_1870 = arith.constant 192 : i32
      %add3A_1871 = vector.broadcast %add3A_1870 : i32 to vector<16xi32>
      %add3A_1872 = arith.addi %get3A_1869, %add3A_1871 : vector<16xi32>
      %mul3A_1873 = arith.constant 16 : i32
      %mul3A_1874 = arith.muli %scan3A_1866, %mul3A_1873 : i32
      %get3A_1875 = arith.index_cast %mul3A_1874 : i32 to index
      %get3A_1876 = tpu.vector_load %arg8[%get3A_1875] {strides = array<i32>} : memref<1024xi32, #tpu.memory_space<vmem>>, vector<16xi32>,
      %shift_right_arithmetic3A = arith.constant 9 : i32
      %shift_right_arithmetic3A_1877 = vector.broadcast %shift_right_arithmetic3A : i32 to vector<16xi32>
      %shift_right_arithmetic3A_1878 = arith.shrsi %add3A_1872, %shift_right_arithmetic3A_1877 : vector<16xi32>
      %broadcast_in_dim3A = arith.constant 0 : i32
      %broadcast_in_dim3A_1879 = vector.broadcast %broadcast_in_dim3A : i32 to vector<16xi32>
      %and3A = arith.constant 511 : i32
      %and3A_1880 = vector.broadcast %and3A : i32 to vector<16xi32>
      %and3A_1881 = arith.andi %add3A_1872, %and3A_1880 : vector<16xi32>
      %gather3A = tpu.vector_load_idx %arg6[%shift_right_arithmetic3A_1878, %get3A_1876, %broadcast_in_dim3A_1879, %and3A_1881] : memref<2x32x1x512xi32, #tpu.memory_space<vmem>>[vector<16xi32>, vector<16xi32>, vector<16xi32>, vector<16xi32>], vector<16xi32>,
      %mul3A_1882 = arith.constant 16 : i32
      %mul3A_1883 = arith.muli %scan3A_1866, %mul3A_1882 : i32
      %swap3A = arith.constant 0 : i32
      %swap3A_1884 = arith.index_cast %swap3A : i32 to index
      %swap3A_1885 = arith.index_cast %mul3A_1883 : i32 to index
      %swap3A_1886 = tpu.vector_load %arg9[%swap3A_1884, %swap3A_1885] {strides = array<i32>} : memref<2x1024xi32, #tpu.memory_space<vmem>>, vector<16xi32>,
      tpu.vector_store %arg9[%swap3A_1884, %swap3A_1885], %gather3A {strides = array<i32>} : memref<2x1024xi32, #tpu.memory_space<vmem>>, vector<16xi32>,
    }
    %scan3A_310 = arith.constant 64 : i32
    %dma_wait3A_311 = arith.constant 1 : i32
    %dma_wait3A_312 = arith.constant 1 : i32
    %dma_wait3A_313 = arith.constant 0 : i32
    %dma_wait3A_314 = arith.constant 0 : i32
    %dma_wait3A_315 = tpu.memref_slice %arg10[%dma_wait3A_312, %dma_wait3A_313, %dma_wait3A_314] : memref<2x1024x32xf32, #tpu.memory_space<vmem>> -> memref<1x1024x32xf32, #tpu.memory_space<vmem>>
    %dma_wait3A_316 = tpu.memref_squeeze %dma_wait3A_315 : memref<1x1024x32xf32, #tpu.memory_space<vmem>> -> memref<1024x32xf32, #tpu.memory_space<vmem>>
    %dma_wait3A_317 = arith.constant 0 : i32
    %dma_wait3A_318 = tpu.memref_slice %arg9[%dma_wait3A_311, %dma_wait3A_317] : memref<2x1024xi32, #tpu.memory_space<vmem>> -> memref<1x1024xi32, #tpu.memory_space<vmem>>
    %dma_wait3A_319 = tpu.memref_squeeze %dma_wait3A_318 : memref<1x1024xi32, #tpu.memory_space<vmem>> -> memref<1024xi32, #tpu.memory_space<vmem>>
    %dma_wait3A_320 = arith.constant 0 : i32
    %dma_wait3A_321 = arith.constant 0 : i32
    %dma_wait3A_322 = tpu.memref_slice %arg5[%dma_wait3A_320, %dma_wait3A_321] : memref<1000x32xf32, #tpu.memory_space<vmem_shared>> -> memref<1000x32xf32, #tpu.memory_space<vmem_shared>>
    tpu.wait_indirect_dma semaphore(%arg12 : memref<!tpu.dma_semaphore, #tpu.memory_space<semaphore_mem>>) src(%dma_wait3A_322 : memref<1000x32xf32, #tpu.memory_space<vmem_shared>>) dst(%dma_wait3A_316 : memref<1024x32xf32, #tpu.memory_space<vmem>>)
    %add3A_323 = arith.constant 5120 : i32
    %add3A_324 = arith.addi %mul3A_2, %add3A_323 : i32
    %dma_start3A_325 = arith.constant 1 : i32
    %dma_start3A_326 = arith.constant 0 : i32
    %dma_start3A_327 = arith.constant 0 : i32
    %dma_start3A_328 = tpu.memref_slice %arg10[%dma_start3A_325, %dma_start3A_326, %dma_start3A_327] : memref<2x1024x32xf32, #tpu.memory_space<vmem>> -> memref<1x1024x32xf32, #tpu.memory_space<vmem>>
    %dma_start3A_329 = tpu.memref_squeeze %dma_start3A_328 : memref<1x1024x32xf32, #tpu.memory_space<vmem>> -> memref<1024x32xf32, #tpu.memory_space<vmem>>
    %dma_start3A_330 = arith.constant 0 : i32
    %dma_start3A_331 = tpu.memref_slice %arg4[%add3A_324, %dma_start3A_330] : memref<1048576x32xf32, #tpu.memory_space<hbm>> -> memref<1024x32xf32, #tpu.memory_space<hbm>>
    %dma_start3A_332 = arith.constant 0 : i32
    %dma_start3A_333 = tpu.memref_slice %arg4[%add3A_324, %dma_start3A_332] : memref<1048576x32xf32, #tpu.memory_space<hbm>> -> memref<1024x32xf32, #tpu.memory_space<hbm>>
    %dma_start3A_334 = arith.constant 0 : i32
    %dma_start3A_335 = arith.constant 0 : i32
    %dma_start3A_336 = tpu.memref_slice %arg10[%dma_start3A_325, %dma_start3A_334, %dma_start3A_335] : memref<2x1024x32xf32, #tpu.memory_space<vmem>> -> memref<1x1024x32xf32, #tpu.memory_space<vmem>>
    %dma_start3A_337 = tpu.memref_squeeze %dma_start3A_336 : memref<1x1024x32xf32, #tpu.memory_space<vmem>> -> memref<1024x32xf32, #tpu.memory_space<vmem>>
    tpu.enqueue_dma source(%dma_start3A_337 : memref<1024x32xf32, #tpu.memory_space<vmem>>) target(%dma_start3A_333 : memref<1024x32xf32, #tpu.memory_space<hbm>>) target_semaphore(%arg14 : memref<!tpu.dma_semaphore, #tpu.memory_space<semaphore_mem>>)
    %dma_wait3A_338 = arith.constant 0 : i32
    %dma_wait3A_339 = arith.constant 0 : i32
    %dma_wait3A_340 = arith.constant 0 : i32
    %dma_wait3A_341 = tpu.memref_slice %arg10[%dma_wait3A_338, %dma_wait3A_339, %dma_wait3A_340] : memref<2x1024x32xf32, #tpu.memory_space<vmem>> -> memref<1x1024x32xf32, #tpu.memory_space<vmem>>
    %dma_wait3A_342 = tpu.memref_squeeze %dma_wait3A_341 : memref<1x1024x32xf32, #tpu.memory_space<vmem>> -> memref<1024x32xf32, #tpu.memory_space<vmem>>
    %dma_wait3A_343 = arith.constant 0 : i32
    %dma_wait3A_344 = tpu.memref_slice %arg4[%add3A_266, %dma_wait3A_343] : memref<1048576x32xf32, #tpu.memory_space<hbm>> -> memref<1024x32xf32, #tpu.memory_space<hbm>>
    %dma_wait3A_345 = arith.constant 0 : i32
    %dma_wait3A_346 = tpu.memref_slice %arg4[%add3A_266, %dma_wait3A_345] : memref<1048576x32xf32, #tpu.memory_space<hbm>> -> memref<1024x32xf32, #tpu.memory_space<hbm>>
    %dma_wait3A_347 = arith.constant 0 : i32
    %dma_wait3A_348 = arith.constant 0 : i32
    %dma_wait3A_349 = tpu.memref_slice %arg10[%dma_wait3A_338, %dma_wait3A_347, %dma_wait3A_348] : memref<2x1024x32xf32, #tpu.memory_space<vmem>> -> memref<1x1024x32xf32, #tpu.memory_space<vmem>>
    %dma_wait3A_350 = tpu.memref_squeeze %dma_wait3A_349 : memref<1x1024x32xf32, #tpu.memory_space<vmem>> -> memref<1024x32xf32, #tpu.memory_space<vmem>>
    tpu.wait_dma2 semaphore(%arg13 : memref<!tpu.dma_semaphore, #tpu.memory_space<semaphore_mem>>) src(%dma_wait3A_350 : memref<1024x32xf32, #tpu.memory_space<vmem>>) dst(%dma_wait3A_346 : memref<1024x32xf32, #tpu.memory_space<hbm>>)
    %dma_start3A_351 = arith.constant 0 : i32
    %dma_start3A_352 = arith.constant 0 : i32
    %dma_start3A_353 = arith.constant 0 : i32
    %dma_start3A_354 = arith.constant 0 : i32
    %dma_start3A_355 = tpu.memref_slice %arg10[%dma_start3A_352, %dma_start3A_353, %dma_start3A_354] : memref<2x1024x32xf32, #tpu.memory_space<vmem>> -> memref<1x1024x32xf32, #tpu.memory_space<vmem>>
    %dma_start3A_356 = tpu.memref_squeeze %dma_start3A_355 : memref<1x1024x32xf32, #tpu.memory_space<vmem>> -> memref<1024x32xf32, #tpu.memory_space<vmem>>
    %dma_start3A_357 = arith.constant 0 : i32
    %dma_start3A_358 = tpu.memref_slice %arg9[%dma_start3A_351, %dma_start3A_357] : memref<2x1024xi32, #tpu.memory_space<vmem>> -> memref<1x1024xi32, #tpu.memory_space<vmem>>
    %dma_start3A_359 = tpu.memref_squeeze %dma_start3A_358 : memref<1x1024xi32, #tpu.memory_space<vmem>> -> memref<1024xi32, #tpu.memory_space<vmem>>
    %dma_start3A_360 = arith.constant 0 : i32
    %dma_start3A_361 = arith.constant 0 : i32
    %dma_start3A_362 = tpu.memref_slice %arg5[%dma_start3A_360, %dma_start3A_361] : memref<1000x32xf32, #tpu.memory_space<vmem_shared>> -> memref<1000x32xf32, #tpu.memory_space<vmem_shared>>
    tpu.enqueue_indirect_dma source(%dma_start3A_362 : memref<1000x32xf32, #tpu.memory_space<vmem_shared>>) target(%dma_start3A_356 : memref<1024x32xf32, #tpu.memory_space<vmem>>) offsets(%dma_start3A_359 : memref<1024xi32, #tpu.memory_space<vmem>>) semaphore(%arg11 : memref<!tpu.dma_semaphore, #tpu.memory_space<semaphore_mem>>)
    %scan3A_363 = arith.constant 0 : i32
    %scan3A_364 = arith.constant 0 : i32
    %scan3A_365 = arith.constant 64 : i32
    %scan3A_366 = arith.addi %scan3A_364, %scan3A_365 : i32
    %scan3A_367 = arith.constant 1 : i32
    scf.for %scan3A_1866 = %scan3A_364 to %scan3A_366 step %scan3A_367  : i32 {
      %mul3A_1867 = arith.constant 16 : i32
      %mul3A_1868 = arith.muli %scan3A_1866, %mul3A_1867 : i32
      %get3A = arith.index_cast %mul3A_1868 : i32 to index
      %get3A_1869 = tpu.vector_load %arg7[%get3A] {strides = array<i32>} : memref<1024xi32, #tpu.memory_space<vmem>>, vector<16xi32>,
      %add3A_1870 = arith.constant 224 : i32
      %add3A_1871 = vector.broadcast %add3A_1870 : i32 to vector<16xi32>
      %add3A_1872 = arith.addi %get3A_1869, %add3A_1871 : vector<16xi32>
      %mul3A_1873 = arith.constant 16 : i32
      %mul3A_1874 = arith.muli %scan3A_1866, %mul3A_1873 : i32
      %get3A_1875 = arith.index_cast %mul3A_1874 : i32 to index
      %get3A_1876 = tpu.vector_load %arg8[%get3A_1875] {strides = array<i32>} : memref<1024xi32, #tpu.memory_space<vmem>>, vector<16xi32>,
      %shift_right_arithmetic3A = arith.constant 9 : i32
      %shift_right_arithmetic3A_1877 = vector.broadcast %shift_right_arithmetic3A : i32 to vector<16xi32>
      %shift_right_arithmetic3A_1878 = arith.shrsi %add3A_1872, %shift_right_arithmetic3A_1877 : vector<16xi32>
      %broadcast_in_dim3A = arith.constant 0 : i32
      %broadcast_in_dim3A_1879 = vector.broadcast %broadcast_in_dim3A : i32 to vector<16xi32>
      %and3A = arith.constant 511 : i32
      %and3A_1880 = vector.broadcast %and3A : i32 to vector<16xi32>
      %and3A_1881 = arith.andi %add3A_1872, %and3A_1880 : vector<16xi32>
      %gather3A = tpu.vector_load_idx %arg6[%shift_right_arithmetic3A_1878, %get3A_1876, %broadcast_in_dim3A_1879, %and3A_1881] : memref<2x32x1x512xi32, #tpu.memory_space<vmem>>[vector<16xi32>, vector<16xi32>, vector<16xi32>, vector<16xi32>], vector<16xi32>,
      %mul3A_1882 = arith.constant 16 : i32
      %mul3A_1883 = arith.muli %scan3A_1866, %mul3A_1882 : i32
      %swap3A = arith.constant 1 : i32
      %swap3A_1884 = arith.index_cast %swap3A : i32 to index
      %swap3A_1885 = arith.index_cast %mul3A_1883 : i32 to index
      %swap3A_1886 = tpu.vector_load %arg9[%swap3A_1884, %swap3A_1885] {strides = array<i32>} : memref<2x1024xi32, #tpu.memory_space<vmem>>, vector<16xi32>,
      tpu.vector_store %arg9[%swap3A_1884, %swap3A_1885], %gather3A {strides = array<i32>} : memref<2x1024xi32, #tpu.memory_space<vmem>>, vector<16xi32>,
    }
    %scan3A_368 = arith.constant 64 : i32
    %dma_wait3A_369 = arith.constant 0 : i32
    %dma_wait3A_370 = arith.constant 0 : i32
    %dma_wait3A_371 = arith.constant 0 : i32
    %dma_wait3A_372 = arith.constant 0 : i32
    %dma_wait3A_373 = tpu.memref_slice %arg10[%dma_wait3A_370, %dma_wait3A_371, %dma_wait3A_372] : memref<2x1024x32xf32, #tpu.memory_space<vmem>> -> memref<1x1024x32xf32, #tpu.memory_space<vmem>>
    %dma_wait3A_374 = tpu.memref_squeeze %dma_wait3A_373 : memref<1x1024x32xf32, #tpu.memory_space<vmem>> -> memref<1024x32xf32, #tpu.memory_space<vmem>>
    %dma_wait3A_375 = arith.constant 0 : i32
    %dma_wait3A_376 = tpu.memref_slice %arg9[%dma_wait3A_369, %dma_wait3A_375] : memref<2x1024xi32, #tpu.memory_space<vmem>> -> memref<1x1024xi32, #tpu.memory_space<vmem>>
    %dma_wait3A_377 = tpu.memref_squeeze %dma_wait3A_376 : memref<1x1024xi32, #tpu.memory_space<vmem>> -> memref<1024xi32, #tpu.memory_space<vmem>>
    %dma_wait3A_378 = arith.constant 0 : i32
    %dma_wait3A_379 = arith.constant 0 : i32
    %dma_wait3A_380 = tpu.memref_slice %arg5[%dma_wait3A_378, %dma_wait3A_379] : memref<1000x32xf32, #tpu.memory_space<vmem_shared>> -> memref<1000x32xf32, #tpu.memory_space<vmem_shared>>
    tpu.wait_indirect_dma semaphore(%arg11 : memref<!tpu.dma_semaphore, #tpu.memory_space<semaphore_mem>>) src(%dma_wait3A_380 : memref<1000x32xf32, #tpu.memory_space<vmem_shared>>) dst(%dma_wait3A_374 : memref<1024x32xf32, #tpu.memory_space<vmem>>)
    %add3A_381 = arith.constant 6144 : i32
    %add3A_382 = arith.addi %mul3A_2, %add3A_381 : i32
    %dma_start3A_383 = arith.constant 0 : i32
    %dma_start3A_384 = arith.constant 0 : i32
    %dma_start3A_385 = arith.constant 0 : i32
    %dma_start3A_386 = tpu.memref_slice %arg10[%dma_start3A_383, %dma_start3A_384, %dma_start3A_385] : memref<2x1024x32xf32, #tpu.memory_space<vmem>> -> memref<1x1024x32xf32, #tpu.memory_space<vmem>>
    %dma_start3A_387 = tpu.memref_squeeze %dma_start3A_386 : memref<1x1024x32xf32, #tpu.memory_space<vmem>> -> memref<1024x32xf32, #tpu.memory_space<vmem>>
    %dma_start3A_388 = arith.constant 0 : i32
    %dma_start3A_389 = tpu.memref_slice %arg4[%add3A_382, %dma_start3A_388] : memref<1048576x32xf32, #tpu.memory_space<hbm>> -> memref<1024x32xf32, #tpu.memory_space<hbm>>
    %dma_start3A_390 = arith.constant 0 : i32
    %dma_start3A_391 = tpu.memref_slice %arg4[%add3A_382, %dma_start3A_390] : memref<1048576x32xf32, #tpu.memory_space<hbm>> -> memref<1024x32xf32, #tpu.memory_space<hbm>>
    %dma_start3A_392 = arith.constant 0 : i32
    %dma_start3A_393 = arith.constant 0 : i32
    %dma_start3A_394 = tpu.memref_slice %arg10[%dma_start3A_383, %dma_start3A_392, %dma_start3A_393] : memref<2x1024x32xf32, #tpu.memory_space<vmem>> -> memref<1x1024x32xf32, #tpu.memory_space<vmem>>
    %dma_start3A_395 = tpu.memref_squeeze %dma_start3A_394 : memref<1x1024x32xf32, #tpu.memory_space<vmem>> -> memref<1024x32xf32, #tpu.memory_space<vmem>>
    tpu.enqueue_dma source(%dma_start3A_395 : memref<1024x32xf32, #tpu.memory_space<vmem>>) target(%dma_start3A_391 : memref<1024x32xf32, #tpu.memory_space<hbm>>) target_semaphore(%arg13 : memref<!tpu.dma_semaphore, #tpu.memory_space<semaphore_mem>>)
    %dma_wait3A_396 = arith.constant 1 : i32
    %dma_wait3A_397 = arith.constant 0 : i32
    %dma_wait3A_398 = arith.constant 0 : i32
    %dma_wait3A_399 = tpu.memref_slice %arg10[%dma_wait3A_396, %dma_wait3A_397, %dma_wait3A_398] : memref<2x1024x32xf32, #tpu.memory_space<vmem>> -> memref<1x1024x32xf32, #tpu.memory_space<vmem>>
    %dma_wait3A_400 = tpu.memref_squeeze %dma_wait3A_399 : memref<1x1024x32xf32, #tpu.memory_space<vmem>> -> memref<1024x32xf32, #tpu.memory_space<vmem>>
    %dma_wait3A_401 = arith.constant 0 : i32
    %dma_wait3A_402 = tpu.memref_slice %arg4[%add3A_324, %dma_wait3A_401] : memref<1048576x32xf32, #tpu.memory_space<hbm>> -> memref<1024x32xf32, #tpu.memory_space<hbm>>
    %dma_wait3A_403 = arith.constant 0 : i32
    %dma_wait3A_404 = tpu.memref_slice %arg4[%add3A_324, %dma_wait3A_403] : memref<1048576x32xf32, #tpu.memory_space<hbm>> -> memref<1024x32xf32, #tpu.memory_space<hbm>>
    %dma_wait3A_405 = arith.constant 0 : i32
    %dma_wait3A_406 = arith.constant 0 : i32
    %dma_wait3A_407 = tpu.memref_slice %arg10[%dma_wait3A_396, %dma_wait3A_405, %dma_wait3A_406] : memref<2x1024x32xf32, #tpu.memory_space<vmem>> -> memref<1x1024x32xf32, #tpu.memory_space<vmem>>
    %dma_wait3A_408 = tpu.memref_squeeze %dma_wait3A_407 : memref<1x1024x32xf32, #tpu.memory_space<vmem>> -> memref<1024x32xf32, #tpu.memory_space<vmem>>
    tpu.wait_dma2 semaphore(%arg14 : memref<!tpu.dma_semaphore, #tpu.memory_space<semaphore_mem>>) src(%dma_wait3A_408 : memref<1024x32xf32, #tpu.memory_space<vmem>>) dst(%dma_wait3A_404 : memref<1024x32xf32, #tpu.memory_space<hbm>>)
    %dma_start3A_409 = arith.constant 1 : i32
    %dma_start3A_410 = arith.constant 1 : i32
    %dma_start3A_411 = arith.constant 0 : i32
    %dma_start3A_412 = arith.constant 0 : i32
    %dma_start3A_413 = tpu.memref_slice %arg10[%dma_start3A_410, %dma_start3A_411, %dma_start3A_412] : memref<2x1024x32xf32, #tpu.memory_space<vmem>> -> memref<1x1024x32xf32, #tpu.memory_space<vmem>>
    %dma_start3A_414 = tpu.memref_squeeze %dma_start3A_413 : memref<1x1024x32xf32, #tpu.memory_space<vmem>> -> memref<1024x32xf32, #tpu.memory_space<vmem>>
    %dma_start3A_415 = arith.constant 0 : i32
    %dma_start3A_416 = tpu.memref_slice %arg9[%dma_start3A_409, %dma_start3A_415] : memref<2x1024xi32, #tpu.memory_space<vmem>> -> memref<1x1024xi32, #tpu.memory_space<vmem>>
    %dma_start3A_417 = tpu.memref_squeeze %dma_start3A_416 : memref<1x1024xi32, #tpu.memory_space<vmem>> -> memref<1024xi32, #tpu.memory_space<vmem>>
    %dma_start3A_418 = arith.constant 0 : i32
    %dma_start3A_419 = arith.constant 0 : i32
    %dma_start3A_420 = tpu.memref_slice %arg5[%dma_start3A_418, %dma_start3A_419] : memref<1000x32xf32, #tpu.memory_space<vmem_shared>> -> memref<1000x32xf32, #tpu.memory_space<vmem_shared>>
    tpu.enqueue_indirect_dma source(%dma_start3A_420 : memref<1000x32xf32, #tpu.memory_space<vmem_shared>>) target(%dma_start3A_414 : memref<1024x32xf32, #tpu.memory_space<vmem>>) offsets(%dma_start3A_417 : memref<1024xi32, #tpu.memory_space<vmem>>) semaphore(%arg12 : memref<!tpu.dma_semaphore, #tpu.memory_space<semaphore_mem>>)
    %scan3A_421 = arith.constant 0 : i32
    %scan3A_422 = arith.constant 0 : i32
    %scan3A_423 = arith.constant 64 : i32
    %scan3A_424 = arith.addi %scan3A_422, %scan3A_423 : i32
    %scan3A_425 = arith.constant 1 : i32
    scf.for %scan3A_1866 = %scan3A_422 to %scan3A_424 step %scan3A_425  : i32 {
      %mul3A_1867 = arith.constant 16 : i32
      %mul3A_1868 = arith.muli %scan3A_1866, %mul3A_1867 : i32
      %get3A = arith.index_cast %mul3A_1868 : i32 to index
      %get3A_1869 = tpu.vector_load %arg7[%get3A] {strides = array<i32>} : memref<1024xi32, #tpu.memory_space<vmem>>, vector<16xi32>,
      %add3A_1870 = arith.constant 256 : i32
      %add3A_1871 = vector.broadcast %add3A_1870 : i32 to vector<16xi32>
      %add3A_1872 = arith.addi %get3A_1869, %add3A_1871 : vector<16xi32>
      %mul3A_1873 = arith.constant 16 : i32
      %mul3A_1874 = arith.muli %scan3A_1866, %mul3A_1873 : i32
      %get3A_1875 = arith.index_cast %mul3A_1874 : i32 to index
      %get3A_1876 = tpu.vector_load %arg8[%get3A_1875] {strides = array<i32>} : memref<1024xi32, #tpu.memory_space<vmem>>, vector<16xi32>,
      %shift_right_arithmetic3A = arith.constant 9 : i32
      %shift_right_arithmetic3A_1877 = vector.broadcast %shift_right_arithmetic3A : i32 to vector<16xi32>
      %shift_right_arithmetic3A_1878 = arith.shrsi %add3A_1872, %shift_right_arithmetic3A_1877 : vector<16xi32>
      %broadcast_in_dim3A = arith.constant 0 : i32
      %broadcast_in_dim3A_1879 = vector.broadcast %broadcast_in_dim3A : i32 to vector<16xi32>
      %and3A = arith.constant 511 : i32
      %and3A_1880 = vector.broadcast %and3A : i32 to vector<16xi32>
      %and3A_1881 = arith.andi %add3A_1872, %and3A_1880 : vector<16xi32>
      %gather3A = tpu.vector_load_idx %arg6[%shift_right_arithmetic3A_1878, %get3A_1876, %broadcast_in_dim3A_1879, %and3A_1881] : memref<2x32x1x512xi32, #tpu.memory_space<vmem>>[vector<16xi32>, vector<16xi32>, vector<16xi32>, vector<16xi32>], vector<16xi32>,
      %mul3A_1882 = arith.constant 16 : i32
      %mul3A_1883 = arith.muli %scan3A_1866, %mul3A_1882 : i32
      %swap3A = arith.constant 0 : i32
      %swap3A_1884 = arith.index_cast %swap3A : i32 to index
      %swap3A_1885 = arith.index_cast %mul3A_1883 : i32 to index
      %swap3A_1886 = tpu.vector_load %arg9[%swap3A_1884, %swap3A_1885] {strides = array<i32>} : memref<2x1024xi32, #tpu.memory_space<vmem>>, vector<16xi32>,
      tpu.vector_store %arg9[%swap3A_1884, %swap3A_1885], %gather3A {strides = array<i32>} : memref<2x1024xi32, #tpu.memory_space<vmem>>, vector<16xi32>,
    }
    %scan3A_426 = arith.constant 64 : i32
    %dma_wait3A_427 = arith.constant 1 : i32
    %dma_wait3A_428 = arith.constant 1 : i32
    %dma_wait3A_429 = arith.constant 0 : i32
    %dma_wait3A_430 = arith.constant 0 : i32
    %dma_wait3A_431 = tpu.memref_slice %arg10[%dma_wait3A_428, %dma_wait3A_429, %dma_wait3A_430] : memref<2x1024x32xf32, #tpu.memory_space<vmem>> -> memref<1x1024x32xf32, #tpu.memory_space<vmem>>
    %dma_wait3A_432 = tpu.memref_squeeze %dma_wait3A_431 : memref<1x1024x32xf32, #tpu.memory_space<vmem>> -> memref<1024x32xf32, #tpu.memory_space<vmem>>
    %dma_wait3A_433 = arith.constant 0 : i32
    %dma_wait3A_434 = tpu.memref_slice %arg9[%dma_wait3A_427, %dma_wait3A_433] : memref<2x1024xi32, #tpu.memory_space<vmem>> -> memref<1x1024xi32, #tpu.memory_space<vmem>>
    %dma_wait3A_435 = tpu.memref_squeeze %dma_wait3A_434 : memref<1x1024xi32, #tpu.memory_space<vmem>> -> memref<1024xi32, #tpu.memory_space<vmem>>
    %dma_wait3A_436 = arith.constant 0 : i32
    %dma_wait3A_437 = arith.constant 0 : i32
    %dma_wait3A_438 = tpu.memref_slice %arg5[%dma_wait3A_436, %dma_wait3A_437] : memref<1000x32xf32, #tpu.memory_space<vmem_shared>> -> memref<1000x32xf32, #tpu.memory_space<vmem_shared>>
    tpu.wait_indirect_dma semaphore(%arg12 : memref<!tpu.dma_semaphore, #tpu.memory_space<semaphore_mem>>) src(%dma_wait3A_438 : memref<1000x32xf32, #tpu.memory_space<vmem_shared>>) dst(%dma_wait3A_432 : memref<1024x32xf32, #tpu.memory_space<vmem>>)
    %add3A_439 = arith.constant 7168 : i32
    %add3A_440 = arith.addi %mul3A_2, %add3A_439 : i32
    %dma_start3A_441 = arith.constant 1 : i32
    %dma_start3A_442 = arith.constant 0 : i32
    %dma_start3A_443 = arith.constant 0 : i32
    %dma_start3A_444 = tpu.memref_slice %arg10[%dma_start3A_441, %dma_start3A_442, %dma_start3A_443] : memref<2x1024x32xf32, #tpu.memory_space<vmem>> -> memref<1x1024x32xf32, #tpu.memory_space<vmem>>
    %dma_start3A_445 = tpu.memref_squeeze %dma_start3A_444 : memref<1x1024x32xf32, #tpu.memory_space<vmem>> -> memref<1024x32xf32, #tpu.memory_space<vmem>>
    %dma_start3A_446 = arith.constant 0 : i32
    %dma_start3A_447 = tpu.memref_slice %arg4[%add3A_440, %dma_start3A_446] : memref<1048576x32xf32, #tpu.memory_space<hbm>> -> memref<1024x32xf32, #tpu.memory_space<hbm>>
    %dma_start3A_448 = arith.constant 0 : i32
    %dma_start3A_449 = tpu.memref_slice %arg4[%add3A_440, %dma_start3A_448] : memref<1048576x32xf32, #tpu.memory_space<hbm>> -> memref<1024x32xf32, #tpu.memory_space<hbm>>
    %dma_start3A_450 = arith.constant 0 : i32
    %dma_start3A_451 = arith.constant 0 : i32
    %dma_start3A_452 = tpu.memref_slice %arg10[%dma_start3A_441, %dma_start3A_450, %dma_start3A_451] : memref<2x1024x32xf32, #tpu.memory_space<vmem>> -> memref<1x1024x32xf32, #tpu.memory_space<vmem>>
    %dma_start3A_453 = tpu.memref_squeeze %dma_start3A_452 : memref<1x1024x32xf32, #tpu.memory_space<vmem>> -> memref<1024x32xf32, #tpu.memory_space<vmem>>
    tpu.enqueue_dma source(%dma_start3A_453 : memref<1024x32xf32, #tpu.memory_space<vmem>>) target(%dma_start3A_449 : memref<1024x32xf32, #tpu.memory_space<hbm>>) target_semaphore(%arg14 : memref<!tpu.dma_semaphore, #tpu.memory_space<semaphore_mem>>)
    %dma_wait3A_454 = arith.constant 0 : i32
    %dma_wait3A_455 = arith.constant 0 : i32
    %dma_wait3A_456 = arith.constant 0 : i32
    %dma_wait3A_457 = tpu.memref_slice %arg10[%dma_wait3A_454, %dma_wait3A_455, %dma_wait3A_456] : memref<2x1024x32xf32, #tpu.memory_space<vmem>> -> memref<1x1024x32xf32, #tpu.memory_space<vmem>>
    %dma_wait3A_458 = tpu.memref_squeeze %dma_wait3A_457 : memref<1x1024x32xf32, #tpu.memory_space<vmem>> -> memref<1024x32xf32, #tpu.memory_space<vmem>>
    %dma_wait3A_459 = arith.constant 0 : i32
    %dma_wait3A_460 = tpu.memref_slice %arg4[%add3A_382, %dma_wait3A_459] : memref<1048576x32xf32, #tpu.memory_space<hbm>> -> memref<1024x32xf32, #tpu.memory_space<hbm>>
    %dma_wait3A_461 = arith.constant 0 : i32
    %dma_wait3A_462 = tpu.memref_slice %arg4[%add3A_382, %dma_wait3A_461] : memref<1048576x32xf32, #tpu.memory_space<hbm>> -> memref<1024x32xf32, #tpu.memory_space<hbm>>
    %dma_wait3A_463 = arith.constant 0 : i32
    %dma_wait3A_464 = arith.constant 0 : i32
    %dma_wait3A_465 = tpu.memref_slice %arg10[%dma_wait3A_454, %dma_wait3A_463, %dma_wait3A_464] : memref<2x1024x32xf32, #tpu.memory_space<vmem>> -> memref<1x1024x32xf32, #tpu.memory_space<vmem>>
    %dma_wait3A_466 = tpu.memref_squeeze %dma_wait3A_465 : memref<1x1024x32xf32, #tpu.memory_space<vmem>> -> memref<1024x32xf32, #tpu.memory_space<vmem>>
    tpu.wait_dma2 semaphore(%arg13 : memref<!tpu.dma_semaphore, #tpu.memory_space<semaphore_mem>>) src(%dma_wait3A_466 : memref<1024x32xf32, #tpu.memory_space<vmem>>) dst(%dma_wait3A_462 : memref<1024x32xf32, #tpu.memory_space<hbm>>)
    %dma_start3A_467 = arith.constant 0 : i32
    %dma_start3A_468 = arith.constant 0 : i32
    %dma_start3A_469 = arith.constant 0 : i32
    %dma_start3A_470 = arith.constant 0 : i32
    %dma_start3A_471 = tpu.memref_slice %arg10[%dma_start3A_468, %dma_start3A_469, %dma_start3A_470] : memref<2x1024x32xf32, #tpu.memory_space<vmem>> -> memref<1x1024x32xf32, #tpu.memory_space<vmem>>
    %dma_start3A_472 = tpu.memref_squeeze %dma_start3A_471 : memref<1x1024x32xf32, #tpu.memory_space<vmem>> -> memref<1024x32xf32, #tpu.memory_space<vmem>>
    %dma_start3A_473 = arith.constant 0 : i32
    %dma_start3A_474 = tpu.memref_slice %arg9[%dma_start3A_467, %dma_start3A_473] : memref<2x1024xi32, #tpu.memory_space<vmem>> -> memref<1x1024xi32, #tpu.memory_space<vmem>>
    %dma_start3A_475 = tpu.memref_squeeze %dma_start3A_474 : memref<1x1024xi32, #tpu.memory_space<vmem>> -> memref<1024xi32, #tpu.memory_space<vmem>>
    %dma_start3A_476 = arith.constant 0 : i32
    %dma_start3A_477 = arith.constant 0 : i32
    %dma_start3A_478 = tpu.memref_slice %arg5[%dma_start3A_476, %dma_start3A_477] : memref<1000x32xf32, #tpu.memory_space<vmem_shared>> -> memref<1000x32xf32, #tpu.memory_space<vmem_shared>>
    tpu.enqueue_indirect_dma source(%dma_start3A_478 : memref<1000x32xf32, #tpu.memory_space<vmem_shared>>) target(%dma_start3A_472 : memref<1024x32xf32, #tpu.memory_space<vmem>>) offsets(%dma_start3A_475 : memref<1024xi32, #tpu.memory_space<vmem>>) semaphore(%arg11 : memref<!tpu.dma_semaphore, #tpu.memory_space<semaphore_mem>>)
    %scan3A_479 = arith.constant 0 : i32
    %scan3A_480 = arith.constant 0 : i32
    %scan3A_481 = arith.constant 64 : i32
    %scan3A_482 = arith.addi %scan3A_480, %scan3A_481 : i32
    %scan3A_483 = arith.constant 1 : i32
    scf.for %scan3A_1866 = %scan3A_480 to %scan3A_482 step %scan3A_483  : i32 {
      %mul3A_1867 = arith.constant 16 : i32
      %mul3A_1868 = arith.muli %scan3A_1866, %mul3A_1867 : i32
      %get3A = arith.index_cast %mul3A_1868 : i32 to index
      %get3A_1869 = tpu.vector_load %arg7[%get3A] {strides = array<i32>} : memref<1024xi32, #tpu.memory_space<vmem>>, vector<16xi32>,
      %add3A_1870 = arith.constant 288 : i32
      %add3A_1871 = vector.broadcast %add3A_1870 : i32 to vector<16xi32>
      %add3A_1872 = arith.addi %get3A_1869, %add3A_1871 : vector<16xi32>
      %mul3A_1873 = arith.constant 16 : i32
      %mul3A_1874 = arith.muli %scan3A_1866, %mul3A_1873 : i32
      %get3A_1875 = arith.index_cast %mul3A_1874 : i32 to index
      %get3A_1876 = tpu.vector_load %arg8[%get3A_1875] {strides = array<i32>} : memref<1024xi32, #tpu.memory_space<vmem>>, vector<16xi32>,
      %shift_right_arithmetic3A = arith.constant 9 : i32
      %shift_right_arithmetic3A_1877 = vector.broadcast %shift_right_arithmetic3A : i32 to vector<16xi32>
      %shift_right_arithmetic3A_1878 = arith.shrsi %add3A_1872, %shift_right_arithmetic3A_1877 : vector<16xi32>
      %broadcast_in_dim3A = arith.constant 0 : i32
      %broadcast_in_dim3A_1879 = vector.broadcast %broadcast_in_dim3A : i32 to vector<16xi32>
      %and3A = arith.constant 511 : i32
      %and3A_1880 = vector.broadcast %and3A : i32 to vector<16xi32>
      %and3A_1881 = arith.andi %add3A_1872, %and3A_1880 : vector<16xi32>
      %gather3A = tpu.vector_load_idx %arg6[%shift_right_arithmetic3A_1878, %get3A_1876, %broadcast_in_dim3A_1879, %and3A_1881] : memref<2x32x1x512xi32, #tpu.memory_space<vmem>>[vector<16xi32>, vector<16xi32>, vector<16xi32>, vector<16xi32>], vector<16xi32>,
      %mul3A_1882 = arith.constant 16 : i32
      %mul3A_1883 = arith.muli %scan3A_1866, %mul3A_1882 : i32
      %swap3A = arith.constant 1 : i32
      %swap3A_1884 = arith.index_cast %swap3A : i32 to index
      %swap3A_1885 = arith.index_cast %mul3A_1883 : i32 to index
      %swap3A_1886 = tpu.vector_load %arg9[%swap3A_1884, %swap3A_1885] {strides = array<i32>} : memref<2x1024xi32, #tpu.memory_space<vmem>>, vector<16xi32>,
      tpu.vector_store %arg9[%swap3A_1884, %swap3A_1885], %gather3A {strides = array<i32>} : memref<2x1024xi32, #tpu.memory_space<vmem>>, vector<16xi32>,
    }
    %scan3A_484 = arith.constant 64 : i32
    %dma_wait3A_485 = arith.constant 0 : i32
    %dma_wait3A_486 = arith.constant 0 : i32
    %dma_wait3A_487 = arith.constant 0 : i32
    %dma_wait3A_488 = arith.constant 0 : i32
    %dma_wait3A_489 = tpu.memref_slice %arg10[%dma_wait3A_486, %dma_wait3A_487, %dma_wait3A_488] : memref<2x1024x32xf32, #tpu.memory_space<vmem>> -> memref<1x1024x32xf32, #tpu.memory_space<vmem>>
    %dma_wait3A_490 = tpu.memref_squeeze %dma_wait3A_489 : memref<1x1024x32xf32, #tpu.memory_space<vmem>> -> memref<1024x32xf32, #tpu.memory_space<vmem>>
    %dma_wait3A_491 = arith.constant 0 : i32
    %dma_wait3A_492 = tpu.memref_slice %arg9[%dma_wait3A_485, %dma_wait3A_491] : memref<2x1024xi32, #tpu.memory_space<vmem>> -> memref<1x1024xi32, #tpu.memory_space<vmem>>
    %dma_wait3A_493 = tpu.memref_squeeze %dma_wait3A_492 : memref<1x1024xi32, #tpu.memory_space<vmem>> -> memref<1024xi32, #tpu.memory_space<vmem>>
    %dma_wait3A_494 = arith.constant 0 : i32
    %dma_wait3A_495 = arith.constant 0 : i32
    %dma_wait3A_496 = tpu.memref_slice %arg5[%dma_wait3A_494, %dma_wait3A_495] : memref<1000x32xf32, #tpu.memory_space<vmem_shared>> -> memref<1000x32xf32, #tpu.memory_space<vmem_shared>>
    tpu.wait_indirect_dma semaphore(%arg11 : memref<!tpu.dma_semaphore, #tpu.memory_space<semaphore_mem>>) src(%dma_wait3A_496 : memref<1000x32xf32, #tpu.memory_space<vmem_shared>>) dst(%dma_wait3A_490 : memref<1024x32xf32, #tpu.memory_space<vmem>>)
    %add3A_497 = arith.constant 8192 : i32
    %add3A_498 = arith.addi %mul3A_2, %add3A_497 : i32
    %dma_start3A_499 = arith.constant 0 : i32
    %dma_start3A_500 = arith.constant 0 : i32
    %dma_start3A_501 = arith.constant 0 : i32
    %dma_start3A_502 = tpu.memref_slice %arg10[%dma_start3A_499, %dma_start3A_500, %dma_start3A_501] : memref<2x1024x32xf32, #tpu.memory_space<vmem>> -> memref<1x1024x32xf32, #tpu.memory_space<vmem>>
    %dma_start3A_503 = tpu.memref_squeeze %dma_start3A_502 : memref<1x1024x32xf32, #tpu.memory_space<vmem>> -> memref<1024x32xf32, #tpu.memory_space<vmem>>
    %dma_start3A_504 = arith.constant 0 : i32
    %dma_start3A_505 = tpu.memref_slice %arg4[%add3A_498, %dma_start3A_504] : memref<1048576x32xf32, #tpu.memory_space<hbm>> -> memref<1024x32xf32, #tpu.memory_space<hbm>>
    %dma_start3A_506 = arith.constant 0 : i32
    %dma_start3A_507 = tpu.memref_slice %arg4[%add3A_498, %dma_start3A_506] : memref<1048576x32xf32, #tpu.memory_space<hbm>> -> memref<1024x32xf32, #tpu.memory_space<hbm>>
    %dma_start3A_508 = arith.constant 0 : i32
    %dma_start3A_509 = arith.constant 0 : i32
    %dma_start3A_510 = tpu.memref_slice %arg10[%dma_start3A_499, %dma_start3A_508, %dma_start3A_509] : memref<2x1024x32xf32, #tpu.memory_space<vmem>> -> memref<1x1024x32xf32, #tpu.memory_space<vmem>>
    %dma_start3A_511 = tpu.memref_squeeze %dma_start3A_510 : memref<1x1024x32xf32, #tpu.memory_space<vmem>> -> memref<1024x32xf32, #tpu.memory_space<vmem>>
    tpu.enqueue_dma source(%dma_start3A_511 : memref<1024x32xf32, #tpu.memory_space<vmem>>) target(%dma_start3A_507 : memref<1024x32xf32, #tpu.memory_space<hbm>>) target_semaphore(%arg13 : memref<!tpu.dma_semaphore, #tpu.memory_space<semaphore_mem>>)
    %dma_wait3A_512 = arith.constant 1 : i32
    %dma_wait3A_513 = arith.constant 0 : i32
    %dma_wait3A_514 = arith.constant 0 : i32
    %dma_wait3A_515 = tpu.memref_slice %arg10[%dma_wait3A_512, %dma_wait3A_513, %dma_wait3A_514] : memref<2x1024x32xf32, #tpu.memory_space<vmem>> -> memref<1x1024x32xf32, #tpu.memory_space<vmem>>
    %dma_wait3A_516 = tpu.memref_squeeze %dma_wait3A_515 : memref<1x1024x32xf32, #tpu.memory_space<vmem>> -> memref<1024x32xf32, #tpu.memory_space<vmem>>
    %dma_wait3A_517 = arith.constant 0 : i32
    %dma_wait3A_518 = tpu.memref_slice %arg4[%add3A_440, %dma_wait3A_517] : memref<1048576x32xf32, #tpu.memory_space<hbm>> -> memref<1024x32xf32, #tpu.memory_space<hbm>>
    %dma_wait3A_519 = arith.constant 0 : i32
    %dma_wait3A_520 = tpu.memref_slice %arg4[%add3A_440, %dma_wait3A_519] : memref<1048576x32xf32, #tpu.memory_space<hbm>> -> memref<1024x32xf32, #tpu.memory_space<hbm>>
    %dma_wait3A_521 = arith.constant 0 : i32
    %dma_wait3A_522 = arith.constant 0 : i32
    %dma_wait3A_523 = tpu.memref_slice %arg10[%dma_wait3A_512, %dma_wait3A_521, %dma_wait3A_522] : memref<2x1024x32xf32, #tpu.memory_space<vmem>> -> memref<1x1024x32xf32, #tpu.memory_space<vmem>>
    %dma_wait3A_524 = tpu.memref_squeeze %dma_wait3A_523 : memref<1x1024x32xf32, #tpu.memory_space<vmem>> -> memref<1024x32xf32, #tpu.memory_space<vmem>>
    tpu.wait_dma2 semaphore(%arg14 : memref<!tpu.dma_semaphore, #tpu.memory_space<semaphore_mem>>) src(%dma_wait3A_524 : memref<1024x32xf32, #tpu.memory_space<vmem>>) dst(%dma_wait3A_520 : memref<1024x32xf32, #tpu.memory_space<hbm>>)
    %dma_start3A_525 = arith.constant 1 : i32
    %dma_start3A_526 = arith.constant 1 : i32
    %dma_start3A_527 = arith.constant 0 : i32
    %dma_start3A_528 = arith.constant 0 : i32
    %dma_start3A_529 = tpu.memref_slice %arg10[%dma_start3A_526, %dma_start3A_527, %dma_start3A_528] : memref<2x1024x32xf32, #tpu.memory_space<vmem>> -> memref<1x1024x32xf32, #tpu.memory_space<vmem>>
    %dma_start3A_530 = tpu.memref_squeeze %dma_start3A_529 : memref<1x1024x32xf32, #tpu.memory_space<vmem>> -> memref<1024x32xf32, #tpu.memory_space<vmem>>
    %dma_start3A_531 = arith.constant 0 : i32
    %dma_start3A_532 = tpu.memref_slice %arg9[%dma_start3A_525, %dma_start3A_531] : memref<2x1024xi32, #tpu.memory_space<vmem>> -> memref<1x1024xi32, #tpu.memory_space<vmem>>
    %dma_start3A_533 = tpu.memref_squeeze %dma_start3A_532 : memref<1x1024xi32, #tpu.memory_space<vmem>> -> memref<1024xi32, #tpu.memory_space<vmem>>
    %dma_start3A_534 = arith.constant 0 : i32
    %dma_start3A_535 = arith.constant 0 : i32
    %dma_start3A_536 = tpu.memref_slice %arg5[%dma_start3A_534, %dma_start3A_535] : memref<1000x32xf32, #tpu.memory_space<vmem_shared>> -> memref<1000x32xf32, #tpu.memory_space<vmem_shared>>
    tpu.enqueue_indirect_dma source(%dma_start3A_536 : memref<1000x32xf32, #tpu.memory_space<vmem_shared>>) target(%dma_start3A_530 : memref<1024x32xf32, #tpu.memory_space<vmem>>) offsets(%dma_start3A_533 : memref<1024xi32, #tpu.memory_space<vmem>>) semaphore(%arg12 : memref<!tpu.dma_semaphore, #tpu.memory_space<semaphore_mem>>)
    %scan3A_537 = arith.constant 0 : i32
    %scan3A_538 = arith.constant 0 : i32
    %scan3A_539 = arith.constant 64 : i32
    %scan3A_540 = arith.addi %scan3A_538, %scan3A_539 : i32
    %scan3A_541 = arith.constant 1 : i32
    scf.for %scan3A_1866 = %scan3A_538 to %scan3A_540 step %scan3A_541  : i32 {
      %mul3A_1867 = arith.constant 16 : i32
      %mul3A_1868 = arith.muli %scan3A_1866, %mul3A_1867 : i32
      %get3A = arith.index_cast %mul3A_1868 : i32 to index
      %get3A_1869 = tpu.vector_load %arg7[%get3A] {strides = array<i32>} : memref<1024xi32, #tpu.memory_space<vmem>>, vector<16xi32>,
      %add3A_1870 = arith.constant 320 : i32
      %add3A_1871 = vector.broadcast %add3A_1870 : i32 to vector<16xi32>
      %add3A_1872 = arith.addi %get3A_1869, %add3A_1871 : vector<16xi32>
      %mul3A_1873 = arith.constant 16 : i32
      %mul3A_1874 = arith.muli %scan3A_1866, %mul3A_1873 : i32
      %get3A_1875 = arith.index_cast %mul3A_1874 : i32 to index
      %get3A_1876 = tpu.vector_load %arg8[%get3A_1875] {strides = array<i32>} : memref<1024xi32, #tpu.memory_space<vmem>>, vector<16xi32>,
      %shift_right_arithmetic3A = arith.constant 9 : i32
      %shift_right_arithmetic3A_1877 = vector.broadcast %shift_right_arithmetic3A : i32 to vector<16xi32>
      %shift_right_arithmetic3A_1878 = arith.shrsi %add3A_1872, %shift_right_arithmetic3A_1877 : vector<16xi32>
      %broadcast_in_dim3A = arith.constant 0 : i32
      %broadcast_in_dim3A_1879 = vector.broadcast %broadcast_in_dim3A : i32 to vector<16xi32>
      %and3A = arith.constant 511 : i32
      %and3A_1880 = vector.broadcast %and3A : i32 to vector<16xi32>
      %and3A_1881 = arith.andi %add3A_1872, %and3A_1880 : vector<16xi32>
      %gather3A = tpu.vector_load_idx %arg6[%shift_right_arithmetic3A_1878, %get3A_1876, %broadcast_in_dim3A_1879, %and3A_1881] : memref<2x32x1x512xi32, #tpu.memory_space<vmem>>[vector<16xi32>, vector<16xi32>, vector<16xi32>, vector<16xi32>], vector<16xi32>,
      %mul3A_1882 = arith.constant 16 : i32
      %mul3A_1883 = arith.muli %scan3A_1866, %mul3A_1882 : i32
      %swap3A = arith.constant 0 : i32
      %swap3A_1884 = arith.index_cast %swap3A : i32 to index
      %swap3A_1885 = arith.index_cast %mul3A_1883 : i32 to index
      %swap3A_1886 = tpu.vector_load %arg9[%swap3A_1884, %swap3A_1885] {strides = array<i32>} : memref<2x1024xi32, #tpu.memory_space<vmem>>, vector<16xi32>,
      tpu.vector_store %arg9[%swap3A_1884, %swap3A_1885], %gather3A {strides = array<i32>} : memref<2x1024xi32, #tpu.memory_space<vmem>>, vector<16xi32>,
    }
    %scan3A_542 = arith.constant 64 : i32
    %dma_wait3A_543 = arith.constant 1 : i32
    %dma_wait3A_544 = arith.constant 1 : i32
    %dma_wait3A_545 = arith.constant 0 : i32
    %dma_wait3A_546 = arith.constant 0 : i32
    %dma_wait3A_547 = tpu.memref_slice %arg10[%dma_wait3A_544, %dma_wait3A_545, %dma_wait3A_546] : memref<2x1024x32xf32, #tpu.memory_space<vmem>> -> memref<1x1024x32xf32, #tpu.memory_space<vmem>>
    %dma_wait3A_548 = tpu.memref_squeeze %dma_wait3A_547 : memref<1x1024x32xf32, #tpu.memory_space<vmem>> -> memref<1024x32xf32, #tpu.memory_space<vmem>>
    %dma_wait3A_549 = arith.constant 0 : i32
    %dma_wait3A_550 = tpu.memref_slice %arg9[%dma_wait3A_543, %dma_wait3A_549] : memref<2x1024xi32, #tpu.memory_space<vmem>> -> memref<1x1024xi32, #tpu.memory_space<vmem>>
    %dma_wait3A_551 = tpu.memref_squeeze %dma_wait3A_550 : memref<1x1024xi32, #tpu.memory_space<vmem>> -> memref<1024xi32, #tpu.memory_space<vmem>>
    %dma_wait3A_552 = arith.constant 0 : i32
    %dma_wait3A_553 = arith.constant 0 : i32
    %dma_wait3A_554 = tpu.memref_slice %arg5[%dma_wait3A_552, %dma_wait3A_553] : memref<1000x32xf32, #tpu.memory_space<vmem_shared>> -> memref<1000x32xf32, #tpu.memory_space<vmem_shared>>
    tpu.wait_indirect_dma semaphore(%arg12 : memref<!tpu.dma_semaphore, #tpu.memory_space<semaphore_mem>>) src(%dma_wait3A_554 : memref<1000x32xf32, #tpu.memory_space<vmem_shared>>) dst(%dma_wait3A_548 : memref<1024x32xf32, #tpu.memory_space<vmem>>)
    %add3A_555 = arith.constant 9216 : i32
    %add3A_556 = arith.addi %mul3A_2, %add3A_555 : i32
    %dma_start3A_557 = arith.constant 1 : i32
    %dma_start3A_558 = arith.constant 0 : i32
    %dma_start3A_559 = arith.constant 0 : i32
    %dma_start3A_560 = tpu.memref_slice %arg10[%dma_start3A_557, %dma_start3A_558, %dma_start3A_559] : memref<2x1024x32xf32, #tpu.memory_space<vmem>> -> memref<1x1024x32xf32, #tpu.memory_space<vmem>>
    %dma_start3A_561 = tpu.memref_squeeze %dma_start3A_560 : memref<1x1024x32xf32, #tpu.memory_space<vmem>> -> memref<1024x32xf32, #tpu.memory_space<vmem>>
    %dma_start3A_562 = arith.constant 0 : i32
    %dma_start3A_563 = tpu.memref_slice %arg4[%add3A_556, %dma_start3A_562] : memref<1048576x32xf32, #tpu.memory_space<hbm>> -> memref<1024x32xf32, #tpu.memory_space<hbm>>
    %dma_start3A_564 = arith.constant 0 : i32
    %dma_start3A_565 = tpu.memref_slice %arg4[%add3A_556, %dma_start3A_564] : memref<1048576x32xf32, #tpu.memory_space<hbm>> -> memref<1024x32xf32, #tpu.memory_space<hbm>>
    %dma_start3A_566 = arith.constant 0 : i32
    %dma_start3A_567 = arith.constant 0 : i32
    %dma_start3A_568 = tpu.memref_slice %arg10[%dma_start3A_557, %dma_start3A_566, %dma_start3A_567] : memref<2x1024x32xf32, #tpu.memory_space<vmem>> -> memref<1x1024x32xf32, #tpu.memory_space<vmem>>
    %dma_start3A_569 = tpu.memref_squeeze %dma_start3A_568 : memref<1x1024x32xf32, #tpu.memory_space<vmem>> -> memref<1024x32xf32, #tpu.memory_space<vmem>>
    tpu.enqueue_dma source(%dma_start3A_569 : memref<1024x32xf32, #tpu.memory_space<vmem>>) target(%dma_start3A_565 : memref<1024x32xf32, #tpu.memory_space<hbm>>) target_semaphore(%arg14 : memref<!tpu.dma_semaphore, #tpu.memory_space<semaphore_mem>>)
    %dma_wait3A_570 = arith.constant 0 : i32
    %dma_wait3A_571 = arith.constant 0 : i32
    %dma_wait3A_572 = arith.constant 0 : i32
    %dma_wait3A_573 = tpu.memref_slice %arg10[%dma_wait3A_570, %dma_wait3A_571, %dma_wait3A_572] : memref<2x1024x32xf32, #tpu.memory_space<vmem>> -> memref<1x1024x32xf32, #tpu.memory_space<vmem>>
    %dma_wait3A_574 = tpu.memref_squeeze %dma_wait3A_573 : memref<1x1024x32xf32, #tpu.memory_space<vmem>> -> memref<1024x32xf32, #tpu.memory_space<vmem>>
    %dma_wait3A_575 = arith.constant 0 : i32
    %dma_wait3A_576 = tpu.memref_slice %arg4[%add3A_498, %dma_wait3A_575] : memref<1048576x32xf32, #tpu.memory_space<hbm>> -> memref<1024x32xf32, #tpu.memory_space<hbm>>
    %dma_wait3A_577 = arith.constant 0 : i32
    %dma_wait3A_578 = tpu.memref_slice %arg4[%add3A_498, %dma_wait3A_577] : memref<1048576x32xf32, #tpu.memory_space<hbm>> -> memref<1024x32xf32, #tpu.memory_space<hbm>>
    %dma_wait3A_579 = arith.constant 0 : i32
    %dma_wait3A_580 = arith.constant 0 : i32
    %dma_wait3A_581 = tpu.memref_slice %arg10[%dma_wait3A_570, %dma_wait3A_579, %dma_wait3A_580] : memref<2x1024x32xf32, #tpu.memory_space<vmem>> -> memref<1x1024x32xf32, #tpu.memory_space<vmem>>
    %dma_wait3A_582 = tpu.memref_squeeze %dma_wait3A_581 : memref<1x1024x32xf32, #tpu.memory_space<vmem>> -> memref<1024x32xf32, #tpu.memory_space<vmem>>
    tpu.wait_dma2 semaphore(%arg13 : memref<!tpu.dma_semaphore, #tpu.memory_space<semaphore_mem>>) src(%dma_wait3A_582 : memref<1024x32xf32, #tpu.memory_space<vmem>>) dst(%dma_wait3A_578 : memref<1024x32xf32, #tpu.memory_space<hbm>>)
    %dma_start3A_583 = arith.constant 0 : i32
    %dma_start3A_584 = arith.constant 0 : i32
    %dma_start3A_585 = arith.constant 0 : i32
    %dma_start3A_586 = arith.constant 0 : i32
    %dma_start3A_587 = tpu.memref_slice %arg10[%dma_start3A_584, %dma_start3A_585, %dma_start3A_586] : memref<2x1024x32xf32, #tpu.memory_space<vmem>> -> memref<1x1024x32xf32, #tpu.memory_space<vmem>>
    %dma_start3A_588 = tpu.memref_squeeze %dma_start3A_587 : memref<1x1024x32xf32, #tpu.memory_space<vmem>> -> memref<1024x32xf32, #tpu.memory_space<vmem>>
    %dma_start3A_589 = arith.constant 0 : i32
    %dma_start3A_590 = tpu.memref_slice %arg9[%dma_start3A_583, %dma_start3A_589] : memref<2x1024xi32, #tpu.memory_space<vmem>> -> memref<1x1024xi32, #tpu.memory_space<vmem>>
    %dma_start3A_591 = tpu.memref_squeeze %dma_start3A_590 : memref<1x1024xi32, #tpu.memory_space<vmem>> -> memref<1024xi32, #tpu.memory_space<vmem>>
    %dma_start3A_592 = arith.constant 0 : i32
    %dma_start3A_593 = arith.constant 0 : i32
    %dma_start3A_594 = tpu.memref_slice %arg5[%dma_start3A_592, %dma_start3A_593] : memref<1000x32xf32, #tpu.memory_space<vmem_shared>> -> memref<1000x32xf32, #tpu.memory_space<vmem_shared>>
    tpu.enqueue_indirect_dma source(%dma_start3A_594 : memref<1000x32xf32, #tpu.memory_space<vmem_shared>>) target(%dma_start3A_588 : memref<1024x32xf32, #tpu.memory_space<vmem>>) offsets(%dma_start3A_591 : memref<1024xi32, #tpu.memory_space<vmem>>) semaphore(%arg11 : memref<!tpu.dma_semaphore, #tpu.memory_space<semaphore_mem>>)
    %scan3A_595 = arith.constant 0 : i32
    %scan3A_596 = arith.constant 0 : i32
    %scan3A_597 = arith.constant 64 : i32
    %scan3A_598 = arith.addi %scan3A_596, %scan3A_597 : i32
    %scan3A_599 = arith.constant 1 : i32
    scf.for %scan3A_1866 = %scan3A_596 to %scan3A_598 step %scan3A_599  : i32 {
      %mul3A_1867 = arith.constant 16 : i32
      %mul3A_1868 = arith.muli %scan3A_1866, %mul3A_1867 : i32
      %get3A = arith.index_cast %mul3A_1868 : i32 to index
      %get3A_1869 = tpu.vector_load %arg7[%get3A] {strides = array<i32>} : memref<1024xi32, #tpu.memory_space<vmem>>, vector<16xi32>,
      %add3A_1870 = arith.constant 352 : i32
      %add3A_1871 = vector.broadcast %add3A_1870 : i32 to vector<16xi32>
      %add3A_1872 = arith.addi %get3A_1869, %add3A_1871 : vector<16xi32>
      %mul3A_1873 = arith.constant 16 : i32
      %mul3A_1874 = arith.muli %scan3A_1866, %mul3A_1873 : i32
      %get3A_1875 = arith.index_cast %mul3A_1874 : i32 to index
      %get3A_1876 = tpu.vector_load %arg8[%get3A_1875] {strides = array<i32>} : memref<1024xi32, #tpu.memory_space<vmem>>, vector<16xi32>,
      %shift_right_arithmetic3A = arith.constant 9 : i32
      %shift_right_arithmetic3A_1877 = vector.broadcast %shift_right_arithmetic3A : i32 to vector<16xi32>
      %shift_right_arithmetic3A_1878 = arith.shrsi %add3A_1872, %shift_right_arithmetic3A_1877 : vector<16xi32>
      %broadcast_in_dim3A = arith.constant 0 : i32
      %broadcast_in_dim3A_1879 = vector.broadcast %broadcast_in_dim3A : i32 to vector<16xi32>
      %and3A = arith.constant 511 : i32
      %and3A_1880 = vector.broadcast %and3A : i32 to vector<16xi32>
      %and3A_1881 = arith.andi %add3A_1872, %and3A_1880 : vector<16xi32>
      %gather3A = tpu.vector_load_idx %arg6[%shift_right_arithmetic3A_1878, %get3A_1876, %broadcast_in_dim3A_1879, %and3A_1881] : memref<2x32x1x512xi32, #tpu.memory_space<vmem>>[vector<16xi32>, vector<16xi32>, vector<16xi32>, vector<16xi32>], vector<16xi32>,
      %mul3A_1882 = arith.constant 16 : i32
      %mul3A_1883 = arith.muli %scan3A_1866, %mul3A_1882 : i32
      %swap3A = arith.constant 1 : i32
      %swap3A_1884 = arith.index_cast %swap3A : i32 to index
      %swap3A_1885 = arith.index_cast %mul3A_1883 : i32 to index
      %swap3A_1886 = tpu.vector_load %arg9[%swap3A_1884, %swap3A_1885] {strides = array<i32>} : memref<2x1024xi32, #tpu.memory_space<vmem>>, vector<16xi32>,
      tpu.vector_store %arg9[%swap3A_1884, %swap3A_1885], %gather3A {strides = array<i32>} : memref<2x1024xi32, #tpu.memory_space<vmem>>, vector<16xi32>,
    }
    %scan3A_600 = arith.constant 64 : i32
    %dma_wait3A_601 = arith.constant 0 : i32
    %dma_wait3A_602 = arith.constant 0 : i32
    %dma_wait3A_603 = arith.constant 0 : i32
    %dma_wait3A_604 = arith.constant 0 : i32
    %dma_wait3A_605 = tpu.memref_slice %arg10[%dma_wait3A_602, %dma_wait3A_603, %dma_wait3A_604] : memref<2x1024x32xf32, #tpu.memory_space<vmem>> -> memref<1x1024x32xf32, #tpu.memory_space<vmem>>
    %dma_wait3A_606 = tpu.memref_squeeze %dma_wait3A_605 : memref<1x1024x32xf32, #tpu.memory_space<vmem>> -> memref<1024x32xf32, #tpu.memory_space<vmem>>
    %dma_wait3A_607 = arith.constant 0 : i32
    %dma_wait3A_608 = tpu.memref_slice %arg9[%dma_wait3A_601, %dma_wait3A_607] : memref<2x1024xi32, #tpu.memory_space<vmem>> -> memref<1x1024xi32, #tpu.memory_space<vmem>>
    %dma_wait3A_609 = tpu.memref_squeeze %dma_wait3A_608 : memref<1x1024xi32, #tpu.memory_space<vmem>> -> memref<1024xi32, #tpu.memory_space<vmem>>
    %dma_wait3A_610 = arith.constant 0 : i32
    %dma_wait3A_611 = arith.constant 0 : i32
    %dma_wait3A_612 = tpu.memref_slice %arg5[%dma_wait3A_610, %dma_wait3A_611] : memref<1000x32xf32, #tpu.memory_space<vmem_shared>> -> memref<1000x32xf32, #tpu.memory_space<vmem_shared>>
    tpu.wait_indirect_dma semaphore(%arg11 : memref<!tpu.dma_semaphore, #tpu.memory_space<semaphore_mem>>) src(%dma_wait3A_612 : memref<1000x32xf32, #tpu.memory_space<vmem_shared>>) dst(%dma_wait3A_606 : memref<1024x32xf32, #tpu.memory_space<vmem>>)
    %add3A_613 = arith.constant 10240 : i32
    %add3A_614 = arith.addi %mul3A_2, %add3A_613 : i32
    %dma_start3A_615 = arith.constant 0 : i32
    %dma_start3A_616 = arith.constant 0 : i32
    %dma_start3A_617 = arith.constant 0 : i32
    %dma_start3A_618 = tpu.memref_slice %arg10[%dma_start3A_615, %dma_start3A_616, %dma_start3A_617] : memref<2x1024x32xf32, #tpu.memory_space<vmem>> -> memref<1x1024x32xf32, #tpu.memory_space<vmem>>
    %dma_start3A_619 = tpu.memref_squeeze %dma_start3A_618 : memref<1x1024x32xf32, #tpu.memory_space<vmem>> -> memref<1024x32xf32, #tpu.memory_space<vmem>>
    %dma_start3A_620 = arith.constant 0 : i32
    %dma_start3A_621 = tpu.memref_slice %arg4[%add3A_614, %dma_start3A_620] : memref<1048576x32xf32, #tpu.memory_space<hbm>> -> memref<1024x32xf32, #tpu.memory_space<hbm>>
    %dma_start3A_622 = arith.constant 0 : i32
    %dma_start3A_623 = tpu.memref_slice %arg4[%add3A_614, %dma_start3A_622] : memref<1048576x32xf32, #tpu.memory_space<hbm>> -> memref<1024x32xf32, #tpu.memory_space<hbm>>
    %dma_start3A_624 = arith.constant 0 : i32
    %dma_start3A_625 = arith.constant 0 : i32
    %dma_start3A_626 = tpu.memref_slice %arg10[%dma_start3A_615, %dma_start3A_624, %dma_start3A_625] : memref<2x1024x32xf32, #tpu.memory_space<vmem>> -> memref<1x1024x32xf32, #tpu.memory_space<vmem>>
    %dma_start3A_627 = tpu.memref_squeeze %dma_start3A_626 : memref<1x1024x32xf32, #tpu.memory_space<vmem>> -> memref<1024x32xf32, #tpu.memory_space<vmem>>
    tpu.enqueue_dma source(%dma_start3A_627 : memref<1024x32xf32, #tpu.memory_space<vmem>>) target(%dma_start3A_623 : memref<1024x32xf32, #tpu.memory_space<hbm>>) target_semaphore(%arg13 : memref<!tpu.dma_semaphore, #tpu.memory_space<semaphore_mem>>)
    %dma_wait3A_628 = arith.constant 1 : i32
    %dma_wait3A_629 = arith.constant 0 : i32
    %dma_wait3A_630 = arith.constant 0 : i32
    %dma_wait3A_631 = tpu.memref_slice %arg10[%dma_wait3A_628, %dma_wait3A_629, %dma_wait3A_630] : memref<2x1024x32xf32, #tpu.memory_space<vmem>> -> memref<1x1024x32xf32, #tpu.memory_space<vmem>>
    %dma_wait3A_632 = tpu.memref_squeeze %dma_wait3A_631 : memref<1x1024x32xf32, #tpu.memory_space<vmem>> -> memref<1024x32xf32, #tpu.memory_space<vmem>>
    %dma_wait3A_633 = arith.constant 0 : i32
    %dma_wait3A_634 = tpu.memref_slice %arg4[%add3A_556, %dma_wait3A_633] : memref<1048576x32xf32, #tpu.memory_space<hbm>> -> memref<1024x32xf32, #tpu.memory_space<hbm>>
    %dma_wait3A_635 = arith.constant 0 : i32
    %dma_wait3A_636 = tpu.memref_slice %arg4[%add3A_556, %dma_wait3A_635] : memref<1048576x32xf32, #tpu.memory_space<hbm>> -> memref<1024x32xf32, #tpu.memory_space<hbm>>
    %dma_wait3A_637 = arith.constant 0 : i32
    %dma_wait3A_638 = arith.constant 0 : i32
    %dma_wait3A_639 = tpu.memref_slice %arg10[%dma_wait3A_628, %dma_wait3A_637, %dma_wait3A_638] : memref<2x1024x32xf32, #tpu.memory_space<vmem>> -> memref<1x1024x32xf32, #tpu.memory_space<vmem>>
    %dma_wait3A_640 = tpu.memref_squeeze %dma_wait3A_639 : memref<1x1024x32xf32, #tpu.memory_space<vmem>> -> memref<1024x32xf32, #tpu.memory_space<vmem>>
    tpu.wait_dma2 semaphore(%arg14 : memref<!tpu.dma_semaphore, #tpu.memory_space<semaphore_mem>>) src(%dma_wait3A_640 : memref<1024x32xf32, #tpu.memory_space<vmem>>) dst(%dma_wait3A_636 : memref<1024x32xf32, #tpu.memory_space<hbm>>)
    %dma_start3A_641 = arith.constant 1 : i32
    %dma_start3A_642 = arith.constant 1 : i32
    %dma_start3A_643 = arith.constant 0 : i32
    %dma_start3A_644 = arith.constant 0 : i32
    %dma_start3A_645 = tpu.memref_slice %arg10[%dma_start3A_642, %dma_start3A_643, %dma_start3A_644] : memref<2x1024x32xf32, #tpu.memory_space<vmem>> -> memref<1x1024x32xf32, #tpu.memory_space<vmem>>
    %dma_start3A_646 = tpu.memref_squeeze %dma_start3A_645 : memref<1x1024x32xf32, #tpu.memory_space<vmem>> -> memref<1024x32xf32, #tpu.memory_space<vmem>>
    %dma_start3A_647 = arith.constant 0 : i32
    %dma_start3A_648 = tpu.memref_slice %arg9[%dma_start3A_641, %dma_start3A_647] : memref<2x1024xi32, #tpu.memory_space<vmem>> -> memref<1x1024xi32, #tpu.memory_space<vmem>>
    %dma_start3A_649 = tpu.memref_squeeze %dma_start3A_648 : memref<1x1024xi32, #tpu.memory_space<vmem>> -> memref<1024xi32, #tpu.memory_space<vmem>>
    %dma_start3A_650 = arith.constant 0 : i32
    %dma_start3A_651 = arith.constant 0 : i32
    %dma_start3A_652 = tpu.memref_slice %arg5[%dma_start3A_650, %dma_start3A_651] : memref<1000x32xf32, #tpu.memory_space<vmem_shared>> -> memref<1000x32xf32, #tpu.memory_space<vmem_shared>>
    tpu.enqueue_indirect_dma source(%dma_start3A_652 : memref<1000x32xf32, #tpu.memory_space<vmem_shared>>) target(%dma_start3A_646 : memref<1024x32xf32, #tpu.memory_space<vmem>>) offsets(%dma_start3A_649 : memref<1024xi32, #tpu.memory_space<vmem>>) semaphore(%arg12 : memref<!tpu.dma_semaphore, #tpu.memory_space<semaphore_mem>>)
    %scan3A_653 = arith.constant 0 : i32
    %scan3A_654 = arith.constant 0 : i32
    %scan3A_655 = arith.constant 64 : i32
    %scan3A_656 = arith.addi %scan3A_654, %scan3A_655 : i32
    %scan3A_657 = arith.constant 1 : i32
    scf.for %scan3A_1866 = %scan3A_654 to %scan3A_656 step %scan3A_657  : i32 {
      %mul3A_1867 = arith.constant 16 : i32
      %mul3A_1868 = arith.muli %scan3A_1866, %mul3A_1867 : i32
      %get3A = arith.index_cast %mul3A_1868 : i32 to index
      %get3A_1869 = tpu.vector_load %arg7[%get3A] {strides = array<i32>} : memref<1024xi32, #tpu.memory_space<vmem>>, vector<16xi32>,
      %add3A_1870 = arith.constant 384 : i32
      %add3A_1871 = vector.broadcast %add3A_1870 : i32 to vector<16xi32>
      %add3A_1872 = arith.addi %get3A_1869, %add3A_1871 : vector<16xi32>
      %mul3A_1873 = arith.constant 16 : i32
      %mul3A_1874 = arith.muli %scan3A_1866, %mul3A_1873 : i32
      %get3A_1875 = arith.index_cast %mul3A_1874 : i32 to index
      %get3A_1876 = tpu.vector_load %arg8[%get3A_1875] {strides = array<i32>} : memref<1024xi32, #tpu.memory_space<vmem>>, vector<16xi32>,
      %shift_right_arithmetic3A = arith.constant 9 : i32
      %shift_right_arithmetic3A_1877 = vector.broadcast %shift_right_arithmetic3A : i32 to vector<16xi32>
      %shift_right_arithmetic3A_1878 = arith.shrsi %add3A_1872, %shift_right_arithmetic3A_1877 : vector<16xi32>
      %broadcast_in_dim3A = arith.constant 0 : i32
      %broadcast_in_dim3A_1879 = vector.broadcast %broadcast_in_dim3A : i32 to vector<16xi32>
      %and3A = arith.constant 511 : i32
      %and3A_1880 = vector.broadcast %and3A : i32 to vector<16xi32>
      %and3A_1881 = arith.andi %add3A_1872, %and3A_1880 : vector<16xi32>
      %gather3A = tpu.vector_load_idx %arg6[%shift_right_arithmetic3A_1878, %get3A_1876, %broadcast_in_dim3A_1879, %and3A_1881] : memref<2x32x1x512xi32, #tpu.memory_space<vmem>>[vector<16xi32>, vector<16xi32>, vector<16xi32>, vector<16xi32>], vector<16xi32>,
      %mul3A_1882 = arith.constant 16 : i32
      %mul3A_1883 = arith.muli %scan3A_1866, %mul3A_1882 : i32
      %swap3A = arith.constant 0 : i32
      %swap3A_1884 = arith.index_cast %swap3A : i32 to index
      %swap3A_1885 = arith.index_cast %mul3A_1883 : i32 to index
      %swap3A_1886 = tpu.vector_load %arg9[%swap3A_1884, %swap3A_1885] {strides = array<i32>} : memref<2x1024xi32, #tpu.memory_space<vmem>>, vector<16xi32>,
      tpu.vector_store %arg9[%swap3A_1884, %swap3A_1885], %gather3A {strides = array<i32>} : memref<2x1024xi32, #tpu.memory_space<vmem>>, vector<16xi32>,
    }
    %scan3A_658 = arith.constant 64 : i32
    %dma_wait3A_659 = arith.constant 1 : i32
    %dma_wait3A_660 = arith.constant 1 : i32
    %dma_wait3A_661 = arith.constant 0 : i32
    %dma_wait3A_662 = arith.constant 0 : i32
    %dma_wait3A_663 = tpu.memref_slice %arg10[%dma_wait3A_660, %dma_wait3A_661, %dma_wait3A_662] : memref<2x1024x32xf32, #tpu.memory_space<vmem>> -> memref<1x1024x32xf32, #tpu.memory_space<vmem>>
    %dma_wait3A_664 = tpu.memref_squeeze %dma_wait3A_663 : memref<1x1024x32xf32, #tpu.memory_space<vmem>> -> memref<1024x32xf32, #tpu.memory_space<vmem>>
    %dma_wait3A_665 = arith.constant 0 : i32
    %dma_wait3A_666 = tpu.memref_slice %arg9[%dma_wait3A_659, %dma_wait3A_665] : memref<2x1024xi32, #tpu.memory_space<vmem>> -> memref<1x1024xi32, #tpu.memory_space<vmem>>
    %dma_wait3A_667 = tpu.memref_squeeze %dma_wait3A_666 : memref<1x1024xi32, #tpu.memory_space<vmem>> -> memref<1024xi32, #tpu.memory_space<vmem>>
    %dma_wait3A_668 = arith.constant 0 : i32
    %dma_wait3A_669 = arith.constant 0 : i32
    %dma_wait3A_670 = tpu.memref_slice %arg5[%dma_wait3A_668, %dma_wait3A_669] : memref<1000x32xf32, #tpu.memory_space<vmem_shared>> -> memref<1000x32xf32, #tpu.memory_space<vmem_shared>>
    tpu.wait_indirect_dma semaphore(%arg12 : memref<!tpu.dma_semaphore, #tpu.memory_space<semaphore_mem>>) src(%dma_wait3A_670 : memref<1000x32xf32, #tpu.memory_space<vmem_shared>>) dst(%dma_wait3A_664 : memref<1024x32xf32, #tpu.memory_space<vmem>>)
    %add3A_671 = arith.constant 11264 : i32
    %add3A_672 = arith.addi %mul3A_2, %add3A_671 : i32
    %dma_start3A_673 = arith.constant 1 : i32
    %dma_start3A_674 = arith.constant 0 : i32
    %dma_start3A_675 = arith.constant 0 : i32
    %dma_start3A_676 = tpu.memref_slice %arg10[%dma_start3A_673, %dma_start3A_674, %dma_start3A_675] : memref<2x1024x32xf32, #tpu.memory_space<vmem>> -> memref<1x1024x32xf32, #tpu.memory_space<vmem>>
    %dma_start3A_677 = tpu.memref_squeeze %dma_start3A_676 : memref<1x1024x32xf32, #tpu.memory_space<vmem>> -> memref<1024x32xf32, #tpu.memory_space<vmem>>
    %dma_start3A_678 = arith.constant 0 : i32
    %dma_start3A_679 = tpu.memref_slice %arg4[%add3A_672, %dma_start3A_678] : memref<1048576x32xf32, #tpu.memory_space<hbm>> -> memref<1024x32xf32, #tpu.memory_space<hbm>>
    %dma_start3A_680 = arith.constant 0 : i32
    %dma_start3A_681 = tpu.memref_slice %arg4[%add3A_672, %dma_start3A_680] : memref<1048576x32xf32, #tpu.memory_space<hbm>> -> memref<1024x32xf32, #tpu.memory_space<hbm>>
    %dma_start3A_682 = arith.constant 0 : i32
    %dma_start3A_683 = arith.constant 0 : i32
    %dma_start3A_684 = tpu.memref_slice %arg10[%dma_start3A_673, %dma_start3A_682, %dma_start3A_683] : memref<2x1024x32xf32, #tpu.memory_space<vmem>> -> memref<1x1024x32xf32, #tpu.memory_space<vmem>>
    %dma_start3A_685 = tpu.memref_squeeze %dma_start3A_684 : memref<1x1024x32xf32, #tpu.memory_space<vmem>> -> memref<1024x32xf32, #tpu.memory_space<vmem>>
    tpu.enqueue_dma source(%dma_start3A_685 : memref<1024x32xf32, #tpu.memory_space<vmem>>) target(%dma_start3A_681 : memref<1024x32xf32, #tpu.memory_space<hbm>>) target_semaphore(%arg14 : memref<!tpu.dma_semaphore, #tpu.memory_space<semaphore_mem>>)
    %dma_wait3A_686 = arith.constant 0 : i32
    %dma_wait3A_687 = arith.constant 0 : i32
    %dma_wait3A_688 = arith.constant 0 : i32
    %dma_wait3A_689 = tpu.memref_slice %arg10[%dma_wait3A_686, %dma_wait3A_687, %dma_wait3A_688] : memref<2x1024x32xf32, #tpu.memory_space<vmem>> -> memref<1x1024x32xf32, #tpu.memory_space<vmem>>
    %dma_wait3A_690 = tpu.memref_squeeze %dma_wait3A_689 : memref<1x1024x32xf32, #tpu.memory_space<vmem>> -> memref<1024x32xf32, #tpu.memory_space<vmem>>
    %dma_wait3A_691 = arith.constant 0 : i32
    %dma_wait3A_692 = tpu.memref_slice %arg4[%add3A_614, %dma_wait3A_691] : memref<1048576x32xf32, #tpu.memory_space<hbm>> -> memref<1024x32xf32, #tpu.memory_space<hbm>>
    %dma_wait3A_693 = arith.constant 0 : i32
    %dma_wait3A_694 = tpu.memref_slice %arg4[%add3A_614, %dma_wait3A_693] : memref<1048576x32xf32, #tpu.memory_space<hbm>> -> memref<1024x32xf32, #tpu.memory_space<hbm>>
    %dma_wait3A_695 = arith.constant 0 : i32
    %dma_wait3A_696 = arith.constant 0 : i32
    %dma_wait3A_697 = tpu.memref_slice %arg10[%dma_wait3A_686, %dma_wait3A_695, %dma_wait3A_696] : memref<2x1024x32xf32, #tpu.memory_space<vmem>> -> memref<1x1024x32xf32, #tpu.memory_space<vmem>>
    %dma_wait3A_698 = tpu.memref_squeeze %dma_wait3A_697 : memref<1x1024x32xf32, #tpu.memory_space<vmem>> -> memref<1024x32xf32, #tpu.memory_space<vmem>>
    tpu.wait_dma2 semaphore(%arg13 : memref<!tpu.dma_semaphore, #tpu.memory_space<semaphore_mem>>) src(%dma_wait3A_698 : memref<1024x32xf32, #tpu.memory_space<vmem>>) dst(%dma_wait3A_694 : memref<1024x32xf32, #tpu.memory_space<hbm>>)
    %dma_start3A_699 = arith.constant 0 : i32
    %dma_start3A_700 = arith.constant 0 : i32
    %dma_start3A_701 = arith.constant 0 : i32
    %dma_start3A_702 = arith.constant 0 : i32
    %dma_start3A_703 = tpu.memref_slice %arg10[%dma_start3A_700, %dma_start3A_701, %dma_start3A_702] : memref<2x1024x32xf32, #tpu.memory_space<vmem>> -> memref<1x1024x32xf32, #tpu.memory_space<vmem>>
    %dma_start3A_704 = tpu.memref_squeeze %dma_start3A_703 : memref<1x1024x32xf32, #tpu.memory_space<vmem>> -> memref<1024x32xf32, #tpu.memory_space<vmem>>
    %dma_start3A_705 = arith.constant 0 : i32
    %dma_start3A_706 = tpu.memref_slice %arg9[%dma_start3A_699, %dma_start3A_705] : memref<2x1024xi32, #tpu.memory_space<vmem>> -> memref<1x1024xi32, #tpu.memory_space<vmem>>
    %dma_start3A_707 = tpu.memref_squeeze %dma_start3A_706 : memref<1x1024xi32, #tpu.memory_space<vmem>> -> memref<1024xi32, #tpu.memory_space<vmem>>
    %dma_start3A_708 = arith.constant 0 : i32
    %dma_start3A_709 = arith.constant 0 : i32
    %dma_start3A_710 = tpu.memref_slice %arg5[%dma_start3A_708, %dma_start3A_709] : memref<1000x32xf32, #tpu.memory_space<vmem_shared>> -> memref<1000x32xf32, #tpu.memory_space<vmem_shared>>
    tpu.enqueue_indirect_dma source(%dma_start3A_710 : memref<1000x32xf32, #tpu.memory_space<vmem_shared>>) target(%dma_start3A_704 : memref<1024x32xf32, #tpu.memory_space<vmem>>) offsets(%dma_start3A_707 : memref<1024xi32, #tpu.memory_space<vmem>>) semaphore(%arg11 : memref<!tpu.dma_semaphore, #tpu.memory_space<semaphore_mem>>)
    %scan3A_711 = arith.constant 0 : i32
    %scan3A_712 = arith.constant 0 : i32
    %scan3A_713 = arith.constant 64 : i32
    %scan3A_714 = arith.addi %scan3A_712, %scan3A_713 : i32
    %scan3A_715 = arith.constant 1 : i32
    scf.for %scan3A_1866 = %scan3A_712 to %scan3A_714 step %scan3A_715  : i32 {
      %mul3A_1867 = arith.constant 16 : i32
      %mul3A_1868 = arith.muli %scan3A_1866, %mul3A_1867 : i32
      %get3A = arith.index_cast %mul3A_1868 : i32 to index
      %get3A_1869 = tpu.vector_load %arg7[%get3A] {strides = array<i32>} : memref<1024xi32, #tpu.memory_space<vmem>>, vector<16xi32>,
      %add3A_1870 = arith.constant 416 : i32
      %add3A_1871 = vector.broadcast %add3A_1870 : i32 to vector<16xi32>
      %add3A_1872 = arith.addi %get3A_1869, %add3A_1871 : vector<16xi32>
      %mul3A_1873 = arith.constant 16 : i32
      %mul3A_1874 = arith.muli %scan3A_1866, %mul3A_1873 : i32
      %get3A_1875 = arith.index_cast %mul3A_1874 : i32 to index
      %get3A_1876 = tpu.vector_load %arg8[%get3A_1875] {strides = array<i32>} : memref<1024xi32, #tpu.memory_space<vmem>>, vector<16xi32>,
      %shift_right_arithmetic3A = arith.constant 9 : i32
      %shift_right_arithmetic3A_1877 = vector.broadcast %shift_right_arithmetic3A : i32 to vector<16xi32>
      %shift_right_arithmetic3A_1878 = arith.shrsi %add3A_1872, %shift_right_arithmetic3A_1877 : vector<16xi32>
      %broadcast_in_dim3A = arith.constant 0 : i32
      %broadcast_in_dim3A_1879 = vector.broadcast %broadcast_in_dim3A : i32 to vector<16xi32>
      %and3A = arith.constant 511 : i32
      %and3A_1880 = vector.broadcast %and3A : i32 to vector<16xi32>
      %and3A_1881 = arith.andi %add3A_1872, %and3A_1880 : vector<16xi32>
      %gather3A = tpu.vector_load_idx %arg6[%shift_right_arithmetic3A_1878, %get3A_1876, %broadcast_in_dim3A_1879, %and3A_1881] : memref<2x32x1x512xi32, #tpu.memory_space<vmem>>[vector<16xi32>, vector<16xi32>, vector<16xi32>, vector<16xi32>], vector<16xi32>,
      %mul3A_1882 = arith.constant 16 : i32
      %mul3A_1883 = arith.muli %scan3A_1866, %mul3A_1882 : i32
      %swap3A = arith.constant 1 : i32
      %swap3A_1884 = arith.index_cast %swap3A : i32 to index
      %swap3A_1885 = arith.index_cast %mul3A_1883 : i32 to index
      %swap3A_1886 = tpu.vector_load %arg9[%swap3A_1884, %swap3A_1885] {strides = array<i32>} : memref<2x1024xi32, #tpu.memory_space<vmem>>, vector<16xi32>,
      tpu.vector_store %arg9[%swap3A_1884, %swap3A_1885], %gather3A {strides = array<i32>} : memref<2x1024xi32, #tpu.memory_space<vmem>>, vector<16xi32>,
    }
    %scan3A_716 = arith.constant 64 : i32
    %dma_wait3A_717 = arith.constant 0 : i32
    %dma_wait3A_718 = arith.constant 0 : i32
    %dma_wait3A_719 = arith.constant 0 : i32
    %dma_wait3A_720 = arith.constant 0 : i32
    %dma_wait3A_721 = tpu.memref_slice %arg10[%dma_wait3A_718, %dma_wait3A_719, %dma_wait3A_720] : memref<2x1024x32xf32, #tpu.memory_space<vmem>> -> memref<1x1024x32xf32, #tpu.memory_space<vmem>>
    %dma_wait3A_722 = tpu.memref_squeeze %dma_wait3A_721 : memref<1x1024x32xf32, #tpu.memory_space<vmem>> -> memref<1024x32xf32, #tpu.memory_space<vmem>>
    %dma_wait3A_723 = arith.constant 0 : i32
    %dma_wait3A_724 = tpu.memref_slice %arg9[%dma_wait3A_717, %dma_wait3A_723] : memref<2x1024xi32, #tpu.memory_space<vmem>> -> memref<1x1024xi32, #tpu.memory_space<vmem>>
    %dma_wait3A_725 = tpu.memref_squeeze %dma_wait3A_724 : memref<1x1024xi32, #tpu.memory_space<vmem>> -> memref<1024xi32, #tpu.memory_space<vmem>>
    %dma_wait3A_726 = arith.constant 0 : i32
    %dma_wait3A_727 = arith.constant 0 : i32
    %dma_wait3A_728 = tpu.memref_slice %arg5[%dma_wait3A_726, %dma_wait3A_727] : memref<1000x32xf32, #tpu.memory_space<vmem_shared>> -> memref<1000x32xf32, #tpu.memory_space<vmem_shared>>
    tpu.wait_indirect_dma semaphore(%arg11 : memref<!tpu.dma_semaphore, #tpu.memory_space<semaphore_mem>>) src(%dma_wait3A_728 : memref<1000x32xf32, #tpu.memory_space<vmem_shared>>) dst(%dma_wait3A_722 : memref<1024x32xf32, #tpu.memory_space<vmem>>)
    %add3A_729 = arith.constant 12288 : i32
    %add3A_730 = arith.addi %mul3A_2, %add3A_729 : i32
    %dma_start3A_731 = arith.constant 0 : i32
    %dma_start3A_732 = arith.constant 0 : i32
    %dma_start3A_733 = arith.constant 0 : i32
    %dma_start3A_734 = tpu.memref_slice %arg10[%dma_start3A_731, %dma_start3A_732, %dma_start3A_733] : memref<2x1024x32xf32, #tpu.memory_space<vmem>> -> memref<1x1024x32xf32, #tpu.memory_space<vmem>>
    %dma_start3A_735 = tpu.memref_squeeze %dma_start3A_734 : memref<1x1024x32xf32, #tpu.memory_space<vmem>> -> memref<1024x32xf32, #tpu.memory_space<vmem>>
    %dma_start3A_736 = arith.constant 0 : i32
    %dma_start3A_737 = tpu.memref_slice %arg4[%add3A_730, %dma_start3A_736] : memref<1048576x32xf32, #tpu.memory_space<hbm>> -> memref<1024x32xf32, #tpu.memory_space<hbm>>
    %dma_start3A_738 = arith.constant 0 : i32
    %dma_start3A_739 = tpu.memref_slice %arg4[%add3A_730, %dma_start3A_738] : memref<1048576x32xf32, #tpu.memory_space<hbm>> -> memref<1024x32xf32, #tpu.memory_space<hbm>>
    %dma_start3A_740 = arith.constant 0 : i32
    %dma_start3A_741 = arith.constant 0 : i32
    %dma_start3A_742 = tpu.memref_slice %arg10[%dma_start3A_731, %dma_start3A_740, %dma_start3A_741] : memref<2x1024x32xf32, #tpu.memory_space<vmem>> -> memref<1x1024x32xf32, #tpu.memory_space<vmem>>
    %dma_start3A_743 = tpu.memref_squeeze %dma_start3A_742 : memref<1x1024x32xf32, #tpu.memory_space<vmem>> -> memref<1024x32xf32, #tpu.memory_space<vmem>>
    tpu.enqueue_dma source(%dma_start3A_743 : memref<1024x32xf32, #tpu.memory_space<vmem>>) target(%dma_start3A_739 : memref<1024x32xf32, #tpu.memory_space<hbm>>) target_semaphore(%arg13 : memref<!tpu.dma_semaphore, #tpu.memory_space<semaphore_mem>>)
    %dma_wait3A_744 = arith.constant 1 : i32
    %dma_wait3A_745 = arith.constant 0 : i32
    %dma_wait3A_746 = arith.constant 0 : i32
    %dma_wait3A_747 = tpu.memref_slice %arg10[%dma_wait3A_744, %dma_wait3A_745, %dma_wait3A_746] : memref<2x1024x32xf32, #tpu.memory_space<vmem>> -> memref<1x1024x32xf32, #tpu.memory_space<vmem>>
    %dma_wait3A_748 = tpu.memref_squeeze %dma_wait3A_747 : memref<1x1024x32xf32, #tpu.memory_space<vmem>> -> memref<1024x32xf32, #tpu.memory_space<vmem>>
    %dma_wait3A_749 = arith.constant 0 : i32
    %dma_wait3A_750 = tpu.memref_slice %arg4[%add3A_672, %dma_wait3A_749] : memref<1048576x32xf32, #tpu.memory_space<hbm>> -> memref<1024x32xf32, #tpu.memory_space<hbm>>
    %dma_wait3A_751 = arith.constant 0 : i32
    %dma_wait3A_752 = tpu.memref_slice %arg4[%add3A_672, %dma_wait3A_751] : memref<1048576x32xf32, #tpu.memory_space<hbm>> -> memref<1024x32xf32, #tpu.memory_space<hbm>>
    %dma_wait3A_753 = arith.constant 0 : i32
    %dma_wait3A_754 = arith.constant 0 : i32
    %dma_wait3A_755 = tpu.memref_slice %arg10[%dma_wait3A_744, %dma_wait3A_753, %dma_wait3A_754] : memref<2x1024x32xf32, #tpu.memory_space<vmem>> -> memref<1x1024x32xf32, #tpu.memory_space<vmem>>
    %dma_wait3A_756 = tpu.memref_squeeze %dma_wait3A_755 : memref<1x1024x32xf32, #tpu.memory_space<vmem>> -> memref<1024x32xf32, #tpu.memory_space<vmem>>
    tpu.wait_dma2 semaphore(%arg14 : memref<!tpu.dma_semaphore, #tpu.memory_space<semaphore_mem>>) src(%dma_wait3A_756 : memref<1024x32xf32, #tpu.memory_space<vmem>>) dst(%dma_wait3A_752 : memref<1024x32xf32, #tpu.memory_space<hbm>>)
    %dma_start3A_757 = arith.constant 1 : i32
    %dma_start3A_758 = arith.constant 1 : i32
    %dma_start3A_759 = arith.constant 0 : i32
    %dma_start3A_760 = arith.constant 0 : i32
    %dma_start3A_761 = tpu.memref_slice %arg10[%dma_start3A_758, %dma_start3A_759, %dma_start3A_760] : memref<2x1024x32xf32, #tpu.memory_space<vmem>> -> memref<1x1024x32xf32, #tpu.memory_space<vmem>>
    %dma_start3A_762 = tpu.memref_squeeze %dma_start3A_761 : memref<1x1024x32xf32, #tpu.memory_space<vmem>> -> memref<1024x32xf32, #tpu.memory_space<vmem>>
    %dma_start3A_763 = arith.constant 0 : i32
    %dma_start3A_764 = tpu.memref_slice %arg9[%dma_start3A_757, %dma_start3A_763] : memref<2x1024xi32, #tpu.memory_space<vmem>> -> memref<1x1024xi32, #tpu.memory_space<vmem>>
    %dma_start3A_765 = tpu.memref_squeeze %dma_start3A_764 : memref<1x1024xi32, #tpu.memory_space<vmem>> -> memref<1024xi32, #tpu.memory_space<vmem>>
    %dma_start3A_766 = arith.constant 0 : i32
    %dma_start3A_767 = arith.constant 0 : i32
    %dma_start3A_768 = tpu.memref_slice %arg5[%dma_start3A_766, %dma_start3A_767] : memref<1000x32xf32, #tpu.memory_space<vmem_shared>> -> memref<1000x32xf32, #tpu.memory_space<vmem_shared>>
    tpu.enqueue_indirect_dma source(%dma_start3A_768 : memref<1000x32xf32, #tpu.memory_space<vmem_shared>>) target(%dma_start3A_762 : memref<1024x32xf32, #tpu.memory_space<vmem>>) offsets(%dma_start3A_765 : memref<1024xi32, #tpu.memory_space<vmem>>) semaphore(%arg12 : memref<!tpu.dma_semaphore, #tpu.memory_space<semaphore_mem>>)
    %scan3A_769 = arith.constant 0 : i32
    %scan3A_770 = arith.constant 0 : i32
    %scan3A_771 = arith.constant 64 : i32
    %scan3A_772 = arith.addi %scan3A_770, %scan3A_771 : i32
    %scan3A_773 = arith.constant 1 : i32
    scf.for %scan3A_1866 = %scan3A_770 to %scan3A_772 step %scan3A_773  : i32 {
      %mul3A_1867 = arith.constant 16 : i32
      %mul3A_1868 = arith.muli %scan3A_1866, %mul3A_1867 : i32
      %get3A = arith.index_cast %mul3A_1868 : i32 to index
      %get3A_1869 = tpu.vector_load %arg7[%get3A] {strides = array<i32>} : memref<1024xi32, #tpu.memory_space<vmem>>, vector<16xi32>,
      %add3A_1870 = arith.constant 448 : i32
      %add3A_1871 = vector.broadcast %add3A_1870 : i32 to vector<16xi32>
      %add3A_1872 = arith.addi %get3A_1869, %add3A_1871 : vector<16xi32>
      %mul3A_1873 = arith.constant 16 : i32
      %mul3A_1874 = arith.muli %scan3A_1866, %mul3A_1873 : i32
      %get3A_1875 = arith.index_cast %mul3A_1874 : i32 to index
      %get3A_1876 = tpu.vector_load %arg8[%get3A_1875] {strides = array<i32>} : memref<1024xi32, #tpu.memory_space<vmem>>, vector<16xi32>,
      %shift_right_arithmetic3A = arith.constant 9 : i32
      %shift_right_arithmetic3A_1877 = vector.broadcast %shift_right_arithmetic3A : i32 to vector<16xi32>
      %shift_right_arithmetic3A_1878 = arith.shrsi %add3A_1872, %shift_right_arithmetic3A_1877 : vector<16xi32>
      %broadcast_in_dim3A = arith.constant 0 : i32
      %broadcast_in_dim3A_1879 = vector.broadcast %broadcast_in_dim3A : i32 to vector<16xi32>
      %and3A = arith.constant 511 : i32
      %and3A_1880 = vector.broadcast %and3A : i32 to vector<16xi32>
      %and3A_1881 = arith.andi %add3A_1872, %and3A_1880 : vector<16xi32>
      %gather3A = tpu.vector_load_idx %arg6[%shift_right_arithmetic3A_1878, %get3A_1876, %broadcast_in_dim3A_1879, %and3A_1881] : memref<2x32x1x512xi32, #tpu.memory_space<vmem>>[vector<16xi32>, vector<16xi32>, vector<16xi32>, vector<16xi32>], vector<16xi32>,
      %mul3A_1882 = arith.constant 16 : i32
      %mul3A_1883 = arith.muli %scan3A_1866, %mul3A_1882 : i32
      %swap3A = arith.constant 0 : i32
      %swap3A_1884 = arith.index_cast %swap3A : i32 to index
      %swap3A_1885 = arith.index_cast %mul3A_1883 : i32 to index
      %swap3A_1886 = tpu.vector_load %arg9[%swap3A_1884, %swap3A_1885] {strides = array<i32>} : memref<2x1024xi32, #tpu.memory_space<vmem>>, vector<16xi32>,
      tpu.vector_store %arg9[%swap3A_1884, %swap3A_1885], %gather3A {strides = array<i32>} : memref<2x1024xi32, #tpu.memory_space<vmem>>, vector<16xi32>,
    }
    %scan3A_774 = arith.constant 64 : i32
    %dma_wait3A_775 = arith.constant 1 : i32
    %dma_wait3A_776 = arith.constant 1 : i32
    %dma_wait3A_777 = arith.constant 0 : i32
    %dma_wait3A_778 = arith.constant 0 : i32
    %dma_wait3A_779 = tpu.memref_slice %arg10[%dma_wait3A_776, %dma_wait3A_777, %dma_wait3A_778] : memref<2x1024x32xf32, #tpu.memory_space<vmem>> -> memref<1x1024x32xf32, #tpu.memory_space<vmem>>
    %dma_wait3A_780 = tpu.memref_squeeze %dma_wait3A_779 : memref<1x1024x32xf32, #tpu.memory_space<vmem>> -> memref<1024x32xf32, #tpu.memory_space<vmem>>
    %dma_wait3A_781 = arith.constant 0 : i32
    %dma_wait3A_782 = tpu.memref_slice %arg9[%dma_wait3A_775, %dma_wait3A_781] : memref<2x1024xi32, #tpu.memory_space<vmem>> -> memref<1x1024xi32, #tpu.memory_space<vmem>>
    %dma_wait3A_783 = tpu.memref_squeeze %dma_wait3A_782 : memref<1x1024xi32, #tpu.memory_space<vmem>> -> memref<1024xi32, #tpu.memory_space<vmem>>
    %dma_wait3A_784 = arith.constant 0 : i32
    %dma_wait3A_785 = arith.constant 0 : i32
    %dma_wait3A_786 = tpu.memref_slice %arg5[%dma_wait3A_784, %dma_wait3A_785] : memref<1000x32xf32, #tpu.memory_space<vmem_shared>> -> memref<1000x32xf32, #tpu.memory_space<vmem_shared>>
    tpu.wait_indirect_dma semaphore(%arg12 : memref<!tpu.dma_semaphore, #tpu.memory_space<semaphore_mem>>) src(%dma_wait3A_786 : memref<1000x32xf32, #tpu.memory_space<vmem_shared>>) dst(%dma_wait3A_780 : memref<1024x32xf32, #tpu.memory_space<vmem>>)
    %add3A_787 = arith.constant 13312 : i32
    %add3A_788 = arith.addi %mul3A_2, %add3A_787 : i32
    %dma_start3A_789 = arith.constant 1 : i32
    %dma_start3A_790 = arith.constant 0 : i32
    %dma_start3A_791 = arith.constant 0 : i32
    %dma_start3A_792 = tpu.memref_slice %arg10[%dma_start3A_789, %dma_start3A_790, %dma_start3A_791] : memref<2x1024x32xf32, #tpu.memory_space<vmem>> -> memref<1x1024x32xf32, #tpu.memory_space<vmem>>
    %dma_start3A_793 = tpu.memref_squeeze %dma_start3A_792 : memref<1x1024x32xf32, #tpu.memory_space<vmem>> -> memref<1024x32xf32, #tpu.memory_space<vmem>>
    %dma_start3A_794 = arith.constant 0 : i32
    %dma_start3A_795 = tpu.memref_slice %arg4[%add3A_788, %dma_start3A_794] : memref<1048576x32xf32, #tpu.memory_space<hbm>> -> memref<1024x32xf32, #tpu.memory_space<hbm>>
    %dma_start3A_796 = arith.constant 0 : i32
    %dma_start3A_797 = tpu.memref_slice %arg4[%add3A_788, %dma_start3A_796] : memref<1048576x32xf32, #tpu.memory_space<hbm>> -> memref<1024x32xf32, #tpu.memory_space<hbm>>
    %dma_start3A_798 = arith.constant 0 : i32
    %dma_start3A_799 = arith.constant 0 : i32
    %dma_start3A_800 = tpu.memref_slice %arg10[%dma_start3A_789, %dma_start3A_798, %dma_start3A_799] : memref<2x1024x32xf32, #tpu.memory_space<vmem>> -> memref<1x1024x32xf32, #tpu.memory_space<vmem>>
    %dma_start3A_801 = tpu.memref_squeeze %dma_start3A_800 : memref<1x1024x32xf32, #tpu.memory_space<vmem>> -> memref<1024x32xf32, #tpu.memory_space<vmem>>
    tpu.enqueue_dma source(%dma_start3A_801 : memref<1024x32xf32, #tpu.memory_space<vmem>>) target(%dma_start3A_797 : memref<1024x32xf32, #tpu.memory_space<hbm>>) target_semaphore(%arg14 : memref<!tpu.dma_semaphore, #tpu.memory_space<semaphore_mem>>)
    %dma_wait3A_802 = arith.constant 0 : i32
    %dma_wait3A_803 = arith.constant 0 : i32
    %dma_wait3A_804 = arith.constant 0 : i32
    %dma_wait3A_805 = tpu.memref_slice %arg10[%dma_wait3A_802, %dma_wait3A_803, %dma_wait3A_804] : memref<2x1024x32xf32, #tpu.memory_space<vmem>> -> memref<1x1024x32xf32, #tpu.memory_space<vmem>>
    %dma_wait3A_806 = tpu.memref_squeeze %dma_wait3A_805 : memref<1x1024x32xf32, #tpu.memory_space<vmem>> -> memref<1024x32xf32, #tpu.memory_space<vmem>>
    %dma_wait3A_807 = arith.constant 0 : i32
    %dma_wait3A_808 = tpu.memref_slice %arg4[%add3A_730, %dma_wait3A_807] : memref<1048576x32xf32, #tpu.memory_space<hbm>> -> memref<1024x32xf32, #tpu.memory_space<hbm>>
    %dma_wait3A_809 = arith.constant 0 : i32
    %dma_wait3A_810 = tpu.memref_slice %arg4[%add3A_730, %dma_wait3A_809] : memref<1048576x32xf32, #tpu.memory_space<hbm>> -> memref<1024x32xf32, #tpu.memory_space<hbm>>
    %dma_wait3A_811 = arith.constant 0 : i32
    %dma_wait3A_812 = arith.constant 0 : i32
    %dma_wait3A_813 = tpu.memref_slice %arg10[%dma_wait3A_802, %dma_wait3A_811, %dma_wait3A_812] : memref<2x1024x32xf32, #tpu.memory_space<vmem>> -> memref<1x1024x32xf32, #tpu.memory_space<vmem>>
    %dma_wait3A_814 = tpu.memref_squeeze %dma_wait3A_813 : memref<1x1024x32xf32, #tpu.memory_space<vmem>> -> memref<1024x32xf32, #tpu.memory_space<vmem>>
    tpu.wait_dma2 semaphore(%arg13 : memref<!tpu.dma_semaphore, #tpu.memory_space<semaphore_mem>>) src(%dma_wait3A_814 : memref<1024x32xf32, #tpu.memory_space<vmem>>) dst(%dma_wait3A_810 : memref<1024x32xf32, #tpu.memory_space<hbm>>)
    %dma_start3A_815 = arith.constant 0 : i32
    %dma_start3A_816 = arith.constant 0 : i32
    %dma_start3A_817 = arith.constant 0 : i32
    %dma_start3A_818 = arith.constant 0 : i32
    %dma_start3A_819 = tpu.memref_slice %arg10[%dma_start3A_816, %dma_start3A_817, %dma_start3A_818] : memref<2x1024x32xf32, #tpu.memory_space<vmem>> -> memref<1x1024x32xf32, #tpu.memory_space<vmem>>
    %dma_start3A_820 = tpu.memref_squeeze %dma_start3A_819 : memref<1x1024x32xf32, #tpu.memory_space<vmem>> -> memref<1024x32xf32, #tpu.memory_space<vmem>>
    %dma_start3A_821 = arith.constant 0 : i32
    %dma_start3A_822 = tpu.memref_slice %arg9[%dma_start3A_815, %dma_start3A_821] : memref<2x1024xi32, #tpu.memory_space<vmem>> -> memref<1x1024xi32, #tpu.memory_space<vmem>>
    %dma_start3A_823 = tpu.memref_squeeze %dma_start3A_822 : memref<1x1024xi32, #tpu.memory_space<vmem>> -> memref<1024xi32, #tpu.memory_space<vmem>>
    %dma_start3A_824 = arith.constant 0 : i32
    %dma_start3A_825 = arith.constant 0 : i32
    %dma_start3A_826 = tpu.memref_slice %arg5[%dma_start3A_824, %dma_start3A_825] : memref<1000x32xf32, #tpu.memory_space<vmem_shared>> -> memref<1000x32xf32, #tpu.memory_space<vmem_shared>>
    tpu.enqueue_indirect_dma source(%dma_start3A_826 : memref<1000x32xf32, #tpu.memory_space<vmem_shared>>) target(%dma_start3A_820 : memref<1024x32xf32, #tpu.memory_space<vmem>>) offsets(%dma_start3A_823 : memref<1024xi32, #tpu.memory_space<vmem>>) semaphore(%arg11 : memref<!tpu.dma_semaphore, #tpu.memory_space<semaphore_mem>>)
    %scan3A_827 = arith.constant 0 : i32
    %scan3A_828 = arith.constant 0 : i32
    %scan3A_829 = arith.constant 64 : i32
    %scan3A_830 = arith.addi %scan3A_828, %scan3A_829 : i32
    %scan3A_831 = arith.constant 1 : i32
    scf.for %scan3A_1866 = %scan3A_828 to %scan3A_830 step %scan3A_831  : i32 {
      %mul3A_1867 = arith.constant 16 : i32
      %mul3A_1868 = arith.muli %scan3A_1866, %mul3A_1867 : i32
      %get3A = arith.index_cast %mul3A_1868 : i32 to index
      %get3A_1869 = tpu.vector_load %arg7[%get3A] {strides = array<i32>} : memref<1024xi32, #tpu.memory_space<vmem>>, vector<16xi32>,
      %add3A_1870 = arith.constant 480 : i32
      %add3A_1871 = vector.broadcast %add3A_1870 : i32 to vector<16xi32>
      %add3A_1872 = arith.addi %get3A_1869, %add3A_1871 : vector<16xi32>
      %mul3A_1873 = arith.constant 16 : i32
      %mul3A_1874 = arith.muli %scan3A_1866, %mul3A_1873 : i32
      %get3A_1875 = arith.index_cast %mul3A_1874 : i32 to index
      %get3A_1876 = tpu.vector_load %arg8[%get3A_1875] {strides = array<i32>} : memref<1024xi32, #tpu.memory_space<vmem>>, vector<16xi32>,
      %shift_right_arithmetic3A = arith.constant 9 : i32
      %shift_right_arithmetic3A_1877 = vector.broadcast %shift_right_arithmetic3A : i32 to vector<16xi32>
      %shift_right_arithmetic3A_1878 = arith.shrsi %add3A_1872, %shift_right_arithmetic3A_1877 : vector<16xi32>
      %broadcast_in_dim3A = arith.constant 0 : i32
      %broadcast_in_dim3A_1879 = vector.broadcast %broadcast_in_dim3A : i32 to vector<16xi32>
      %and3A = arith.constant 511 : i32
      %and3A_1880 = vector.broadcast %and3A : i32 to vector<16xi32>
      %and3A_1881 = arith.andi %add3A_1872, %and3A_1880 : vector<16xi32>
      %gather3A = tpu.vector_load_idx %arg6[%shift_right_arithmetic3A_1878, %get3A_1876, %broadcast_in_dim3A_1879, %and3A_1881] : memref<2x32x1x512xi32, #tpu.memory_space<vmem>>[vector<16xi32>, vector<16xi32>, vector<16xi32>, vector<16xi32>], vector<16xi32>,
      %mul3A_1882 = arith.constant 16 : i32
      %mul3A_1883 = arith.muli %scan3A_1866, %mul3A_1882 : i32
      %swap3A = arith.constant 1 : i32
      %swap3A_1884 = arith.index_cast %swap3A : i32 to index
      %swap3A_1885 = arith.index_cast %mul3A_1883 : i32 to index
      %swap3A_1886 = tpu.vector_load %arg9[%swap3A_1884, %swap3A_1885] {strides = array<i32>} : memref<2x1024xi32, #tpu.memory_space<vmem>>, vector<16xi32>,
      tpu.vector_store %arg9[%swap3A_1884, %swap3A_1885], %gather3A {strides = array<i32>} : memref<2x1024xi32, #tpu.memory_space<vmem>>, vector<16xi32>,
    }
    %scan3A_832 = arith.constant 64 : i32
    %dma_wait3A_833 = arith.constant 0 : i32
    %dma_wait3A_834 = arith.constant 0 : i32
    %dma_wait3A_835 = arith.constant 0 : i32
    %dma_wait3A_836 = arith.constant 0 : i32
    %dma_wait3A_837 = tpu.memref_slice %arg10[%dma_wait3A_834, %dma_wait3A_835, %dma_wait3A_836] : memref<2x1024x32xf32, #tpu.memory_space<vmem>> -> memref<1x1024x32xf32, #tpu.memory_space<vmem>>
    %dma_wait3A_838 = tpu.memref_squeeze %dma_wait3A_837 : memref<1x1024x32xf32, #tpu.memory_space<vmem>> -> memref<1024x32xf32, #tpu.memory_space<vmem>>
    %dma_wait3A_839 = arith.constant 0 : i32
    %dma_wait3A_840 = tpu.memref_slice %arg9[%dma_wait3A_833, %dma_wait3A_839] : memref<2x1024xi32, #tpu.memory_space<vmem>> -> memref<1x1024xi32, #tpu.memory_space<vmem>>
    %dma_wait3A_841 = tpu.memref_squeeze %dma_wait3A_840 : memref<1x1024xi32, #tpu.memory_space<vmem>> -> memref<1024xi32, #tpu.memory_space<vmem>>
    %dma_wait3A_842 = arith.constant 0 : i32
    %dma_wait3A_843 = arith.constant 0 : i32
    %dma_wait3A_844 = tpu.memref_slice %arg5[%dma_wait3A_842, %dma_wait3A_843] : memref<1000x32xf32, #tpu.memory_space<vmem_shared>> -> memref<1000x32xf32, #tpu.memory_space<vmem_shared>>
    tpu.wait_indirect_dma semaphore(%arg11 : memref<!tpu.dma_semaphore, #tpu.memory_space<semaphore_mem>>) src(%dma_wait3A_844 : memref<1000x32xf32, #tpu.memory_space<vmem_shared>>) dst(%dma_wait3A_838 : memref<1024x32xf32, #tpu.memory_space<vmem>>)
    %add3A_845 = arith.constant 14336 : i32
    %add3A_846 = arith.addi %mul3A_2, %add3A_845 : i32
    %dma_start3A_847 = arith.constant 0 : i32
    %dma_start3A_848 = arith.constant 0 : i32
    %dma_start3A_849 = arith.constant 0 : i32
    %dma_start3A_850 = tpu.memref_slice %arg10[%dma_start3A_847, %dma_start3A_848, %dma_start3A_849] : memref<2x1024x32xf32, #tpu.memory_space<vmem>> -> memref<1x1024x32xf32, #tpu.memory_space<vmem>>
    %dma_start3A_851 = tpu.memref_squeeze %dma_start3A_850 : memref<1x1024x32xf32, #tpu.memory_space<vmem>> -> memref<1024x32xf32, #tpu.memory_space<vmem>>
    %dma_start3A_852 = arith.constant 0 : i32
    %dma_start3A_853 = tpu.memref_slice %arg4[%add3A_846, %dma_start3A_852] : memref<1048576x32xf32, #tpu.memory_space<hbm>> -> memref<1024x32xf32, #tpu.memory_space<hbm>>
    %dma_start3A_854 = arith.constant 0 : i32
    %dma_start3A_855 = tpu.memref_slice %arg4[%add3A_846, %dma_start3A_854] : memref<1048576x32xf32, #tpu.memory_space<hbm>> -> memref<1024x32xf32, #tpu.memory_space<hbm>>
    %dma_start3A_856 = arith.constant 0 : i32
    %dma_start3A_857 = arith.constant 0 : i32
    %dma_start3A_858 = tpu.memref_slice %arg10[%dma_start3A_847, %dma_start3A_856, %dma_start3A_857] : memref<2x1024x32xf32, #tpu.memory_space<vmem>> -> memref<1x1024x32xf32, #tpu.memory_space<vmem>>
    %dma_start3A_859 = tpu.memref_squeeze %dma_start3A_858 : memref<1x1024x32xf32, #tpu.memory_space<vmem>> -> memref<1024x32xf32, #tpu.memory_space<vmem>>
    tpu.enqueue_dma source(%dma_start3A_859 : memref<1024x32xf32, #tpu.memory_space<vmem>>) target(%dma_start3A_855 : memref<1024x32xf32, #tpu.memory_space<hbm>>) target_semaphore(%arg13 : memref<!tpu.dma_semaphore, #tpu.memory_space<semaphore_mem>>)
    %dma_wait3A_860 = arith.constant 1 : i32
    %dma_wait3A_861 = arith.constant 0 : i32
    %dma_wait3A_862 = arith.constant 0 : i32
    %dma_wait3A_863 = tpu.memref_slice %arg10[%dma_wait3A_860, %dma_wait3A_861, %dma_wait3A_862] : memref<2x1024x32xf32, #tpu.memory_space<vmem>> -> memref<1x1024x32xf32, #tpu.memory_space<vmem>>
    %dma_wait3A_864 = tpu.memref_squeeze %dma_wait3A_863 : memref<1x1024x32xf32, #tpu.memory_space<vmem>> -> memref<1024x32xf32, #tpu.memory_space<vmem>>
    %dma_wait3A_865 = arith.constant 0 : i32
    %dma_wait3A_866 = tpu.memref_slice %arg4[%add3A_788, %dma_wait3A_865] : memref<1048576x32xf32, #tpu.memory_space<hbm>> -> memref<1024x32xf32, #tpu.memory_space<hbm>>
    %dma_wait3A_867 = arith.constant 0 : i32
    %dma_wait3A_868 = tpu.memref_slice %arg4[%add3A_788, %dma_wait3A_867] : memref<1048576x32xf32, #tpu.memory_space<hbm>> -> memref<1024x32xf32, #tpu.memory_space<hbm>>
    %dma_wait3A_869 = arith.constant 0 : i32
    %dma_wait3A_870 = arith.constant 0 : i32
    %dma_wait3A_871 = tpu.memref_slice %arg10[%dma_wait3A_860, %dma_wait3A_869, %dma_wait3A_870] : memref<2x1024x32xf32, #tpu.memory_space<vmem>> -> memref<1x1024x32xf32, #tpu.memory_space<vmem>>
    %dma_wait3A_872 = tpu.memref_squeeze %dma_wait3A_871 : memref<1x1024x32xf32, #tpu.memory_space<vmem>> -> memref<1024x32xf32, #tpu.memory_space<vmem>>
    tpu.wait_dma2 semaphore(%arg14 : memref<!tpu.dma_semaphore, #tpu.memory_space<semaphore_mem>>) src(%dma_wait3A_872 : memref<1024x32xf32, #tpu.memory_space<vmem>>) dst(%dma_wait3A_868 : memref<1024x32xf32, #tpu.memory_space<hbm>>)
    %dma_start3A_873 = arith.constant 1 : i32
    %dma_start3A_874 = arith.constant 1 : i32
    %dma_start3A_875 = arith.constant 0 : i32
    %dma_start3A_876 = arith.constant 0 : i32
    %dma_start3A_877 = tpu.memref_slice %arg10[%dma_start3A_874, %dma_start3A_875, %dma_start3A_876] : memref<2x1024x32xf32, #tpu.memory_space<vmem>> -> memref<1x1024x32xf32, #tpu.memory_space<vmem>>
    %dma_start3A_878 = tpu.memref_squeeze %dma_start3A_877 : memref<1x1024x32xf32, #tpu.memory_space<vmem>> -> memref<1024x32xf32, #tpu.memory_space<vmem>>
    %dma_start3A_879 = arith.constant 0 : i32
    %dma_start3A_880 = tpu.memref_slice %arg9[%dma_start3A_873, %dma_start3A_879] : memref<2x1024xi32, #tpu.memory_space<vmem>> -> memref<1x1024xi32, #tpu.memory_space<vmem>>
    %dma_start3A_881 = tpu.memref_squeeze %dma_start3A_880 : memref<1x1024xi32, #tpu.memory_space<vmem>> -> memref<1024xi32, #tpu.memory_space<vmem>>
    %dma_start3A_882 = arith.constant 0 : i32
    %dma_start3A_883 = arith.constant 0 : i32
    %dma_start3A_884 = tpu.memref_slice %arg5[%dma_start3A_882, %dma_start3A_883] : memref<1000x32xf32, #tpu.memory_space<vmem_shared>> -> memref<1000x32xf32, #tpu.memory_space<vmem_shared>>
    tpu.enqueue_indirect_dma source(%dma_start3A_884 : memref<1000x32xf32, #tpu.memory_space<vmem_shared>>) target(%dma_start3A_878 : memref<1024x32xf32, #tpu.memory_space<vmem>>) offsets(%dma_start3A_881 : memref<1024xi32, #tpu.memory_space<vmem>>) semaphore(%arg12 : memref<!tpu.dma_semaphore, #tpu.memory_space<semaphore_mem>>)
    %scan3A_885 = arith.constant 0 : i32
    %scan3A_886 = arith.constant 0 : i32
    %scan3A_887 = arith.constant 64 : i32
    %scan3A_888 = arith.addi %scan3A_886, %scan3A_887 : i32
    %scan3A_889 = arith.constant 1 : i32
    scf.for %scan3A_1866 = %scan3A_886 to %scan3A_888 step %scan3A_889  : i32 {
      %mul3A_1867 = arith.constant 16 : i32
      %mul3A_1868 = arith.muli %scan3A_1866, %mul3A_1867 : i32
      %get3A = arith.index_cast %mul3A_1868 : i32 to index
      %get3A_1869 = tpu.vector_load %arg7[%get3A] {strides = array<i32>} : memref<1024xi32, #tpu.memory_space<vmem>>, vector<16xi32>,
      %add3A_1870 = arith.constant 512 : i32
      %add3A_1871 = vector.broadcast %add3A_1870 : i32 to vector<16xi32>
      %add3A_1872 = arith.addi %get3A_1869, %add3A_1871 : vector<16xi32>
      %mul3A_1873 = arith.constant 16 : i32
      %mul3A_1874 = arith.muli %scan3A_1866, %mul3A_1873 : i32
      %get3A_1875 = arith.index_cast %mul3A_1874 : i32 to index
      %get3A_1876 = tpu.vector_load %arg8[%get3A_1875] {strides = array<i32>} : memref<1024xi32, #tpu.memory_space<vmem>>, vector<16xi32>,
      %shift_right_arithmetic3A = arith.constant 9 : i32
      %shift_right_arithmetic3A_1877 = vector.broadcast %shift_right_arithmetic3A : i32 to vector<16xi32>
      %shift_right_arithmetic3A_1878 = arith.shrsi %add3A_1872, %shift_right_arithmetic3A_1877 : vector<16xi32>
      %broadcast_in_dim3A = arith.constant 0 : i32
      %broadcast_in_dim3A_1879 = vector.broadcast %broadcast_in_dim3A : i32 to vector<16xi32>
      %and3A = arith.constant 511 : i32
      %and3A_1880 = vector.broadcast %and3A : i32 to vector<16xi32>
      %and3A_1881 = arith.andi %add3A_1872, %and3A_1880 : vector<16xi32>
      %gather3A = tpu.vector_load_idx %arg6[%shift_right_arithmetic3A_1878, %get3A_1876, %broadcast_in_dim3A_1879, %and3A_1881] : memref<2x32x1x512xi32, #tpu.memory_space<vmem>>[vector<16xi32>, vector<16xi32>, vector<16xi32>, vector<16xi32>], vector<16xi32>,
      %mul3A_1882 = arith.constant 16 : i32
      %mul3A_1883 = arith.muli %scan3A_1866, %mul3A_1882 : i32
      %swap3A = arith.constant 0 : i32
      %swap3A_1884 = arith.index_cast %swap3A : i32 to index
      %swap3A_1885 = arith.index_cast %mul3A_1883 : i32 to index
      %swap3A_1886 = tpu.vector_load %arg9[%swap3A_1884, %swap3A_1885] {strides = array<i32>} : memref<2x1024xi32, #tpu.memory_space<vmem>>, vector<16xi32>,
      tpu.vector_store %arg9[%swap3A_1884, %swap3A_1885], %gather3A {strides = array<i32>} : memref<2x1024xi32, #tpu.memory_space<vmem>>, vector<16xi32>,
    }
    %scan3A_890 = arith.constant 64 : i32
    %dma_wait3A_891 = arith.constant 1 : i32
    %dma_wait3A_892 = arith.constant 1 : i32
    %dma_wait3A_893 = arith.constant 0 : i32
    %dma_wait3A_894 = arith.constant 0 : i32
    %dma_wait3A_895 = tpu.memref_slice %arg10[%dma_wait3A_892, %dma_wait3A_893, %dma_wait3A_894] : memref<2x1024x32xf32, #tpu.memory_space<vmem>> -> memref<1x1024x32xf32, #tpu.memory_space<vmem>>
    %dma_wait3A_896 = tpu.memref_squeeze %dma_wait3A_895 : memref<1x1024x32xf32, #tpu.memory_space<vmem>> -> memref<1024x32xf32, #tpu.memory_space<vmem>>
    %dma_wait3A_897 = arith.constant 0 : i32
    %dma_wait3A_898 = tpu.memref_slice %arg9[%dma_wait3A_891, %dma_wait3A_897] : memref<2x1024xi32, #tpu.memory_space<vmem>> -> memref<1x1024xi32, #tpu.memory_space<vmem>>
    %dma_wait3A_899 = tpu.memref_squeeze %dma_wait3A_898 : memref<1x1024xi32, #tpu.memory_space<vmem>> -> memref<1024xi32, #tpu.memory_space<vmem>>
    %dma_wait3A_900 = arith.constant 0 : i32
    %dma_wait3A_901 = arith.constant 0 : i32
    %dma_wait3A_902 = tpu.memref_slice %arg5[%dma_wait3A_900, %dma_wait3A_901] : memref<1000x32xf32, #tpu.memory_space<vmem_shared>> -> memref<1000x32xf32, #tpu.memory_space<vmem_shared>>
    tpu.wait_indirect_dma semaphore(%arg12 : memref<!tpu.dma_semaphore, #tpu.memory_space<semaphore_mem>>) src(%dma_wait3A_902 : memref<1000x32xf32, #tpu.memory_space<vmem_shared>>) dst(%dma_wait3A_896 : memref<1024x32xf32, #tpu.memory_space<vmem>>)
    %add3A_903 = arith.constant 15360 : i32
    %add3A_904 = arith.addi %mul3A_2, %add3A_903 : i32
    %dma_start3A_905 = arith.constant 1 : i32
    %dma_start3A_906 = arith.constant 0 : i32
    %dma_start3A_907 = arith.constant 0 : i32
    %dma_start3A_908 = tpu.memref_slice %arg10[%dma_start3A_905, %dma_start3A_906, %dma_start3A_907] : memref<2x1024x32xf32, #tpu.memory_space<vmem>> -> memref<1x1024x32xf32, #tpu.memory_space<vmem>>
    %dma_start3A_909 = tpu.memref_squeeze %dma_start3A_908 : memref<1x1024x32xf32, #tpu.memory_space<vmem>> -> memref<1024x32xf32, #tpu.memory_space<vmem>>
    %dma_start3A_910 = arith.constant 0 : i32
    %dma_start3A_911 = tpu.memref_slice %arg4[%add3A_904, %dma_start3A_910] : memref<1048576x32xf32, #tpu.memory_space<hbm>> -> memref<1024x32xf32, #tpu.memory_space<hbm>>
    %dma_start3A_912 = arith.constant 0 : i32
    %dma_start3A_913 = tpu.memref_slice %arg4[%add3A_904, %dma_start3A_912] : memref<1048576x32xf32, #tpu.memory_space<hbm>> -> memref<1024x32xf32, #tpu.memory_space<hbm>>
    %dma_start3A_914 = arith.constant 0 : i32
    %dma_start3A_915 = arith.constant 0 : i32
    %dma_start3A_916 = tpu.memref_slice %arg10[%dma_start3A_905, %dma_start3A_914, %dma_start3A_915] : memref<2x1024x32xf32, #tpu.memory_space<vmem>> -> memref<1x1024x32xf32, #tpu.memory_space<vmem>>
    %dma_start3A_917 = tpu.memref_squeeze %dma_start3A_916 : memref<1x1024x32xf32, #tpu.memory_space<vmem>> -> memref<1024x32xf32, #tpu.memory_space<vmem>>
    tpu.enqueue_dma source(%dma_start3A_917 : memref<1024x32xf32, #tpu.memory_space<vmem>>) target(%dma_start3A_913 : memref<1024x32xf32, #tpu.memory_space<hbm>>) target_semaphore(%arg14 : memref<!tpu.dma_semaphore, #tpu.memory_space<semaphore_mem>>)
    %dma_wait3A_918 = arith.constant 0 : i32
    %dma_wait3A_919 = arith.constant 0 : i32
    %dma_wait3A_920 = arith.constant 0 : i32
    %dma_wait3A_921 = tpu.memref_slice %arg10[%dma_wait3A_918, %dma_wait3A_919, %dma_wait3A_920] : memref<2x1024x32xf32, #tpu.memory_space<vmem>> -> memref<1x1024x32xf32, #tpu.memory_space<vmem>>
    %dma_wait3A_922 = tpu.memref_squeeze %dma_wait3A_921 : memref<1x1024x32xf32, #tpu.memory_space<vmem>> -> memref<1024x32xf32, #tpu.memory_space<vmem>>
    %dma_wait3A_923 = arith.constant 0 : i32
    %dma_wait3A_924 = tpu.memref_slice %arg4[%add3A_846, %dma_wait3A_923] : memref<1048576x32xf32, #tpu.memory_space<hbm>> -> memref<1024x32xf32, #tpu.memory_space<hbm>>
    %dma_wait3A_925 = arith.constant 0 : i32
    %dma_wait3A_926 = tpu.memref_slice %arg4[%add3A_846, %dma_wait3A_925] : memref<1048576x32xf32, #tpu.memory_space<hbm>> -> memref<1024x32xf32, #tpu.memory_space<hbm>>
    %dma_wait3A_927 = arith.constant 0 : i32
    %dma_wait3A_928 = arith.constant 0 : i32
    %dma_wait3A_929 = tpu.memref_slice %arg10[%dma_wait3A_918, %dma_wait3A_927, %dma_wait3A_928] : memref<2x1024x32xf32, #tpu.memory_space<vmem>> -> memref<1x1024x32xf32, #tpu.memory_space<vmem>>
    %dma_wait3A_930 = tpu.memref_squeeze %dma_wait3A_929 : memref<1x1024x32xf32, #tpu.memory_space<vmem>> -> memref<1024x32xf32, #tpu.memory_space<vmem>>
    tpu.wait_dma2 semaphore(%arg13 : memref<!tpu.dma_semaphore, #tpu.memory_space<semaphore_mem>>) src(%dma_wait3A_930 : memref<1024x32xf32, #tpu.memory_space<vmem>>) dst(%dma_wait3A_926 : memref<1024x32xf32, #tpu.memory_space<hbm>>)
    %dma_start3A_931 = arith.constant 0 : i32
    %dma_start3A_932 = arith.constant 0 : i32
    %dma_start3A_933 = arith.constant 0 : i32
    %dma_start3A_934 = arith.constant 0 : i32
    %dma_start3A_935 = tpu.memref_slice %arg10[%dma_start3A_932, %dma_start3A_933, %dma_start3A_934] : memref<2x1024x32xf32, #tpu.memory_space<vmem>> -> memref<1x1024x32xf32, #tpu.memory_space<vmem>>
    %dma_start3A_936 = tpu.memref_squeeze %dma_start3A_935 : memref<1x1024x32xf32, #tpu.memory_space<vmem>> -> memref<1024x32xf32, #tpu.memory_space<vmem>>
    %dma_start3A_937 = arith.constant 0 : i32
    %dma_start3A_938 = tpu.memref_slice %arg9[%dma_start3A_931, %dma_start3A_937] : memref<2x1024xi32, #tpu.memory_space<vmem>> -> memref<1x1024xi32, #tpu.memory_space<vmem>>
    %dma_start3A_939 = tpu.memref_squeeze %dma_start3A_938 : memref<1x1024xi32, #tpu.memory_space<vmem>> -> memref<1024xi32, #tpu.memory_space<vmem>>
    %dma_start3A_940 = arith.constant 0 : i32
    %dma_start3A_941 = arith.constant 0 : i32
    %dma_start3A_942 = tpu.memref_slice %arg5[%dma_start3A_940, %dma_start3A_941] : memref<1000x32xf32, #tpu.memory_space<vmem_shared>> -> memref<1000x32xf32, #tpu.memory_space<vmem_shared>>
    tpu.enqueue_indirect_dma source(%dma_start3A_942 : memref<1000x32xf32, #tpu.memory_space<vmem_shared>>) target(%dma_start3A_936 : memref<1024x32xf32, #tpu.memory_space<vmem>>) offsets(%dma_start3A_939 : memref<1024xi32, #tpu.memory_space<vmem>>) semaphore(%arg11 : memref<!tpu.dma_semaphore, #tpu.memory_space<semaphore_mem>>)
    %scan3A_943 = arith.constant 0 : i32
    %scan3A_944 = arith.constant 0 : i32
    %scan3A_945 = arith.constant 64 : i32
    %scan3A_946 = arith.addi %scan3A_944, %scan3A_945 : i32
    %scan3A_947 = arith.constant 1 : i32
    scf.for %scan3A_1866 = %scan3A_944 to %scan3A_946 step %scan3A_947  : i32 {
      %mul3A_1867 = arith.constant 16 : i32
      %mul3A_1868 = arith.muli %scan3A_1866, %mul3A_1867 : i32
      %get3A = arith.index_cast %mul3A_1868 : i32 to index
      %get3A_1869 = tpu.vector_load %arg7[%get3A] {strides = array<i32>} : memref<1024xi32, #tpu.memory_space<vmem>>, vector<16xi32>,
      %add3A_1870 = arith.constant 544 : i32
      %add3A_1871 = vector.broadcast %add3A_1870 : i32 to vector<16xi32>
      %add3A_1872 = arith.addi %get3A_1869, %add3A_1871 : vector<16xi32>
      %mul3A_1873 = arith.constant 16 : i32
      %mul3A_1874 = arith.muli %scan3A_1866, %mul3A_1873 : i32
      %get3A_1875 = arith.index_cast %mul3A_1874 : i32 to index
      %get3A_1876 = tpu.vector_load %arg8[%get3A_1875] {strides = array<i32>} : memref<1024xi32, #tpu.memory_space<vmem>>, vector<16xi32>,
      %shift_right_arithmetic3A = arith.constant 9 : i32
      %shift_right_arithmetic3A_1877 = vector.broadcast %shift_right_arithmetic3A : i32 to vector<16xi32>
      %shift_right_arithmetic3A_1878 = arith.shrsi %add3A_1872, %shift_right_arithmetic3A_1877 : vector<16xi32>
      %broadcast_in_dim3A = arith.constant 0 : i32
      %broadcast_in_dim3A_1879 = vector.broadcast %broadcast_in_dim3A : i32 to vector<16xi32>
      %and3A = arith.constant 511 : i32
      %and3A_1880 = vector.broadcast %and3A : i32 to vector<16xi32>
      %and3A_1881 = arith.andi %add3A_1872, %and3A_1880 : vector<16xi32>
      %gather3A = tpu.vector_load_idx %arg6[%shift_right_arithmetic3A_1878, %get3A_1876, %broadcast_in_dim3A_1879, %and3A_1881] : memref<2x32x1x512xi32, #tpu.memory_space<vmem>>[vector<16xi32>, vector<16xi32>, vector<16xi32>, vector<16xi32>], vector<16xi32>,
      %mul3A_1882 = arith.constant 16 : i32
      %mul3A_1883 = arith.muli %scan3A_1866, %mul3A_1882 : i32
      %swap3A = arith.constant 1 : i32
      %swap3A_1884 = arith.index_cast %swap3A : i32 to index
      %swap3A_1885 = arith.index_cast %mul3A_1883 : i32 to index
      %swap3A_1886 = tpu.vector_load %arg9[%swap3A_1884, %swap3A_1885] {strides = array<i32>} : memref<2x1024xi32, #tpu.memory_space<vmem>>, vector<16xi32>,
      tpu.vector_store %arg9[%swap3A_1884, %swap3A_1885], %gather3A {strides = array<i32>} : memref<2x1024xi32, #tpu.memory_space<vmem>>, vector<16xi32>,
    }
    %scan3A_948 = arith.constant 64 : i32
    %dma_wait3A_949 = arith.constant 0 : i32
    %dma_wait3A_950 = arith.constant 0 : i32
    %dma_wait3A_951 = arith.constant 0 : i32
    %dma_wait3A_952 = arith.constant 0 : i32
    %dma_wait3A_953 = tpu.memref_slice %arg10[%dma_wait3A_950, %dma_wait3A_951, %dma_wait3A_952] : memref<2x1024x32xf32, #tpu.memory_space<vmem>> -> memref<1x1024x32xf32, #tpu.memory_space<vmem>>
    %dma_wait3A_954 = tpu.memref_squeeze %dma_wait3A_953 : memref<1x1024x32xf32, #tpu.memory_space<vmem>> -> memref<1024x32xf32, #tpu.memory_space<vmem>>
    %dma_wait3A_955 = arith.constant 0 : i32
    %dma_wait3A_956 = tpu.memref_slice %arg9[%dma_wait3A_949, %dma_wait3A_955] : memref<2x1024xi32, #tpu.memory_space<vmem>> -> memref<1x1024xi32, #tpu.memory_space<vmem>>
    %dma_wait3A_957 = tpu.memref_squeeze %dma_wait3A_956 : memref<1x1024xi32, #tpu.memory_space<vmem>> -> memref<1024xi32, #tpu.memory_space<vmem>>
    %dma_wait3A_958 = arith.constant 0 : i32
    %dma_wait3A_959 = arith.constant 0 : i32
    %dma_wait3A_960 = tpu.memref_slice %arg5[%dma_wait3A_958, %dma_wait3A_959] : memref<1000x32xf32, #tpu.memory_space<vmem_shared>> -> memref<1000x32xf32, #tpu.memory_space<vmem_shared>>
    tpu.wait_indirect_dma semaphore(%arg11 : memref<!tpu.dma_semaphore, #tpu.memory_space<semaphore_mem>>) src(%dma_wait3A_960 : memref<1000x32xf32, #tpu.memory_space<vmem_shared>>) dst(%dma_wait3A_954 : memref<1024x32xf32, #tpu.memory_space<vmem>>)
    %add3A_961 = arith.constant 16384 : i32
    %add3A_962 = arith.addi %mul3A_2, %add3A_961 : i32
    %dma_start3A_963 = arith.constant 0 : i32
    %dma_start3A_964 = arith.constant 0 : i32
    %dma_start3A_965 = arith.constant 0 : i32
    %dma_start3A_966 = tpu.memref_slice %arg10[%dma_start3A_963, %dma_start3A_964, %dma_start3A_965] : memref<2x1024x32xf32, #tpu.memory_space<vmem>> -> memref<1x1024x32xf32, #tpu.memory_space<vmem>>
    %dma_start3A_967 = tpu.memref_squeeze %dma_start3A_966 : memref<1x1024x32xf32, #tpu.memory_space<vmem>> -> memref<1024x32xf32, #tpu.memory_space<vmem>>
    %dma_start3A_968 = arith.constant 0 : i32
    %dma_start3A_969 = tpu.memref_slice %arg4[%add3A_962, %dma_start3A_968] : memref<1048576x32xf32, #tpu.memory_space<hbm>> -> memref<1024x32xf32, #tpu.memory_space<hbm>>
    %dma_start3A_970 = arith.constant 0 : i32
    %dma_start3A_971 = tpu.memref_slice %arg4[%add3A_962, %dma_start3A_970] : memref<1048576x32xf32, #tpu.memory_space<hbm>> -> memref<1024x32xf32, #tpu.memory_space<hbm>>
    %dma_start3A_972 = arith.constant 0 : i32
    %dma_start3A_973 = arith.constant 0 : i32
    %dma_start3A_974 = tpu.memref_slice %arg10[%dma_start3A_963, %dma_start3A_972, %dma_start3A_973] : memref<2x1024x32xf32, #tpu.memory_space<vmem>> -> memref<1x1024x32xf32, #tpu.memory_space<vmem>>
    %dma_start3A_975 = tpu.memref_squeeze %dma_start3A_974 : memref<1x1024x32xf32, #tpu.memory_space<vmem>> -> memref<1024x32xf32, #tpu.memory_space<vmem>>
    tpu.enqueue_dma source(%dma_start3A_975 : memref<1024x32xf32, #tpu.memory_space<vmem>>) target(%dma_start3A_971 : memref<1024x32xf32, #tpu.memory_space<hbm>>) target_semaphore(%arg13 : memref<!tpu.dma_semaphore, #tpu.memory_space<semaphore_mem>>)
    %dma_wait3A_976 = arith.constant 1 : i32
    %dma_wait3A_977 = arith.constant 0 : i32
    %dma_wait3A_978 = arith.constant 0 : i32
    %dma_wait3A_979 = tpu.memref_slice %arg10[%dma_wait3A_976, %dma_wait3A_977, %dma_wait3A_978] : memref<2x1024x32xf32, #tpu.memory_space<vmem>> -> memref<1x1024x32xf32, #tpu.memory_space<vmem>>
    %dma_wait3A_980 = tpu.memref_squeeze %dma_wait3A_979 : memref<1x1024x32xf32, #tpu.memory_space<vmem>> -> memref<1024x32xf32, #tpu.memory_space<vmem>>
    %dma_wait3A_981 = arith.constant 0 : i32
    %dma_wait3A_982 = tpu.memref_slice %arg4[%add3A_904, %dma_wait3A_981] : memref<1048576x32xf32, #tpu.memory_space<hbm>> -> memref<1024x32xf32, #tpu.memory_space<hbm>>
    %dma_wait3A_983 = arith.constant 0 : i32
    %dma_wait3A_984 = tpu.memref_slice %arg4[%add3A_904, %dma_wait3A_983] : memref<1048576x32xf32, #tpu.memory_space<hbm>> -> memref<1024x32xf32, #tpu.memory_space<hbm>>
    %dma_wait3A_985 = arith.constant 0 : i32
    %dma_wait3A_986 = arith.constant 0 : i32
    %dma_wait3A_987 = tpu.memref_slice %arg10[%dma_wait3A_976, %dma_wait3A_985, %dma_wait3A_986] : memref<2x1024x32xf32, #tpu.memory_space<vmem>> -> memref<1x1024x32xf32, #tpu.memory_space<vmem>>
    %dma_wait3A_988 = tpu.memref_squeeze %dma_wait3A_987 : memref<1x1024x32xf32, #tpu.memory_space<vmem>> -> memref<1024x32xf32, #tpu.memory_space<vmem>>
    tpu.wait_dma2 semaphore(%arg14 : memref<!tpu.dma_semaphore, #tpu.memory_space<semaphore_mem>>) src(%dma_wait3A_988 : memref<1024x32xf32, #tpu.memory_space<vmem>>) dst(%dma_wait3A_984 : memref<1024x32xf32, #tpu.memory_space<hbm>>)
    %dma_start3A_989 = arith.constant 1 : i32
    %dma_start3A_990 = arith.constant 1 : i32
    %dma_start3A_991 = arith.constant 0 : i32
    %dma_start3A_992 = arith.constant 0 : i32
    %dma_start3A_993 = tpu.memref_slice %arg10[%dma_start3A_990, %dma_start3A_991, %dma_start3A_992] : memref<2x1024x32xf32, #tpu.memory_space<vmem>> -> memref<1x1024x32xf32, #tpu.memory_space<vmem>>
    %dma_start3A_994 = tpu.memref_squeeze %dma_start3A_993 : memref<1x1024x32xf32, #tpu.memory_space<vmem>> -> memref<1024x32xf32, #tpu.memory_space<vmem>>
    %dma_start3A_995 = arith.constant 0 : i32
    %dma_start3A_996 = tpu.memref_slice %arg9[%dma_start3A_989, %dma_start3A_995] : memref<2x1024xi32, #tpu.memory_space<vmem>> -> memref<1x1024xi32, #tpu.memory_space<vmem>>
    %dma_start3A_997 = tpu.memref_squeeze %dma_start3A_996 : memref<1x1024xi32, #tpu.memory_space<vmem>> -> memref<1024xi32, #tpu.memory_space<vmem>>
    %dma_start3A_998 = arith.constant 0 : i32
    %dma_start3A_999 = arith.constant 0 : i32
    %dma_start3A_1000 = tpu.memref_slice %arg5[%dma_start3A_998, %dma_start3A_999] : memref<1000x32xf32, #tpu.memory_space<vmem_shared>> -> memref<1000x32xf32, #tpu.memory_space<vmem_shared>>
    tpu.enqueue_indirect_dma source(%dma_start3A_1000 : memref<1000x32xf32, #tpu.memory_space<vmem_shared>>) target(%dma_start3A_994 : memref<1024x32xf32, #tpu.memory_space<vmem>>) offsets(%dma_start3A_997 : memref<1024xi32, #tpu.memory_space<vmem>>) semaphore(%arg12 : memref<!tpu.dma_semaphore, #tpu.memory_space<semaphore_mem>>)
    %scan3A_1001 = arith.constant 0 : i32
    %scan3A_1002 = arith.constant 0 : i32
    %scan3A_1003 = arith.constant 64 : i32
    %scan3A_1004 = arith.addi %scan3A_1002, %scan3A_1003 : i32
    %scan3A_1005 = arith.constant 1 : i32
    scf.for %scan3A_1866 = %scan3A_1002 to %scan3A_1004 step %scan3A_1005  : i32 {
      %mul3A_1867 = arith.constant 16 : i32
      %mul3A_1868 = arith.muli %scan3A_1866, %mul3A_1867 : i32
      %get3A = arith.index_cast %mul3A_1868 : i32 to index
      %get3A_1869 = tpu.vector_load %arg7[%get3A] {strides = array<i32>} : memref<1024xi32, #tpu.memory_space<vmem>>, vector<16xi32>,
      %add3A_1870 = arith.constant 576 : i32
      %add3A_1871 = vector.broadcast %add3A_1870 : i32 to vector<16xi32>
      %add3A_1872 = arith.addi %get3A_1869, %add3A_1871 : vector<16xi32>
      %mul3A_1873 = arith.constant 16 : i32
      %mul3A_1874 = arith.muli %scan3A_1866, %mul3A_1873 : i32
      %get3A_1875 = arith.index_cast %mul3A_1874 : i32 to index
      %get3A_1876 = tpu.vector_load %arg8[%get3A_1875] {strides = array<i32>} : memref<1024xi32, #tpu.memory_space<vmem>>, vector<16xi32>,
      %shift_right_arithmetic3A = arith.constant 9 : i32
      %shift_right_arithmetic3A_1877 = vector.broadcast %shift_right_arithmetic3A : i32 to vector<16xi32>
      %shift_right_arithmetic3A_1878 = arith.shrsi %add3A_1872, %shift_right_arithmetic3A_1877 : vector<16xi32>
      %broadcast_in_dim3A = arith.constant 0 : i32
      %broadcast_in_dim3A_1879 = vector.broadcast %broadcast_in_dim3A : i32 to vector<16xi32>
      %and3A = arith.constant 511 : i32
      %and3A_1880 = vector.broadcast %and3A : i32 to vector<16xi32>
      %and3A_1881 = arith.andi %add3A_1872, %and3A_1880 : vector<16xi32>
      %gather3A = tpu.vector_load_idx %arg6[%shift_right_arithmetic3A_1878, %get3A_1876, %broadcast_in_dim3A_1879, %and3A_1881] : memref<2x32x1x512xi32, #tpu.memory_space<vmem>>[vector<16xi32>, vector<16xi32>, vector<16xi32>, vector<16xi32>], vector<16xi32>,
      %mul3A_1882 = arith.constant 16 : i32
      %mul3A_1883 = arith.muli %scan3A_1866, %mul3A_1882 : i32
      %swap3A = arith.constant 0 : i32
      %swap3A_1884 = arith.index_cast %swap3A : i32 to index
      %swap3A_1885 = arith.index_cast %mul3A_1883 : i32 to index
      %swap3A_1886 = tpu.vector_load %arg9[%swap3A_1884, %swap3A_1885] {strides = array<i32>} : memref<2x1024xi32, #tpu.memory_space<vmem>>, vector<16xi32>,
      tpu.vector_store %arg9[%swap3A_1884, %swap3A_1885], %gather3A {strides = array<i32>} : memref<2x1024xi32, #tpu.memory_space<vmem>>, vector<16xi32>,
    }
    %scan3A_1006 = arith.constant 64 : i32
    %dma_wait3A_1007 = arith.constant 1 : i32
    %dma_wait3A_1008 = arith.constant 1 : i32
    %dma_wait3A_1009 = arith.constant 0 : i32
    %dma_wait3A_1010 = arith.constant 0 : i32
    %dma_wait3A_1011 = tpu.memref_slice %arg10[%dma_wait3A_1008, %dma_wait3A_1009, %dma_wait3A_1010] : memref<2x1024x32xf32, #tpu.memory_space<vmem>> -> memref<1x1024x32xf32, #tpu.memory_space<vmem>>
    %dma_wait3A_1012 = tpu.memref_squeeze %dma_wait3A_1011 : memref<1x1024x32xf32, #tpu.memory_space<vmem>> -> memref<1024x32xf32, #tpu.memory_space<vmem>>
    %dma_wait3A_1013 = arith.constant 0 : i32
    %dma_wait3A_1014 = tpu.memref_slice %arg9[%dma_wait3A_1007, %dma_wait3A_1013] : memref<2x1024xi32, #tpu.memory_space<vmem>> -> memref<1x1024xi32, #tpu.memory_space<vmem>>
    %dma_wait3A_1015 = tpu.memref_squeeze %dma_wait3A_1014 : memref<1x1024xi32, #tpu.memory_space<vmem>> -> memref<1024xi32, #tpu.memory_space<vmem>>
    %dma_wait3A_1016 = arith.constant 0 : i32
    %dma_wait3A_1017 = arith.constant 0 : i32
    %dma_wait3A_1018 = tpu.memref_slice %arg5[%dma_wait3A_1016, %dma_wait3A_1017] : memref<1000x32xf32, #tpu.memory_space<vmem_shared>> -> memref<1000x32xf32, #tpu.memory_space<vmem_shared>>
    tpu.wait_indirect_dma semaphore(%arg12 : memref<!tpu.dma_semaphore, #tpu.memory_space<semaphore_mem>>) src(%dma_wait3A_1018 : memref<1000x32xf32, #tpu.memory_space<vmem_shared>>) dst(%dma_wait3A_1012 : memref<1024x32xf32, #tpu.memory_space<vmem>>)
    %add3A_1019 = arith.constant 17408 : i32
    %add3A_1020 = arith.addi %mul3A_2, %add3A_1019 : i32
    %dma_start3A_1021 = arith.constant 1 : i32
    %dma_start3A_1022 = arith.constant 0 : i32
    %dma_start3A_1023 = arith.constant 0 : i32
    %dma_start3A_1024 = tpu.memref_slice %arg10[%dma_start3A_1021, %dma_start3A_1022, %dma_start3A_1023] : memref<2x1024x32xf32, #tpu.memory_space<vmem>> -> memref<1x1024x32xf32, #tpu.memory_space<vmem>>
    %dma_start3A_1025 = tpu.memref_squeeze %dma_start3A_1024 : memref<1x1024x32xf32, #tpu.memory_space<vmem>> -> memref<1024x32xf32, #tpu.memory_space<vmem>>
    %dma_start3A_1026 = arith.constant 0 : i32
    %dma_start3A_1027 = tpu.memref_slice %arg4[%add3A_1020, %dma_start3A_1026] : memref<1048576x32xf32, #tpu.memory_space<hbm>> -> memref<1024x32xf32, #tpu.memory_space<hbm>>
    %dma_start3A_1028 = arith.constant 0 : i32
    %dma_start3A_1029 = tpu.memref_slice %arg4[%add3A_1020, %dma_start3A_1028] : memref<1048576x32xf32, #tpu.memory_space<hbm>> -> memref<1024x32xf32, #tpu.memory_space<hbm>>
    %dma_start3A_1030 = arith.constant 0 : i32
    %dma_start3A_1031 = arith.constant 0 : i32
    %dma_start3A_1032 = tpu.memref_slice %arg10[%dma_start3A_1021, %dma_start3A_1030, %dma_start3A_1031] : memref<2x1024x32xf32, #tpu.memory_space<vmem>> -> memref<1x1024x32xf32, #tpu.memory_space<vmem>>
    %dma_start3A_1033 = tpu.memref_squeeze %dma_start3A_1032 : memref<1x1024x32xf32, #tpu.memory_space<vmem>> -> memref<1024x32xf32, #tpu.memory_space<vmem>>
    tpu.enqueue_dma source(%dma_start3A_1033 : memref<1024x32xf32, #tpu.memory_space<vmem>>) target(%dma_start3A_1029 : memref<1024x32xf32, #tpu.memory_space<hbm>>) target_semaphore(%arg14 : memref<!tpu.dma_semaphore, #tpu.memory_space<semaphore_mem>>)
    %dma_wait3A_1034 = arith.constant 0 : i32
    %dma_wait3A_1035 = arith.constant 0 : i32
    %dma_wait3A_1036 = arith.constant 0 : i32
    %dma_wait3A_1037 = tpu.memref_slice %arg10[%dma_wait3A_1034, %dma_wait3A_1035, %dma_wait3A_1036] : memref<2x1024x32xf32, #tpu.memory_space<vmem>> -> memref<1x1024x32xf32, #tpu.memory_space<vmem>>
    %dma_wait3A_1038 = tpu.memref_squeeze %dma_wait3A_1037 : memref<1x1024x32xf32, #tpu.memory_space<vmem>> -> memref<1024x32xf32, #tpu.memory_space<vmem>>
    %dma_wait3A_1039 = arith.constant 0 : i32
    %dma_wait3A_1040 = tpu.memref_slice %arg4[%add3A_962, %dma_wait3A_1039] : memref<1048576x32xf32, #tpu.memory_space<hbm>> -> memref<1024x32xf32, #tpu.memory_space<hbm>>
    %dma_wait3A_1041 = arith.constant 0 : i32
    %dma_wait3A_1042 = tpu.memref_slice %arg4[%add3A_962, %dma_wait3A_1041] : memref<1048576x32xf32, #tpu.memory_space<hbm>> -> memref<1024x32xf32, #tpu.memory_space<hbm>>
    %dma_wait3A_1043 = arith.constant 0 : i32
    %dma_wait3A_1044 = arith.constant 0 : i32
    %dma_wait3A_1045 = tpu.memref_slice %arg10[%dma_wait3A_1034, %dma_wait3A_1043, %dma_wait3A_1044] : memref<2x1024x32xf32, #tpu.memory_space<vmem>> -> memref<1x1024x32xf32, #tpu.memory_space<vmem>>
    %dma_wait3A_1046 = tpu.memref_squeeze %dma_wait3A_1045 : memref<1x1024x32xf32, #tpu.memory_space<vmem>> -> memref<1024x32xf32, #tpu.memory_space<vmem>>
    tpu.wait_dma2 semaphore(%arg13 : memref<!tpu.dma_semaphore, #tpu.memory_space<semaphore_mem>>) src(%dma_wait3A_1046 : memref<1024x32xf32, #tpu.memory_space<vmem>>) dst(%dma_wait3A_1042 : memref<1024x32xf32, #tpu.memory_space<hbm>>)
    %dma_start3A_1047 = arith.constant 0 : i32
    %dma_start3A_1048 = arith.constant 0 : i32
    %dma_start3A_1049 = arith.constant 0 : i32
    %dma_start3A_1050 = arith.constant 0 : i32
    %dma_start3A_1051 = tpu.memref_slice %arg10[%dma_start3A_1048, %dma_start3A_1049, %dma_start3A_1050] : memref<2x1024x32xf32, #tpu.memory_space<vmem>> -> memref<1x1024x32xf32, #tpu.memory_space<vmem>>
    %dma_start3A_1052 = tpu.memref_squeeze %dma_start3A_1051 : memref<1x1024x32xf32, #tpu.memory_space<vmem>> -> memref<1024x32xf32, #tpu.memory_space<vmem>>
    %dma_start3A_1053 = arith.constant 0 : i32
    %dma_start3A_1054 = tpu.memref_slice %arg9[%dma_start3A_1047, %dma_start3A_1053] : memref<2x1024xi32, #tpu.memory_space<vmem>> -> memref<1x1024xi32, #tpu.memory_space<vmem>>
    %dma_start3A_1055 = tpu.memref_squeeze %dma_start3A_1054 : memref<1x1024xi32, #tpu.memory_space<vmem>> -> memref<1024xi32, #tpu.memory_space<vmem>>
    %dma_start3A_1056 = arith.constant 0 : i32
    %dma_start3A_1057 = arith.constant 0 : i32
    %dma_start3A_1058 = tpu.memref_slice %arg5[%dma_start3A_1056, %dma_start3A_1057] : memref<1000x32xf32, #tpu.memory_space<vmem_shared>> -> memref<1000x32xf32, #tpu.memory_space<vmem_shared>>
    tpu.enqueue_indirect_dma source(%dma_start3A_1058 : memref<1000x32xf32, #tpu.memory_space<vmem_shared>>) target(%dma_start3A_1052 : memref<1024x32xf32, #tpu.memory_space<vmem>>) offsets(%dma_start3A_1055 : memref<1024xi32, #tpu.memory_space<vmem>>) semaphore(%arg11 : memref<!tpu.dma_semaphore, #tpu.memory_space<semaphore_mem>>)
    %scan3A_1059 = arith.constant 0 : i32
    %scan3A_1060 = arith.constant 0 : i32
    %scan3A_1061 = arith.constant 64 : i32
    %scan3A_1062 = arith.addi %scan3A_1060, %scan3A_1061 : i32
    %scan3A_1063 = arith.constant 1 : i32
    scf.for %scan3A_1866 = %scan3A_1060 to %scan3A_1062 step %scan3A_1063  : i32 {
      %mul3A_1867 = arith.constant 16 : i32
      %mul3A_1868 = arith.muli %scan3A_1866, %mul3A_1867 : i32
      %get3A = arith.index_cast %mul3A_1868 : i32 to index
      %get3A_1869 = tpu.vector_load %arg7[%get3A] {strides = array<i32>} : memref<1024xi32, #tpu.memory_space<vmem>>, vector<16xi32>,
      %add3A_1870 = arith.constant 608 : i32
      %add3A_1871 = vector.broadcast %add3A_1870 : i32 to vector<16xi32>
      %add3A_1872 = arith.addi %get3A_1869, %add3A_1871 : vector<16xi32>
      %mul3A_1873 = arith.constant 16 : i32
      %mul3A_1874 = arith.muli %scan3A_1866, %mul3A_1873 : i32
      %get3A_1875 = arith.index_cast %mul3A_1874 : i32 to index
      %get3A_1876 = tpu.vector_load %arg8[%get3A_1875] {strides = array<i32>} : memref<1024xi32, #tpu.memory_space<vmem>>, vector<16xi32>,
      %shift_right_arithmetic3A = arith.constant 9 : i32
      %shift_right_arithmetic3A_1877 = vector.broadcast %shift_right_arithmetic3A : i32 to vector<16xi32>
      %shift_right_arithmetic3A_1878 = arith.shrsi %add3A_1872, %shift_right_arithmetic3A_1877 : vector<16xi32>
      %broadcast_in_dim3A = arith.constant 0 : i32
      %broadcast_in_dim3A_1879 = vector.broadcast %broadcast_in_dim3A : i32 to vector<16xi32>
      %and3A = arith.constant 511 : i32
      %and3A_1880 = vector.broadcast %and3A : i32 to vector<16xi32>
      %and3A_1881 = arith.andi %add3A_1872, %and3A_1880 : vector<16xi32>
      %gather3A = tpu.vector_load_idx %arg6[%shift_right_arithmetic3A_1878, %get3A_1876, %broadcast_in_dim3A_1879, %and3A_1881] : memref<2x32x1x512xi32, #tpu.memory_space<vmem>>[vector<16xi32>, vector<16xi32>, vector<16xi32>, vector<16xi32>], vector<16xi32>,
      %mul3A_1882 = arith.constant 16 : i32
      %mul3A_1883 = arith.muli %scan3A_1866, %mul3A_1882 : i32
      %swap3A = arith.constant 1 : i32
      %swap3A_1884 = arith.index_cast %swap3A : i32 to index
      %swap3A_1885 = arith.index_cast %mul3A_1883 : i32 to index
      %swap3A_1886 = tpu.vector_load %arg9[%swap3A_1884, %swap3A_1885] {strides = array<i32>} : memref<2x1024xi32, #tpu.memory_space<vmem>>, vector<16xi32>,
      tpu.vector_store %arg9[%swap3A_1884, %swap3A_1885], %gather3A {strides = array<i32>} : memref<2x1024xi32, #tpu.memory_space<vmem>>, vector<16xi32>,
    }
    %scan3A_1064 = arith.constant 64 : i32
    %dma_wait3A_1065 = arith.constant 0 : i32
    %dma_wait3A_1066 = arith.constant 0 : i32
    %dma_wait3A_1067 = arith.constant 0 : i32
    %dma_wait3A_1068 = arith.constant 0 : i32
    %dma_wait3A_1069 = tpu.memref_slice %arg10[%dma_wait3A_1066, %dma_wait3A_1067, %dma_wait3A_1068] : memref<2x1024x32xf32, #tpu.memory_space<vmem>> -> memref<1x1024x32xf32, #tpu.memory_space<vmem>>
    %dma_wait3A_1070 = tpu.memref_squeeze %dma_wait3A_1069 : memref<1x1024x32xf32, #tpu.memory_space<vmem>> -> memref<1024x32xf32, #tpu.memory_space<vmem>>
    %dma_wait3A_1071 = arith.constant 0 : i32
    %dma_wait3A_1072 = tpu.memref_slice %arg9[%dma_wait3A_1065, %dma_wait3A_1071] : memref<2x1024xi32, #tpu.memory_space<vmem>> -> memref<1x1024xi32, #tpu.memory_space<vmem>>
    %dma_wait3A_1073 = tpu.memref_squeeze %dma_wait3A_1072 : memref<1x1024xi32, #tpu.memory_space<vmem>> -> memref<1024xi32, #tpu.memory_space<vmem>>
    %dma_wait3A_1074 = arith.constant 0 : i32
    %dma_wait3A_1075 = arith.constant 0 : i32
    %dma_wait3A_1076 = tpu.memref_slice %arg5[%dma_wait3A_1074, %dma_wait3A_1075] : memref<1000x32xf32, #tpu.memory_space<vmem_shared>> -> memref<1000x32xf32, #tpu.memory_space<vmem_shared>>
    tpu.wait_indirect_dma semaphore(%arg11 : memref<!tpu.dma_semaphore, #tpu.memory_space<semaphore_mem>>) src(%dma_wait3A_1076 : memref<1000x32xf32, #tpu.memory_space<vmem_shared>>) dst(%dma_wait3A_1070 : memref<1024x32xf32, #tpu.memory_space<vmem>>)
    %add3A_1077 = arith.constant 18432 : i32
    %add3A_1078 = arith.addi %mul3A_2, %add3A_1077 : i32
    %dma_start3A_1079 = arith.constant 0 : i32
    %dma_start3A_1080 = arith.constant 0 : i32
    %dma_start3A_1081 = arith.constant 0 : i32
    %dma_start3A_1082 = tpu.memref_slice %arg10[%dma_start3A_1079, %dma_start3A_1080, %dma_start3A_1081] : memref<2x1024x32xf32, #tpu.memory_space<vmem>> -> memref<1x1024x32xf32, #tpu.memory_space<vmem>>
    %dma_start3A_1083 = tpu.memref_squeeze %dma_start3A_1082 : memref<1x1024x32xf32, #tpu.memory_space<vmem>> -> memref<1024x32xf32, #tpu.memory_space<vmem>>
    %dma_start3A_1084 = arith.constant 0 : i32
    %dma_start3A_1085 = tpu.memref_slice %arg4[%add3A_1078, %dma_start3A_1084] : memref<1048576x32xf32, #tpu.memory_space<hbm>> -> memref<1024x32xf32, #tpu.memory_space<hbm>>
    %dma_start3A_1086 = arith.constant 0 : i32
    %dma_start3A_1087 = tpu.memref_slice %arg4[%add3A_1078, %dma_start3A_1086] : memref<1048576x32xf32, #tpu.memory_space<hbm>> -> memref<1024x32xf32, #tpu.memory_space<hbm>>
    %dma_start3A_1088 = arith.constant 0 : i32
    %dma_start3A_1089 = arith.constant 0 : i32
    %dma_start3A_1090 = tpu.memref_slice %arg10[%dma_start3A_1079, %dma_start3A_1088, %dma_start3A_1089] : memref<2x1024x32xf32, #tpu.memory_space<vmem>> -> memref<1x1024x32xf32, #tpu.memory_space<vmem>>
    %dma_start3A_1091 = tpu.memref_squeeze %dma_start3A_1090 : memref<1x1024x32xf32, #tpu.memory_space<vmem>> -> memref<1024x32xf32, #tpu.memory_space<vmem>>
    tpu.enqueue_dma source(%dma_start3A_1091 : memref<1024x32xf32, #tpu.memory_space<vmem>>) target(%dma_start3A_1087 : memref<1024x32xf32, #tpu.memory_space<hbm>>) target_semaphore(%arg13 : memref<!tpu.dma_semaphore, #tpu.memory_space<semaphore_mem>>)
    %dma_wait3A_1092 = arith.constant 1 : i32
    %dma_wait3A_1093 = arith.constant 0 : i32
    %dma_wait3A_1094 = arith.constant 0 : i32
    %dma_wait3A_1095 = tpu.memref_slice %arg10[%dma_wait3A_1092, %dma_wait3A_1093, %dma_wait3A_1094] : memref<2x1024x32xf32, #tpu.memory_space<vmem>> -> memref<1x1024x32xf32, #tpu.memory_space<vmem>>
    %dma_wait3A_1096 = tpu.memref_squeeze %dma_wait3A_1095 : memref<1x1024x32xf32, #tpu.memory_space<vmem>> -> memref<1024x32xf32, #tpu.memory_space<vmem>>
    %dma_wait3A_1097 = arith.constant 0 : i32
    %dma_wait3A_1098 = tpu.memref_slice %arg4[%add3A_1020, %dma_wait3A_1097] : memref<1048576x32xf32, #tpu.memory_space<hbm>> -> memref<1024x32xf32, #tpu.memory_space<hbm>>
    %dma_wait3A_1099 = arith.constant 0 : i32
    %dma_wait3A_1100 = tpu.memref_slice %arg4[%add3A_1020, %dma_wait3A_1099] : memref<1048576x32xf32, #tpu.memory_space<hbm>> -> memref<1024x32xf32, #tpu.memory_space<hbm>>
    %dma_wait3A_1101 = arith.constant 0 : i32
    %dma_wait3A_1102 = arith.constant 0 : i32
    %dma_wait3A_1103 = tpu.memref_slice %arg10[%dma_wait3A_1092, %dma_wait3A_1101, %dma_wait3A_1102] : memref<2x1024x32xf32, #tpu.memory_space<vmem>> -> memref<1x1024x32xf32, #tpu.memory_space<vmem>>
    %dma_wait3A_1104 = tpu.memref_squeeze %dma_wait3A_1103 : memref<1x1024x32xf32, #tpu.memory_space<vmem>> -> memref<1024x32xf32, #tpu.memory_space<vmem>>
    tpu.wait_dma2 semaphore(%arg14 : memref<!tpu.dma_semaphore, #tpu.memory_space<semaphore_mem>>) src(%dma_wait3A_1104 : memref<1024x32xf32, #tpu.memory_space<vmem>>) dst(%dma_wait3A_1100 : memref<1024x32xf32, #tpu.memory_space<hbm>>)
    %dma_start3A_1105 = arith.constant 1 : i32
    %dma_start3A_1106 = arith.constant 1 : i32
    %dma_start3A_1107 = arith.constant 0 : i32
    %dma_start3A_1108 = arith.constant 0 : i32
    %dma_start3A_1109 = tpu.memref_slice %arg10[%dma_start3A_1106, %dma_start3A_1107, %dma_start3A_1108] : memref<2x1024x32xf32, #tpu.memory_space<vmem>> -> memref<1x1024x32xf32, #tpu.memory_space<vmem>>
    %dma_start3A_1110 = tpu.memref_squeeze %dma_start3A_1109 : memref<1x1024x32xf32, #tpu.memory_space<vmem>> -> memref<1024x32xf32, #tpu.memory_space<vmem>>
    %dma_start3A_1111 = arith.constant 0 : i32
    %dma_start3A_1112 = tpu.memref_slice %arg9[%dma_start3A_1105, %dma_start3A_1111] : memref<2x1024xi32, #tpu.memory_space<vmem>> -> memref<1x1024xi32, #tpu.memory_space<vmem>>
    %dma_start3A_1113 = tpu.memref_squeeze %dma_start3A_1112 : memref<1x1024xi32, #tpu.memory_space<vmem>> -> memref<1024xi32, #tpu.memory_space<vmem>>
    %dma_start3A_1114 = arith.constant 0 : i32
    %dma_start3A_1115 = arith.constant 0 : i32
    %dma_start3A_1116 = tpu.memref_slice %arg5[%dma_start3A_1114, %dma_start3A_1115] : memref<1000x32xf32, #tpu.memory_space<vmem_shared>> -> memref<1000x32xf32, #tpu.memory_space<vmem_shared>>
    tpu.enqueue_indirect_dma source(%dma_start3A_1116 : memref<1000x32xf32, #tpu.memory_space<vmem_shared>>) target(%dma_start3A_1110 : memref<1024x32xf32, #tpu.memory_space<vmem>>) offsets(%dma_start3A_1113 : memref<1024xi32, #tpu.memory_space<vmem>>) semaphore(%arg12 : memref<!tpu.dma_semaphore, #tpu.memory_space<semaphore_mem>>)
    %scan3A_1117 = arith.constant 0 : i32
    %scan3A_1118 = arith.constant 0 : i32
    %scan3A_1119 = arith.constant 64 : i32
    %scan3A_1120 = arith.addi %scan3A_1118, %scan3A_1119 : i32
    %scan3A_1121 = arith.constant 1 : i32
    scf.for %scan3A_1866 = %scan3A_1118 to %scan3A_1120 step %scan3A_1121  : i32 {
      %mul3A_1867 = arith.constant 16 : i32
      %mul3A_1868 = arith.muli %scan3A_1866, %mul3A_1867 : i32
      %get3A = arith.index_cast %mul3A_1868 : i32 to index
      %get3A_1869 = tpu.vector_load %arg7[%get3A] {strides = array<i32>} : memref<1024xi32, #tpu.memory_space<vmem>>, vector<16xi32>,
      %add3A_1870 = arith.constant 640 : i32
      %add3A_1871 = vector.broadcast %add3A_1870 : i32 to vector<16xi32>
      %add3A_1872 = arith.addi %get3A_1869, %add3A_1871 : vector<16xi32>
      %mul3A_1873 = arith.constant 16 : i32
      %mul3A_1874 = arith.muli %scan3A_1866, %mul3A_1873 : i32
      %get3A_1875 = arith.index_cast %mul3A_1874 : i32 to index
      %get3A_1876 = tpu.vector_load %arg8[%get3A_1875] {strides = array<i32>} : memref<1024xi32, #tpu.memory_space<vmem>>, vector<16xi32>,
      %shift_right_arithmetic3A = arith.constant 9 : i32
      %shift_right_arithmetic3A_1877 = vector.broadcast %shift_right_arithmetic3A : i32 to vector<16xi32>
      %shift_right_arithmetic3A_1878 = arith.shrsi %add3A_1872, %shift_right_arithmetic3A_1877 : vector<16xi32>
      %broadcast_in_dim3A = arith.constant 0 : i32
      %broadcast_in_dim3A_1879 = vector.broadcast %broadcast_in_dim3A : i32 to vector<16xi32>
      %and3A = arith.constant 511 : i32
      %and3A_1880 = vector.broadcast %and3A : i32 to vector<16xi32>
      %and3A_1881 = arith.andi %add3A_1872, %and3A_1880 : vector<16xi32>
      %gather3A = tpu.vector_load_idx %arg6[%shift_right_arithmetic3A_1878, %get3A_1876, %broadcast_in_dim3A_1879, %and3A_1881] : memref<2x32x1x512xi32, #tpu.memory_space<vmem>>[vector<16xi32>, vector<16xi32>, vector<16xi32>, vector<16xi32>], vector<16xi32>,
      %mul3A_1882 = arith.constant 16 : i32
      %mul3A_1883 = arith.muli %scan3A_1866, %mul3A_1882 : i32
      %swap3A = arith.constant 0 : i32
      %swap3A_1884 = arith.index_cast %swap3A : i32 to index
      %swap3A_1885 = arith.index_cast %mul3A_1883 : i32 to index
      %swap3A_1886 = tpu.vector_load %arg9[%swap3A_1884, %swap3A_1885] {strides = array<i32>} : memref<2x1024xi32, #tpu.memory_space<vmem>>, vector<16xi32>,
      tpu.vector_store %arg9[%swap3A_1884, %swap3A_1885], %gather3A {strides = array<i32>} : memref<2x1024xi32, #tpu.memory_space<vmem>>, vector<16xi32>,
    }
    %scan3A_1122 = arith.constant 64 : i32
    %dma_wait3A_1123 = arith.constant 1 : i32
    %dma_wait3A_1124 = arith.constant 1 : i32
    %dma_wait3A_1125 = arith.constant 0 : i32
    %dma_wait3A_1126 = arith.constant 0 : i32
    %dma_wait3A_1127 = tpu.memref_slice %arg10[%dma_wait3A_1124, %dma_wait3A_1125, %dma_wait3A_1126] : memref<2x1024x32xf32, #tpu.memory_space<vmem>> -> memref<1x1024x32xf32, #tpu.memory_space<vmem>>
    %dma_wait3A_1128 = tpu.memref_squeeze %dma_wait3A_1127 : memref<1x1024x32xf32, #tpu.memory_space<vmem>> -> memref<1024x32xf32, #tpu.memory_space<vmem>>
    %dma_wait3A_1129 = arith.constant 0 : i32
    %dma_wait3A_1130 = tpu.memref_slice %arg9[%dma_wait3A_1123, %dma_wait3A_1129] : memref<2x1024xi32, #tpu.memory_space<vmem>> -> memref<1x1024xi32, #tpu.memory_space<vmem>>
    %dma_wait3A_1131 = tpu.memref_squeeze %dma_wait3A_1130 : memref<1x1024xi32, #tpu.memory_space<vmem>> -> memref<1024xi32, #tpu.memory_space<vmem>>
    %dma_wait3A_1132 = arith.constant 0 : i32
    %dma_wait3A_1133 = arith.constant 0 : i32
    %dma_wait3A_1134 = tpu.memref_slice %arg5[%dma_wait3A_1132, %dma_wait3A_1133] : memref<1000x32xf32, #tpu.memory_space<vmem_shared>> -> memref<1000x32xf32, #tpu.memory_space<vmem_shared>>
    tpu.wait_indirect_dma semaphore(%arg12 : memref<!tpu.dma_semaphore, #tpu.memory_space<semaphore_mem>>) src(%dma_wait3A_1134 : memref<1000x32xf32, #tpu.memory_space<vmem_shared>>) dst(%dma_wait3A_1128 : memref<1024x32xf32, #tpu.memory_space<vmem>>)
    %add3A_1135 = arith.constant 19456 : i32
    %add3A_1136 = arith.addi %mul3A_2, %add3A_1135 : i32
    %dma_start3A_1137 = arith.constant 1 : i32
    %dma_start3A_1138 = arith.constant 0 : i32
    %dma_start3A_1139 = arith.constant 0 : i32
    %dma_start3A_1140 = tpu.memref_slice %arg10[%dma_start3A_1137, %dma_start3A_1138, %dma_start3A_1139] : memref<2x1024x32xf32, #tpu.memory_space<vmem>> -> memref<1x1024x32xf32, #tpu.memory_space<vmem>>
    %dma_start3A_1141 = tpu.memref_squeeze %dma_start3A_1140 : memref<1x1024x32xf32, #tpu.memory_space<vmem>> -> memref<1024x32xf32, #tpu.memory_space<vmem>>
    %dma_start3A_1142 = arith.constant 0 : i32
    %dma_start3A_1143 = tpu.memref_slice %arg4[%add3A_1136, %dma_start3A_1142] : memref<1048576x32xf32, #tpu.memory_space<hbm>> -> memref<1024x32xf32, #tpu.memory_space<hbm>>
    %dma_start3A_1144 = arith.constant 0 : i32
    %dma_start3A_1145 = tpu.memref_slice %arg4[%add3A_1136, %dma_start3A_1144] : memref<1048576x32xf32, #tpu.memory_space<hbm>> -> memref<1024x32xf32, #tpu.memory_space<hbm>>
    %dma_start3A_1146 = arith.constant 0 : i32
    %dma_start3A_1147 = arith.constant 0 : i32
    %dma_start3A_1148 = tpu.memref_slice %arg10[%dma_start3A_1137, %dma_start3A_1146, %dma_start3A_1147] : memref<2x1024x32xf32, #tpu.memory_space<vmem>> -> memref<1x1024x32xf32, #tpu.memory_space<vmem>>
    %dma_start3A_1149 = tpu.memref_squeeze %dma_start3A_1148 : memref<1x1024x32xf32, #tpu.memory_space<vmem>> -> memref<1024x32xf32, #tpu.memory_space<vmem>>
    tpu.enqueue_dma source(%dma_start3A_1149 : memref<1024x32xf32, #tpu.memory_space<vmem>>) target(%dma_start3A_1145 : memref<1024x32xf32, #tpu.memory_space<hbm>>) target_semaphore(%arg14 : memref<!tpu.dma_semaphore, #tpu.memory_space<semaphore_mem>>)
    %dma_wait3A_1150 = arith.constant 0 : i32
    %dma_wait3A_1151 = arith.constant 0 : i32
    %dma_wait3A_1152 = arith.constant 0 : i32
    %dma_wait3A_1153 = tpu.memref_slice %arg10[%dma_wait3A_1150, %dma_wait3A_1151, %dma_wait3A_1152] : memref<2x1024x32xf32, #tpu.memory_space<vmem>> -> memref<1x1024x32xf32, #tpu.memory_space<vmem>>
    %dma_wait3A_1154 = tpu.memref_squeeze %dma_wait3A_1153 : memref<1x1024x32xf32, #tpu.memory_space<vmem>> -> memref<1024x32xf32, #tpu.memory_space<vmem>>
    %dma_wait3A_1155 = arith.constant 0 : i32
    %dma_wait3A_1156 = tpu.memref_slice %arg4[%add3A_1078, %dma_wait3A_1155] : memref<1048576x32xf32, #tpu.memory_space<hbm>> -> memref<1024x32xf32, #tpu.memory_space<hbm>>
    %dma_wait3A_1157 = arith.constant 0 : i32
    %dma_wait3A_1158 = tpu.memref_slice %arg4[%add3A_1078, %dma_wait3A_1157] : memref<1048576x32xf32, #tpu.memory_space<hbm>> -> memref<1024x32xf32, #tpu.memory_space<hbm>>
    %dma_wait3A_1159 = arith.constant 0 : i32
    %dma_wait3A_1160 = arith.constant 0 : i32
    %dma_wait3A_1161 = tpu.memref_slice %arg10[%dma_wait3A_1150, %dma_wait3A_1159, %dma_wait3A_1160] : memref<2x1024x32xf32, #tpu.memory_space<vmem>> -> memref<1x1024x32xf32, #tpu.memory_space<vmem>>
    %dma_wait3A_1162 = tpu.memref_squeeze %dma_wait3A_1161 : memref<1x1024x32xf32, #tpu.memory_space<vmem>> -> memref<1024x32xf32, #tpu.memory_space<vmem>>
    tpu.wait_dma2 semaphore(%arg13 : memref<!tpu.dma_semaphore, #tpu.memory_space<semaphore_mem>>) src(%dma_wait3A_1162 : memref<1024x32xf32, #tpu.memory_space<vmem>>) dst(%dma_wait3A_1158 : memref<1024x32xf32, #tpu.memory_space<hbm>>)
    %dma_start3A_1163 = arith.constant 0 : i32
    %dma_start3A_1164 = arith.constant 0 : i32
    %dma_start3A_1165 = arith.constant 0 : i32
    %dma_start3A_1166 = arith.constant 0 : i32
    %dma_start3A_1167 = tpu.memref_slice %arg10[%dma_start3A_1164, %dma_start3A_1165, %dma_start3A_1166] : memref<2x1024x32xf32, #tpu.memory_space<vmem>> -> memref<1x1024x32xf32, #tpu.memory_space<vmem>>
    %dma_start3A_1168 = tpu.memref_squeeze %dma_start3A_1167 : memref<1x1024x32xf32, #tpu.memory_space<vmem>> -> memref<1024x32xf32, #tpu.memory_space<vmem>>
    %dma_start3A_1169 = arith.constant 0 : i32
    %dma_start3A_1170 = tpu.memref_slice %arg9[%dma_start3A_1163, %dma_start3A_1169] : memref<2x1024xi32, #tpu.memory_space<vmem>> -> memref<1x1024xi32, #tpu.memory_space<vmem>>
    %dma_start3A_1171 = tpu.memref_squeeze %dma_start3A_1170 : memref<1x1024xi32, #tpu.memory_space<vmem>> -> memref<1024xi32, #tpu.memory_space<vmem>>
    %dma_start3A_1172 = arith.constant 0 : i32
    %dma_start3A_1173 = arith.constant 0 : i32
    %dma_start3A_1174 = tpu.memref_slice %arg5[%dma_start3A_1172, %dma_start3A_1173] : memref<1000x32xf32, #tpu.memory_space<vmem_shared>> -> memref<1000x32xf32, #tpu.memory_space<vmem_shared>>
    tpu.enqueue_indirect_dma source(%dma_start3A_1174 : memref<1000x32xf32, #tpu.memory_space<vmem_shared>>) target(%dma_start3A_1168 : memref<1024x32xf32, #tpu.memory_space<vmem>>) offsets(%dma_start3A_1171 : memref<1024xi32, #tpu.memory_space<vmem>>) semaphore(%arg11 : memref<!tpu.dma_semaphore, #tpu.memory_space<semaphore_mem>>)
    %scan3A_1175 = arith.constant 0 : i32
    %scan3A_1176 = arith.constant 0 : i32
    %scan3A_1177 = arith.constant 64 : i32
    %scan3A_1178 = arith.addi %scan3A_1176, %scan3A_1177 : i32
    %scan3A_1179 = arith.constant 1 : i32
    scf.for %scan3A_1866 = %scan3A_1176 to %scan3A_1178 step %scan3A_1179  : i32 {
      %mul3A_1867 = arith.constant 16 : i32
      %mul3A_1868 = arith.muli %scan3A_1866, %mul3A_1867 : i32
      %get3A = arith.index_cast %mul3A_1868 : i32 to index
      %get3A_1869 = tpu.vector_load %arg7[%get3A] {strides = array<i32>} : memref<1024xi32, #tpu.memory_space<vmem>>, vector<16xi32>,
      %add3A_1870 = arith.constant 672 : i32
      %add3A_1871 = vector.broadcast %add3A_1870 : i32 to vector<16xi32>
      %add3A_1872 = arith.addi %get3A_1869, %add3A_1871 : vector<16xi32>
      %mul3A_1873 = arith.constant 16 : i32
      %mul3A_1874 = arith.muli %scan3A_1866, %mul3A_1873 : i32
      %get3A_1875 = arith.index_cast %mul3A_1874 : i32 to index
      %get3A_1876 = tpu.vector_load %arg8[%get3A_1875] {strides = array<i32>} : memref<1024xi32, #tpu.memory_space<vmem>>, vector<16xi32>,
      %shift_right_arithmetic3A = arith.constant 9 : i32
      %shift_right_arithmetic3A_1877 = vector.broadcast %shift_right_arithmetic3A : i32 to vector<16xi32>
      %shift_right_arithmetic3A_1878 = arith.shrsi %add3A_1872, %shift_right_arithmetic3A_1877 : vector<16xi32>
      %broadcast_in_dim3A = arith.constant 0 : i32
      %broadcast_in_dim3A_1879 = vector.broadcast %broadcast_in_dim3A : i32 to vector<16xi32>
      %and3A = arith.constant 511 : i32
      %and3A_1880 = vector.broadcast %and3A : i32 to vector<16xi32>
      %and3A_1881 = arith.andi %add3A_1872, %and3A_1880 : vector<16xi32>
      %gather3A = tpu.vector_load_idx %arg6[%shift_right_arithmetic3A_1878, %get3A_1876, %broadcast_in_dim3A_1879, %and3A_1881] : memref<2x32x1x512xi32, #tpu.memory_space<vmem>>[vector<16xi32>, vector<16xi32>, vector<16xi32>, vector<16xi32>], vector<16xi32>,
      %mul3A_1882 = arith.constant 16 : i32
      %mul3A_1883 = arith.muli %scan3A_1866, %mul3A_1882 : i32
      %swap3A = arith.constant 1 : i32
      %swap3A_1884 = arith.index_cast %swap3A : i32 to index
      %swap3A_1885 = arith.index_cast %mul3A_1883 : i32 to index
      %swap3A_1886 = tpu.vector_load %arg9[%swap3A_1884, %swap3A_1885] {strides = array<i32>} : memref<2x1024xi32, #tpu.memory_space<vmem>>, vector<16xi32>,
      tpu.vector_store %arg9[%swap3A_1884, %swap3A_1885], %gather3A {strides = array<i32>} : memref<2x1024xi32, #tpu.memory_space<vmem>>, vector<16xi32>,
    }
    %scan3A_1180 = arith.constant 64 : i32
    %dma_wait3A_1181 = arith.constant 0 : i32
    %dma_wait3A_1182 = arith.constant 0 : i32
    %dma_wait3A_1183 = arith.constant 0 : i32
    %dma_wait3A_1184 = arith.constant 0 : i32
    %dma_wait3A_1185 = tpu.memref_slice %arg10[%dma_wait3A_1182, %dma_wait3A_1183, %dma_wait3A_1184] : memref<2x1024x32xf32, #tpu.memory_space<vmem>> -> memref<1x1024x32xf32, #tpu.memory_space<vmem>>
    %dma_wait3A_1186 = tpu.memref_squeeze %dma_wait3A_1185 : memref<1x1024x32xf32, #tpu.memory_space<vmem>> -> memref<1024x32xf32, #tpu.memory_space<vmem>>
    %dma_wait3A_1187 = arith.constant 0 : i32
    %dma_wait3A_1188 = tpu.memref_slice %arg9[%dma_wait3A_1181, %dma_wait3A_1187] : memref<2x1024xi32, #tpu.memory_space<vmem>> -> memref<1x1024xi32, #tpu.memory_space<vmem>>
    %dma_wait3A_1189 = tpu.memref_squeeze %dma_wait3A_1188 : memref<1x1024xi32, #tpu.memory_space<vmem>> -> memref<1024xi32, #tpu.memory_space<vmem>>
    %dma_wait3A_1190 = arith.constant 0 : i32
    %dma_wait3A_1191 = arith.constant 0 : i32
    %dma_wait3A_1192 = tpu.memref_slice %arg5[%dma_wait3A_1190, %dma_wait3A_1191] : memref<1000x32xf32, #tpu.memory_space<vmem_shared>> -> memref<1000x32xf32, #tpu.memory_space<vmem_shared>>
    tpu.wait_indirect_dma semaphore(%arg11 : memref<!tpu.dma_semaphore, #tpu.memory_space<semaphore_mem>>) src(%dma_wait3A_1192 : memref<1000x32xf32, #tpu.memory_space<vmem_shared>>) dst(%dma_wait3A_1186 : memref<1024x32xf32, #tpu.memory_space<vmem>>)
    %add3A_1193 = arith.constant 20480 : i32
    %add3A_1194 = arith.addi %mul3A_2, %add3A_1193 : i32
    %dma_start3A_1195 = arith.constant 0 : i32
    %dma_start3A_1196 = arith.constant 0 : i32
    %dma_start3A_1197 = arith.constant 0 : i32
    %dma_start3A_1198 = tpu.memref_slice %arg10[%dma_start3A_1195, %dma_start3A_1196, %dma_start3A_1197] : memref<2x1024x32xf32, #tpu.memory_space<vmem>> -> memref<1x1024x32xf32, #tpu.memory_space<vmem>>
    %dma_start3A_1199 = tpu.memref_squeeze %dma_start3A_1198 : memref<1x1024x32xf32, #tpu.memory_space<vmem>> -> memref<1024x32xf32, #tpu.memory_space<vmem>>
    %dma_start3A_1200 = arith.constant 0 : i32
    %dma_start3A_1201 = tpu.memref_slice %arg4[%add3A_1194, %dma_start3A_1200] : memref<1048576x32xf32, #tpu.memory_space<hbm>> -> memref<1024x32xf32, #tpu.memory_space<hbm>>
    %dma_start3A_1202 = arith.constant 0 : i32
    %dma_start3A_1203 = tpu.memref_slice %arg4[%add3A_1194, %dma_start3A_1202] : memref<1048576x32xf32, #tpu.memory_space<hbm>> -> memref<1024x32xf32, #tpu.memory_space<hbm>>
    %dma_start3A_1204 = arith.constant 0 : i32
    %dma_start3A_1205 = arith.constant 0 : i32
    %dma_start3A_1206 = tpu.memref_slice %arg10[%dma_start3A_1195, %dma_start3A_1204, %dma_start3A_1205] : memref<2x1024x32xf32, #tpu.memory_space<vmem>> -> memref<1x1024x32xf32, #tpu.memory_space<vmem>>
    %dma_start3A_1207 = tpu.memref_squeeze %dma_start3A_1206 : memref<1x1024x32xf32, #tpu.memory_space<vmem>> -> memref<1024x32xf32, #tpu.memory_space<vmem>>
    tpu.enqueue_dma source(%dma_start3A_1207 : memref<1024x32xf32, #tpu.memory_space<vmem>>) target(%dma_start3A_1203 : memref<1024x32xf32, #tpu.memory_space<hbm>>) target_semaphore(%arg13 : memref<!tpu.dma_semaphore, #tpu.memory_space<semaphore_mem>>)
    %dma_wait3A_1208 = arith.constant 1 : i32
    %dma_wait3A_1209 = arith.constant 0 : i32
    %dma_wait3A_1210 = arith.constant 0 : i32
    %dma_wait3A_1211 = tpu.memref_slice %arg10[%dma_wait3A_1208, %dma_wait3A_1209, %dma_wait3A_1210] : memref<2x1024x32xf32, #tpu.memory_space<vmem>> -> memref<1x1024x32xf32, #tpu.memory_space<vmem>>
    %dma_wait3A_1212 = tpu.memref_squeeze %dma_wait3A_1211 : memref<1x1024x32xf32, #tpu.memory_space<vmem>> -> memref<1024x32xf32, #tpu.memory_space<vmem>>
    %dma_wait3A_1213 = arith.constant 0 : i32
    %dma_wait3A_1214 = tpu.memref_slice %arg4[%add3A_1136, %dma_wait3A_1213] : memref<1048576x32xf32, #tpu.memory_space<hbm>> -> memref<1024x32xf32, #tpu.memory_space<hbm>>
    %dma_wait3A_1215 = arith.constant 0 : i32
    %dma_wait3A_1216 = tpu.memref_slice %arg4[%add3A_1136, %dma_wait3A_1215] : memref<1048576x32xf32, #tpu.memory_space<hbm>> -> memref<1024x32xf32, #tpu.memory_space<hbm>>
    %dma_wait3A_1217 = arith.constant 0 : i32
    %dma_wait3A_1218 = arith.constant 0 : i32
    %dma_wait3A_1219 = tpu.memref_slice %arg10[%dma_wait3A_1208, %dma_wait3A_1217, %dma_wait3A_1218] : memref<2x1024x32xf32, #tpu.memory_space<vmem>> -> memref<1x1024x32xf32, #tpu.memory_space<vmem>>
    %dma_wait3A_1220 = tpu.memref_squeeze %dma_wait3A_1219 : memref<1x1024x32xf32, #tpu.memory_space<vmem>> -> memref<1024x32xf32, #tpu.memory_space<vmem>>
    tpu.wait_dma2 semaphore(%arg14 : memref<!tpu.dma_semaphore, #tpu.memory_space<semaphore_mem>>) src(%dma_wait3A_1220 : memref<1024x32xf32, #tpu.memory_space<vmem>>) dst(%dma_wait3A_1216 : memref<1024x32xf32, #tpu.memory_space<hbm>>)
    %dma_start3A_1221 = arith.constant 1 : i32
    %dma_start3A_1222 = arith.constant 1 : i32
    %dma_start3A_1223 = arith.constant 0 : i32
    %dma_start3A_1224 = arith.constant 0 : i32
    %dma_start3A_1225 = tpu.memref_slice %arg10[%dma_start3A_1222, %dma_start3A_1223, %dma_start3A_1224] : memref<2x1024x32xf32, #tpu.memory_space<vmem>> -> memref<1x1024x32xf32, #tpu.memory_space<vmem>>
    %dma_start3A_1226 = tpu.memref_squeeze %dma_start3A_1225 : memref<1x1024x32xf32, #tpu.memory_space<vmem>> -> memref<1024x32xf32, #tpu.memory_space<vmem>>
    %dma_start3A_1227 = arith.constant 0 : i32
    %dma_start3A_1228 = tpu.memref_slice %arg9[%dma_start3A_1221, %dma_start3A_1227] : memref<2x1024xi32, #tpu.memory_space<vmem>> -> memref<1x1024xi32, #tpu.memory_space<vmem>>
    %dma_start3A_1229 = tpu.memref_squeeze %dma_start3A_1228 : memref<1x1024xi32, #tpu.memory_space<vmem>> -> memref<1024xi32, #tpu.memory_space<vmem>>
    %dma_start3A_1230 = arith.constant 0 : i32
    %dma_start3A_1231 = arith.constant 0 : i32
    %dma_start3A_1232 = tpu.memref_slice %arg5[%dma_start3A_1230, %dma_start3A_1231] : memref<1000x32xf32, #tpu.memory_space<vmem_shared>> -> memref<1000x32xf32, #tpu.memory_space<vmem_shared>>
    tpu.enqueue_indirect_dma source(%dma_start3A_1232 : memref<1000x32xf32, #tpu.memory_space<vmem_shared>>) target(%dma_start3A_1226 : memref<1024x32xf32, #tpu.memory_space<vmem>>) offsets(%dma_start3A_1229 : memref<1024xi32, #tpu.memory_space<vmem>>) semaphore(%arg12 : memref<!tpu.dma_semaphore, #tpu.memory_space<semaphore_mem>>)
    %scan3A_1233 = arith.constant 0 : i32
    %scan3A_1234 = arith.constant 0 : i32
    %scan3A_1235 = arith.constant 64 : i32
    %scan3A_1236 = arith.addi %scan3A_1234, %scan3A_1235 : i32
    %scan3A_1237 = arith.constant 1 : i32
    scf.for %scan3A_1866 = %scan3A_1234 to %scan3A_1236 step %scan3A_1237  : i32 {
      %mul3A_1867 = arith.constant 16 : i32
      %mul3A_1868 = arith.muli %scan3A_1866, %mul3A_1867 : i32
      %get3A = arith.index_cast %mul3A_1868 : i32 to index
      %get3A_1869 = tpu.vector_load %arg7[%get3A] {strides = array<i32>} : memref<1024xi32, #tpu.memory_space<vmem>>, vector<16xi32>,
      %add3A_1870 = arith.constant 704 : i32
      %add3A_1871 = vector.broadcast %add3A_1870 : i32 to vector<16xi32>
      %add3A_1872 = arith.addi %get3A_1869, %add3A_1871 : vector<16xi32>
      %mul3A_1873 = arith.constant 16 : i32
      %mul3A_1874 = arith.muli %scan3A_1866, %mul3A_1873 : i32
      %get3A_1875 = arith.index_cast %mul3A_1874 : i32 to index
      %get3A_1876 = tpu.vector_load %arg8[%get3A_1875] {strides = array<i32>} : memref<1024xi32, #tpu.memory_space<vmem>>, vector<16xi32>,
      %shift_right_arithmetic3A = arith.constant 9 : i32
      %shift_right_arithmetic3A_1877 = vector.broadcast %shift_right_arithmetic3A : i32 to vector<16xi32>
      %shift_right_arithmetic3A_1878 = arith.shrsi %add3A_1872, %shift_right_arithmetic3A_1877 : vector<16xi32>
      %broadcast_in_dim3A = arith.constant 0 : i32
      %broadcast_in_dim3A_1879 = vector.broadcast %broadcast_in_dim3A : i32 to vector<16xi32>
      %and3A = arith.constant 511 : i32
      %and3A_1880 = vector.broadcast %and3A : i32 to vector<16xi32>
      %and3A_1881 = arith.andi %add3A_1872, %and3A_1880 : vector<16xi32>
      %gather3A = tpu.vector_load_idx %arg6[%shift_right_arithmetic3A_1878, %get3A_1876, %broadcast_in_dim3A_1879, %and3A_1881] : memref<2x32x1x512xi32, #tpu.memory_space<vmem>>[vector<16xi32>, vector<16xi32>, vector<16xi32>, vector<16xi32>], vector<16xi32>,
      %mul3A_1882 = arith.constant 16 : i32
      %mul3A_1883 = arith.muli %scan3A_1866, %mul3A_1882 : i32
      %swap3A = arith.constant 0 : i32
      %swap3A_1884 = arith.index_cast %swap3A : i32 to index
      %swap3A_1885 = arith.index_cast %mul3A_1883 : i32 to index
      %swap3A_1886 = tpu.vector_load %arg9[%swap3A_1884, %swap3A_1885] {strides = array<i32>} : memref<2x1024xi32, #tpu.memory_space<vmem>>, vector<16xi32>,
      tpu.vector_store %arg9[%swap3A_1884, %swap3A_1885], %gather3A {strides = array<i32>} : memref<2x1024xi32, #tpu.memory_space<vmem>>, vector<16xi32>,
    }
    %scan3A_1238 = arith.constant 64 : i32
    %dma_wait3A_1239 = arith.constant 1 : i32
    %dma_wait3A_1240 = arith.constant 1 : i32
    %dma_wait3A_1241 = arith.constant 0 : i32
    %dma_wait3A_1242 = arith.constant 0 : i32
    %dma_wait3A_1243 = tpu.memref_slice %arg10[%dma_wait3A_1240, %dma_wait3A_1241, %dma_wait3A_1242] : memref<2x1024x32xf32, #tpu.memory_space<vmem>> -> memref<1x1024x32xf32, #tpu.memory_space<vmem>>
    %dma_wait3A_1244 = tpu.memref_squeeze %dma_wait3A_1243 : memref<1x1024x32xf32, #tpu.memory_space<vmem>> -> memref<1024x32xf32, #tpu.memory_space<vmem>>
    %dma_wait3A_1245 = arith.constant 0 : i32
    %dma_wait3A_1246 = tpu.memref_slice %arg9[%dma_wait3A_1239, %dma_wait3A_1245] : memref<2x1024xi32, #tpu.memory_space<vmem>> -> memref<1x1024xi32, #tpu.memory_space<vmem>>
    %dma_wait3A_1247 = tpu.memref_squeeze %dma_wait3A_1246 : memref<1x1024xi32, #tpu.memory_space<vmem>> -> memref<1024xi32, #tpu.memory_space<vmem>>
    %dma_wait3A_1248 = arith.constant 0 : i32
    %dma_wait3A_1249 = arith.constant 0 : i32
    %dma_wait3A_1250 = tpu.memref_slice %arg5[%dma_wait3A_1248, %dma_wait3A_1249] : memref<1000x32xf32, #tpu.memory_space<vmem_shared>> -> memref<1000x32xf32, #tpu.memory_space<vmem_shared>>
    tpu.wait_indirect_dma semaphore(%arg12 : memref<!tpu.dma_semaphore, #tpu.memory_space<semaphore_mem>>) src(%dma_wait3A_1250 : memref<1000x32xf32, #tpu.memory_space<vmem_shared>>) dst(%dma_wait3A_1244 : memref<1024x32xf32, #tpu.memory_space<vmem>>)
    %add3A_1251 = arith.constant 21504 : i32
    %add3A_1252 = arith.addi %mul3A_2, %add3A_1251 : i32
    %dma_start3A_1253 = arith.constant 1 : i32
    %dma_start3A_1254 = arith.constant 0 : i32
    %dma_start3A_1255 = arith.constant 0 : i32
    %dma_start3A_1256 = tpu.memref_slice %arg10[%dma_start3A_1253, %dma_start3A_1254, %dma_start3A_1255] : memref<2x1024x32xf32, #tpu.memory_space<vmem>> -> memref<1x1024x32xf32, #tpu.memory_space<vmem>>
    %dma_start3A_1257 = tpu.memref_squeeze %dma_start3A_1256 : memref<1x1024x32xf32, #tpu.memory_space<vmem>> -> memref<1024x32xf32, #tpu.memory_space<vmem>>
    %dma_start3A_1258 = arith.constant 0 : i32
    %dma_start3A_1259 = tpu.memref_slice %arg4[%add3A_1252, %dma_start3A_1258] : memref<1048576x32xf32, #tpu.memory_space<hbm>> -> memref<1024x32xf32, #tpu.memory_space<hbm>>
    %dma_start3A_1260 = arith.constant 0 : i32
    %dma_start3A_1261 = tpu.memref_slice %arg4[%add3A_1252, %dma_start3A_1260] : memref<1048576x32xf32, #tpu.memory_space<hbm>> -> memref<1024x32xf32, #tpu.memory_space<hbm>>
    %dma_start3A_1262 = arith.constant 0 : i32
    %dma_start3A_1263 = arith.constant 0 : i32
    %dma_start3A_1264 = tpu.memref_slice %arg10[%dma_start3A_1253, %dma_start3A_1262, %dma_start3A_1263] : memref<2x1024x32xf32, #tpu.memory_space<vmem>> -> memref<1x1024x32xf32, #tpu.memory_space<vmem>>
    %dma_start3A_1265 = tpu.memref_squeeze %dma_start3A_1264 : memref<1x1024x32xf32, #tpu.memory_space<vmem>> -> memref<1024x32xf32, #tpu.memory_space<vmem>>
    tpu.enqueue_dma source(%dma_start3A_1265 : memref<1024x32xf32, #tpu.memory_space<vmem>>) target(%dma_start3A_1261 : memref<1024x32xf32, #tpu.memory_space<hbm>>) target_semaphore(%arg14 : memref<!tpu.dma_semaphore, #tpu.memory_space<semaphore_mem>>)
    %dma_wait3A_1266 = arith.constant 0 : i32
    %dma_wait3A_1267 = arith.constant 0 : i32
    %dma_wait3A_1268 = arith.constant 0 : i32
    %dma_wait3A_1269 = tpu.memref_slice %arg10[%dma_wait3A_1266, %dma_wait3A_1267, %dma_wait3A_1268] : memref<2x1024x32xf32, #tpu.memory_space<vmem>> -> memref<1x1024x32xf32, #tpu.memory_space<vmem>>
    %dma_wait3A_1270 = tpu.memref_squeeze %dma_wait3A_1269 : memref<1x1024x32xf32, #tpu.memory_space<vmem>> -> memref<1024x32xf32, #tpu.memory_space<vmem>>
    %dma_wait3A_1271 = arith.constant 0 : i32
    %dma_wait3A_1272 = tpu.memref_slice %arg4[%add3A_1194, %dma_wait3A_1271] : memref<1048576x32xf32, #tpu.memory_space<hbm>> -> memref<1024x32xf32, #tpu.memory_space<hbm>>
    %dma_wait3A_1273 = arith.constant 0 : i32
    %dma_wait3A_1274 = tpu.memref_slice %arg4[%add3A_1194, %dma_wait3A_1273] : memref<1048576x32xf32, #tpu.memory_space<hbm>> -> memref<1024x32xf32, #tpu.memory_space<hbm>>
    %dma_wait3A_1275 = arith.constant 0 : i32
    %dma_wait3A_1276 = arith.constant 0 : i32
    %dma_wait3A_1277 = tpu.memref_slice %arg10[%dma_wait3A_1266, %dma_wait3A_1275, %dma_wait3A_1276] : memref<2x1024x32xf32, #tpu.memory_space<vmem>> -> memref<1x1024x32xf32, #tpu.memory_space<vmem>>
    %dma_wait3A_1278 = tpu.memref_squeeze %dma_wait3A_1277 : memref<1x1024x32xf32, #tpu.memory_space<vmem>> -> memref<1024x32xf32, #tpu.memory_space<vmem>>
    tpu.wait_dma2 semaphore(%arg13 : memref<!tpu.dma_semaphore, #tpu.memory_space<semaphore_mem>>) src(%dma_wait3A_1278 : memref<1024x32xf32, #tpu.memory_space<vmem>>) dst(%dma_wait3A_1274 : memref<1024x32xf32, #tpu.memory_space<hbm>>)
    %dma_start3A_1279 = arith.constant 0 : i32
    %dma_start3A_1280 = arith.constant 0 : i32
    %dma_start3A_1281 = arith.constant 0 : i32
    %dma_start3A_1282 = arith.constant 0 : i32
    %dma_start3A_1283 = tpu.memref_slice %arg10[%dma_start3A_1280, %dma_start3A_1281, %dma_start3A_1282] : memref<2x1024x32xf32, #tpu.memory_space<vmem>> -> memref<1x1024x32xf32, #tpu.memory_space<vmem>>
    %dma_start3A_1284 = tpu.memref_squeeze %dma_start3A_1283 : memref<1x1024x32xf32, #tpu.memory_space<vmem>> -> memref<1024x32xf32, #tpu.memory_space<vmem>>
    %dma_start3A_1285 = arith.constant 0 : i32
    %dma_start3A_1286 = tpu.memref_slice %arg9[%dma_start3A_1279, %dma_start3A_1285] : memref<2x1024xi32, #tpu.memory_space<vmem>> -> memref<1x1024xi32, #tpu.memory_space<vmem>>
    %dma_start3A_1287 = tpu.memref_squeeze %dma_start3A_1286 : memref<1x1024xi32, #tpu.memory_space<vmem>> -> memref<1024xi32, #tpu.memory_space<vmem>>
    %dma_start3A_1288 = arith.constant 0 : i32
    %dma_start3A_1289 = arith.constant 0 : i32
    %dma_start3A_1290 = tpu.memref_slice %arg5[%dma_start3A_1288, %dma_start3A_1289] : memref<1000x32xf32, #tpu.memory_space<vmem_shared>> -> memref<1000x32xf32, #tpu.memory_space<vmem_shared>>
    tpu.enqueue_indirect_dma source(%dma_start3A_1290 : memref<1000x32xf32, #tpu.memory_space<vmem_shared>>) target(%dma_start3A_1284 : memref<1024x32xf32, #tpu.memory_space<vmem>>) offsets(%dma_start3A_1287 : memref<1024xi32, #tpu.memory_space<vmem>>) semaphore(%arg11 : memref<!tpu.dma_semaphore, #tpu.memory_space<semaphore_mem>>)
    %scan3A_1291 = arith.constant 0 : i32
    %scan3A_1292 = arith.constant 0 : i32
    %scan3A_1293 = arith.constant 64 : i32
    %scan3A_1294 = arith.addi %scan3A_1292, %scan3A_1293 : i32
    %scan3A_1295 = arith.constant 1 : i32
    scf.for %scan3A_1866 = %scan3A_1292 to %scan3A_1294 step %scan3A_1295  : i32 {
      %mul3A_1867 = arith.constant 16 : i32
      %mul3A_1868 = arith.muli %scan3A_1866, %mul3A_1867 : i32
      %get3A = arith.index_cast %mul3A_1868 : i32 to index
      %get3A_1869 = tpu.vector_load %arg7[%get3A] {strides = array<i32>} : memref<1024xi32, #tpu.memory_space<vmem>>, vector<16xi32>,
      %add3A_1870 = arith.constant 736 : i32
      %add3A_1871 = vector.broadcast %add3A_1870 : i32 to vector<16xi32>
      %add3A_1872 = arith.addi %get3A_1869, %add3A_1871 : vector<16xi32>
      %mul3A_1873 = arith.constant 16 : i32
      %mul3A_1874 = arith.muli %scan3A_1866, %mul3A_1873 : i32
      %get3A_1875 = arith.index_cast %mul3A_1874 : i32 to index
      %get3A_1876 = tpu.vector_load %arg8[%get3A_1875] {strides = array<i32>} : memref<1024xi32, #tpu.memory_space<vmem>>, vector<16xi32>,
      %shift_right_arithmetic3A = arith.constant 9 : i32
      %shift_right_arithmetic3A_1877 = vector.broadcast %shift_right_arithmetic3A : i32 to vector<16xi32>
      %shift_right_arithmetic3A_1878 = arith.shrsi %add3A_1872, %shift_right_arithmetic3A_1877 : vector<16xi32>
      %broadcast_in_dim3A = arith.constant 0 : i32
      %broadcast_in_dim3A_1879 = vector.broadcast %broadcast_in_dim3A : i32 to vector<16xi32>
      %and3A = arith.constant 511 : i32
      %and3A_1880 = vector.broadcast %and3A : i32 to vector<16xi32>
      %and3A_1881 = arith.andi %add3A_1872, %and3A_1880 : vector<16xi32>
      %gather3A = tpu.vector_load_idx %arg6[%shift_right_arithmetic3A_1878, %get3A_1876, %broadcast_in_dim3A_1879, %and3A_1881] : memref<2x32x1x512xi32, #tpu.memory_space<vmem>>[vector<16xi32>, vector<16xi32>, vector<16xi32>, vector<16xi32>], vector<16xi32>,
      %mul3A_1882 = arith.constant 16 : i32
      %mul3A_1883 = arith.muli %scan3A_1866, %mul3A_1882 : i32
      %swap3A = arith.constant 1 : i32
      %swap3A_1884 = arith.index_cast %swap3A : i32 to index
      %swap3A_1885 = arith.index_cast %mul3A_1883 : i32 to index
      %swap3A_1886 = tpu.vector_load %arg9[%swap3A_1884, %swap3A_1885] {strides = array<i32>} : memref<2x1024xi32, #tpu.memory_space<vmem>>, vector<16xi32>,
      tpu.vector_store %arg9[%swap3A_1884, %swap3A_1885], %gather3A {strides = array<i32>} : memref<2x1024xi32, #tpu.memory_space<vmem>>, vector<16xi32>,
    }
    %scan3A_1296 = arith.constant 64 : i32
    %dma_wait3A_1297 = arith.constant 0 : i32
    %dma_wait3A_1298 = arith.constant 0 : i32
    %dma_wait3A_1299 = arith.constant 0 : i32
    %dma_wait3A_1300 = arith.constant 0 : i32
    %dma_wait3A_1301 = tpu.memref_slice %arg10[%dma_wait3A_1298, %dma_wait3A_1299, %dma_wait3A_1300] : memref<2x1024x32xf32, #tpu.memory_space<vmem>> -> memref<1x1024x32xf32, #tpu.memory_space<vmem>>
    %dma_wait3A_1302 = tpu.memref_squeeze %dma_wait3A_1301 : memref<1x1024x32xf32, #tpu.memory_space<vmem>> -> memref<1024x32xf32, #tpu.memory_space<vmem>>
    %dma_wait3A_1303 = arith.constant 0 : i32
    %dma_wait3A_1304 = tpu.memref_slice %arg9[%dma_wait3A_1297, %dma_wait3A_1303] : memref<2x1024xi32, #tpu.memory_space<vmem>> -> memref<1x1024xi32, #tpu.memory_space<vmem>>
    %dma_wait3A_1305 = tpu.memref_squeeze %dma_wait3A_1304 : memref<1x1024xi32, #tpu.memory_space<vmem>> -> memref<1024xi32, #tpu.memory_space<vmem>>
    %dma_wait3A_1306 = arith.constant 0 : i32
    %dma_wait3A_1307 = arith.constant 0 : i32
    %dma_wait3A_1308 = tpu.memref_slice %arg5[%dma_wait3A_1306, %dma_wait3A_1307] : memref<1000x32xf32, #tpu.memory_space<vmem_shared>> -> memref<1000x32xf32, #tpu.memory_space<vmem_shared>>
    tpu.wait_indirect_dma semaphore(%arg11 : memref<!tpu.dma_semaphore, #tpu.memory_space<semaphore_mem>>) src(%dma_wait3A_1308 : memref<1000x32xf32, #tpu.memory_space<vmem_shared>>) dst(%dma_wait3A_1302 : memref<1024x32xf32, #tpu.memory_space<vmem>>)
    %add3A_1309 = arith.constant 22528 : i32
    %add3A_1310 = arith.addi %mul3A_2, %add3A_1309 : i32
    %dma_start3A_1311 = arith.constant 0 : i32
    %dma_start3A_1312 = arith.constant 0 : i32
    %dma_start3A_1313 = arith.constant 0 : i32
    %dma_start3A_1314 = tpu.memref_slice %arg10[%dma_start3A_1311, %dma_start3A_1312, %dma_start3A_1313] : memref<2x1024x32xf32, #tpu.memory_space<vmem>> -> memref<1x1024x32xf32, #tpu.memory_space<vmem>>
    %dma_start3A_1315 = tpu.memref_squeeze %dma_start3A_1314 : memref<1x1024x32xf32, #tpu.memory_space<vmem>> -> memref<1024x32xf32, #tpu.memory_space<vmem>>
    %dma_start3A_1316 = arith.constant 0 : i32
    %dma_start3A_1317 = tpu.memref_slice %arg4[%add3A_1310, %dma_start3A_1316] : memref<1048576x32xf32, #tpu.memory_space<hbm>> -> memref<1024x32xf32, #tpu.memory_space<hbm>>
    %dma_start3A_1318 = arith.constant 0 : i32
    %dma_start3A_1319 = tpu.memref_slice %arg4[%add3A_1310, %dma_start3A_1318] : memref<1048576x32xf32, #tpu.memory_space<hbm>> -> memref<1024x32xf32, #tpu.memory_space<hbm>>
    %dma_start3A_1320 = arith.constant 0 : i32
    %dma_start3A_1321 = arith.constant 0 : i32
    %dma_start3A_1322 = tpu.memref_slice %arg10[%dma_start3A_1311, %dma_start3A_1320, %dma_start3A_1321] : memref<2x1024x32xf32, #tpu.memory_space<vmem>> -> memref<1x1024x32xf32, #tpu.memory_space<vmem>>
    %dma_start3A_1323 = tpu.memref_squeeze %dma_start3A_1322 : memref<1x1024x32xf32, #tpu.memory_space<vmem>> -> memref<1024x32xf32, #tpu.memory_space<vmem>>
    tpu.enqueue_dma source(%dma_start3A_1323 : memref<1024x32xf32, #tpu.memory_space<vmem>>) target(%dma_start3A_1319 : memref<1024x32xf32, #tpu.memory_space<hbm>>) target_semaphore(%arg13 : memref<!tpu.dma_semaphore, #tpu.memory_space<semaphore_mem>>)
    %dma_wait3A_1324 = arith.constant 1 : i32
    %dma_wait3A_1325 = arith.constant 0 : i32
    %dma_wait3A_1326 = arith.constant 0 : i32
    %dma_wait3A_1327 = tpu.memref_slice %arg10[%dma_wait3A_1324, %dma_wait3A_1325, %dma_wait3A_1326] : memref<2x1024x32xf32, #tpu.memory_space<vmem>> -> memref<1x1024x32xf32, #tpu.memory_space<vmem>>
    %dma_wait3A_1328 = tpu.memref_squeeze %dma_wait3A_1327 : memref<1x1024x32xf32, #tpu.memory_space<vmem>> -> memref<1024x32xf32, #tpu.memory_space<vmem>>
    %dma_wait3A_1329 = arith.constant 0 : i32
    %dma_wait3A_1330 = tpu.memref_slice %arg4[%add3A_1252, %dma_wait3A_1329] : memref<1048576x32xf32, #tpu.memory_space<hbm>> -> memref<1024x32xf32, #tpu.memory_space<hbm>>
    %dma_wait3A_1331 = arith.constant 0 : i32
    %dma_wait3A_1332 = tpu.memref_slice %arg4[%add3A_1252, %dma_wait3A_1331] : memref<1048576x32xf32, #tpu.memory_space<hbm>> -> memref<1024x32xf32, #tpu.memory_space<hbm>>
    %dma_wait3A_1333 = arith.constant 0 : i32
    %dma_wait3A_1334 = arith.constant 0 : i32
    %dma_wait3A_1335 = tpu.memref_slice %arg10[%dma_wait3A_1324, %dma_wait3A_1333, %dma_wait3A_1334] : memref<2x1024x32xf32, #tpu.memory_space<vmem>> -> memref<1x1024x32xf32, #tpu.memory_space<vmem>>
    %dma_wait3A_1336 = tpu.memref_squeeze %dma_wait3A_1335 : memref<1x1024x32xf32, #tpu.memory_space<vmem>> -> memref<1024x32xf32, #tpu.memory_space<vmem>>
    tpu.wait_dma2 semaphore(%arg14 : memref<!tpu.dma_semaphore, #tpu.memory_space<semaphore_mem>>) src(%dma_wait3A_1336 : memref<1024x32xf32, #tpu.memory_space<vmem>>) dst(%dma_wait3A_1332 : memref<1024x32xf32, #tpu.memory_space<hbm>>)
    %dma_start3A_1337 = arith.constant 1 : i32
    %dma_start3A_1338 = arith.constant 1 : i32
    %dma_start3A_1339 = arith.constant 0 : i32
    %dma_start3A_1340 = arith.constant 0 : i32
    %dma_start3A_1341 = tpu.memref_slice %arg10[%dma_start3A_1338, %dma_start3A_1339, %dma_start3A_1340] : memref<2x1024x32xf32, #tpu.memory_space<vmem>> -> memref<1x1024x32xf32, #tpu.memory_space<vmem>>
    %dma_start3A_1342 = tpu.memref_squeeze %dma_start3A_1341 : memref<1x1024x32xf32, #tpu.memory_space<vmem>> -> memref<1024x32xf32, #tpu.memory_space<vmem>>
    %dma_start3A_1343 = arith.constant 0 : i32
    %dma_start3A_1344 = tpu.memref_slice %arg9[%dma_start3A_1337, %dma_start3A_1343] : memref<2x1024xi32, #tpu.memory_space<vmem>> -> memref<1x1024xi32, #tpu.memory_space<vmem>>
    %dma_start3A_1345 = tpu.memref_squeeze %dma_start3A_1344 : memref<1x1024xi32, #tpu.memory_space<vmem>> -> memref<1024xi32, #tpu.memory_space<vmem>>
    %dma_start3A_1346 = arith.constant 0 : i32
    %dma_start3A_1347 = arith.constant 0 : i32
    %dma_start3A_1348 = tpu.memref_slice %arg5[%dma_start3A_1346, %dma_start3A_1347] : memref<1000x32xf32, #tpu.memory_space<vmem_shared>> -> memref<1000x32xf32, #tpu.memory_space<vmem_shared>>
    tpu.enqueue_indirect_dma source(%dma_start3A_1348 : memref<1000x32xf32, #tpu.memory_space<vmem_shared>>) target(%dma_start3A_1342 : memref<1024x32xf32, #tpu.memory_space<vmem>>) offsets(%dma_start3A_1345 : memref<1024xi32, #tpu.memory_space<vmem>>) semaphore(%arg12 : memref<!tpu.dma_semaphore, #tpu.memory_space<semaphore_mem>>)
    %scan3A_1349 = arith.constant 0 : i32
    %scan3A_1350 = arith.constant 0 : i32
    %scan3A_1351 = arith.constant 64 : i32
    %scan3A_1352 = arith.addi %scan3A_1350, %scan3A_1351 : i32
    %scan3A_1353 = arith.constant 1 : i32
    scf.for %scan3A_1866 = %scan3A_1350 to %scan3A_1352 step %scan3A_1353  : i32 {
      %mul3A_1867 = arith.constant 16 : i32
      %mul3A_1868 = arith.muli %scan3A_1866, %mul3A_1867 : i32
      %get3A = arith.index_cast %mul3A_1868 : i32 to index
      %get3A_1869 = tpu.vector_load %arg7[%get3A] {strides = array<i32>} : memref<1024xi32, #tpu.memory_space<vmem>>, vector<16xi32>,
      %add3A_1870 = arith.constant 768 : i32
      %add3A_1871 = vector.broadcast %add3A_1870 : i32 to vector<16xi32>
      %add3A_1872 = arith.addi %get3A_1869, %add3A_1871 : vector<16xi32>
      %mul3A_1873 = arith.constant 16 : i32
      %mul3A_1874 = arith.muli %scan3A_1866, %mul3A_1873 : i32
      %get3A_1875 = arith.index_cast %mul3A_1874 : i32 to index
      %get3A_1876 = tpu.vector_load %arg8[%get3A_1875] {strides = array<i32>} : memref<1024xi32, #tpu.memory_space<vmem>>, vector<16xi32>,
      %shift_right_arithmetic3A = arith.constant 9 : i32
      %shift_right_arithmetic3A_1877 = vector.broadcast %shift_right_arithmetic3A : i32 to vector<16xi32>
      %shift_right_arithmetic3A_1878 = arith.shrsi %add3A_1872, %shift_right_arithmetic3A_1877 : vector<16xi32>
      %broadcast_in_dim3A = arith.constant 0 : i32
      %broadcast_in_dim3A_1879 = vector.broadcast %broadcast_in_dim3A : i32 to vector<16xi32>
      %and3A = arith.constant 511 : i32
      %and3A_1880 = vector.broadcast %and3A : i32 to vector<16xi32>
      %and3A_1881 = arith.andi %add3A_1872, %and3A_1880 : vector<16xi32>
      %gather3A = tpu.vector_load_idx %arg6[%shift_right_arithmetic3A_1878, %get3A_1876, %broadcast_in_dim3A_1879, %and3A_1881] : memref<2x32x1x512xi32, #tpu.memory_space<vmem>>[vector<16xi32>, vector<16xi32>, vector<16xi32>, vector<16xi32>], vector<16xi32>,
      %mul3A_1882 = arith.constant 16 : i32
      %mul3A_1883 = arith.muli %scan3A_1866, %mul3A_1882 : i32
      %swap3A = arith.constant 0 : i32
      %swap3A_1884 = arith.index_cast %swap3A : i32 to index
      %swap3A_1885 = arith.index_cast %mul3A_1883 : i32 to index
      %swap3A_1886 = tpu.vector_load %arg9[%swap3A_1884, %swap3A_1885] {strides = array<i32>} : memref<2x1024xi32, #tpu.memory_space<vmem>>, vector<16xi32>,
      tpu.vector_store %arg9[%swap3A_1884, %swap3A_1885], %gather3A {strides = array<i32>} : memref<2x1024xi32, #tpu.memory_space<vmem>>, vector<16xi32>,
    }
    %scan3A_1354 = arith.constant 64 : i32
    %dma_wait3A_1355 = arith.constant 1 : i32
    %dma_wait3A_1356 = arith.constant 1 : i32
    %dma_wait3A_1357 = arith.constant 0 : i32
    %dma_wait3A_1358 = arith.constant 0 : i32
    %dma_wait3A_1359 = tpu.memref_slice %arg10[%dma_wait3A_1356, %dma_wait3A_1357, %dma_wait3A_1358] : memref<2x1024x32xf32, #tpu.memory_space<vmem>> -> memref<1x1024x32xf32, #tpu.memory_space<vmem>>
    %dma_wait3A_1360 = tpu.memref_squeeze %dma_wait3A_1359 : memref<1x1024x32xf32, #tpu.memory_space<vmem>> -> memref<1024x32xf32, #tpu.memory_space<vmem>>
    %dma_wait3A_1361 = arith.constant 0 : i32
    %dma_wait3A_1362 = tpu.memref_slice %arg9[%dma_wait3A_1355, %dma_wait3A_1361] : memref<2x1024xi32, #tpu.memory_space<vmem>> -> memref<1x1024xi32, #tpu.memory_space<vmem>>
    %dma_wait3A_1363 = tpu.memref_squeeze %dma_wait3A_1362 : memref<1x1024xi32, #tpu.memory_space<vmem>> -> memref<1024xi32, #tpu.memory_space<vmem>>
    %dma_wait3A_1364 = arith.constant 0 : i32
    %dma_wait3A_1365 = arith.constant 0 : i32
    %dma_wait3A_1366 = tpu.memref_slice %arg5[%dma_wait3A_1364, %dma_wait3A_1365] : memref<1000x32xf32, #tpu.memory_space<vmem_shared>> -> memref<1000x32xf32, #tpu.memory_space<vmem_shared>>
    tpu.wait_indirect_dma semaphore(%arg12 : memref<!tpu.dma_semaphore, #tpu.memory_space<semaphore_mem>>) src(%dma_wait3A_1366 : memref<1000x32xf32, #tpu.memory_space<vmem_shared>>) dst(%dma_wait3A_1360 : memref<1024x32xf32, #tpu.memory_space<vmem>>)
    %add3A_1367 = arith.constant 23552 : i32
    %add3A_1368 = arith.addi %mul3A_2, %add3A_1367 : i32
    %dma_start3A_1369 = arith.constant 1 : i32
    %dma_start3A_1370 = arith.constant 0 : i32
    %dma_start3A_1371 = arith.constant 0 : i32
    %dma_start3A_1372 = tpu.memref_slice %arg10[%dma_start3A_1369, %dma_start3A_1370, %dma_start3A_1371] : memref<2x1024x32xf32, #tpu.memory_space<vmem>> -> memref<1x1024x32xf32, #tpu.memory_space<vmem>>
    %dma_start3A_1373 = tpu.memref_squeeze %dma_start3A_1372 : memref<1x1024x32xf32, #tpu.memory_space<vmem>> -> memref<1024x32xf32, #tpu.memory_space<vmem>>
    %dma_start3A_1374 = arith.constant 0 : i32
    %dma_start3A_1375 = tpu.memref_slice %arg4[%add3A_1368, %dma_start3A_1374] : memref<1048576x32xf32, #tpu.memory_space<hbm>> -> memref<1024x32xf32, #tpu.memory_space<hbm>>
    %dma_start3A_1376 = arith.constant 0 : i32
    %dma_start3A_1377 = tpu.memref_slice %arg4[%add3A_1368, %dma_start3A_1376] : memref<1048576x32xf32, #tpu.memory_space<hbm>> -> memref<1024x32xf32, #tpu.memory_space<hbm>>
    %dma_start3A_1378 = arith.constant 0 : i32
    %dma_start3A_1379 = arith.constant 0 : i32
    %dma_start3A_1380 = tpu.memref_slice %arg10[%dma_start3A_1369, %dma_start3A_1378, %dma_start3A_1379] : memref<2x1024x32xf32, #tpu.memory_space<vmem>> -> memref<1x1024x32xf32, #tpu.memory_space<vmem>>
    %dma_start3A_1381 = tpu.memref_squeeze %dma_start3A_1380 : memref<1x1024x32xf32, #tpu.memory_space<vmem>> -> memref<1024x32xf32, #tpu.memory_space<vmem>>
    tpu.enqueue_dma source(%dma_start3A_1381 : memref<1024x32xf32, #tpu.memory_space<vmem>>) target(%dma_start3A_1377 : memref<1024x32xf32, #tpu.memory_space<hbm>>) target_semaphore(%arg14 : memref<!tpu.dma_semaphore, #tpu.memory_space<semaphore_mem>>)
    %dma_wait3A_1382 = arith.constant 0 : i32
    %dma_wait3A_1383 = arith.constant 0 : i32
    %dma_wait3A_1384 = arith.constant 0 : i32
    %dma_wait3A_1385 = tpu.memref_slice %arg10[%dma_wait3A_1382, %dma_wait3A_1383, %dma_wait3A_1384] : memref<2x1024x32xf32, #tpu.memory_space<vmem>> -> memref<1x1024x32xf32, #tpu.memory_space<vmem>>
    %dma_wait3A_1386 = tpu.memref_squeeze %dma_wait3A_1385 : memref<1x1024x32xf32, #tpu.memory_space<vmem>> -> memref<1024x32xf32, #tpu.memory_space<vmem>>
    %dma_wait3A_1387 = arith.constant 0 : i32
    %dma_wait3A_1388 = tpu.memref_slice %arg4[%add3A_1310, %dma_wait3A_1387] : memref<1048576x32xf32, #tpu.memory_space<hbm>> -> memref<1024x32xf32, #tpu.memory_space<hbm>>
    %dma_wait3A_1389 = arith.constant 0 : i32
    %dma_wait3A_1390 = tpu.memref_slice %arg4[%add3A_1310, %dma_wait3A_1389] : memref<1048576x32xf32, #tpu.memory_space<hbm>> -> memref<1024x32xf32, #tpu.memory_space<hbm>>
    %dma_wait3A_1391 = arith.constant 0 : i32
    %dma_wait3A_1392 = arith.constant 0 : i32
    %dma_wait3A_1393 = tpu.memref_slice %arg10[%dma_wait3A_1382, %dma_wait3A_1391, %dma_wait3A_1392] : memref<2x1024x32xf32, #tpu.memory_space<vmem>> -> memref<1x1024x32xf32, #tpu.memory_space<vmem>>
    %dma_wait3A_1394 = tpu.memref_squeeze %dma_wait3A_1393 : memref<1x1024x32xf32, #tpu.memory_space<vmem>> -> memref<1024x32xf32, #tpu.memory_space<vmem>>
    tpu.wait_dma2 semaphore(%arg13 : memref<!tpu.dma_semaphore, #tpu.memory_space<semaphore_mem>>) src(%dma_wait3A_1394 : memref<1024x32xf32, #tpu.memory_space<vmem>>) dst(%dma_wait3A_1390 : memref<1024x32xf32, #tpu.memory_space<hbm>>)
    %dma_start3A_1395 = arith.constant 0 : i32
    %dma_start3A_1396 = arith.constant 0 : i32
    %dma_start3A_1397 = arith.constant 0 : i32
    %dma_start3A_1398 = arith.constant 0 : i32
    %dma_start3A_1399 = tpu.memref_slice %arg10[%dma_start3A_1396, %dma_start3A_1397, %dma_start3A_1398] : memref<2x1024x32xf32, #tpu.memory_space<vmem>> -> memref<1x1024x32xf32, #tpu.memory_space<vmem>>
    %dma_start3A_1400 = tpu.memref_squeeze %dma_start3A_1399 : memref<1x1024x32xf32, #tpu.memory_space<vmem>> -> memref<1024x32xf32, #tpu.memory_space<vmem>>
    %dma_start3A_1401 = arith.constant 0 : i32
    %dma_start3A_1402 = tpu.memref_slice %arg9[%dma_start3A_1395, %dma_start3A_1401] : memref<2x1024xi32, #tpu.memory_space<vmem>> -> memref<1x1024xi32, #tpu.memory_space<vmem>>
    %dma_start3A_1403 = tpu.memref_squeeze %dma_start3A_1402 : memref<1x1024xi32, #tpu.memory_space<vmem>> -> memref<1024xi32, #tpu.memory_space<vmem>>
    %dma_start3A_1404 = arith.constant 0 : i32
    %dma_start3A_1405 = arith.constant 0 : i32
    %dma_start3A_1406 = tpu.memref_slice %arg5[%dma_start3A_1404, %dma_start3A_1405] : memref<1000x32xf32, #tpu.memory_space<vmem_shared>> -> memref<1000x32xf32, #tpu.memory_space<vmem_shared>>
    tpu.enqueue_indirect_dma source(%dma_start3A_1406 : memref<1000x32xf32, #tpu.memory_space<vmem_shared>>) target(%dma_start3A_1400 : memref<1024x32xf32, #tpu.memory_space<vmem>>) offsets(%dma_start3A_1403 : memref<1024xi32, #tpu.memory_space<vmem>>) semaphore(%arg11 : memref<!tpu.dma_semaphore, #tpu.memory_space<semaphore_mem>>)
    %scan3A_1407 = arith.constant 0 : i32
    %scan3A_1408 = arith.constant 0 : i32
    %scan3A_1409 = arith.constant 64 : i32
    %scan3A_1410 = arith.addi %scan3A_1408, %scan3A_1409 : i32
    %scan3A_1411 = arith.constant 1 : i32
    scf.for %scan3A_1866 = %scan3A_1408 to %scan3A_1410 step %scan3A_1411  : i32 {
      %mul3A_1867 = arith.constant 16 : i32
      %mul3A_1868 = arith.muli %scan3A_1866, %mul3A_1867 : i32
      %get3A = arith.index_cast %mul3A_1868 : i32 to index
      %get3A_1869 = tpu.vector_load %arg7[%get3A] {strides = array<i32>} : memref<1024xi32, #tpu.memory_space<vmem>>, vector<16xi32>,
      %add3A_1870 = arith.constant 800 : i32
      %add3A_1871 = vector.broadcast %add3A_1870 : i32 to vector<16xi32>
      %add3A_1872 = arith.addi %get3A_1869, %add3A_1871 : vector<16xi32>
      %mul3A_1873 = arith.constant 16 : i32
      %mul3A_1874 = arith.muli %scan3A_1866, %mul3A_1873 : i32
      %get3A_1875 = arith.index_cast %mul3A_1874 : i32 to index
      %get3A_1876 = tpu.vector_load %arg8[%get3A_1875] {strides = array<i32>} : memref<1024xi32, #tpu.memory_space<vmem>>, vector<16xi32>,
      %shift_right_arithmetic3A = arith.constant 9 : i32
      %shift_right_arithmetic3A_1877 = vector.broadcast %shift_right_arithmetic3A : i32 to vector<16xi32>
      %shift_right_arithmetic3A_1878 = arith.shrsi %add3A_1872, %shift_right_arithmetic3A_1877 : vector<16xi32>
      %broadcast_in_dim3A = arith.constant 0 : i32
      %broadcast_in_dim3A_1879 = vector.broadcast %broadcast_in_dim3A : i32 to vector<16xi32>
      %and3A = arith.constant 511 : i32
      %and3A_1880 = vector.broadcast %and3A : i32 to vector<16xi32>
      %and3A_1881 = arith.andi %add3A_1872, %and3A_1880 : vector<16xi32>
      %gather3A = tpu.vector_load_idx %arg6[%shift_right_arithmetic3A_1878, %get3A_1876, %broadcast_in_dim3A_1879, %and3A_1881] : memref<2x32x1x512xi32, #tpu.memory_space<vmem>>[vector<16xi32>, vector<16xi32>, vector<16xi32>, vector<16xi32>], vector<16xi32>,
      %mul3A_1882 = arith.constant 16 : i32
      %mul3A_1883 = arith.muli %scan3A_1866, %mul3A_1882 : i32
      %swap3A = arith.constant 1 : i32
      %swap3A_1884 = arith.index_cast %swap3A : i32 to index
      %swap3A_1885 = arith.index_cast %mul3A_1883 : i32 to index
      %swap3A_1886 = tpu.vector_load %arg9[%swap3A_1884, %swap3A_1885] {strides = array<i32>} : memref<2x1024xi32, #tpu.memory_space<vmem>>, vector<16xi32>,
      tpu.vector_store %arg9[%swap3A_1884, %swap3A_1885], %gather3A {strides = array<i32>} : memref<2x1024xi32, #tpu.memory_space<vmem>>, vector<16xi32>,
    }
    %scan3A_1412 = arith.constant 64 : i32
    %dma_wait3A_1413 = arith.constant 0 : i32
    %dma_wait3A_1414 = arith.constant 0 : i32
    %dma_wait3A_1415 = arith.constant 0 : i32
    %dma_wait3A_1416 = arith.constant 0 : i32
    %dma_wait3A_1417 = tpu.memref_slice %arg10[%dma_wait3A_1414, %dma_wait3A_1415, %dma_wait3A_1416] : memref<2x1024x32xf32, #tpu.memory_space<vmem>> -> memref<1x1024x32xf32, #tpu.memory_space<vmem>>
    %dma_wait3A_1418 = tpu.memref_squeeze %dma_wait3A_1417 : memref<1x1024x32xf32, #tpu.memory_space<vmem>> -> memref<1024x32xf32, #tpu.memory_space<vmem>>
    %dma_wait3A_1419 = arith.constant 0 : i32
    %dma_wait3A_1420 = tpu.memref_slice %arg9[%dma_wait3A_1413, %dma_wait3A_1419] : memref<2x1024xi32, #tpu.memory_space<vmem>> -> memref<1x1024xi32, #tpu.memory_space<vmem>>
    %dma_wait3A_1421 = tpu.memref_squeeze %dma_wait3A_1420 : memref<1x1024xi32, #tpu.memory_space<vmem>> -> memref<1024xi32, #tpu.memory_space<vmem>>
    %dma_wait3A_1422 = arith.constant 0 : i32
    %dma_wait3A_1423 = arith.constant 0 : i32
    %dma_wait3A_1424 = tpu.memref_slice %arg5[%dma_wait3A_1422, %dma_wait3A_1423] : memref<1000x32xf32, #tpu.memory_space<vmem_shared>> -> memref<1000x32xf32, #tpu.memory_space<vmem_shared>>
    tpu.wait_indirect_dma semaphore(%arg11 : memref<!tpu.dma_semaphore, #tpu.memory_space<semaphore_mem>>) src(%dma_wait3A_1424 : memref<1000x32xf32, #tpu.memory_space<vmem_shared>>) dst(%dma_wait3A_1418 : memref<1024x32xf32, #tpu.memory_space<vmem>>)
    %add3A_1425 = arith.constant 24576 : i32
    %add3A_1426 = arith.addi %mul3A_2, %add3A_1425 : i32
    %dma_start3A_1427 = arith.constant 0 : i32
    %dma_start3A_1428 = arith.constant 0 : i32
    %dma_start3A_1429 = arith.constant 0 : i32
    %dma_start3A_1430 = tpu.memref_slice %arg10[%dma_start3A_1427, %dma_start3A_1428, %dma_start3A_1429] : memref<2x1024x32xf32, #tpu.memory_space<vmem>> -> memref<1x1024x32xf32, #tpu.memory_space<vmem>>
    %dma_start3A_1431 = tpu.memref_squeeze %dma_start3A_1430 : memref<1x1024x32xf32, #tpu.memory_space<vmem>> -> memref<1024x32xf32, #tpu.memory_space<vmem>>
    %dma_start3A_1432 = arith.constant 0 : i32
    %dma_start3A_1433 = tpu.memref_slice %arg4[%add3A_1426, %dma_start3A_1432] : memref<1048576x32xf32, #tpu.memory_space<hbm>> -> memref<1024x32xf32, #tpu.memory_space<hbm>>
    %dma_start3A_1434 = arith.constant 0 : i32
    %dma_start3A_1435 = tpu.memref_slice %arg4[%add3A_1426, %dma_start3A_1434] : memref<1048576x32xf32, #tpu.memory_space<hbm>> -> memref<1024x32xf32, #tpu.memory_space<hbm>>
    %dma_start3A_1436 = arith.constant 0 : i32
    %dma_start3A_1437 = arith.constant 0 : i32
    %dma_start3A_1438 = tpu.memref_slice %arg10[%dma_start3A_1427, %dma_start3A_1436, %dma_start3A_1437] : memref<2x1024x32xf32, #tpu.memory_space<vmem>> -> memref<1x1024x32xf32, #tpu.memory_space<vmem>>
    %dma_start3A_1439 = tpu.memref_squeeze %dma_start3A_1438 : memref<1x1024x32xf32, #tpu.memory_space<vmem>> -> memref<1024x32xf32, #tpu.memory_space<vmem>>
    tpu.enqueue_dma source(%dma_start3A_1439 : memref<1024x32xf32, #tpu.memory_space<vmem>>) target(%dma_start3A_1435 : memref<1024x32xf32, #tpu.memory_space<hbm>>) target_semaphore(%arg13 : memref<!tpu.dma_semaphore, #tpu.memory_space<semaphore_mem>>)
    %dma_wait3A_1440 = arith.constant 1 : i32
    %dma_wait3A_1441 = arith.constant 0 : i32
    %dma_wait3A_1442 = arith.constant 0 : i32
    %dma_wait3A_1443 = tpu.memref_slice %arg10[%dma_wait3A_1440, %dma_wait3A_1441, %dma_wait3A_1442] : memref<2x1024x32xf32, #tpu.memory_space<vmem>> -> memref<1x1024x32xf32, #tpu.memory_space<vmem>>
    %dma_wait3A_1444 = tpu.memref_squeeze %dma_wait3A_1443 : memref<1x1024x32xf32, #tpu.memory_space<vmem>> -> memref<1024x32xf32, #tpu.memory_space<vmem>>
    %dma_wait3A_1445 = arith.constant 0 : i32
    %dma_wait3A_1446 = tpu.memref_slice %arg4[%add3A_1368, %dma_wait3A_1445] : memref<1048576x32xf32, #tpu.memory_space<hbm>> -> memref<1024x32xf32, #tpu.memory_space<hbm>>
    %dma_wait3A_1447 = arith.constant 0 : i32
    %dma_wait3A_1448 = tpu.memref_slice %arg4[%add3A_1368, %dma_wait3A_1447] : memref<1048576x32xf32, #tpu.memory_space<hbm>> -> memref<1024x32xf32, #tpu.memory_space<hbm>>
    %dma_wait3A_1449 = arith.constant 0 : i32
    %dma_wait3A_1450 = arith.constant 0 : i32
    %dma_wait3A_1451 = tpu.memref_slice %arg10[%dma_wait3A_1440, %dma_wait3A_1449, %dma_wait3A_1450] : memref<2x1024x32xf32, #tpu.memory_space<vmem>> -> memref<1x1024x32xf32, #tpu.memory_space<vmem>>
    %dma_wait3A_1452 = tpu.memref_squeeze %dma_wait3A_1451 : memref<1x1024x32xf32, #tpu.memory_space<vmem>> -> memref<1024x32xf32, #tpu.memory_space<vmem>>
    tpu.wait_dma2 semaphore(%arg14 : memref<!tpu.dma_semaphore, #tpu.memory_space<semaphore_mem>>) src(%dma_wait3A_1452 : memref<1024x32xf32, #tpu.memory_space<vmem>>) dst(%dma_wait3A_1448 : memref<1024x32xf32, #tpu.memory_space<hbm>>)
    %dma_start3A_1453 = arith.constant 1 : i32
    %dma_start3A_1454 = arith.constant 1 : i32
    %dma_start3A_1455 = arith.constant 0 : i32
    %dma_start3A_1456 = arith.constant 0 : i32
    %dma_start3A_1457 = tpu.memref_slice %arg10[%dma_start3A_1454, %dma_start3A_1455, %dma_start3A_1456] : memref<2x1024x32xf32, #tpu.memory_space<vmem>> -> memref<1x1024x32xf32, #tpu.memory_space<vmem>>
    %dma_start3A_1458 = tpu.memref_squeeze %dma_start3A_1457 : memref<1x1024x32xf32, #tpu.memory_space<vmem>> -> memref<1024x32xf32, #tpu.memory_space<vmem>>
    %dma_start3A_1459 = arith.constant 0 : i32
    %dma_start3A_1460 = tpu.memref_slice %arg9[%dma_start3A_1453, %dma_start3A_1459] : memref<2x1024xi32, #tpu.memory_space<vmem>> -> memref<1x1024xi32, #tpu.memory_space<vmem>>
    %dma_start3A_1461 = tpu.memref_squeeze %dma_start3A_1460 : memref<1x1024xi32, #tpu.memory_space<vmem>> -> memref<1024xi32, #tpu.memory_space<vmem>>
    %dma_start3A_1462 = arith.constant 0 : i32
    %dma_start3A_1463 = arith.constant 0 : i32
    %dma_start3A_1464 = tpu.memref_slice %arg5[%dma_start3A_1462, %dma_start3A_1463] : memref<1000x32xf32, #tpu.memory_space<vmem_shared>> -> memref<1000x32xf32, #tpu.memory_space<vmem_shared>>
    tpu.enqueue_indirect_dma source(%dma_start3A_1464 : memref<1000x32xf32, #tpu.memory_space<vmem_shared>>) target(%dma_start3A_1458 : memref<1024x32xf32, #tpu.memory_space<vmem>>) offsets(%dma_start3A_1461 : memref<1024xi32, #tpu.memory_space<vmem>>) semaphore(%arg12 : memref<!tpu.dma_semaphore, #tpu.memory_space<semaphore_mem>>)
    %scan3A_1465 = arith.constant 0 : i32
    %scan3A_1466 = arith.constant 0 : i32
    %scan3A_1467 = arith.constant 64 : i32
    %scan3A_1468 = arith.addi %scan3A_1466, %scan3A_1467 : i32
    %scan3A_1469 = arith.constant 1 : i32
    scf.for %scan3A_1866 = %scan3A_1466 to %scan3A_1468 step %scan3A_1469  : i32 {
      %mul3A_1867 = arith.constant 16 : i32
      %mul3A_1868 = arith.muli %scan3A_1866, %mul3A_1867 : i32
      %get3A = arith.index_cast %mul3A_1868 : i32 to index
      %get3A_1869 = tpu.vector_load %arg7[%get3A] {strides = array<i32>} : memref<1024xi32, #tpu.memory_space<vmem>>, vector<16xi32>,
      %add3A_1870 = arith.constant 832 : i32
      %add3A_1871 = vector.broadcast %add3A_1870 : i32 to vector<16xi32>
      %add3A_1872 = arith.addi %get3A_1869, %add3A_1871 : vector<16xi32>
      %mul3A_1873 = arith.constant 16 : i32
      %mul3A_1874 = arith.muli %scan3A_1866, %mul3A_1873 : i32
      %get3A_1875 = arith.index_cast %mul3A_1874 : i32 to index
      %get3A_1876 = tpu.vector_load %arg8[%get3A_1875] {strides = array<i32>} : memref<1024xi32, #tpu.memory_space<vmem>>, vector<16xi32>,
      %shift_right_arithmetic3A = arith.constant 9 : i32
      %shift_right_arithmetic3A_1877 = vector.broadcast %shift_right_arithmetic3A : i32 to vector<16xi32>
      %shift_right_arithmetic3A_1878 = arith.shrsi %add3A_1872, %shift_right_arithmetic3A_1877 : vector<16xi32>
      %broadcast_in_dim3A = arith.constant 0 : i32
      %broadcast_in_dim3A_1879 = vector.broadcast %broadcast_in_dim3A : i32 to vector<16xi32>
      %and3A = arith.constant 511 : i32
      %and3A_1880 = vector.broadcast %and3A : i32 to vector<16xi32>
      %and3A_1881 = arith.andi %add3A_1872, %and3A_1880 : vector<16xi32>
      %gather3A = tpu.vector_load_idx %arg6[%shift_right_arithmetic3A_1878, %get3A_1876, %broadcast_in_dim3A_1879, %and3A_1881] : memref<2x32x1x512xi32, #tpu.memory_space<vmem>>[vector<16xi32>, vector<16xi32>, vector<16xi32>, vector<16xi32>], vector<16xi32>,
      %mul3A_1882 = arith.constant 16 : i32
      %mul3A_1883 = arith.muli %scan3A_1866, %mul3A_1882 : i32
      %swap3A = arith.constant 0 : i32
      %swap3A_1884 = arith.index_cast %swap3A : i32 to index
      %swap3A_1885 = arith.index_cast %mul3A_1883 : i32 to index
      %swap3A_1886 = tpu.vector_load %arg9[%swap3A_1884, %swap3A_1885] {strides = array<i32>} : memref<2x1024xi32, #tpu.memory_space<vmem>>, vector<16xi32>,
      tpu.vector_store %arg9[%swap3A_1884, %swap3A_1885], %gather3A {strides = array<i32>} : memref<2x1024xi32, #tpu.memory_space<vmem>>, vector<16xi32>,
    }
    %scan3A_1470 = arith.constant 64 : i32
    %dma_wait3A_1471 = arith.constant 1 : i32
    %dma_wait3A_1472 = arith.constant 1 : i32
    %dma_wait3A_1473 = arith.constant 0 : i32
    %dma_wait3A_1474 = arith.constant 0 : i32
    %dma_wait3A_1475 = tpu.memref_slice %arg10[%dma_wait3A_1472, %dma_wait3A_1473, %dma_wait3A_1474] : memref<2x1024x32xf32, #tpu.memory_space<vmem>> -> memref<1x1024x32xf32, #tpu.memory_space<vmem>>
    %dma_wait3A_1476 = tpu.memref_squeeze %dma_wait3A_1475 : memref<1x1024x32xf32, #tpu.memory_space<vmem>> -> memref<1024x32xf32, #tpu.memory_space<vmem>>
    %dma_wait3A_1477 = arith.constant 0 : i32
    %dma_wait3A_1478 = tpu.memref_slice %arg9[%dma_wait3A_1471, %dma_wait3A_1477] : memref<2x1024xi32, #tpu.memory_space<vmem>> -> memref<1x1024xi32, #tpu.memory_space<vmem>>
    %dma_wait3A_1479 = tpu.memref_squeeze %dma_wait3A_1478 : memref<1x1024xi32, #tpu.memory_space<vmem>> -> memref<1024xi32, #tpu.memory_space<vmem>>
    %dma_wait3A_1480 = arith.constant 0 : i32
    %dma_wait3A_1481 = arith.constant 0 : i32
    %dma_wait3A_1482 = tpu.memref_slice %arg5[%dma_wait3A_1480, %dma_wait3A_1481] : memref<1000x32xf32, #tpu.memory_space<vmem_shared>> -> memref<1000x32xf32, #tpu.memory_space<vmem_shared>>
    tpu.wait_indirect_dma semaphore(%arg12 : memref<!tpu.dma_semaphore, #tpu.memory_space<semaphore_mem>>) src(%dma_wait3A_1482 : memref<1000x32xf32, #tpu.memory_space<vmem_shared>>) dst(%dma_wait3A_1476 : memref<1024x32xf32, #tpu.memory_space<vmem>>)
    %add3A_1483 = arith.constant 25600 : i32
    %add3A_1484 = arith.addi %mul3A_2, %add3A_1483 : i32
    %dma_start3A_1485 = arith.constant 1 : i32
    %dma_start3A_1486 = arith.constant 0 : i32
    %dma_start3A_1487 = arith.constant 0 : i32
    %dma_start3A_1488 = tpu.memref_slice %arg10[%dma_start3A_1485, %dma_start3A_1486, %dma_start3A_1487] : memref<2x1024x32xf32, #tpu.memory_space<vmem>> -> memref<1x1024x32xf32, #tpu.memory_space<vmem>>
    %dma_start3A_1489 = tpu.memref_squeeze %dma_start3A_1488 : memref<1x1024x32xf32, #tpu.memory_space<vmem>> -> memref<1024x32xf32, #tpu.memory_space<vmem>>
    %dma_start3A_1490 = arith.constant 0 : i32
    %dma_start3A_1491 = tpu.memref_slice %arg4[%add3A_1484, %dma_start3A_1490] : memref<1048576x32xf32, #tpu.memory_space<hbm>> -> memref<1024x32xf32, #tpu.memory_space<hbm>>
    %dma_start3A_1492 = arith.constant 0 : i32
    %dma_start3A_1493 = tpu.memref_slice %arg4[%add3A_1484, %dma_start3A_1492] : memref<1048576x32xf32, #tpu.memory_space<hbm>> -> memref<1024x32xf32, #tpu.memory_space<hbm>>
    %dma_start3A_1494 = arith.constant 0 : i32
    %dma_start3A_1495 = arith.constant 0 : i32
    %dma_start3A_1496 = tpu.memref_slice %arg10[%dma_start3A_1485, %dma_start3A_1494, %dma_start3A_1495] : memref<2x1024x32xf32, #tpu.memory_space<vmem>> -> memref<1x1024x32xf32, #tpu.memory_space<vmem>>
    %dma_start3A_1497 = tpu.memref_squeeze %dma_start3A_1496 : memref<1x1024x32xf32, #tpu.memory_space<vmem>> -> memref<1024x32xf32, #tpu.memory_space<vmem>>
    tpu.enqueue_dma source(%dma_start3A_1497 : memref<1024x32xf32, #tpu.memory_space<vmem>>) target(%dma_start3A_1493 : memref<1024x32xf32, #tpu.memory_space<hbm>>) target_semaphore(%arg14 : memref<!tpu.dma_semaphore, #tpu.memory_space<semaphore_mem>>)
    %dma_wait3A_1498 = arith.constant 0 : i32
    %dma_wait3A_1499 = arith.constant 0 : i32
    %dma_wait3A_1500 = arith.constant 0 : i32
    %dma_wait3A_1501 = tpu.memref_slice %arg10[%dma_wait3A_1498, %dma_wait3A_1499, %dma_wait3A_1500] : memref<2x1024x32xf32, #tpu.memory_space<vmem>> -> memref<1x1024x32xf32, #tpu.memory_space<vmem>>
    %dma_wait3A_1502 = tpu.memref_squeeze %dma_wait3A_1501 : memref<1x1024x32xf32, #tpu.memory_space<vmem>> -> memref<1024x32xf32, #tpu.memory_space<vmem>>
    %dma_wait3A_1503 = arith.constant 0 : i32
    %dma_wait3A_1504 = tpu.memref_slice %arg4[%add3A_1426, %dma_wait3A_1503] : memref<1048576x32xf32, #tpu.memory_space<hbm>> -> memref<1024x32xf32, #tpu.memory_space<hbm>>
    %dma_wait3A_1505 = arith.constant 0 : i32
    %dma_wait3A_1506 = tpu.memref_slice %arg4[%add3A_1426, %dma_wait3A_1505] : memref<1048576x32xf32, #tpu.memory_space<hbm>> -> memref<1024x32xf32, #tpu.memory_space<hbm>>
    %dma_wait3A_1507 = arith.constant 0 : i32
    %dma_wait3A_1508 = arith.constant 0 : i32
    %dma_wait3A_1509 = tpu.memref_slice %arg10[%dma_wait3A_1498, %dma_wait3A_1507, %dma_wait3A_1508] : memref<2x1024x32xf32, #tpu.memory_space<vmem>> -> memref<1x1024x32xf32, #tpu.memory_space<vmem>>
    %dma_wait3A_1510 = tpu.memref_squeeze %dma_wait3A_1509 : memref<1x1024x32xf32, #tpu.memory_space<vmem>> -> memref<1024x32xf32, #tpu.memory_space<vmem>>
    tpu.wait_dma2 semaphore(%arg13 : memref<!tpu.dma_semaphore, #tpu.memory_space<semaphore_mem>>) src(%dma_wait3A_1510 : memref<1024x32xf32, #tpu.memory_space<vmem>>) dst(%dma_wait3A_1506 : memref<1024x32xf32, #tpu.memory_space<hbm>>)
    %dma_start3A_1511 = arith.constant 0 : i32
    %dma_start3A_1512 = arith.constant 0 : i32
    %dma_start3A_1513 = arith.constant 0 : i32
    %dma_start3A_1514 = arith.constant 0 : i32
    %dma_start3A_1515 = tpu.memref_slice %arg10[%dma_start3A_1512, %dma_start3A_1513, %dma_start3A_1514] : memref<2x1024x32xf32, #tpu.memory_space<vmem>> -> memref<1x1024x32xf32, #tpu.memory_space<vmem>>
    %dma_start3A_1516 = tpu.memref_squeeze %dma_start3A_1515 : memref<1x1024x32xf32, #tpu.memory_space<vmem>> -> memref<1024x32xf32, #tpu.memory_space<vmem>>
    %dma_start3A_1517 = arith.constant 0 : i32
    %dma_start3A_1518 = tpu.memref_slice %arg9[%dma_start3A_1511, %dma_start3A_1517] : memref<2x1024xi32, #tpu.memory_space<vmem>> -> memref<1x1024xi32, #tpu.memory_space<vmem>>
    %dma_start3A_1519 = tpu.memref_squeeze %dma_start3A_1518 : memref<1x1024xi32, #tpu.memory_space<vmem>> -> memref<1024xi32, #tpu.memory_space<vmem>>
    %dma_start3A_1520 = arith.constant 0 : i32
    %dma_start3A_1521 = arith.constant 0 : i32
    %dma_start3A_1522 = tpu.memref_slice %arg5[%dma_start3A_1520, %dma_start3A_1521] : memref<1000x32xf32, #tpu.memory_space<vmem_shared>> -> memref<1000x32xf32, #tpu.memory_space<vmem_shared>>
    tpu.enqueue_indirect_dma source(%dma_start3A_1522 : memref<1000x32xf32, #tpu.memory_space<vmem_shared>>) target(%dma_start3A_1516 : memref<1024x32xf32, #tpu.memory_space<vmem>>) offsets(%dma_start3A_1519 : memref<1024xi32, #tpu.memory_space<vmem>>) semaphore(%arg11 : memref<!tpu.dma_semaphore, #tpu.memory_space<semaphore_mem>>)
    %scan3A_1523 = arith.constant 0 : i32
    %scan3A_1524 = arith.constant 0 : i32
    %scan3A_1525 = arith.constant 64 : i32
    %scan3A_1526 = arith.addi %scan3A_1524, %scan3A_1525 : i32
    %scan3A_1527 = arith.constant 1 : i32
    scf.for %scan3A_1866 = %scan3A_1524 to %scan3A_1526 step %scan3A_1527  : i32 {
      %mul3A_1867 = arith.constant 16 : i32
      %mul3A_1868 = arith.muli %scan3A_1866, %mul3A_1867 : i32
      %get3A = arith.index_cast %mul3A_1868 : i32 to index
      %get3A_1869 = tpu.vector_load %arg7[%get3A] {strides = array<i32>} : memref<1024xi32, #tpu.memory_space<vmem>>, vector<16xi32>,
      %add3A_1870 = arith.constant 864 : i32
      %add3A_1871 = vector.broadcast %add3A_1870 : i32 to vector<16xi32>
      %add3A_1872 = arith.addi %get3A_1869, %add3A_1871 : vector<16xi32>
      %mul3A_1873 = arith.constant 16 : i32
      %mul3A_1874 = arith.muli %scan3A_1866, %mul3A_1873 : i32
      %get3A_1875 = arith.index_cast %mul3A_1874 : i32 to index
      %get3A_1876 = tpu.vector_load %arg8[%get3A_1875] {strides = array<i32>} : memref<1024xi32, #tpu.memory_space<vmem>>, vector<16xi32>,
      %shift_right_arithmetic3A = arith.constant 9 : i32
      %shift_right_arithmetic3A_1877 = vector.broadcast %shift_right_arithmetic3A : i32 to vector<16xi32>
      %shift_right_arithmetic3A_1878 = arith.shrsi %add3A_1872, %shift_right_arithmetic3A_1877 : vector<16xi32>
      %broadcast_in_dim3A = arith.constant 0 : i32
      %broadcast_in_dim3A_1879 = vector.broadcast %broadcast_in_dim3A : i32 to vector<16xi32>
      %and3A = arith.constant 511 : i32
      %and3A_1880 = vector.broadcast %and3A : i32 to vector<16xi32>
      %and3A_1881 = arith.andi %add3A_1872, %and3A_1880 : vector<16xi32>
      %gather3A = tpu.vector_load_idx %arg6[%shift_right_arithmetic3A_1878, %get3A_1876, %broadcast_in_dim3A_1879, %and3A_1881] : memref<2x32x1x512xi32, #tpu.memory_space<vmem>>[vector<16xi32>, vector<16xi32>, vector<16xi32>, vector<16xi32>], vector<16xi32>,
      %mul3A_1882 = arith.constant 16 : i32
      %mul3A_1883 = arith.muli %scan3A_1866, %mul3A_1882 : i32
      %swap3A = arith.constant 1 : i32
      %swap3A_1884 = arith.index_cast %swap3A : i32 to index
      %swap3A_1885 = arith.index_cast %mul3A_1883 : i32 to index
      %swap3A_1886 = tpu.vector_load %arg9[%swap3A_1884, %swap3A_1885] {strides = array<i32>} : memref<2x1024xi32, #tpu.memory_space<vmem>>, vector<16xi32>,
      tpu.vector_store %arg9[%swap3A_1884, %swap3A_1885], %gather3A {strides = array<i32>} : memref<2x1024xi32, #tpu.memory_space<vmem>>, vector<16xi32>,
    }
    %scan3A_1528 = arith.constant 64 : i32
    %dma_wait3A_1529 = arith.constant 0 : i32
    %dma_wait3A_1530 = arith.constant 0 : i32
    %dma_wait3A_1531 = arith.constant 0 : i32
    %dma_wait3A_1532 = arith.constant 0 : i32
    %dma_wait3A_1533 = tpu.memref_slice %arg10[%dma_wait3A_1530, %dma_wait3A_1531, %dma_wait3A_1532] : memref<2x1024x32xf32, #tpu.memory_space<vmem>> -> memref<1x1024x32xf32, #tpu.memory_space<vmem>>
    %dma_wait3A_1534 = tpu.memref_squeeze %dma_wait3A_1533 : memref<1x1024x32xf32, #tpu.memory_space<vmem>> -> memref<1024x32xf32, #tpu.memory_space<vmem>>
    %dma_wait3A_1535 = arith.constant 0 : i32
    %dma_wait3A_1536 = tpu.memref_slice %arg9[%dma_wait3A_1529, %dma_wait3A_1535] : memref<2x1024xi32, #tpu.memory_space<vmem>> -> memref<1x1024xi32, #tpu.memory_space<vmem>>
    %dma_wait3A_1537 = tpu.memref_squeeze %dma_wait3A_1536 : memref<1x1024xi32, #tpu.memory_space<vmem>> -> memref<1024xi32, #tpu.memory_space<vmem>>
    %dma_wait3A_1538 = arith.constant 0 : i32
    %dma_wait3A_1539 = arith.constant 0 : i32
    %dma_wait3A_1540 = tpu.memref_slice %arg5[%dma_wait3A_1538, %dma_wait3A_1539] : memref<1000x32xf32, #tpu.memory_space<vmem_shared>> -> memref<1000x32xf32, #tpu.memory_space<vmem_shared>>
    tpu.wait_indirect_dma semaphore(%arg11 : memref<!tpu.dma_semaphore, #tpu.memory_space<semaphore_mem>>) src(%dma_wait3A_1540 : memref<1000x32xf32, #tpu.memory_space<vmem_shared>>) dst(%dma_wait3A_1534 : memref<1024x32xf32, #tpu.memory_space<vmem>>)
    %add3A_1541 = arith.constant 26624 : i32
    %add3A_1542 = arith.addi %mul3A_2, %add3A_1541 : i32
    %dma_start3A_1543 = arith.constant 0 : i32
    %dma_start3A_1544 = arith.constant 0 : i32
    %dma_start3A_1545 = arith.constant 0 : i32
    %dma_start3A_1546 = tpu.memref_slice %arg10[%dma_start3A_1543, %dma_start3A_1544, %dma_start3A_1545] : memref<2x1024x32xf32, #tpu.memory_space<vmem>> -> memref<1x1024x32xf32, #tpu.memory_space<vmem>>
    %dma_start3A_1547 = tpu.memref_squeeze %dma_start3A_1546 : memref<1x1024x32xf32, #tpu.memory_space<vmem>> -> memref<1024x32xf32, #tpu.memory_space<vmem>>
    %dma_start3A_1548 = arith.constant 0 : i32
    %dma_start3A_1549 = tpu.memref_slice %arg4[%add3A_1542, %dma_start3A_1548] : memref<1048576x32xf32, #tpu.memory_space<hbm>> -> memref<1024x32xf32, #tpu.memory_space<hbm>>
    %dma_start3A_1550 = arith.constant 0 : i32
    %dma_start3A_1551 = tpu.memref_slice %arg4[%add3A_1542, %dma_start3A_1550] : memref<1048576x32xf32, #tpu.memory_space<hbm>> -> memref<1024x32xf32, #tpu.memory_space<hbm>>
    %dma_start3A_1552 = arith.constant 0 : i32
    %dma_start3A_1553 = arith.constant 0 : i32
    %dma_start3A_1554 = tpu.memref_slice %arg10[%dma_start3A_1543, %dma_start3A_1552, %dma_start3A_1553] : memref<2x1024x32xf32, #tpu.memory_space<vmem>> -> memref<1x1024x32xf32, #tpu.memory_space<vmem>>
    %dma_start3A_1555 = tpu.memref_squeeze %dma_start3A_1554 : memref<1x1024x32xf32, #tpu.memory_space<vmem>> -> memref<1024x32xf32, #tpu.memory_space<vmem>>
    tpu.enqueue_dma source(%dma_start3A_1555 : memref<1024x32xf32, #tpu.memory_space<vmem>>) target(%dma_start3A_1551 : memref<1024x32xf32, #tpu.memory_space<hbm>>) target_semaphore(%arg13 : memref<!tpu.dma_semaphore, #tpu.memory_space<semaphore_mem>>)
    %dma_wait3A_1556 = arith.constant 1 : i32
    %dma_wait3A_1557 = arith.constant 0 : i32
    %dma_wait3A_1558 = arith.constant 0 : i32
    %dma_wait3A_1559 = tpu.memref_slice %arg10[%dma_wait3A_1556, %dma_wait3A_1557, %dma_wait3A_1558] : memref<2x1024x32xf32, #tpu.memory_space<vmem>> -> memref<1x1024x32xf32, #tpu.memory_space<vmem>>
    %dma_wait3A_1560 = tpu.memref_squeeze %dma_wait3A_1559 : memref<1x1024x32xf32, #tpu.memory_space<vmem>> -> memref<1024x32xf32, #tpu.memory_space<vmem>>
    %dma_wait3A_1561 = arith.constant 0 : i32
    %dma_wait3A_1562 = tpu.memref_slice %arg4[%add3A_1484, %dma_wait3A_1561] : memref<1048576x32xf32, #tpu.memory_space<hbm>> -> memref<1024x32xf32, #tpu.memory_space<hbm>>
    %dma_wait3A_1563 = arith.constant 0 : i32
    %dma_wait3A_1564 = tpu.memref_slice %arg4[%add3A_1484, %dma_wait3A_1563] : memref<1048576x32xf32, #tpu.memory_space<hbm>> -> memref<1024x32xf32, #tpu.memory_space<hbm>>
    %dma_wait3A_1565 = arith.constant 0 : i32
    %dma_wait3A_1566 = arith.constant 0 : i32
    %dma_wait3A_1567 = tpu.memref_slice %arg10[%dma_wait3A_1556, %dma_wait3A_1565, %dma_wait3A_1566] : memref<2x1024x32xf32, #tpu.memory_space<vmem>> -> memref<1x1024x32xf32, #tpu.memory_space<vmem>>
    %dma_wait3A_1568 = tpu.memref_squeeze %dma_wait3A_1567 : memref<1x1024x32xf32, #tpu.memory_space<vmem>> -> memref<1024x32xf32, #tpu.memory_space<vmem>>
    tpu.wait_dma2 semaphore(%arg14 : memref<!tpu.dma_semaphore, #tpu.memory_space<semaphore_mem>>) src(%dma_wait3A_1568 : memref<1024x32xf32, #tpu.memory_space<vmem>>) dst(%dma_wait3A_1564 : memref<1024x32xf32, #tpu.memory_space<hbm>>)
    %dma_start3A_1569 = arith.constant 1 : i32
    %dma_start3A_1570 = arith.constant 1 : i32
    %dma_start3A_1571 = arith.constant 0 : i32
    %dma_start3A_1572 = arith.constant 0 : i32
    %dma_start3A_1573 = tpu.memref_slice %arg10[%dma_start3A_1570, %dma_start3A_1571, %dma_start3A_1572] : memref<2x1024x32xf32, #tpu.memory_space<vmem>> -> memref<1x1024x32xf32, #tpu.memory_space<vmem>>
    %dma_start3A_1574 = tpu.memref_squeeze %dma_start3A_1573 : memref<1x1024x32xf32, #tpu.memory_space<vmem>> -> memref<1024x32xf32, #tpu.memory_space<vmem>>
    %dma_start3A_1575 = arith.constant 0 : i32
    %dma_start3A_1576 = tpu.memref_slice %arg9[%dma_start3A_1569, %dma_start3A_1575] : memref<2x1024xi32, #tpu.memory_space<vmem>> -> memref<1x1024xi32, #tpu.memory_space<vmem>>
    %dma_start3A_1577 = tpu.memref_squeeze %dma_start3A_1576 : memref<1x1024xi32, #tpu.memory_space<vmem>> -> memref<1024xi32, #tpu.memory_space<vmem>>
    %dma_start3A_1578 = arith.constant 0 : i32
    %dma_start3A_1579 = arith.constant 0 : i32
    %dma_start3A_1580 = tpu.memref_slice %arg5[%dma_start3A_1578, %dma_start3A_1579] : memref<1000x32xf32, #tpu.memory_space<vmem_shared>> -> memref<1000x32xf32, #tpu.memory_space<vmem_shared>>
    tpu.enqueue_indirect_dma source(%dma_start3A_1580 : memref<1000x32xf32, #tpu.memory_space<vmem_shared>>) target(%dma_start3A_1574 : memref<1024x32xf32, #tpu.memory_space<vmem>>) offsets(%dma_start3A_1577 : memref<1024xi32, #tpu.memory_space<vmem>>) semaphore(%arg12 : memref<!tpu.dma_semaphore, #tpu.memory_space<semaphore_mem>>)
    %scan3A_1581 = arith.constant 0 : i32
    %scan3A_1582 = arith.constant 0 : i32
    %scan3A_1583 = arith.constant 64 : i32
    %scan3A_1584 = arith.addi %scan3A_1582, %scan3A_1583 : i32
    %scan3A_1585 = arith.constant 1 : i32
    scf.for %scan3A_1866 = %scan3A_1582 to %scan3A_1584 step %scan3A_1585  : i32 {
      %mul3A_1867 = arith.constant 16 : i32
      %mul3A_1868 = arith.muli %scan3A_1866, %mul3A_1867 : i32
      %get3A = arith.index_cast %mul3A_1868 : i32 to index
      %get3A_1869 = tpu.vector_load %arg7[%get3A] {strides = array<i32>} : memref<1024xi32, #tpu.memory_space<vmem>>, vector<16xi32>,
      %add3A_1870 = arith.constant 896 : i32
      %add3A_1871 = vector.broadcast %add3A_1870 : i32 to vector<16xi32>
      %add3A_1872 = arith.addi %get3A_1869, %add3A_1871 : vector<16xi32>
      %mul3A_1873 = arith.constant 16 : i32
      %mul3A_1874 = arith.muli %scan3A_1866, %mul3A_1873 : i32
      %get3A_1875 = arith.index_cast %mul3A_1874 : i32 to index
      %get3A_1876 = tpu.vector_load %arg8[%get3A_1875] {strides = array<i32>} : memref<1024xi32, #tpu.memory_space<vmem>>, vector<16xi32>,
      %shift_right_arithmetic3A = arith.constant 9 : i32
      %shift_right_arithmetic3A_1877 = vector.broadcast %shift_right_arithmetic3A : i32 to vector<16xi32>
      %shift_right_arithmetic3A_1878 = arith.shrsi %add3A_1872, %shift_right_arithmetic3A_1877 : vector<16xi32>
      %broadcast_in_dim3A = arith.constant 0 : i32
      %broadcast_in_dim3A_1879 = vector.broadcast %broadcast_in_dim3A : i32 to vector<16xi32>
      %and3A = arith.constant 511 : i32
      %and3A_1880 = vector.broadcast %and3A : i32 to vector<16xi32>
      %and3A_1881 = arith.andi %add3A_1872, %and3A_1880 : vector<16xi32>
      %gather3A = tpu.vector_load_idx %arg6[%shift_right_arithmetic3A_1878, %get3A_1876, %broadcast_in_dim3A_1879, %and3A_1881] : memref<2x32x1x512xi32, #tpu.memory_space<vmem>>[vector<16xi32>, vector<16xi32>, vector<16xi32>, vector<16xi32>], vector<16xi32>,
      %mul3A_1882 = arith.constant 16 : i32
      %mul3A_1883 = arith.muli %scan3A_1866, %mul3A_1882 : i32
      %swap3A = arith.constant 0 : i32
      %swap3A_1884 = arith.index_cast %swap3A : i32 to index
      %swap3A_1885 = arith.index_cast %mul3A_1883 : i32 to index
      %swap3A_1886 = tpu.vector_load %arg9[%swap3A_1884, %swap3A_1885] {strides = array<i32>} : memref<2x1024xi32, #tpu.memory_space<vmem>>, vector<16xi32>,
      tpu.vector_store %arg9[%swap3A_1884, %swap3A_1885], %gather3A {strides = array<i32>} : memref<2x1024xi32, #tpu.memory_space<vmem>>, vector<16xi32>,
    }
    %scan3A_1586 = arith.constant 64 : i32
    %dma_wait3A_1587 = arith.constant 1 : i32
    %dma_wait3A_1588 = arith.constant 1 : i32
    %dma_wait3A_1589 = arith.constant 0 : i32
    %dma_wait3A_1590 = arith.constant 0 : i32
    %dma_wait3A_1591 = tpu.memref_slice %arg10[%dma_wait3A_1588, %dma_wait3A_1589, %dma_wait3A_1590] : memref<2x1024x32xf32, #tpu.memory_space<vmem>> -> memref<1x1024x32xf32, #tpu.memory_space<vmem>>
    %dma_wait3A_1592 = tpu.memref_squeeze %dma_wait3A_1591 : memref<1x1024x32xf32, #tpu.memory_space<vmem>> -> memref<1024x32xf32, #tpu.memory_space<vmem>>
    %dma_wait3A_1593 = arith.constant 0 : i32
    %dma_wait3A_1594 = tpu.memref_slice %arg9[%dma_wait3A_1587, %dma_wait3A_1593] : memref<2x1024xi32, #tpu.memory_space<vmem>> -> memref<1x1024xi32, #tpu.memory_space<vmem>>
    %dma_wait3A_1595 = tpu.memref_squeeze %dma_wait3A_1594 : memref<1x1024xi32, #tpu.memory_space<vmem>> -> memref<1024xi32, #tpu.memory_space<vmem>>
    %dma_wait3A_1596 = arith.constant 0 : i32
    %dma_wait3A_1597 = arith.constant 0 : i32
    %dma_wait3A_1598 = tpu.memref_slice %arg5[%dma_wait3A_1596, %dma_wait3A_1597] : memref<1000x32xf32, #tpu.memory_space<vmem_shared>> -> memref<1000x32xf32, #tpu.memory_space<vmem_shared>>
    tpu.wait_indirect_dma semaphore(%arg12 : memref<!tpu.dma_semaphore, #tpu.memory_space<semaphore_mem>>) src(%dma_wait3A_1598 : memref<1000x32xf32, #tpu.memory_space<vmem_shared>>) dst(%dma_wait3A_1592 : memref<1024x32xf32, #tpu.memory_space<vmem>>)
    %add3A_1599 = arith.constant 27648 : i32
    %add3A_1600 = arith.addi %mul3A_2, %add3A_1599 : i32
    %dma_start3A_1601 = arith.constant 1 : i32
    %dma_start3A_1602 = arith.constant 0 : i32
    %dma_start3A_1603 = arith.constant 0 : i32
    %dma_start3A_1604 = tpu.memref_slice %arg10[%dma_start3A_1601, %dma_start3A_1602, %dma_start3A_1603] : memref<2x1024x32xf32, #tpu.memory_space<vmem>> -> memref<1x1024x32xf32, #tpu.memory_space<vmem>>
    %dma_start3A_1605 = tpu.memref_squeeze %dma_start3A_1604 : memref<1x1024x32xf32, #tpu.memory_space<vmem>> -> memref<1024x32xf32, #tpu.memory_space<vmem>>
    %dma_start3A_1606 = arith.constant 0 : i32
    %dma_start3A_1607 = tpu.memref_slice %arg4[%add3A_1600, %dma_start3A_1606] : memref<1048576x32xf32, #tpu.memory_space<hbm>> -> memref<1024x32xf32, #tpu.memory_space<hbm>>
    %dma_start3A_1608 = arith.constant 0 : i32
    %dma_start3A_1609 = tpu.memref_slice %arg4[%add3A_1600, %dma_start3A_1608] : memref<1048576x32xf32, #tpu.memory_space<hbm>> -> memref<1024x32xf32, #tpu.memory_space<hbm>>
    %dma_start3A_1610 = arith.constant 0 : i32
    %dma_start3A_1611 = arith.constant 0 : i32
    %dma_start3A_1612 = tpu.memref_slice %arg10[%dma_start3A_1601, %dma_start3A_1610, %dma_start3A_1611] : memref<2x1024x32xf32, #tpu.memory_space<vmem>> -> memref<1x1024x32xf32, #tpu.memory_space<vmem>>
    %dma_start3A_1613 = tpu.memref_squeeze %dma_start3A_1612 : memref<1x1024x32xf32, #tpu.memory_space<vmem>> -> memref<1024x32xf32, #tpu.memory_space<vmem>>
    tpu.enqueue_dma source(%dma_start3A_1613 : memref<1024x32xf32, #tpu.memory_space<vmem>>) target(%dma_start3A_1609 : memref<1024x32xf32, #tpu.memory_space<hbm>>) target_semaphore(%arg14 : memref<!tpu.dma_semaphore, #tpu.memory_space<semaphore_mem>>)
    %dma_wait3A_1614 = arith.constant 0 : i32
    %dma_wait3A_1615 = arith.constant 0 : i32
    %dma_wait3A_1616 = arith.constant 0 : i32
    %dma_wait3A_1617 = tpu.memref_slice %arg10[%dma_wait3A_1614, %dma_wait3A_1615, %dma_wait3A_1616] : memref<2x1024x32xf32, #tpu.memory_space<vmem>> -> memref<1x1024x32xf32, #tpu.memory_space<vmem>>
    %dma_wait3A_1618 = tpu.memref_squeeze %dma_wait3A_1617 : memref<1x1024x32xf32, #tpu.memory_space<vmem>> -> memref<1024x32xf32, #tpu.memory_space<vmem>>
    %dma_wait3A_1619 = arith.constant 0 : i32
    %dma_wait3A_1620 = tpu.memref_slice %arg4[%add3A_1542, %dma_wait3A_1619] : memref<1048576x32xf32, #tpu.memory_space<hbm>> -> memref<1024x32xf32, #tpu.memory_space<hbm>>
    %dma_wait3A_1621 = arith.constant 0 : i32
    %dma_wait3A_1622 = tpu.memref_slice %arg4[%add3A_1542, %dma_wait3A_1621] : memref<1048576x32xf32, #tpu.memory_space<hbm>> -> memref<1024x32xf32, #tpu.memory_space<hbm>>
    %dma_wait3A_1623 = arith.constant 0 : i32
    %dma_wait3A_1624 = arith.constant 0 : i32
    %dma_wait3A_1625 = tpu.memref_slice %arg10[%dma_wait3A_1614, %dma_wait3A_1623, %dma_wait3A_1624] : memref<2x1024x32xf32, #tpu.memory_space<vmem>> -> memref<1x1024x32xf32, #tpu.memory_space<vmem>>
    %dma_wait3A_1626 = tpu.memref_squeeze %dma_wait3A_1625 : memref<1x1024x32xf32, #tpu.memory_space<vmem>> -> memref<1024x32xf32, #tpu.memory_space<vmem>>
    tpu.wait_dma2 semaphore(%arg13 : memref<!tpu.dma_semaphore, #tpu.memory_space<semaphore_mem>>) src(%dma_wait3A_1626 : memref<1024x32xf32, #tpu.memory_space<vmem>>) dst(%dma_wait3A_1622 : memref<1024x32xf32, #tpu.memory_space<hbm>>)
    %dma_start3A_1627 = arith.constant 0 : i32
    %dma_start3A_1628 = arith.constant 0 : i32
    %dma_start3A_1629 = arith.constant 0 : i32
    %dma_start3A_1630 = arith.constant 0 : i32
    %dma_start3A_1631 = tpu.memref_slice %arg10[%dma_start3A_1628, %dma_start3A_1629, %dma_start3A_1630] : memref<2x1024x32xf32, #tpu.memory_space<vmem>> -> memref<1x1024x32xf32, #tpu.memory_space<vmem>>
    %dma_start3A_1632 = tpu.memref_squeeze %dma_start3A_1631 : memref<1x1024x32xf32, #tpu.memory_space<vmem>> -> memref<1024x32xf32, #tpu.memory_space<vmem>>
    %dma_start3A_1633 = arith.constant 0 : i32
    %dma_start3A_1634 = tpu.memref_slice %arg9[%dma_start3A_1627, %dma_start3A_1633] : memref<2x1024xi32, #tpu.memory_space<vmem>> -> memref<1x1024xi32, #tpu.memory_space<vmem>>
    %dma_start3A_1635 = tpu.memref_squeeze %dma_start3A_1634 : memref<1x1024xi32, #tpu.memory_space<vmem>> -> memref<1024xi32, #tpu.memory_space<vmem>>
    %dma_start3A_1636 = arith.constant 0 : i32
    %dma_start3A_1637 = arith.constant 0 : i32
    %dma_start3A_1638 = tpu.memref_slice %arg5[%dma_start3A_1636, %dma_start3A_1637] : memref<1000x32xf32, #tpu.memory_space<vmem_shared>> -> memref<1000x32xf32, #tpu.memory_space<vmem_shared>>
    tpu.enqueue_indirect_dma source(%dma_start3A_1638 : memref<1000x32xf32, #tpu.memory_space<vmem_shared>>) target(%dma_start3A_1632 : memref<1024x32xf32, #tpu.memory_space<vmem>>) offsets(%dma_start3A_1635 : memref<1024xi32, #tpu.memory_space<vmem>>) semaphore(%arg11 : memref<!tpu.dma_semaphore, #tpu.memory_space<semaphore_mem>>)
    %scan3A_1639 = arith.constant 0 : i32
    %scan3A_1640 = arith.constant 0 : i32
    %scan3A_1641 = arith.constant 64 : i32
    %scan3A_1642 = arith.addi %scan3A_1640, %scan3A_1641 : i32
    %scan3A_1643 = arith.constant 1 : i32
    scf.for %scan3A_1866 = %scan3A_1640 to %scan3A_1642 step %scan3A_1643  : i32 {
      %mul3A_1867 = arith.constant 16 : i32
      %mul3A_1868 = arith.muli %scan3A_1866, %mul3A_1867 : i32
      %get3A = arith.index_cast %mul3A_1868 : i32 to index
      %get3A_1869 = tpu.vector_load %arg7[%get3A] {strides = array<i32>} : memref<1024xi32, #tpu.memory_space<vmem>>, vector<16xi32>,
      %add3A_1870 = arith.constant 928 : i32
      %add3A_1871 = vector.broadcast %add3A_1870 : i32 to vector<16xi32>
      %add3A_1872 = arith.addi %get3A_1869, %add3A_1871 : vector<16xi32>
      %mul3A_1873 = arith.constant 16 : i32
      %mul3A_1874 = arith.muli %scan3A_1866, %mul3A_1873 : i32
      %get3A_1875 = arith.index_cast %mul3A_1874 : i32 to index
      %get3A_1876 = tpu.vector_load %arg8[%get3A_1875] {strides = array<i32>} : memref<1024xi32, #tpu.memory_space<vmem>>, vector<16xi32>,
      %shift_right_arithmetic3A = arith.constant 9 : i32
      %shift_right_arithmetic3A_1877 = vector.broadcast %shift_right_arithmetic3A : i32 to vector<16xi32>
      %shift_right_arithmetic3A_1878 = arith.shrsi %add3A_1872, %shift_right_arithmetic3A_1877 : vector<16xi32>
      %broadcast_in_dim3A = arith.constant 0 : i32
      %broadcast_in_dim3A_1879 = vector.broadcast %broadcast_in_dim3A : i32 to vector<16xi32>
      %and3A = arith.constant 511 : i32
      %and3A_1880 = vector.broadcast %and3A : i32 to vector<16xi32>
      %and3A_1881 = arith.andi %add3A_1872, %and3A_1880 : vector<16xi32>
      %gather3A = tpu.vector_load_idx %arg6[%shift_right_arithmetic3A_1878, %get3A_1876, %broadcast_in_dim3A_1879, %and3A_1881] : memref<2x32x1x512xi32, #tpu.memory_space<vmem>>[vector<16xi32>, vector<16xi32>, vector<16xi32>, vector<16xi32>], vector<16xi32>,
      %mul3A_1882 = arith.constant 16 : i32
      %mul3A_1883 = arith.muli %scan3A_1866, %mul3A_1882 : i32
      %swap3A = arith.constant 1 : i32
      %swap3A_1884 = arith.index_cast %swap3A : i32 to index
      %swap3A_1885 = arith.index_cast %mul3A_1883 : i32 to index
      %swap3A_1886 = tpu.vector_load %arg9[%swap3A_1884, %swap3A_1885] {strides = array<i32>} : memref<2x1024xi32, #tpu.memory_space<vmem>>, vector<16xi32>,
      tpu.vector_store %arg9[%swap3A_1884, %swap3A_1885], %gather3A {strides = array<i32>} : memref<2x1024xi32, #tpu.memory_space<vmem>>, vector<16xi32>,
    }
    %scan3A_1644 = arith.constant 64 : i32
    %dma_wait3A_1645 = arith.constant 0 : i32
    %dma_wait3A_1646 = arith.constant 0 : i32
    %dma_wait3A_1647 = arith.constant 0 : i32
    %dma_wait3A_1648 = arith.constant 0 : i32
    %dma_wait3A_1649 = tpu.memref_slice %arg10[%dma_wait3A_1646, %dma_wait3A_1647, %dma_wait3A_1648] : memref<2x1024x32xf32, #tpu.memory_space<vmem>> -> memref<1x1024x32xf32, #tpu.memory_space<vmem>>
    %dma_wait3A_1650 = tpu.memref_squeeze %dma_wait3A_1649 : memref<1x1024x32xf32, #tpu.memory_space<vmem>> -> memref<1024x32xf32, #tpu.memory_space<vmem>>
    %dma_wait3A_1651 = arith.constant 0 : i32
    %dma_wait3A_1652 = tpu.memref_slice %arg9[%dma_wait3A_1645, %dma_wait3A_1651] : memref<2x1024xi32, #tpu.memory_space<vmem>> -> memref<1x1024xi32, #tpu.memory_space<vmem>>
    %dma_wait3A_1653 = tpu.memref_squeeze %dma_wait3A_1652 : memref<1x1024xi32, #tpu.memory_space<vmem>> -> memref<1024xi32, #tpu.memory_space<vmem>>
    %dma_wait3A_1654 = arith.constant 0 : i32
    %dma_wait3A_1655 = arith.constant 0 : i32
    %dma_wait3A_1656 = tpu.memref_slice %arg5[%dma_wait3A_1654, %dma_wait3A_1655] : memref<1000x32xf32, #tpu.memory_space<vmem_shared>> -> memref<1000x32xf32, #tpu.memory_space<vmem_shared>>
    tpu.wait_indirect_dma semaphore(%arg11 : memref<!tpu.dma_semaphore, #tpu.memory_space<semaphore_mem>>) src(%dma_wait3A_1656 : memref<1000x32xf32, #tpu.memory_space<vmem_shared>>) dst(%dma_wait3A_1650 : memref<1024x32xf32, #tpu.memory_space<vmem>>)
    %add3A_1657 = arith.constant 28672 : i32
    %add3A_1658 = arith.addi %mul3A_2, %add3A_1657 : i32
    %dma_start3A_1659 = arith.constant 0 : i32
    %dma_start3A_1660 = arith.constant 0 : i32
    %dma_start3A_1661 = arith.constant 0 : i32
    %dma_start3A_1662 = tpu.memref_slice %arg10[%dma_start3A_1659, %dma_start3A_1660, %dma_start3A_1661] : memref<2x1024x32xf32, #tpu.memory_space<vmem>> -> memref<1x1024x32xf32, #tpu.memory_space<vmem>>
    %dma_start3A_1663 = tpu.memref_squeeze %dma_start3A_1662 : memref<1x1024x32xf32, #tpu.memory_space<vmem>> -> memref<1024x32xf32, #tpu.memory_space<vmem>>
    %dma_start3A_1664 = arith.constant 0 : i32
    %dma_start3A_1665 = tpu.memref_slice %arg4[%add3A_1658, %dma_start3A_1664] : memref<1048576x32xf32, #tpu.memory_space<hbm>> -> memref<1024x32xf32, #tpu.memory_space<hbm>>
    %dma_start3A_1666 = arith.constant 0 : i32
    %dma_start3A_1667 = tpu.memref_slice %arg4[%add3A_1658, %dma_start3A_1666] : memref<1048576x32xf32, #tpu.memory_space<hbm>> -> memref<1024x32xf32, #tpu.memory_space<hbm>>
    %dma_start3A_1668 = arith.constant 0 : i32
    %dma_start3A_1669 = arith.constant 0 : i32
    %dma_start3A_1670 = tpu.memref_slice %arg10[%dma_start3A_1659, %dma_start3A_1668, %dma_start3A_1669] : memref<2x1024x32xf32, #tpu.memory_space<vmem>> -> memref<1x1024x32xf32, #tpu.memory_space<vmem>>
    %dma_start3A_1671 = tpu.memref_squeeze %dma_start3A_1670 : memref<1x1024x32xf32, #tpu.memory_space<vmem>> -> memref<1024x32xf32, #tpu.memory_space<vmem>>
    tpu.enqueue_dma source(%dma_start3A_1671 : memref<1024x32xf32, #tpu.memory_space<vmem>>) target(%dma_start3A_1667 : memref<1024x32xf32, #tpu.memory_space<hbm>>) target_semaphore(%arg13 : memref<!tpu.dma_semaphore, #tpu.memory_space<semaphore_mem>>)
    %dma_wait3A_1672 = arith.constant 1 : i32
    %dma_wait3A_1673 = arith.constant 0 : i32
    %dma_wait3A_1674 = arith.constant 0 : i32
    %dma_wait3A_1675 = tpu.memref_slice %arg10[%dma_wait3A_1672, %dma_wait3A_1673, %dma_wait3A_1674] : memref<2x1024x32xf32, #tpu.memory_space<vmem>> -> memref<1x1024x32xf32, #tpu.memory_space<vmem>>
    %dma_wait3A_1676 = tpu.memref_squeeze %dma_wait3A_1675 : memref<1x1024x32xf32, #tpu.memory_space<vmem>> -> memref<1024x32xf32, #tpu.memory_space<vmem>>
    %dma_wait3A_1677 = arith.constant 0 : i32
    %dma_wait3A_1678 = tpu.memref_slice %arg4[%add3A_1600, %dma_wait3A_1677] : memref<1048576x32xf32, #tpu.memory_space<hbm>> -> memref<1024x32xf32, #tpu.memory_space<hbm>>
    %dma_wait3A_1679 = arith.constant 0 : i32
    %dma_wait3A_1680 = tpu.memref_slice %arg4[%add3A_1600, %dma_wait3A_1679] : memref<1048576x32xf32, #tpu.memory_space<hbm>> -> memref<1024x32xf32, #tpu.memory_space<hbm>>
    %dma_wait3A_1681 = arith.constant 0 : i32
    %dma_wait3A_1682 = arith.constant 0 : i32
    %dma_wait3A_1683 = tpu.memref_slice %arg10[%dma_wait3A_1672, %dma_wait3A_1681, %dma_wait3A_1682] : memref<2x1024x32xf32, #tpu.memory_space<vmem>> -> memref<1x1024x32xf32, #tpu.memory_space<vmem>>
    %dma_wait3A_1684 = tpu.memref_squeeze %dma_wait3A_1683 : memref<1x1024x32xf32, #tpu.memory_space<vmem>> -> memref<1024x32xf32, #tpu.memory_space<vmem>>
    tpu.wait_dma2 semaphore(%arg14 : memref<!tpu.dma_semaphore, #tpu.memory_space<semaphore_mem>>) src(%dma_wait3A_1684 : memref<1024x32xf32, #tpu.memory_space<vmem>>) dst(%dma_wait3A_1680 : memref<1024x32xf32, #tpu.memory_space<hbm>>)
    %dma_start3A_1685 = arith.constant 1 : i32
    %dma_start3A_1686 = arith.constant 1 : i32
    %dma_start3A_1687 = arith.constant 0 : i32
    %dma_start3A_1688 = arith.constant 0 : i32
    %dma_start3A_1689 = tpu.memref_slice %arg10[%dma_start3A_1686, %dma_start3A_1687, %dma_start3A_1688] : memref<2x1024x32xf32, #tpu.memory_space<vmem>> -> memref<1x1024x32xf32, #tpu.memory_space<vmem>>
    %dma_start3A_1690 = tpu.memref_squeeze %dma_start3A_1689 : memref<1x1024x32xf32, #tpu.memory_space<vmem>> -> memref<1024x32xf32, #tpu.memory_space<vmem>>
    %dma_start3A_1691 = arith.constant 0 : i32
    %dma_start3A_1692 = tpu.memref_slice %arg9[%dma_start3A_1685, %dma_start3A_1691] : memref<2x1024xi32, #tpu.memory_space<vmem>> -> memref<1x1024xi32, #tpu.memory_space<vmem>>
    %dma_start3A_1693 = tpu.memref_squeeze %dma_start3A_1692 : memref<1x1024xi32, #tpu.memory_space<vmem>> -> memref<1024xi32, #tpu.memory_space<vmem>>
    %dma_start3A_1694 = arith.constant 0 : i32
    %dma_start3A_1695 = arith.constant 0 : i32
    %dma_start3A_1696 = tpu.memref_slice %arg5[%dma_start3A_1694, %dma_start3A_1695] : memref<1000x32xf32, #tpu.memory_space<vmem_shared>> -> memref<1000x32xf32, #tpu.memory_space<vmem_shared>>
    tpu.enqueue_indirect_dma source(%dma_start3A_1696 : memref<1000x32xf32, #tpu.memory_space<vmem_shared>>) target(%dma_start3A_1690 : memref<1024x32xf32, #tpu.memory_space<vmem>>) offsets(%dma_start3A_1693 : memref<1024xi32, #tpu.memory_space<vmem>>) semaphore(%arg12 : memref<!tpu.dma_semaphore, #tpu.memory_space<semaphore_mem>>)
    %scan3A_1697 = arith.constant 0 : i32
    %scan3A_1698 = arith.constant 0 : i32
    %scan3A_1699 = arith.constant 64 : i32
    %scan3A_1700 = arith.addi %scan3A_1698, %scan3A_1699 : i32
    %scan3A_1701 = arith.constant 1 : i32
    scf.for %scan3A_1866 = %scan3A_1698 to %scan3A_1700 step %scan3A_1701  : i32 {
      %mul3A_1867 = arith.constant 16 : i32
      %mul3A_1868 = arith.muli %scan3A_1866, %mul3A_1867 : i32
      %get3A = arith.index_cast %mul3A_1868 : i32 to index
      %get3A_1869 = tpu.vector_load %arg7[%get3A] {strides = array<i32>} : memref<1024xi32, #tpu.memory_space<vmem>>, vector<16xi32>,
      %add3A_1870 = arith.constant 960 : i32
      %add3A_1871 = vector.broadcast %add3A_1870 : i32 to vector<16xi32>
      %add3A_1872 = arith.addi %get3A_1869, %add3A_1871 : vector<16xi32>
      %mul3A_1873 = arith.constant 16 : i32
      %mul3A_1874 = arith.muli %scan3A_1866, %mul3A_1873 : i32
      %get3A_1875 = arith.index_cast %mul3A_1874 : i32 to index
      %get3A_1876 = tpu.vector_load %arg8[%get3A_1875] {strides = array<i32>} : memref<1024xi32, #tpu.memory_space<vmem>>, vector<16xi32>,
      %shift_right_arithmetic3A = arith.constant 9 : i32
      %shift_right_arithmetic3A_1877 = vector.broadcast %shift_right_arithmetic3A : i32 to vector<16xi32>
      %shift_right_arithmetic3A_1878 = arith.shrsi %add3A_1872, %shift_right_arithmetic3A_1877 : vector<16xi32>
      %broadcast_in_dim3A = arith.constant 0 : i32
      %broadcast_in_dim3A_1879 = vector.broadcast %broadcast_in_dim3A : i32 to vector<16xi32>
      %and3A = arith.constant 511 : i32
      %and3A_1880 = vector.broadcast %and3A : i32 to vector<16xi32>
      %and3A_1881 = arith.andi %add3A_1872, %and3A_1880 : vector<16xi32>
      %gather3A = tpu.vector_load_idx %arg6[%shift_right_arithmetic3A_1878, %get3A_1876, %broadcast_in_dim3A_1879, %and3A_1881] : memref<2x32x1x512xi32, #tpu.memory_space<vmem>>[vector<16xi32>, vector<16xi32>, vector<16xi32>, vector<16xi32>], vector<16xi32>,
      %mul3A_1882 = arith.constant 16 : i32
      %mul3A_1883 = arith.muli %scan3A_1866, %mul3A_1882 : i32
      %swap3A = arith.constant 0 : i32
      %swap3A_1884 = arith.index_cast %swap3A : i32 to index
      %swap3A_1885 = arith.index_cast %mul3A_1883 : i32 to index
      %swap3A_1886 = tpu.vector_load %arg9[%swap3A_1884, %swap3A_1885] {strides = array<i32>} : memref<2x1024xi32, #tpu.memory_space<vmem>>, vector<16xi32>,
      tpu.vector_store %arg9[%swap3A_1884, %swap3A_1885], %gather3A {strides = array<i32>} : memref<2x1024xi32, #tpu.memory_space<vmem>>, vector<16xi32>,
    }
    %scan3A_1702 = arith.constant 64 : i32
    %dma_wait3A_1703 = arith.constant 1 : i32
    %dma_wait3A_1704 = arith.constant 1 : i32
    %dma_wait3A_1705 = arith.constant 0 : i32
    %dma_wait3A_1706 = arith.constant 0 : i32
    %dma_wait3A_1707 = tpu.memref_slice %arg10[%dma_wait3A_1704, %dma_wait3A_1705, %dma_wait3A_1706] : memref<2x1024x32xf32, #tpu.memory_space<vmem>> -> memref<1x1024x32xf32, #tpu.memory_space<vmem>>
    %dma_wait3A_1708 = tpu.memref_squeeze %dma_wait3A_1707 : memref<1x1024x32xf32, #tpu.memory_space<vmem>> -> memref<1024x32xf32, #tpu.memory_space<vmem>>
    %dma_wait3A_1709 = arith.constant 0 : i32
    %dma_wait3A_1710 = tpu.memref_slice %arg9[%dma_wait3A_1703, %dma_wait3A_1709] : memref<2x1024xi32, #tpu.memory_space<vmem>> -> memref<1x1024xi32, #tpu.memory_space<vmem>>
    %dma_wait3A_1711 = tpu.memref_squeeze %dma_wait3A_1710 : memref<1x1024xi32, #tpu.memory_space<vmem>> -> memref<1024xi32, #tpu.memory_space<vmem>>
    %dma_wait3A_1712 = arith.constant 0 : i32
    %dma_wait3A_1713 = arith.constant 0 : i32
    %dma_wait3A_1714 = tpu.memref_slice %arg5[%dma_wait3A_1712, %dma_wait3A_1713] : memref<1000x32xf32, #tpu.memory_space<vmem_shared>> -> memref<1000x32xf32, #tpu.memory_space<vmem_shared>>
    tpu.wait_indirect_dma semaphore(%arg12 : memref<!tpu.dma_semaphore, #tpu.memory_space<semaphore_mem>>) src(%dma_wait3A_1714 : memref<1000x32xf32, #tpu.memory_space<vmem_shared>>) dst(%dma_wait3A_1708 : memref<1024x32xf32, #tpu.memory_space<vmem>>)
    %add3A_1715 = arith.constant 29696 : i32
    %add3A_1716 = arith.addi %mul3A_2, %add3A_1715 : i32
    %dma_start3A_1717 = arith.constant 1 : i32
    %dma_start3A_1718 = arith.constant 0 : i32
    %dma_start3A_1719 = arith.constant 0 : i32
    %dma_start3A_1720 = tpu.memref_slice %arg10[%dma_start3A_1717, %dma_start3A_1718, %dma_start3A_1719] : memref<2x1024x32xf32, #tpu.memory_space<vmem>> -> memref<1x1024x32xf32, #tpu.memory_space<vmem>>
    %dma_start3A_1721 = tpu.memref_squeeze %dma_start3A_1720 : memref<1x1024x32xf32, #tpu.memory_space<vmem>> -> memref<1024x32xf32, #tpu.memory_space<vmem>>
    %dma_start3A_1722 = arith.constant 0 : i32
    %dma_start3A_1723 = tpu.memref_slice %arg4[%add3A_1716, %dma_start3A_1722] : memref<1048576x32xf32, #tpu.memory_space<hbm>> -> memref<1024x32xf32, #tpu.memory_space<hbm>>
    %dma_start3A_1724 = arith.constant 0 : i32
    %dma_start3A_1725 = tpu.memref_slice %arg4[%add3A_1716, %dma_start3A_1724] : memref<1048576x32xf32, #tpu.memory_space<hbm>> -> memref<1024x32xf32, #tpu.memory_space<hbm>>
    %dma_start3A_1726 = arith.constant 0 : i32
    %dma_start3A_1727 = arith.constant 0 : i32
    %dma_start3A_1728 = tpu.memref_slice %arg10[%dma_start3A_1717, %dma_start3A_1726, %dma_start3A_1727] : memref<2x1024x32xf32, #tpu.memory_space<vmem>> -> memref<1x1024x32xf32, #tpu.memory_space<vmem>>
    %dma_start3A_1729 = tpu.memref_squeeze %dma_start3A_1728 : memref<1x1024x32xf32, #tpu.memory_space<vmem>> -> memref<1024x32xf32, #tpu.memory_space<vmem>>
    tpu.enqueue_dma source(%dma_start3A_1729 : memref<1024x32xf32, #tpu.memory_space<vmem>>) target(%dma_start3A_1725 : memref<1024x32xf32, #tpu.memory_space<hbm>>) target_semaphore(%arg14 : memref<!tpu.dma_semaphore, #tpu.memory_space<semaphore_mem>>)
    %dma_wait3A_1730 = arith.constant 0 : i32
    %dma_wait3A_1731 = arith.constant 0 : i32
    %dma_wait3A_1732 = arith.constant 0 : i32
    %dma_wait3A_1733 = tpu.memref_slice %arg10[%dma_wait3A_1730, %dma_wait3A_1731, %dma_wait3A_1732] : memref<2x1024x32xf32, #tpu.memory_space<vmem>> -> memref<1x1024x32xf32, #tpu.memory_space<vmem>>
    %dma_wait3A_1734 = tpu.memref_squeeze %dma_wait3A_1733 : memref<1x1024x32xf32, #tpu.memory_space<vmem>> -> memref<1024x32xf32, #tpu.memory_space<vmem>>
    %dma_wait3A_1735 = arith.constant 0 : i32
    %dma_wait3A_1736 = tpu.memref_slice %arg4[%add3A_1658, %dma_wait3A_1735] : memref<1048576x32xf32, #tpu.memory_space<hbm>> -> memref<1024x32xf32, #tpu.memory_space<hbm>>
    %dma_wait3A_1737 = arith.constant 0 : i32
    %dma_wait3A_1738 = tpu.memref_slice %arg4[%add3A_1658, %dma_wait3A_1737] : memref<1048576x32xf32, #tpu.memory_space<hbm>> -> memref<1024x32xf32, #tpu.memory_space<hbm>>
    %dma_wait3A_1739 = arith.constant 0 : i32
    %dma_wait3A_1740 = arith.constant 0 : i32
    %dma_wait3A_1741 = tpu.memref_slice %arg10[%dma_wait3A_1730, %dma_wait3A_1739, %dma_wait3A_1740] : memref<2x1024x32xf32, #tpu.memory_space<vmem>> -> memref<1x1024x32xf32, #tpu.memory_space<vmem>>
    %dma_wait3A_1742 = tpu.memref_squeeze %dma_wait3A_1741 : memref<1x1024x32xf32, #tpu.memory_space<vmem>> -> memref<1024x32xf32, #tpu.memory_space<vmem>>
    tpu.wait_dma2 semaphore(%arg13 : memref<!tpu.dma_semaphore, #tpu.memory_space<semaphore_mem>>) src(%dma_wait3A_1742 : memref<1024x32xf32, #tpu.memory_space<vmem>>) dst(%dma_wait3A_1738 : memref<1024x32xf32, #tpu.memory_space<hbm>>)
    %dma_start3A_1743 = arith.constant 0 : i32
    %dma_start3A_1744 = arith.constant 0 : i32
    %dma_start3A_1745 = arith.constant 0 : i32
    %dma_start3A_1746 = arith.constant 0 : i32
    %dma_start3A_1747 = tpu.memref_slice %arg10[%dma_start3A_1744, %dma_start3A_1745, %dma_start3A_1746] : memref<2x1024x32xf32, #tpu.memory_space<vmem>> -> memref<1x1024x32xf32, #tpu.memory_space<vmem>>
    %dma_start3A_1748 = tpu.memref_squeeze %dma_start3A_1747 : memref<1x1024x32xf32, #tpu.memory_space<vmem>> -> memref<1024x32xf32, #tpu.memory_space<vmem>>
    %dma_start3A_1749 = arith.constant 0 : i32
    %dma_start3A_1750 = tpu.memref_slice %arg9[%dma_start3A_1743, %dma_start3A_1749] : memref<2x1024xi32, #tpu.memory_space<vmem>> -> memref<1x1024xi32, #tpu.memory_space<vmem>>
    %dma_start3A_1751 = tpu.memref_squeeze %dma_start3A_1750 : memref<1x1024xi32, #tpu.memory_space<vmem>> -> memref<1024xi32, #tpu.memory_space<vmem>>
    %dma_start3A_1752 = arith.constant 0 : i32
    %dma_start3A_1753 = arith.constant 0 : i32
    %dma_start3A_1754 = tpu.memref_slice %arg5[%dma_start3A_1752, %dma_start3A_1753] : memref<1000x32xf32, #tpu.memory_space<vmem_shared>> -> memref<1000x32xf32, #tpu.memory_space<vmem_shared>>
    tpu.enqueue_indirect_dma source(%dma_start3A_1754 : memref<1000x32xf32, #tpu.memory_space<vmem_shared>>) target(%dma_start3A_1748 : memref<1024x32xf32, #tpu.memory_space<vmem>>) offsets(%dma_start3A_1751 : memref<1024xi32, #tpu.memory_space<vmem>>) semaphore(%arg11 : memref<!tpu.dma_semaphore, #tpu.memory_space<semaphore_mem>>)
    %scan3A_1755 = arith.constant 0 : i32
    %scan3A_1756 = arith.constant 0 : i32
    %scan3A_1757 = arith.constant 64 : i32
    %scan3A_1758 = arith.addi %scan3A_1756, %scan3A_1757 : i32
    %scan3A_1759 = arith.constant 1 : i32
    scf.for %scan3A_1866 = %scan3A_1756 to %scan3A_1758 step %scan3A_1759  : i32 {
      %mul3A_1867 = arith.constant 16 : i32
      %mul3A_1868 = arith.muli %scan3A_1866, %mul3A_1867 : i32
      %get3A = arith.index_cast %mul3A_1868 : i32 to index
      %get3A_1869 = tpu.vector_load %arg7[%get3A] {strides = array<i32>} : memref<1024xi32, #tpu.memory_space<vmem>>, vector<16xi32>,
      %add3A_1870 = arith.constant 992 : i32
      %add3A_1871 = vector.broadcast %add3A_1870 : i32 to vector<16xi32>
      %add3A_1872 = arith.addi %get3A_1869, %add3A_1871 : vector<16xi32>
      %mul3A_1873 = arith.constant 16 : i32
      %mul3A_1874 = arith.muli %scan3A_1866, %mul3A_1873 : i32
      %get3A_1875 = arith.index_cast %mul3A_1874 : i32 to index
      %get3A_1876 = tpu.vector_load %arg8[%get3A_1875] {strides = array<i32>} : memref<1024xi32, #tpu.memory_space<vmem>>, vector<16xi32>,
      %shift_right_arithmetic3A = arith.constant 9 : i32
      %shift_right_arithmetic3A_1877 = vector.broadcast %shift_right_arithmetic3A : i32 to vector<16xi32>
      %shift_right_arithmetic3A_1878 = arith.shrsi %add3A_1872, %shift_right_arithmetic3A_1877 : vector<16xi32>
      %broadcast_in_dim3A = arith.constant 0 : i32
      %broadcast_in_dim3A_1879 = vector.broadcast %broadcast_in_dim3A : i32 to vector<16xi32>
      %and3A = arith.constant 511 : i32
      %and3A_1880 = vector.broadcast %and3A : i32 to vector<16xi32>
      %and3A_1881 = arith.andi %add3A_1872, %and3A_1880 : vector<16xi32>
      %gather3A = tpu.vector_load_idx %arg6[%shift_right_arithmetic3A_1878, %get3A_1876, %broadcast_in_dim3A_1879, %and3A_1881] : memref<2x32x1x512xi32, #tpu.memory_space<vmem>>[vector<16xi32>, vector<16xi32>, vector<16xi32>, vector<16xi32>], vector<16xi32>,
      %mul3A_1882 = arith.constant 16 : i32
      %mul3A_1883 = arith.muli %scan3A_1866, %mul3A_1882 : i32
      %swap3A = arith.constant 1 : i32
      %swap3A_1884 = arith.index_cast %swap3A : i32 to index
      %swap3A_1885 = arith.index_cast %mul3A_1883 : i32 to index
      %swap3A_1886 = tpu.vector_load %arg9[%swap3A_1884, %swap3A_1885] {strides = array<i32>} : memref<2x1024xi32, #tpu.memory_space<vmem>>, vector<16xi32>,
      tpu.vector_store %arg9[%swap3A_1884, %swap3A_1885], %gather3A {strides = array<i32>} : memref<2x1024xi32, #tpu.memory_space<vmem>>, vector<16xi32>,
    }
    %scan3A_1760 = arith.constant 64 : i32
    %dma_wait3A_1761 = arith.constant 0 : i32
    %dma_wait3A_1762 = arith.constant 0 : i32
    %dma_wait3A_1763 = arith.constant 0 : i32
    %dma_wait3A_1764 = arith.constant 0 : i32
    %dma_wait3A_1765 = tpu.memref_slice %arg10[%dma_wait3A_1762, %dma_wait3A_1763, %dma_wait3A_1764] : memref<2x1024x32xf32, #tpu.memory_space<vmem>> -> memref<1x1024x32xf32, #tpu.memory_space<vmem>>
    %dma_wait3A_1766 = tpu.memref_squeeze %dma_wait3A_1765 : memref<1x1024x32xf32, #tpu.memory_space<vmem>> -> memref<1024x32xf32, #tpu.memory_space<vmem>>
    %dma_wait3A_1767 = arith.constant 0 : i32
    %dma_wait3A_1768 = tpu.memref_slice %arg9[%dma_wait3A_1761, %dma_wait3A_1767] : memref<2x1024xi32, #tpu.memory_space<vmem>> -> memref<1x1024xi32, #tpu.memory_space<vmem>>
    %dma_wait3A_1769 = tpu.memref_squeeze %dma_wait3A_1768 : memref<1x1024xi32, #tpu.memory_space<vmem>> -> memref<1024xi32, #tpu.memory_space<vmem>>
    %dma_wait3A_1770 = arith.constant 0 : i32
    %dma_wait3A_1771 = arith.constant 0 : i32
    %dma_wait3A_1772 = tpu.memref_slice %arg5[%dma_wait3A_1770, %dma_wait3A_1771] : memref<1000x32xf32, #tpu.memory_space<vmem_shared>> -> memref<1000x32xf32, #tpu.memory_space<vmem_shared>>
    tpu.wait_indirect_dma semaphore(%arg11 : memref<!tpu.dma_semaphore, #tpu.memory_space<semaphore_mem>>) src(%dma_wait3A_1772 : memref<1000x32xf32, #tpu.memory_space<vmem_shared>>) dst(%dma_wait3A_1766 : memref<1024x32xf32, #tpu.memory_space<vmem>>)
    %add3A_1773 = arith.constant 30720 : i32
    %add3A_1774 = arith.addi %mul3A_2, %add3A_1773 : i32
    %dma_start3A_1775 = arith.constant 0 : i32
    %dma_start3A_1776 = arith.constant 0 : i32
    %dma_start3A_1777 = arith.constant 0 : i32
    %dma_start3A_1778 = tpu.memref_slice %arg10[%dma_start3A_1775, %dma_start3A_1776, %dma_start3A_1777] : memref<2x1024x32xf32, #tpu.memory_space<vmem>> -> memref<1x1024x32xf32, #tpu.memory_space<vmem>>
    %dma_start3A_1779 = tpu.memref_squeeze %dma_start3A_1778 : memref<1x1024x32xf32, #tpu.memory_space<vmem>> -> memref<1024x32xf32, #tpu.memory_space<vmem>>
    %dma_start3A_1780 = arith.constant 0 : i32
    %dma_start3A_1781 = tpu.memref_slice %arg4[%add3A_1774, %dma_start3A_1780] : memref<1048576x32xf32, #tpu.memory_space<hbm>> -> memref<1024x32xf32, #tpu.memory_space<hbm>>
    %dma_start3A_1782 = arith.constant 0 : i32
    %dma_start3A_1783 = tpu.memref_slice %arg4[%add3A_1774, %dma_start3A_1782] : memref<1048576x32xf32, #tpu.memory_space<hbm>> -> memref<1024x32xf32, #tpu.memory_space<hbm>>
    %dma_start3A_1784 = arith.constant 0 : i32
    %dma_start3A_1785 = arith.constant 0 : i32
    %dma_start3A_1786 = tpu.memref_slice %arg10[%dma_start3A_1775, %dma_start3A_1784, %dma_start3A_1785] : memref<2x1024x32xf32, #tpu.memory_space<vmem>> -> memref<1x1024x32xf32, #tpu.memory_space<vmem>>
    %dma_start3A_1787 = tpu.memref_squeeze %dma_start3A_1786 : memref<1x1024x32xf32, #tpu.memory_space<vmem>> -> memref<1024x32xf32, #tpu.memory_space<vmem>>
    tpu.enqueue_dma source(%dma_start3A_1787 : memref<1024x32xf32, #tpu.memory_space<vmem>>) target(%dma_start3A_1783 : memref<1024x32xf32, #tpu.memory_space<hbm>>) target_semaphore(%arg13 : memref<!tpu.dma_semaphore, #tpu.memory_space<semaphore_mem>>)
    %dma_wait3A_1788 = arith.constant 1 : i32
    %dma_wait3A_1789 = arith.constant 0 : i32
    %dma_wait3A_1790 = arith.constant 0 : i32
    %dma_wait3A_1791 = tpu.memref_slice %arg10[%dma_wait3A_1788, %dma_wait3A_1789, %dma_wait3A_1790] : memref<2x1024x32xf32, #tpu.memory_space<vmem>> -> memref<1x1024x32xf32, #tpu.memory_space<vmem>>
    %dma_wait3A_1792 = tpu.memref_squeeze %dma_wait3A_1791 : memref<1x1024x32xf32, #tpu.memory_space<vmem>> -> memref<1024x32xf32, #tpu.memory_space<vmem>>
    %dma_wait3A_1793 = arith.constant 0 : i32
    %dma_wait3A_1794 = tpu.memref_slice %arg4[%add3A_1716, %dma_wait3A_1793] : memref<1048576x32xf32, #tpu.memory_space<hbm>> -> memref<1024x32xf32, #tpu.memory_space<hbm>>
    %dma_wait3A_1795 = arith.constant 0 : i32
    %dma_wait3A_1796 = tpu.memref_slice %arg4[%add3A_1716, %dma_wait3A_1795] : memref<1048576x32xf32, #tpu.memory_space<hbm>> -> memref<1024x32xf32, #tpu.memory_space<hbm>>
    %dma_wait3A_1797 = arith.constant 0 : i32
    %dma_wait3A_1798 = arith.constant 0 : i32
    %dma_wait3A_1799 = tpu.memref_slice %arg10[%dma_wait3A_1788, %dma_wait3A_1797, %dma_wait3A_1798] : memref<2x1024x32xf32, #tpu.memory_space<vmem>> -> memref<1x1024x32xf32, #tpu.memory_space<vmem>>
    %dma_wait3A_1800 = tpu.memref_squeeze %dma_wait3A_1799 : memref<1x1024x32xf32, #tpu.memory_space<vmem>> -> memref<1024x32xf32, #tpu.memory_space<vmem>>
    tpu.wait_dma2 semaphore(%arg14 : memref<!tpu.dma_semaphore, #tpu.memory_space<semaphore_mem>>) src(%dma_wait3A_1800 : memref<1024x32xf32, #tpu.memory_space<vmem>>) dst(%dma_wait3A_1796 : memref<1024x32xf32, #tpu.memory_space<hbm>>)
    %dma_start3A_1801 = arith.constant 1 : i32
    %dma_start3A_1802 = arith.constant 1 : i32
    %dma_start3A_1803 = arith.constant 0 : i32
    %dma_start3A_1804 = arith.constant 0 : i32
    %dma_start3A_1805 = tpu.memref_slice %arg10[%dma_start3A_1802, %dma_start3A_1803, %dma_start3A_1804] : memref<2x1024x32xf32, #tpu.memory_space<vmem>> -> memref<1x1024x32xf32, #tpu.memory_space<vmem>>
    %dma_start3A_1806 = tpu.memref_squeeze %dma_start3A_1805 : memref<1x1024x32xf32, #tpu.memory_space<vmem>> -> memref<1024x32xf32, #tpu.memory_space<vmem>>
    %dma_start3A_1807 = arith.constant 0 : i32
    %dma_start3A_1808 = tpu.memref_slice %arg9[%dma_start3A_1801, %dma_start3A_1807] : memref<2x1024xi32, #tpu.memory_space<vmem>> -> memref<1x1024xi32, #tpu.memory_space<vmem>>
    %dma_start3A_1809 = tpu.memref_squeeze %dma_start3A_1808 : memref<1x1024xi32, #tpu.memory_space<vmem>> -> memref<1024xi32, #tpu.memory_space<vmem>>
    %dma_start3A_1810 = arith.constant 0 : i32
    %dma_start3A_1811 = arith.constant 0 : i32
    %dma_start3A_1812 = tpu.memref_slice %arg5[%dma_start3A_1810, %dma_start3A_1811] : memref<1000x32xf32, #tpu.memory_space<vmem_shared>> -> memref<1000x32xf32, #tpu.memory_space<vmem_shared>>
    tpu.enqueue_indirect_dma source(%dma_start3A_1812 : memref<1000x32xf32, #tpu.memory_space<vmem_shared>>) target(%dma_start3A_1806 : memref<1024x32xf32, #tpu.memory_space<vmem>>) offsets(%dma_start3A_1809 : memref<1024xi32, #tpu.memory_space<vmem>>) semaphore(%arg12 : memref<!tpu.dma_semaphore, #tpu.memory_space<semaphore_mem>>)
    %dma_wait3A_1813 = arith.constant 1 : i32
    %dma_wait3A_1814 = arith.constant 1 : i32
    %dma_wait3A_1815 = arith.constant 0 : i32
    %dma_wait3A_1816 = arith.constant 0 : i32
    %dma_wait3A_1817 = tpu.memref_slice %arg10[%dma_wait3A_1814, %dma_wait3A_1815, %dma_wait3A_1816] : memref<2x1024x32xf32, #tpu.memory_space<vmem>> -> memref<1x1024x32xf32, #tpu.memory_space<vmem>>
    %dma_wait3A_1818 = tpu.memref_squeeze %dma_wait3A_1817 : memref<1x1024x32xf32, #tpu.memory_space<vmem>> -> memref<1024x32xf32, #tpu.memory_space<vmem>>
    %dma_wait3A_1819 = arith.constant 0 : i32
    %dma_wait3A_1820 = tpu.memref_slice %arg9[%dma_wait3A_1813, %dma_wait3A_1819] : memref<2x1024xi32, #tpu.memory_space<vmem>> -> memref<1x1024xi32, #tpu.memory_space<vmem>>
    %dma_wait3A_1821 = tpu.memref_squeeze %dma_wait3A_1820 : memref<1x1024xi32, #tpu.memory_space<vmem>> -> memref<1024xi32, #tpu.memory_space<vmem>>
    %dma_wait3A_1822 = arith.constant 0 : i32
    %dma_wait3A_1823 = arith.constant 0 : i32
    %dma_wait3A_1824 = tpu.memref_slice %arg5[%dma_wait3A_1822, %dma_wait3A_1823] : memref<1000x32xf32, #tpu.memory_space<vmem_shared>> -> memref<1000x32xf32, #tpu.memory_space<vmem_shared>>
    tpu.wait_indirect_dma semaphore(%arg12 : memref<!tpu.dma_semaphore, #tpu.memory_space<semaphore_mem>>) src(%dma_wait3A_1824 : memref<1000x32xf32, #tpu.memory_space<vmem_shared>>) dst(%dma_wait3A_1818 : memref<1024x32xf32, #tpu.memory_space<vmem>>)
    %add3A_1825 = arith.constant 31744 : i32
    %add3A_1826 = arith.addi %mul3A_2, %add3A_1825 : i32
    %dma_start3A_1827 = arith.constant 1 : i32
    %dma_start3A_1828 = arith.constant 0 : i32
    %dma_start3A_1829 = arith.constant 0 : i32
    %dma_start3A_1830 = tpu.memref_slice %arg10[%dma_start3A_1827, %dma_start3A_1828, %dma_start3A_1829] : memref<2x1024x32xf32, #tpu.memory_space<vmem>> -> memref<1x1024x32xf32, #tpu.memory_space<vmem>>
    %dma_start3A_1831 = tpu.memref_squeeze %dma_start3A_1830 : memref<1x1024x32xf32, #tpu.memory_space<vmem>> -> memref<1024x32xf32, #tpu.memory_space<vmem>>
    %dma_start3A_1832 = arith.constant 0 : i32
    %dma_start3A_1833 = tpu.memref_slice %arg4[%add3A_1826, %dma_start3A_1832] : memref<1048576x32xf32, #tpu.memory_space<hbm>> -> memref<1024x32xf32, #tpu.memory_space<hbm>>
    %dma_start3A_1834 = arith.constant 0 : i32
    %dma_start3A_1835 = tpu.memref_slice %arg4[%add3A_1826, %dma_start3A_1834] : memref<1048576x32xf32, #tpu.memory_space<hbm>> -> memref<1024x32xf32, #tpu.memory_space<hbm>>
    %dma_start3A_1836 = arith.constant 0 : i32
    %dma_start3A_1837 = arith.constant 0 : i32
    %dma_start3A_1838 = tpu.memref_slice %arg10[%dma_start3A_1827, %dma_start3A_1836, %dma_start3A_1837] : memref<2x1024x32xf32, #tpu.memory_space<vmem>> -> memref<1x1024x32xf32, #tpu.memory_space<vmem>>
    %dma_start3A_1839 = tpu.memref_squeeze %dma_start3A_1838 : memref<1x1024x32xf32, #tpu.memory_space<vmem>> -> memref<1024x32xf32, #tpu.memory_space<vmem>>
    tpu.enqueue_dma source(%dma_start3A_1839 : memref<1024x32xf32, #tpu.memory_space<vmem>>) target(%dma_start3A_1835 : memref<1024x32xf32, #tpu.memory_space<hbm>>) target_semaphore(%arg14 : memref<!tpu.dma_semaphore, #tpu.memory_space<semaphore_mem>>)
    %dma_wait3A_1840 = arith.constant 0 : i32
    %dma_wait3A_1841 = arith.constant 0 : i32
    %dma_wait3A_1842 = arith.constant 0 : i32
    %dma_wait3A_1843 = tpu.memref_slice %arg10[%dma_wait3A_1840, %dma_wait3A_1841, %dma_wait3A_1842] : memref<2x1024x32xf32, #tpu.memory_space<vmem>> -> memref<1x1024x32xf32, #tpu.memory_space<vmem>>
    %dma_wait3A_1844 = tpu.memref_squeeze %dma_wait3A_1843 : memref<1x1024x32xf32, #tpu.memory_space<vmem>> -> memref<1024x32xf32, #tpu.memory_space<vmem>>
    %dma_wait3A_1845 = arith.constant 0 : i32
    %dma_wait3A_1846 = tpu.memref_slice %arg4[%add3A_1774, %dma_wait3A_1845] : memref<1048576x32xf32, #tpu.memory_space<hbm>> -> memref<1024x32xf32, #tpu.memory_space<hbm>>
    %dma_wait3A_1847 = arith.constant 0 : i32
    %dma_wait3A_1848 = tpu.memref_slice %arg4[%add3A_1774, %dma_wait3A_1847] : memref<1048576x32xf32, #tpu.memory_space<hbm>> -> memref<1024x32xf32, #tpu.memory_space<hbm>>
    %dma_wait3A_1849 = arith.constant 0 : i32
    %dma_wait3A_1850 = arith.constant 0 : i32
    %dma_wait3A_1851 = tpu.memref_slice %arg10[%dma_wait3A_1840, %dma_wait3A_1849, %dma_wait3A_1850] : memref<2x1024x32xf32, #tpu.memory_space<vmem>> -> memref<1x1024x32xf32, #tpu.memory_space<vmem>>
    %dma_wait3A_1852 = tpu.memref_squeeze %dma_wait3A_1851 : memref<1x1024x32xf32, #tpu.memory_space<vmem>> -> memref<1024x32xf32, #tpu.memory_space<vmem>>
    tpu.wait_dma2 semaphore(%arg13 : memref<!tpu.dma_semaphore, #tpu.memory_space<semaphore_mem>>) src(%dma_wait3A_1852 : memref<1024x32xf32, #tpu.memory_space<vmem>>) dst(%dma_wait3A_1848 : memref<1024x32xf32, #tpu.memory_space<hbm>>)
    %dma_wait3A_1853 = arith.constant 1 : i32
    %dma_wait3A_1854 = arith.constant 0 : i32
    %dma_wait3A_1855 = arith.constant 0 : i32
    %dma_wait3A_1856 = tpu.memref_slice %arg10[%dma_wait3A_1853, %dma_wait3A_1854, %dma_wait3A_1855] : memref<2x1024x32xf32, #tpu.memory_space<vmem>> -> memref<1x1024x32xf32, #tpu.memory_space<vmem>>
    %dma_wait3A_1857 = tpu.memref_squeeze %dma_wait3A_1856 : memref<1x1024x32xf32, #tpu.memory_space<vmem>> -> memref<1024x32xf32, #tpu.memory_space<vmem>>
    %dma_wait3A_1858 = arith.constant 0 : i32
    %dma_wait3A_1859 = tpu.memref_slice %arg4[%add3A_1826, %dma_wait3A_1858] : memref<1048576x32xf32, #tpu.memory_space<hbm>> -> memref<1024x32xf32, #tpu.memory_space<hbm>>
    %dma_wait3A_1860 = arith.constant 0 : i32
    %dma_wait3A_1861 = tpu.memref_slice %arg4[%add3A_1826, %dma_wait3A_1860] : memref<1048576x32xf32, #tpu.memory_space<hbm>> -> memref<1024x32xf32, #tpu.memory_space<hbm>>
    %dma_wait3A_1862 = arith.constant 0 : i32
    %dma_wait3A_1863 = arith.constant 0 : i32
    %dma_wait3A_1864 = tpu.memref_slice %arg10[%dma_wait3A_1853, %dma_wait3A_1862, %dma_wait3A_1863] : memref<2x1024x32xf32, #tpu.memory_space<vmem>> -> memref<1x1024x32xf32, #tpu.memory_space<vmem>>
    %dma_wait3A_1865 = tpu.memref_squeeze %dma_wait3A_1864 : memref<1x1024x32xf32, #tpu.memory_space<vmem>> -> memref<1024x32xf32, #tpu.memory_space<vmem>>
    tpu.wait_dma2 semaphore(%arg14 : memref<!tpu.dma_semaphore, #tpu.memory_space<semaphore_mem>>) src(%dma_wait3A_1865 : memref<1024x32xf32, #tpu.memory_space<vmem>>) dst(%dma_wait3A_1861 : memref<1024x32xf32, #tpu.memory_space<hbm>>)
    return
  }
}

</mosaic_0001>

<sc_bundles>
// kernel: kernel.3.cloned.1.call-start
scs
__scs_entry_jumppad:
0x0: {  	(pc) =	sbr.rel $0x88, $3  }
0x1: {  	(tag) =	ssettag $0x0;
	lr =	simm.s32 $0x1  }
0x2: {  	[smem:$0x3F9F] =	sst lr;
	_ =	strace $0xD0000000  }
0x3: {  	_ = 	snop  }
0x4: {  	_ = 	snop  }
0x5: {  	_ = 	snop  }
0x6: {  	_ = 	snop  }
0x7: {  	_ = 	snop  }
__scs_overlays_trampoline_lowered:
0x8: {  	[smem:$0x3FAE] =	sst s0  }
0x9: {  	[smem:$0x3FAF] =	sst s1  }
0xa: {  	[smem:$0x3FB0] =	sst s2  }
0xb: {  	[smem:$0x3FB1] =	sst s3  }
0xc: {  	[smem:$0x3FB2] =	sst s4  }
0xd: {  	[smem:$0x3FB3] =	sst s5  }
0xe: {  	[smem:$0x3FB4] =	sst s6  }
0xf: {  	[smem:$0x3FB5] =	sst s7  }
0x10: {  	[smem:$0x3FB6] =	sst s8  }
0x11: {  	[smem:$0x3FB7] =	sst s9;
	s0 =	simm.s32 @!p0 $0x0  }
0x12: {  	s1 =	sld [smem:$0x3F9D];
	s0 =	simm.s32 @p0 $0x1  }
0x13: {  	[smem:$0x3FB8] =	sst s0;
	s0 =	simm.s32 @!p1 $0x0  }
0x14: {  	s2 =	sld [smem:$0x3F9C];
	s0 =	simm.s32 @p1 $0x1  }
0x15: {  	[smem:$0x3FB9] =	sst s0;
	s0 =	simm.s32 @!p2 $0x0  }
0x16: {  	s3 =	sld [smem:$0x3FDB];
	s0 =	simm.s32 @p2 $0x1  }
0x17: {  	s4 =	simm.s32 $0x1BF5;
	[smem:$0x3FBB] =	sst s0  }
0x18: {  	s0 =	sld [smem:$0x3F9E];
	_ =	swait.ge [sflag:s4], $0x0  }
0x19: {  	s7 =	sld [smem:$0x3F9F]  }
0x1a: {  	s8 =	sadd.s32 $0xFFFFE003, lr  }
0x1b: {  	s9 =	sadd.s32 $0xFFFFFEF7, lr;
	s5 =	simm.s32 $0xFFFFFFFF;
	p2 =	slt.u32 s8, $0xFFFFF086  }
0x1c: {  	p1 =	slt.u32 s9, $0xF7A;
	s5 =	simm.s32 @!p2 $0x0  }
0x1d: {  	s5 =	simm.s32 @p1 $0x1;
	p0 =	seq.s32 s7, s2  }
0x1e: {  	s7 =	smul.u32 @!p0 $0xF7A, s2;
	p2 =	seq.s32 @!p0 s5, $0x0  }
0x1f: {  	s9 =	smul.u32 $0xF7A, s1;
	s8 =	simm.s32 @!p0 $0x1BF5;
	p2 =	por !p2, p0  }
0x20: {  	[sflag:s8] =	ssyncset.s32 @!p0 $0xFFFFF086;
	s6 =	sadd.s32 @!p0 s3, s7;
	s7 =	simm.s32 @!p0 $0x108  }
0x21: {  	s3 =	sadd.s32 s3, s9;
	s6 =	sadd.s32 @!p0 $0x88, s6;
	s7 =	simm.s32 @p2 $0x1082  }
0x22: {  	[simem:s7], [sflag:s8] =	dma.local @!p0 [hbm:s6], $0xF7A  }
0x23: {  	s9 =	sor.u32 $0xD0000000, s2;
	s6 =	simm.s32 $0x108;
	_ =	swait.ge @!p0 [sflag:s8], $0x0  }
0x24: {  	s3 =	sadd.s32 $0x88, s3;
	s6 =	simm.s32 @!p1 $0x1082;
	[sflag:s4] =	ssyncset.s32 $0xFFFFF086  }
0x25: {  	[simem:s6], [sflag:s4] =	dma.local [hbm:s3], $0xF7A  }
0x26: {  	[smem:$0x3F9F] =	sst s1;
	(tag) =	ssettag s2;
	_ =	strace s9  }
0x27: {  	s1 =	sld [smem:$0x3FAF]  }
0x28: {  	s2 =	sld [smem:$0x3FB0]  }
0x29: {  	s4 =	sld [smem:$0x3FB2]  }
0x2a: {  	p0 =	seq.s32 s5, $0x0;
	s5 =	sld [smem:$0x3FB3]  }
0x2b: {  	s6 =	sld [smem:$0x3FB4]  }
0x2c: {  	s7 =	sld [smem:$0x3FB5]  }
0x2d: {  	s3 =	simm.s32 $0x108;
	s8 =	sld [smem:$0x3FB6]  }
0x2e: {  	s3 =	simm.s32 @!p0 $0x1082;
	s9 =	sld [smem:$0x3FB7]  }
0x2f: {  	lr =	sadd.s32 s0, s3;
	s0 =	sld [smem:$0x3FAE]  }
0x30: {  	s3 =	sld [smem:$0x3FB1]  }
0x31: {  	[smem:$0x3FBA] =	sst s10  }
0x32: {  	s10 =	sld [smem:$0x3FB8];
	_ =	sdelay $0x3  }
0x33: {  	p0 =	seq.s32 s10, $0x1;
	s10 =	sld [smem:$0x3FBA];
	_ =	sdelay $0x3  }
0x34: {  	[smem:$0x3FBA] =	sst s10  }
0x35: {  	s10 =	sld [smem:$0x3FB9];
	_ =	sdelay $0x3  }
0x36: {  	p1 =	seq.s32 s10, $0x1;
	s10 =	sld [smem:$0x3FBA];
	_ =	sdelay $0x3  }
0x37: {  	[smem:$0x3FBA] =	sst s10  }
0x38: {  	s10 =	sld [smem:$0x3FBB]  }
0x39: {  	_ = 	snop;
	(pc) =	sbr.ind lr, $3  }
0x3a: {  	_ = 	snop  }
0x3b: {  	_ = 	snop  }
0x3c: {  	p2 =	seq.s32 s10, $0x1;
	s10 =	sld [smem:$0x3FBA]  }
0x3d: {  	_ =	shalt  }
0x3e: {  	_ =	shalt  }
0x3f: {  	_ =	shalt  }
0x40: {  	_ =	shalt  }
0x41: {  	_ =	shalt  }
0x42: {  	_ =	shalt  }
0x43: {  	_ =	shalt  }
0x44: {  	_ =	shalt  }
0x45: {  	_ =	shalt  }
0x46: {  	_ =	shalt  }
0x47: {  	_ =	shalt  }
0x48: {  	_ =	shalt  }
0x49: {  	_ =	shalt  }
0x4a: {  	_ =	shalt  }
0x4b: {  	_ =	shalt  }
0x4c: {  	_ =	shalt  }
0x4d: {  	_ =	shalt  }
0x4e: {  	_ =	shalt  }
0x4f: {  	_ =	shalt  }
0x50: {  	_ =	shalt  }
0x51: {  	_ =	shalt  }
0x52: {  	_ =	shalt  }
0x53: {  	_ =	shalt  }
0x54: {  	_ =	shalt  }
0x55: {  	_ =	shalt  }
0x56: {  	_ =	shalt  }
0x57: {  	_ =	shalt  }
0x58: {  	_ =	shalt  }
0x59: {  	_ =	shalt  }
0x5a: {  	_ =	shalt  }
0x5b: {  	_ =	shalt  }
0x5c: {  	_ =	shalt  }
0x5d: {  	_ =	shalt  }
0x5e: {  	_ =	shalt  }
0x5f: {  	_ =	shalt  }
0x60: {  	_ =	shalt  }
0x61: {  	_ =	shalt  }
0x62: {  	_ =	shalt  }
0x63: {  	_ =	shalt  }
0x64: {  	_ =	shalt  }
0x65: {  	_ =	shalt  }
0x66: {  	_ =	shalt  }
0x67: {  	_ =	shalt  }
0x68: {  	_ =	shalt  }
0x69: {  	_ =	shalt  }
0x6a: {  	_ =	shalt  }
0x6b: {  	_ =	shalt  }
0x6c: {  	_ =	shalt  }
0x6d: {  	_ =	shalt  }
0x6e: {  	_ =	shalt  }
0x6f: {  	_ =	shalt  }
0x70: {  	_ =	shalt  }
0x71: {  	_ =	shalt  }
0x72: {  	_ =	shalt  }
0x73: {  	_ =	shalt  }
0x74: {  	_ =	shalt  }
0x75: {  	_ =	shalt  }
0x76: {  	_ =	shalt  }
0x77: {  	_ =	shalt  }
0x78: {  	_ =	shalt  }
0x79: {  	_ =	shalt  }
0x7a: {  	_ =	shalt  }
0x7b: {  	_ =	shalt  }
0x7c: {  	_ =	shalt  }
0x7d: {  	_ =	shalt  }
0x7e: {  	_ =	shalt  }
0x7f: {  	_ =	shalt  }
0x80: {  	_ =	shalt  }
0x81: {  	_ =	shalt  }
0x82: {  	_ =	shalt  }
0x83: {  	_ =	shalt  }
0x84: {  	_ =	shalt  }
0x85: {  	_ =	shalt  }
0x86: {  	_ =	shalt  }
0x87: {  	_ =	shalt  }
.Lfunc_end0:
.L_simem_size_0:
called_computation_lowered:
.L_overlay_start_0:
0x88: {  	s2 =	sld [smem:$0x3FD9]  }
0x89: {  	s3 =	sld [smem:$0x3FFE];
	_ =	sdelay $0x1  }
0x8a: {  	s1 =	srdreg.scid  }
0x8b: {  	s0 =	sand.u32 $0x1, s1  }
0x8c: {  	s17 =	sshll.u32 s0, $0xA;
	s2 =	sadd.s32 s3, s2  }
0x8d: {  	s2 =	sadd.s32 s2, s17  }
0x8e: {  	[smem:$0x3FC6] =	sst s2  }
0x8f: {  	_ = 	snop  }
0x90: {  	s2 =	sld [smem:$0x3FC9]  }
0x91: {  	s18 =	sld [smem:$0x3FD0];
	(tm) =	ssettm $0x1  }
0x92: {  	s4 =	sld [smem:$0x3FFB];
	_ =	sdelay $0x3  }
0x93: {  	_ =	strace s4  }
0x94: {  	s4 =	sld [smem:$0x3FFC];
	_ =	sdelay $0x3  }
0x95: {  	_ =	strace s4  }
0x96: {  	s4 =	sld [smem:$0x3FFD];
	_ =	sdelay $0x3  }
0x97: {  	_ =	strace s4  }
0x98: {  	_ =	strace $0x8FFFFFFF  }
0x99: {  	s19 =	sld [smem:$0x3FDB];
	_ =	sdelay $0x1  }
0x9a: {  	s5 =	simm.s32 $_scs_section_size  }
0x9b: {  	s6 =	simm.s32 $_size__tile_overlayer_lowered;
	s7 =	simm.s32 $_tile_overlayer_lowered  }
0x9c: {  	s22 =	simm.s32 $0x1BFF;
	s21 =	sshll.u32 s7, $0x1;
	s4 =	sadd.s32 s5, s19  }
0x9d: {  	s8 =	simm.s32 $0x0;
	s20 =	sshll.u32 s6, $0x1;
	s6 =	sadd.s32 s21, s4  }
0x9e: {  	[timem:s8], [sflag:s22] =	dma.local [hbm:s6], s20  }
0x9f: {  	_ =	swait.ge [sflag:s22], s20  }
0xa0: {  	s5 =	ssub.s32 $0x0, s20;
	[sflag:s22] =	ssyncset.done $0x0  }
0xa1: {  	[sflag:s22] =	ssyncadd.s32 s5;
	_ =	sdelay $0x1  }
0xa2: {  	s23 =	simm.s32 $0x1B8B  }
0xa3: {  	_ =	swait.ge [sflag:s23], $0x1  }
0xa4: {  	[sflag:s23] =	ssyncset.done $0x0  }
0xa5: {  	s25 =	simm.s32 $0x1B8E;
	s24 =	sld [smem:$0x3FFE];
	[sflag:s23] =	ssyncadd.s32 $0xFFFFFFFF  }
0xa6: {  	s26 =	simm.s32 $execute0_lowered;
	[smem:$0x3FD2] =	sst s25  }
0xa7: {  	s6 =	sshll.u32 s26, $0x1;
	_ =	strace $0x80000046;
	[dreg:$0x1] =	wrdreg $0xFFFFFFFF  }
0xa8: {  	s28 =	simm.s32 $_size_execute0_lowered;
	s4 =	sadd.s32 s4, s6;
	[dreg:$0x0] =	wrdreg $0x0  }
0xa9: {  	s6 =	sshll.u32 s28, $0x1;
	[dreg:$0x2] =	wrdreg s4  }
0xaa: {  	[dreg:$0x3] =	wrdreg s6  }
0xab: {  	[dreg:$0x4] =	wrdreg $0xC0  }
0xac: {  	_ =	task [dreg:s8], $0x5FFFF  }
0xad: {  	[dreg:$0x1] =	wrdreg $0xFFFFFFFF  }
0xae: {  	[dreg:$0x0] =	wrdreg $0x60  }
0xaf: {  	[dreg:$0x2] =	wrdreg s24  }
0xb0: {  	[dreg:$0x3] =	wrdreg s2  }
0xb1: {  	[dreg:$0x4] =	wrdreg s18  }
0xb2: {  	[dreg:$0x5] =	wrdreg $0x0  }
0xb3: {  	[dreg:$0x6] =	wrdreg $0x9  }
0xb4: {  	_ =	task.clear_ibuf [dreg:s8], $0x7FFFF;
	_ =	strace $0x90000046  }
0xb5: {  	s29 =	simm.s32 $0x9;
	_ =	strace $0x80000048  }
0xb6: {  	_ =	swait.ge [sflag:s29], $0x1  }
0xb7: {  	[sflag:s29] =	ssyncadd.s32 $0xFFFFFFFF  }
0xb8: {  	_ =	strace $0x90000048  }
0xb9: {  	_ =	sfence  }
0xba: {  	s30 =	sld [smem:$0x0];
	_ =	sdelay $0x2  }
0xbb: {  	s31 =	sshll.u32 s1, $0xD;
	s1 =	sshrl.u32 s1, $0x2  }
0xbc: {  	s3 =	sand.u32 $0x4000, s31;
	s1 =	sadd.s32 s1, s30  }
0xbd: {  	s0 =	sor.u32 s3, s0;
	s1 =	sshll.u32 s1, $0x11  }
0xbe: {  	s0 =	sor.u32 s1, s0  }
0xbf: {  	s0 =	sadd.s32 $0x8F2B, s0  }
0xc0: {  	[sflag:s0] =	ssyncadd.remote.s32 $0x1  }
0xc1: {  	_ =	sfence.sel $0xFFFF  }
0xc2: {  	[dreg:$0x0] =	wrdreg $0xFFFFFFFF;
	(pc) =	sbr.abs _section_cstart, $3  }
0xc3: {  	[dreg:$0x1] =	wrdreg $0xFFFFFFFF  }
0xc4: {  	_ =	task.clear_ibuf [dreg:s8], $0x2FFFF;
	_ =	strace $0x9FFFFFFF  }
0xc5: {  	(tm) =	ssettm $0x7FFFFFFF  }
tec
execute0_lowered:
.L_overlay_start_1:
0x0: {  	(tag) =	ssettag $0x1  }
0x1: {  	s0 =	rddreg [dreg:$0x0]  }
0x2: {  	s3 =	rddreg [dreg:$0x1]  }
0x3: {  	s4 =	rddreg [dreg:$0x2]  }
0x4: {  	s1 =	rddreg [dreg:$0x3]  }
0x5: {  	s2 =	simm.s32 $0x0;
	s5 =	srdreg.scid;
	s6 =	stileid.u32  }
0x6: {  	[smem:$0x7FF] =	sst s2;
	s5 =	sand.u32 $0x1, s5;
	s7 =	sshll.u32 s6, $0x1  }
0x7: {  	s0 =	sadd.s32 $0x400, s0;
	s25 =	ssub.s32 $0x2, s5;
	s5 =	sor.u32 s5, s7  }
0x8: {  	_ =	strace $0x80000047;
	s8 =	sshll.u32 s5, $0xC;
	s5 =	sshll.u32 s5, $0x11  }
0x9: {  	[dreg:$0x5] =	wrdreg s0;
	s3 =	sadd.s32 s3, s8;
	s5 =	sadd.s32 s4, s5  }
0xa: {  	[dreg:$0x6] =	wrdreg s3;
	s7 =	sadd.s32 $0x1000, s5  }
0xb: {  	s8 =	sadd.s32 $0x2000, s5;
	[dreg:$0x7] =	wrdreg s7  }
0xc: {  	s9 =	sadd.s32 $0x3000, s5;
	[dreg:$0x8] =	wrdreg s8  }
0xd: {  	s10 =	sadd.s32 $0x4000, s5;
	[dreg:$0x9] =	wrdreg s9  }
0xe: {  	s11 =	sadd.s32 $0x5000, s5;
	[dreg:$0xa] =	wrdreg s10  }
0xf: {  	s12 =	sadd.s32 $0x6000, s5;
	[dreg:$0xb] =	wrdreg s11  }
0x10: {  	s13 =	sadd.s32 $0x7000, s5;
	[dreg:$0xc] =	wrdreg s12  }
0x11: {  	s14 =	sadd.s32 $0x8000, s5;
	[dreg:$0xd] =	wrdreg s13  }
0x12: {  	s15 =	sadd.s32 $0x9000, s5;
	[dreg:$0xe] =	wrdreg s14  }
0x13: {  	s16 =	sadd.s32 $0xA000, s5;
	[dreg:$0xf] =	wrdreg s15  }
0x14: {  	s17 =	sadd.s32 $0xB000, s5;
	[dreg:$0x10] =	wrdreg s16  }
0x15: {  	s18 =	sadd.s32 $0xC000, s5;
	[dreg:$0x11] =	wrdreg s17  }
0x16: {  	p0 =	sne.s32 s6, $0x0;
	s19 =	sadd.s32 $0xD000, s5;
	[dreg:$0x12] =	wrdreg s18  }
0x17: {  	s26 =	sshrl.u32 s25, $0x1;
	s20 =	sadd.s32 $0xE000, s5;
	[dreg:$0x13] =	wrdreg s19  }
0x18: {  	s0 =	ssub.s32 s25, s26;
	s21 =	sadd.s32 $0xF000, s5;
	[dreg:$0x14] =	wrdreg s20  }
0x19: {  	s22 =	sadd.s32 $0x10000, s5;
	s23 =	sadd.s32 $0x11000, s5;
	[dreg:$0x15] =	wrdreg s21  }
0x1a: {  	s24 =	sadd.s32 $0x12000, s5;
	s25 =	sadd.s32 $0x13000, s5;
	[dreg:$0x16] =	wrdreg s22  }
0x1b: {  	s0 =	smax.u32 s0, $0x1;
	s26 =	sadd.s32 $0x14000, s5;
	[dreg:$0x17] =	wrdreg s23  }
0x1c: {  	s28 =	sadd.s32 $0x15000, s5;
	s29 =	sadd.s32 $0x16000, s5;
	[dreg:$0x18] =	wrdreg s24  }
0x1d: {  	s30 =	sadd.s32 $0x17000, s5;
	s31 =	sadd.s32 $0x18000, s5;
	[dreg:$0x19] =	wrdreg s25  }
0x1e: {  	s3 =	sadd.s32 $0x1A000, s5;
	s4 =	sadd.s32 $0x1B000, s5;
	[dreg:$0x1a] =	wrdreg s0  }
0x1f: {  	s6 =	sadd.s32 $0x1C000, s5;
	[dreg:$0x1b] =	wrdreg s26;
	s0 =	sadd.s32 $0x19000, s5  }
0x20: {  	s7 =	sadd.s32 $0x1D000, s5;
	s8 =	sadd.s32 $0x1E000, s5;
	s9 =	sadd.s32 $0x1F000, s5  }
0x21: {  	s10 =	simm.s32 $0x7D0;
	s11 =	simm.s32 $0x5;
	s12 =	simm.s32 $0x400  }
0x22: {  	s13 =	simm.s32 $0x8FD0;
	s14 =	simm.s32 $0x97D0;
	s15 =	simm.s32 $0x1  }
0x23: {  	v0 =	vlaneseq.u32;
	s16 =	simm.s32 $0x93D0;
	s17 =	simm.s32 $0x117D0;
	s18 =	simm.s32 $0x2  }
0x24: {  	v1 =	vand.u32 $0x3, v0;
	s19 =	simm.s32 $0x3;
	s20 =	simm.s32 $0x4;
	s21 =	simm.s32 $0x0  }
.LBB2_1:
0x25: {  	s22 =	sshrl.u32 @!p0 s1, $0x3;
	s23 =	simm.s32 @!p0 $0x1C05;
	s24 =	rddreg [dreg:$0x5]  }
0x26: {  	[spmem:s22], [sflag:s23] =	dma.local @!p0 [hbm:s24], $0xFA0  }
0x27: {  	s22 =	simm.s32 @!p0 $0x5  }
0x28: {  	_ =	swait.ge @!p0 [sflag:s22], $0xFA0  }
0x29: {  	[sflag:s22] =	ssyncset.done @!p0 $0x0  }
0x2a: {  	s26 =	rddreg [dreg:$0x6];
	[sflag:s22] =	ssyncadd.s32 @!p0 $0xFFFFF060  }
0x2b: {  	v2 =	vmov s2;
	v3 =	vor.u32 s2, v0;
	[tilespmem:s10], [sflag:$0x5] =	stream.linear.gather [hbm4b:s26+s2], $0x8000, $0x38;
	[tilespmem:$0x197D0] =	vst v63  }
0x2c: {  	v4 =	vshrl.u32 v2, $0x5;
	v3 =	vshrl.u32 v3, $0x2;
	_ =	swait.ge [sflag:s11], $0x8000  }
0x2d: {  	v2 =	vshrl.u32 v2, $0x3;
	v4 =	vand.u32 $0x18, v4;
	v3 =	vand.u32 $0x7, v3;
	[sflag:s11] =	ssyncset.done $0x0  }
0x2e: {  	v2 =	vand.u32 $0x1C, v2;
	v3 =	vor.u32 v4, v3;
	s22 =	simm.s32 $0x87D0;
	[sflag:s11] =	ssyncadd.s32 $0xFFFF8000  }
0x2f: {  	s23 =	simm.s32 $0x8BD0;
	v2 =	vor.u32 v1, v2;
	[tilespmem:s22+$0x0] =	vst v3  }
0x30: {  	s24 =	simm.s32 $0x10;
	[tilespmem:s23+$0x0] =	vst v2  }
.LBB2_2:
0x31: {  	v2 =	vmov s24;
	v3 =	vor.u32 s24, v0;
	p1 =	sne.s32 s24, $0x3F0  }
.Ltmp0:
0x32: {  	s24 =	sadd.s32 $0x10, s24;
	v4 =	vshrl.u32 v2, $0x5;
	v3 =	vshrl.u32 v3, $0x2;
	(pc) =	sbr.rel @p1 .LBB2_2-.Ltmp0, $4  }
0x33: {  	v2 =	vshrl.u32 v2, $0x3;
	v4 =	vand.u32 $0x18, v4;
	v3 =	vand.u32 $0x7, v3  }
0x34: {  	s22 =	sadd.s32 $0x10, s22;
	v2 =	vand.u32 $0x1C, v2;
	v3 =	vor.u32 v4, v3  }
0x35: {  	s23 =	sadd.s32 $0x10, s23;
	v2 =	vor.u32 v1, v2;
	[tilespmem:s22+$0x0] =	vst v3  }
0x36: {  	[tilespmem:s23+$0x0] =	vst v2  }
0x37: {  	[bflag:$0x0] =	sbarrier.arrive $0xFFFF;
	s23 =	simm.s32 $0x0  }
0x38: {  	v3 =	vld [tilespmem:s23+$0x87D0]  }
0x39: {  	v2 =	vld [tilespmem:s23+$0x8BD0];
	_ =	sdelay $0x3  }
0x3a: {  	v4 =	vshll.u32 v3, $0x5  }
0x3b: {  	s22 =	simm.s32 $0x10;
	v5 =	vshll.u32 v2, $0x9;
	v4 =	vand.u32 $0xFFFFC000, v4  }
0x3c: {  	v2 =	vld [tilespmem:s22+$0x87D0];
	v3 =	vand.u32 $0x1FF, v3;
	v4 =	vadd.s32 v5, v4  }
0x3d: {  	v5 =	vld [tilespmem:s22+$0x8BD0];
	v3 =	vor.u32 v3, v4;
	_ =	sdelay $0x3  }
0x3e: {  	v4 =	vshll.u32 v2, $0x5  }
0x3f: {  	s24 =	simm.s32 $0x20;
	s25 =	simm.s32 $0xC0;
	v4 =	vand.u32 $0xFFFFC000, v4;
	v5 =	vshll.u32 v5, $0x9;
	v3 =	vld.idx.msk [tilespmem:v3+s10+$0x0], $0xffff  }
.LBB2_4:
0x40: {  	p1 =	sne.s32 s25, $0xFC0;
	v4 =	vadd.s32 v5, v4;
	v5 =	vand.u32 $0x1FF, v2;
	v2 =	vld [tilespmem:s24+$0x87D0]  }
0x41: {  	v6 =	vld [tilespmem:s24+$0x8BD0];
	v7 =	vor.u32 v5, v4  }
.Ltmp1:
0x42: {  	(pc) =	sbr.rel @p1 .LBB2_4-.Ltmp1, $3  }
0x43: {  	_ =	sdelay $0x1  }
0x44: {  	v4 =	vshll.u32 v2, $0x5;
	[tilespmem:s23+$0x8FD0] =	vst v3;
	s23 =	smov.u32 s22;
	s22 =	smov.u32 s24  }
0x45: {  	s24 =	sshra.s32 s25, $0x2;
	s25 =	sadd.s32 $0x40, s25;
	v4 =	vand.u32 $0xFFFFC000, v4;
	v5 =	vshll.u32 v6, $0x9;
	v3 =	vld.idx.msk [tilespmem:v7+s10+$0x0], $0xffff  }
0x46: {  	v6 =	vld [tilespmem:s24+$0x87D0]  }
0x47: {  	v4 =	vadd.s32 v5, v4;
	v2 =	vand.u32 $0x1FF, v2;
	v5 =	vld [tilespmem:s24+$0x8BD0]  }
0x48: {  	v2 =	vor.u32 v2, v4;
	_ =	sdelay $0x2  }
0x49: {  	v4 =	vshll.u32 v6, $0x5  }
0x4a: {  	[tilespmem:s23+$0x8FD0] =	vst v3;
	v3 =	vand.u32 $0xFFFFC000, v4;
	v4 =	vshll.u32 v5, $0x9  }
0x4b: {  	v2 =	vld.idx.msk [tilespmem:v2+s10+$0x0], $0xffff;
	v3 =	vadd.s32 v4, v3;
	v4 =	vand.u32 $0x1FF, v6  }
0x4c: {  	v3 =	vor.u32 v4, v3;
	_ =	sdelay $0x3  }
0x4d: {  	[tilespmem:s22+$0x8FD0] =	vst v2  }
0x4e: {  	v2 =	vld.idx.msk [tilespmem:v3+s10+$0x0], $0xffff;
	_ =	sdelay $0x4  }
0x4f: {  	[tilespmem:s24+$0x8FD0] =	vst v2;
	s24 =	simm.s32 $0x0  }
0x50: {  	[tilespmem:s14], [sflag:$0x1] =	stream.indirect.gather [spmem:s1], $0x20, s13, s12, $0xb8;
	[tilespmem:$0x197D0] =	vst v63  }
0x51: {  	v2 =	vld [tilespmem:s24+$0x87D0];
	_ =	sdelay $0x1  }
0x52: {  	v3 =	vld [tilespmem:s24+$0x8BD0];
	_ =	sdelay $0x2  }
0x53: {  	s22 =	simm.s32 $0x10;
	v4 =	vadd.s32 $0x20, v2  }
0x54: {  	v6 =	vld [tilespmem:s22+$0x87D0];
	v5 =	vshll.u32 v4, $0x5  }
0x55: {  	v3 =	vshll.u32 v3, $0x9;
	v5 =	vand.u32 $0xFFFFC000, v5  }
0x56: {  	v4 =	vand.u32 $0x1F8, v4;
	v3 =	vadd.s32 v3, v5;
	v5 =	vld [tilespmem:s22+$0x8BD0]  }
0x57: {  	v2 =	vand.u32 $0x7, v2;
	v3 =	vor.u32 v4, v3  }
0x58: {  	v3 =	vor.u32 v2, v3  }
0x59: {  	v4 =	vadd.s32 $0x20, v6  }
0x5a: {  	s23 =	simm.s32 $0x20;
	v7 =	vshll.u32 v4, $0x5  }
0x5b: {  	v2 =	vld [tilespmem:s23+$0x87D0];
	v7 =	vand.u32 $0xFFFFC000, v7;
	v5 =	vshll.u32 v5, $0x9  }
0x5c: {  	v4 =	vand.u32 $0x1F8, v4;
	v5 =	vadd.s32 v5, v7;
	v7 =	vand.u32 $0x7, v6;
	v6 =	vld [tilespmem:s23+$0x8BD0]  }
0x5d: {  	v3 =	vld.idx.msk [tilespmem:v3+s10+$0x0], $0xffff;
	v4 =	vor.u32 v4, v5  }
0x5e: {  	v4 =	vor.u32 v7, v4;
	_ =	sdelay $0x1  }
0x5f: {  	v5 =	vadd.s32 $0x20, v2  }
0x60: {  	s25 =	simm.s32 $0x30;
	s26 =	simm.s32 $0x100;
	v7 =	vshll.u32 v5, $0x5  }
.LBB2_6:
0x61: {  	p1 =	sne.s32 s26, $0xFC0;
	v8 =	vld [tilespmem:s25+$0x87D0];
	v7 =	vand.u32 $0xFFFFC000, v7;
	v6 =	vshll.u32 v6, $0x9;
	[tilespmem:s24+$0x93D0] =	vst v3;
	s24 =	smov.u32 s22;
	s22 =	smov.u32 s23  }
0x62: {  	v5 =	vand.u32 $0x1F8, v5;
	s23 =	smov.u32 s25;
	v7 =	vadd.s32 v6, v7;
	v3 =	vld.idx.msk [tilespmem:v4+s10+$0x0], $0xffff  }
.Ltmp2:
0x63: {  	v2 =	vand.u32 $0x7, v2;
	v6 =	vld [tilespmem:s23+$0x8BD0];
	v4 =	vor.u32 v5, v7;
	(pc) =	sbr.rel @p1 .LBB2_6-.Ltmp2, $3  }
0x64: {  	v4 =	vor.u32 v2, v4;
	_ =	sdelay $0x1  }
0x65: {  	v5 =	vadd.s32 $0x20, v8;
	v2 =	vmov v8  }
0x66: {  	s25 =	sshra.s32 s26, $0x2;
	s26 =	sadd.s32 $0x40, s26;
	v7 =	vshll.u32 v5, $0x5  }
0x67: {  	_ = 	snop  }
0x68: {  	v8 =	vld [tilespmem:s25+$0x87D0]  }
0x69: {  	v7 =	vand.u32 $0xFFFFC000, v7;
	v6 =	vshll.u32 v6, $0x9;
	[tilespmem:s24+$0x93D0] =	vst v3  }
0x6a: {  	v3 =	vand.u32 $0x1F8, v5;
	v5 =	vadd.s32 v6, v7;
	v6 =	vld [tilespmem:s25+$0x8BD0]  }
0x6b: {  	v2 =	vand.u32 $0x7, v2;
	v4 =	vld.idx.msk [tilespmem:v4+s10+$0x0], $0xffff;
	v3 =	vor.u32 v3, v5  }
0x6c: {  	v2 =	vor.u32 v2, v3  }
0x6d: {  	v3 =	vadd.s32 $0x20, v8  }
0x6e: {  	v5 =	vshll.u32 v3, $0x5  }
0x6f: {  	v6 =	vshll.u32 v6, $0x9;
	v5 =	vand.u32 $0xFFFFC000, v5  }
0x70: {  	[tilespmem:s22+$0x93D0] =	vst v4;
	v3 =	vand.u32 $0x1F8, v3;
	v4 =	vadd.s32 v6, v5  }
0x71: {  	v2 =	vld.idx.msk [tilespmem:v2+s10+$0x0], $0xffff;
	v5 =	vand.u32 $0x7, v8;
	v3 =	vor.u32 v3, v4  }
0x72: {  	v3 =	vor.u32 v5, v3;
	_ =	sdelay $0x3  }
0x73: {  	[tilespmem:s23+$0x93D0] =	vst v2  }
0x74: {  	v2 =	vld.idx.msk [tilespmem:v3+s10+$0x0], $0xffff;
	_ =	sdelay $0x4  }
0x75: {  	[tilespmem:s25+$0x93D0] =	vst v2  }
0x76: {  	_ =	swait.ge [sflag:s15], $0x8000  }
0x77: {  	[sflag:s15] =	ssyncset.done $0x0  }
0x78: {  	s26 =	simm.s32 $0x0;
	[sflag:s15] =	ssyncadd.s32 $0xFFFF8000  }
0x79: {  	[hbm4b:s5+s26] =	stream.linear.scatter [tilespmem:s14], [sflag:$0x3], $0x8000, $0x38;
	[tilespmem:$0x197D0] =	vst v63  }
0x7a: {  	s24 =	simm.s32 $0x0  }
0x7b: {  	[tilespmem:s17], [sflag:$0x2] =	stream.indirect.gather [spmem:s1], $0x20, s16, s12, $0xb8;
	[tilespmem:$0x197D0] =	vst v63  }
0x7c: {  	v2 =	vld [tilespmem:s24+$0x87D0];
	_ =	sdelay $0x1  }
0x7d: {  	v3 =	vld [tilespmem:s24+$0x8BD0];
	_ =	sdelay $0x2  }
0x7e: {  	s22 =	simm.s32 $0x10;
	v4 =	vadd.s32 $0x40, v2  }
0x7f: {  	v6 =	vld [tilespmem:s22+$0x87D0];
	v5 =	vshll.u32 v4, $0x5  }
0x80: {  	v3 =	vshll.u32 v3, $0x9;
	v5 =	vand.u32 $0xFFFFC000, v5  }
0x81: {  	v4 =	vand.u32 $0x1F8, v4;
	v3 =	vadd.s32 v3, v5;
	v5 =	vld [tilespmem:s22+$0x8BD0]  }
0x82: {  	v2 =	vand.u32 $0x7, v2;
	v3 =	vor.u32 v4, v3  }
0x83: {  	v3 =	vor.u32 v2, v3  }
0x84: {  	v4 =	vadd.s32 $0x40, v6  }
0x85: {  	s23 =	simm.s32 $0x20;
	v7 =	vshll.u32 v4, $0x5  }
0x86: {  	v2 =	vld [tilespmem:s23+$0x87D0];
	v7 =	vand.u32 $0xFFFFC000, v7;
	v5 =	vshll.u32 v5, $0x9  }
0x87: {  	v4 =	vand.u32 $0x1F8, v4;
	v5 =	vadd.s32 v5, v7;
	v7 =	vand.u32 $0x7, v6;
	v6 =	vld [tilespmem:s23+$0x8BD0]  }
0x88: {  	v3 =	vld.idx.msk [tilespmem:v3+s10+$0x0], $0xffff;
	v4 =	vor.u32 v4, v5  }
0x89: {  	v4 =	vor.u32 v7, v4;
	_ =	sdelay $0x1  }
0x8a: {  	v5 =	vadd.s32 $0x40, v2  }
0x8b: {  	s25 =	simm.s32 $0x30;
	s26 =	simm.s32 $0x100;
	v7 =	vshll.u32 v5, $0x5  }
.LBB2_8:
0x8c: {  	p1 =	sne.s32 s26, $0xFC0;
	v8 =	vld [tilespmem:s25+$0x87D0];
	v7 =	vand.u32 $0xFFFFC000, v7;
	v6 =	vshll.u32 v6, $0x9;
	[tilespmem:s24+$0x8FD0] =	vst v3;
	s24 =	smov.u32 s22;
	s22 =	smov.u32 s23  }
0x8d: {  	v5 =	vand.u32 $0x1F8, v5;
	s23 =	smov.u32 s25;
	v7 =	vadd.s32 v6, v7;
	v3 =	vld.idx.msk [tilespmem:v4+s10+$0x0], $0xffff  }
.Ltmp3:
0x8e: {  	v2 =	vand.u32 $0x7, v2;
	v6 =	vld [tilespmem:s23+$0x8BD0];
	v4 =	vor.u32 v5, v7;
	(pc) =	sbr.rel @p1 .LBB2_8-.Ltmp3, $3  }
0x8f: {  	v4 =	vor.u32 v2, v4;
	_ =	sdelay $0x1  }
0x90: {  	v5 =	vadd.s32 $0x40, v8;
	v2 =	vmov v8  }
0x91: {  	s25 =	sshra.s32 s26, $0x2;
	s26 =	sadd.s32 $0x40, s26;
	v7 =	vshll.u32 v5, $0x5  }
0x92: {  	_ = 	snop  }
0x93: {  	v8 =	vld [tilespmem:s25+$0x87D0]  }
0x94: {  	v7 =	vand.u32 $0xFFFFC000, v7;
	v6 =	vshll.u32 v6, $0x9;
	[tilespmem:s24+$0x8FD0] =	vst v3  }
0x95: {  	v3 =	vand.u32 $0x1F8, v5;
	v5 =	vadd.s32 v6, v7;
	v6 =	vld [tilespmem:s25+$0x8BD0]  }
0x96: {  	v2 =	vand.u32 $0x7, v2;
	v4 =	vld.idx.msk [tilespmem:v4+s10+$0x0], $0xffff;
	v3 =	vor.u32 v3, v5  }
0x97: {  	v2 =	vor.u32 v2, v3  }
0x98: {  	v3 =	vadd.s32 $0x40, v8  }
0x99: {  	v5 =	vshll.u32 v3, $0x5  }
0x9a: {  	v6 =	vshll.u32 v6, $0x9;
	v5 =	vand.u32 $0xFFFFC000, v5  }
0x9b: {  	[tilespmem:s22+$0x8FD0] =	vst v4;
	v3 =	vand.u32 $0x1F8, v3;
	v4 =	vadd.s32 v6, v5  }
0x9c: {  	v2 =	vld.idx.msk [tilespmem:v2+s10+$0x0], $0xffff;
	v5 =	vand.u32 $0x7, v8;
	v3 =	vor.u32 v3, v4  }
0x9d: {  	v3 =	vor.u32 v5, v3;
	_ =	sdelay $0x3  }
0x9e: {  	[tilespmem:s23+$0x8FD0] =	vst v2  }
0x9f: {  	v2 =	vld.idx.msk [tilespmem:v3+s10+$0x0], $0xffff;
	_ =	sdelay $0x4  }
0xa0: {  	[tilespmem:s25+$0x8FD0] =	vst v2  }
0xa1: {  	_ =	swait.ge [sflag:s18], $0x8000  }
0xa2: {  	[sflag:s18] =	ssyncset.done $0x0  }
0xa3: {  	s25 =	simm.s32 $0x0;
	s26 =	rddreg [dreg:$0x7];
	[sflag:s18] =	ssyncadd.s32 $0xFFFF8000  }
0xa4: {  	[hbm4b:s26+s25] =	stream.linear.scatter [tilespmem:s17], [sflag:$0x4], $0x8000, $0x38;
	[tilespmem:$0x197D0] =	vst v63  }
0xa5: {  	_ =	swait.ge [sflag:s19], $0x8000  }
0xa6: {  	[sflag:s19] =	ssyncset.done $0x0  }
0xa7: {  	s24 =	simm.s32 $0x0;
	[sflag:s19] =	ssyncadd.s32 $0xFFFF8000  }
0xa8: {  	[tilespmem:s14], [sflag:$0x1] =	stream.indirect.gather [spmem:s1], $0x20, s13, s12, $0xb8;
	[tilespmem:$0x197D0] =	vst v63  }
0xa9: {  	v2 =	vld [tilespmem:s24+$0x87D0];
	_ =	sdelay $0x1  }
0xaa: {  	v3 =	vld [tilespmem:s24+$0x8BD0];
	_ =	sdelay $0x2  }
0xab: {  	s22 =	simm.s32 $0x10;
	v4 =	vadd.s32 $0x60, v2  }
0xac: {  	v6 =	vld [tilespmem:s22+$0x87D0];
	v5 =	vshll.u32 v4, $0x5  }
0xad: {  	v3 =	vshll.u32 v3, $0x9;
	v5 =	vand.u32 $0xFFFFC000, v5  }
0xae: {  	v4 =	vand.u32 $0x1F8, v4;
	v3 =	vadd.s32 v3, v5;
	v5 =	vld [tilespmem:s22+$0x8BD0]  }
0xaf: {  	v2 =	vand.u32 $0x7, v2;
	v3 =	vor.u32 v4, v3  }
0xb0: {  	v3 =	vor.u32 v2, v3  }
0xb1: {  	v4 =	vadd.s32 $0x60, v6  }
0xb2: {  	s23 =	simm.s32 $0x20;
	v7 =	vshll.u32 v4, $0x5  }
0xb3: {  	v2 =	vld [tilespmem:s23+$0x87D0];
	v7 =	vand.u32 $0xFFFFC000, v7;
	v5 =	vshll.u32 v5, $0x9  }
0xb4: {  	v4 =	vand.u32 $0x1F8, v4;
	v5 =	vadd.s32 v5, v7;
	v7 =	vand.u32 $0x7, v6;
	v6 =	vld [tilespmem:s23+$0x8BD0]  }
0xb5: {  	v3 =	vld.idx.msk [tilespmem:v3+s10+$0x0], $0xffff;
	v4 =	vor.u32 v4, v5  }
0xb6: {  	v4 =	vor.u32 v7, v4;
	_ =	sdelay $0x1  }
0xb7: {  	v5 =	vadd.s32 $0x60, v2  }
0xb8: {  	s25 =	simm.s32 $0x30;
	s26 =	simm.s32 $0x100;
	v7 =	vshll.u32 v5, $0x5  }
.LBB2_10:
0xb9: {  	p1 =	sne.s32 s26, $0xFC0;
	v8 =	vld [tilespmem:s25+$0x87D0];
	v7 =	vand.u32 $0xFFFFC000, v7;
	v6 =	vshll.u32 v6, $0x9;
	[tilespmem:s24+$0x93D0] =	vst v3;
	s24 =	smov.u32 s22;
	s22 =	smov.u32 s23  }
0xba: {  	v5 =	vand.u32 $0x1F8, v5;
	s23 =	smov.u32 s25;
	v7 =	vadd.s32 v6, v7;
	v3 =	vld.idx.msk [tilespmem:v4+s10+$0x0], $0xffff  }
.Ltmp4:
0xbb: {  	v2 =	vand.u32 $0x7, v2;
	v6 =	vld [tilespmem:s23+$0x8BD0];
	v4 =	vor.u32 v5, v7;
	(pc) =	sbr.rel @p1 .LBB2_10-.Ltmp4, $3  }
0xbc: {  	v4 =	vor.u32 v2, v4;
	_ =	sdelay $0x1  }
0xbd: {  	v5 =	vadd.s32 $0x60, v8;
	v2 =	vmov v8  }
0xbe: {  	s25 =	sshra.s32 s26, $0x2;
	s26 =	sadd.s32 $0x40, s26;
	v7 =	vshll.u32 v5, $0x5  }
0xbf: {  	_ = 	snop  }
0xc0: {  	v8 =	vld [tilespmem:s25+$0x87D0]  }
0xc1: {  	v7 =	vand.u32 $0xFFFFC000, v7;
	v6 =	vshll.u32 v6, $0x9;
	[tilespmem:s24+$0x93D0] =	vst v3  }
0xc2: {  	v3 =	vand.u32 $0x1F8, v5;
	v5 =	vadd.s32 v6, v7;
	v6 =	vld [tilespmem:s25+$0x8BD0]  }
0xc3: {  	v2 =	vand.u32 $0x7, v2;
	v4 =	vld.idx.msk [tilespmem:v4+s10+$0x0], $0xffff;
	v3 =	vor.u32 v3, v5  }
0xc4: {  	v2 =	vor.u32 v2, v3  }
0xc5: {  	v3 =	vadd.s32 $0x60, v8  }
0xc6: {  	v5 =	vshll.u32 v3, $0x5  }
0xc7: {  	v6 =	vshll.u32 v6, $0x9;
	v5 =	vand.u32 $0xFFFFC000, v5  }
0xc8: {  	[tilespmem:s22+$0x93D0] =	vst v4;
	v3 =	vand.u32 $0x1F8, v3;
	v4 =	vadd.s32 v6, v5  }
0xc9: {  	v2 =	vld.idx.msk [tilespmem:v2+s10+$0x0], $0xffff;
	v5 =	vand.u32 $0x7, v8;
	v3 =	vor.u32 v3, v4  }
0xca: {  	v3 =	vor.u32 v5, v3;
	_ =	sdelay $0x3  }
0xcb: {  	[tilespmem:s23+$0x93D0] =	vst v2  }
0xcc: {  	v2 =	vld.idx.msk [tilespmem:v3+s10+$0x0], $0xffff;
	_ =	sdelay $0x4  }
0xcd: {  	[tilespmem:s25+$0x93D0] =	vst v2  }
0xce: {  	_ =	swait.ge [sflag:s15], $0x8000  }
0xcf: {  	[sflag:s15] =	ssyncset.done $0x0  }
0xd0: {  	s25 =	simm.s32 $0x0;
	s26 =	rddreg [dreg:$0x8];
	[sflag:s15] =	ssyncadd.s32 $0xFFFF8000  }
0xd1: {  	[hbm4b:s26+s25] =	stream.linear.scatter [tilespmem:s14], [sflag:$0x3], $0x8000, $0x38;
	[tilespmem:$0x197D0] =	vst v63  }
0xd2: {  	_ =	swait.ge [sflag:s20], $0x8000  }
0xd3: {  	[sflag:s20] =	ssyncset.done $0x0  }
0xd4: {  	s24 =	simm.s32 $0x0;
	[sflag:s20] =	ssyncadd.s32 $0xFFFF8000  }
0xd5: {  	[tilespmem:s17], [sflag:$0x2] =	stream.indirect.gather [spmem:s1], $0x20, s16, s12, $0xb8;
	[tilespmem:$0x197D0] =	vst v63  }
0xd6: {  	v2 =	vld [tilespmem:s24+$0x87D0];
	_ =	sdelay $0x1  }
0xd7: {  	v3 =	vld [tilespmem:s24+$0x8BD0];
	_ =	sdelay $0x2  }
0xd8: {  	s22 =	simm.s32 $0x10;
	v4 =	vadd.s32 $0x80, v2  }
0xd9: {  	v6 =	vld [tilespmem:s22+$0x87D0];
	v5 =	vshll.u32 v4, $0x5  }
0xda: {  	v3 =	vshll.u32 v3, $0x9;
	v5 =	vand.u32 $0xFFFFC000, v5  }
0xdb: {  	v4 =	vand.u32 $0x1F8, v4;
	v3 =	vadd.s32 v3, v5;
	v5 =	vld [tilespmem:s22+$0x8BD0]  }
0xdc: {  	v2 =	vand.u32 $0x7, v2;
	v3 =	vor.u32 v4, v3  }
0xdd: {  	v3 =	vor.u32 v2, v3  }
0xde: {  	v4 =	vadd.s32 $0x80, v6  }
0xdf: {  	s23 =	simm.s32 $0x20;
	v7 =	vshll.u32 v4, $0x5  }
0xe0: {  	v2 =	vld [tilespmem:s23+$0x87D0];
	v7 =	vand.u32 $0xFFFFC000, v7;
	v5 =	vshll.u32 v5, $0x9  }
0xe1: {  	v4 =	vand.u32 $0x1F8, v4;
	v5 =	vadd.s32 v5, v7;
	v7 =	vand.u32 $0x7, v6;
	v6 =	vld [tilespmem:s23+$0x8BD0]  }
0xe2: {  	v3 =	vld.idx.msk [tilespmem:v3+s10+$0x0], $0xffff;
	v4 =	vor.u32 v4, v5  }
0xe3: {  	v4 =	vor.u32 v7, v4;
	_ =	sdelay $0x1  }
0xe4: {  	v5 =	vadd.s32 $0x80, v2  }
0xe5: {  	s25 =	simm.s32 $0x30;
	s26 =	simm.s32 $0x100;
	v7 =	vshll.u32 v5, $0x5  }
.LBB2_12:
0xe6: {  	p1 =	sne.s32 s26, $0xFC0;
	v8 =	vld [tilespmem:s25+$0x87D0];
	v7 =	vand.u32 $0xFFFFC000, v7;
	v6 =	vshll.u32 v6, $0x9;
	[tilespmem:s24+$0x8FD0] =	vst v3;
	s24 =	smov.u32 s22;
	s22 =	smov.u32 s23  }
0xe7: {  	v5 =	vand.u32 $0x1F8, v5;
	s23 =	smov.u32 s25;
	v7 =	vadd.s32 v6, v7;
	v3 =	vld.idx.msk [tilespmem:v4+s10+$0x0], $0xffff  }
.Ltmp5:
0xe8: {  	v2 =	vand.u32 $0x7, v2;
	v6 =	vld [tilespmem:s23+$0x8BD0];
	v4 =	vor.u32 v5, v7;
	(pc) =	sbr.rel @p1 .LBB2_12-.Ltmp5, $3  }
0xe9: {  	v4 =	vor.u32 v2, v4;
	_ =	sdelay $0x1  }
0xea: {  	v5 =	vadd.s32 $0x80, v8;
	v2 =	vmov v8  }
0xeb: {  	s25 =	sshra.s32 s26, $0x2;
	s26 =	sadd.s32 $0x40, s26;
	v7 =	vshll.u32 v5, $0x5  }
0xec: {  	_ = 	snop  }
0xed: {  	v8 =	vld [tilespmem:s25+$0x87D0]  }
0xee: {  	v7 =	vand.u32 $0xFFFFC000, v7;
	v6 =	vshll.u32 v6, $0x9;
	[tilespmem:s24+$0x8FD0] =	vst v3  }
0xef: {  	v3 =	vand.u32 $0x1F8, v5;
	v5 =	vadd.s32 v6, v7;
	v6 =	vld [tilespmem:s25+$0x8BD0]  }
0xf0: {  	v2 =	vand.u32 $0x7, v2;
	v4 =	vld.idx.msk [tilespmem:v4+s10+$0x0], $0xffff;
	v3 =	vor.u32 v3, v5  }
0xf1: {  	v2 =	vor.u32 v2, v3  }
0xf2: {  	v3 =	vadd.s32 $0x80, v8  }
0xf3: {  	v5 =	vshll.u32 v3, $0x5  }
0xf4: {  	v6 =	vshll.u32 v6, $0x9;
	v5 =	vand.u32 $0xFFFFC000, v5  }
0xf5: {  	[tilespmem:s22+$0x8FD0] =	vst v4;
	v3 =	vand.u32 $0x1F8, v3;
	v4 =	vadd.s32 v6, v5  }
0xf6: {  	v2 =	vld.idx.msk [tilespmem:v2+s10+$0x0], $0xffff;
	v5 =	vand.u32 $0x7, v8;
	v3 =	vor.u32 v3, v4  }
0xf7: {  	v3 =	vor.u32 v5, v3;
	_ =	sdelay $0x3  }
0xf8: {  	[tilespmem:s23+$0x8FD0] =	vst v2  }
0xf9: {  	v2 =	vld.idx.msk [tilespmem:v3+s10+$0x0], $0xffff;
	_ =	sdelay $0x4  }
0xfa: {  	[tilespmem:s25+$0x8FD0] =	vst v2  }
0xfb: {  	_ =	swait.ge [sflag:s18], $0x8000  }
0xfc: {  	[sflag:s18] =	ssyncset.done $0x0  }
0xfd: {  	s25 =	simm.s32 $0x0;
	s26 =	rddreg [dreg:$0x9];
	[sflag:s18] =	ssyncadd.s32 $0xFFFF8000  }
0xfe: {  	[hbm4b:s26+s25] =	stream.linear.scatter [tilespmem:s17], [sflag:$0x4], $0x8000, $0x38;
	[tilespmem:$0x197D0] =	vst v63  }
0xff: {  	_ =	swait.ge [sflag:s19], $0x8000  }
0x100: {  	[sflag:s19] =	ssyncset.done $0x0  }
0x101: {  	s24 =	simm.s32 $0x0;
	[sflag:s19] =	ssyncadd.s32 $0xFFFF8000  }
0x102: {  	[tilespmem:s14], [sflag:$0x1] =	stream.indirect.gather [spmem:s1], $0x20, s13, s12, $0xb8;
	[tilespmem:$0x197D0] =	vst v63  }
0x103: {  	v2 =	vld [tilespmem:s24+$0x87D0];
	_ =	sdelay $0x1  }
0x104: {  	v3 =	vld [tilespmem:s24+$0x8BD0];
	_ =	sdelay $0x2  }
0x105: {  	s22 =	simm.s32 $0x10;
	v4 =	vadd.s32 $0xA0, v2  }
0x106: {  	v6 =	vld [tilespmem:s22+$0x87D0];
	v5 =	vshll.u32 v4, $0x5  }
0x107: {  	v3 =	vshll.u32 v3, $0x9;
	v5 =	vand.u32 $0xFFFFC000, v5  }
0x108: {  	v4 =	vand.u32 $0x1F8, v4;
	v3 =	vadd.s32 v3, v5;
	v5 =	vld [tilespmem:s22+$0x8BD0]  }
0x109: {  	v2 =	vand.u32 $0x7, v2;
	v3 =	vor.u32 v4, v3  }
0x10a: {  	v3 =	vor.u32 v2, v3  }
0x10b: {  	v4 =	vadd.s32 $0xA0, v6  }
0x10c: {  	s23 =	simm.s32 $0x20;
	v7 =	vshll.u32 v4, $0x5  }
0x10d: {  	v2 =	vld [tilespmem:s23+$0x87D0];
	v7 =	vand.u32 $0xFFFFC000, v7;
	v5 =	vshll.u32 v5, $0x9  }
0x10e: {  	v4 =	vand.u32 $0x1F8, v4;
	v5 =	vadd.s32 v5, v7;
	v7 =	vand.u32 $0x7, v6;
	v6 =	vld [tilespmem:s23+$0x8BD0]  }
0x10f: {  	v3 =	vld.idx.msk [tilespmem:v3+s10+$0x0], $0xffff;
	v4 =	vor.u32 v4, v5  }
0x110: {  	v4 =	vor.u32 v7, v4;
	_ =	sdelay $0x1  }
0x111: {  	v5 =	vadd.s32 $0xA0, v2  }
0x112: {  	s25 =	simm.s32 $0x30;
	s26 =	simm.s32 $0x100;
	v7 =	vshll.u32 v5, $0x5  }
.LBB2_14:
0x113: {  	p1 =	sne.s32 s26, $0xFC0;
	v8 =	vld [tilespmem:s25+$0x87D0];
	v7 =	vand.u32 $0xFFFFC000, v7;
	v6 =	vshll.u32 v6, $0x9;
	[tilespmem:s24+$0x93D0] =	vst v3;
	s24 =	smov.u32 s22;
	s22 =	smov.u32 s23  }
0x114: {  	v5 =	vand.u32 $0x1F8, v5;
	s23 =	smov.u32 s25;
	v7 =	vadd.s32 v6, v7;
	v3 =	vld.idx.msk [tilespmem:v4+s10+$0x0], $0xffff  }
.Ltmp6:
0x115: {  	v2 =	vand.u32 $0x7, v2;
	v6 =	vld [tilespmem:s23+$0x8BD0];
	v4 =	vor.u32 v5, v7;
	(pc) =	sbr.rel @p1 .LBB2_14-.Ltmp6, $3  }
0x116: {  	v4 =	vor.u32 v2, v4;
	_ =	sdelay $0x1  }
0x117: {  	v5 =	vadd.s32 $0xA0, v8;
	v2 =	vmov v8  }
0x118: {  	s25 =	sshra.s32 s26, $0x2;
	s26 =	sadd.s32 $0x40, s26;
	v7 =	vshll.u32 v5, $0x5  }
0x119: {  	_ = 	snop  }
0x11a: {  	v8 =	vld [tilespmem:s25+$0x87D0]  }
0x11b: {  	v7 =	vand.u32 $0xFFFFC000, v7;
	v6 =	vshll.u32 v6, $0x9;
	[tilespmem:s24+$0x93D0] =	vst v3  }
0x11c: {  	v3 =	vand.u32 $0x1F8, v5;
	v5 =	vadd.s32 v6, v7;
	v6 =	vld [tilespmem:s25+$0x8BD0]  }
0x11d: {  	v2 =	vand.u32 $0x7, v2;
	v4 =	vld.idx.msk [tilespmem:v4+s10+$0x0], $0xffff;
	v3 =	vor.u32 v3, v5  }
0x11e: {  	v2 =	vor.u32 v2, v3  }
0x11f: {  	v3 =	vadd.s32 $0xA0, v8  }
0x120: {  	v5 =	vshll.u32 v3, $0x5  }
0x121: {  	v6 =	vshll.u32 v6, $0x9;
	v5 =	vand.u32 $0xFFFFC000, v5  }
0x122: {  	[tilespmem:s22+$0x93D0] =	vst v4;
	v3 =	vand.u32 $0x1F8, v3;
	v4 =	vadd.s32 v6, v5  }
0x123: {  	v2 =	vld.idx.msk [tilespmem:v2+s10+$0x0], $0xffff;
	v5 =	vand.u32 $0x7, v8;
	v3 =	vor.u32 v3, v4  }
0x124: {  	v3 =	vor.u32 v5, v3;
	_ =	sdelay $0x3  }
0x125: {  	[tilespmem:s23+$0x93D0] =	vst v2  }
0x126: {  	v2 =	vld.idx.msk [tilespmem:v3+s10+$0x0], $0xffff;
	_ =	sdelay $0x4  }
0x127: {  	[tilespmem:s25+$0x93D0] =	vst v2  }
0x128: {  	_ =	swait.ge [sflag:s15], $0x8000  }
0x129: {  	[sflag:s15] =	ssyncset.done $0x0  }
0x12a: {  	s25 =	simm.s32 $0x0;
	s26 =	rddreg [dreg:$0xa];
	[sflag:s15] =	ssyncadd.s32 $0xFFFF8000  }
0x12b: {  	[hbm4b:s26+s25] =	stream.linear.scatter [tilespmem:s14], [sflag:$0x3], $0x8000, $0x38;
	[tilespmem:$0x197D0] =	vst v63  }
0x12c: {  	_ =	swait.ge [sflag:s20], $0x8000  }
0x12d: {  	[sflag:s20] =	ssyncset.done $0x0  }
0x12e: {  	s24 =	simm.s32 $0x0;
	[sflag:s20] =	ssyncadd.s32 $0xFFFF8000  }
0x12f: {  	[tilespmem:s17], [sflag:$0x2] =	stream.indirect.gather [spmem:s1], $0x20, s16, s12, $0xb8;
	[tilespmem:$0x197D0] =	vst v63  }
0x130: {  	v2 =	vld [tilespmem:s24+$0x87D0];
	_ =	sdelay $0x1  }
0x131: {  	v3 =	vld [tilespmem:s24+$0x8BD0];
	_ =	sdelay $0x2  }
0x132: {  	s22 =	simm.s32 $0x10;
	v4 =	vadd.s32 $0xC0, v2  }
0x133: {  	v6 =	vld [tilespmem:s22+$0x87D0];
	v5 =	vshll.u32 v4, $0x5  }
0x134: {  	v3 =	vshll.u32 v3, $0x9;
	v5 =	vand.u32 $0xFFFFC000, v5  }
0x135: {  	v4 =	vand.u32 $0x1F8, v4;
	v3 =	vadd.s32 v3, v5;
	v5 =	vld [tilespmem:s22+$0x8BD0]  }
0x136: {  	v2 =	vand.u32 $0x7, v2;
	v3 =	vor.u32 v4, v3  }
0x137: {  	v3 =	vor.u32 v2, v3  }
0x138: {  	v4 =	vadd.s32 $0xC0, v6  }
0x139: {  	s23 =	simm.s32 $0x20;
	v7 =	vshll.u32 v4, $0x5  }
0x13a: {  	v2 =	vld [tilespmem:s23+$0x87D0];
	v7 =	vand.u32 $0xFFFFC000, v7;
	v5 =	vshll.u32 v5, $0x9  }
0x13b: {  	v4 =	vand.u32 $0x1F8, v4;
	v5 =	vadd.s32 v5, v7;
	v7 =	vand.u32 $0x7, v6;
	v6 =	vld [tilespmem:s23+$0x8BD0]  }
0x13c: {  	v3 =	vld.idx.msk [tilespmem:v3+s10+$0x0], $0xffff;
	v4 =	vor.u32 v4, v5  }
0x13d: {  	v4 =	vor.u32 v7, v4;
	_ =	sdelay $0x1  }
0x13e: {  	v5 =	vadd.s32 $0xC0, v2  }
0x13f: {  	s25 =	simm.s32 $0x30;
	s26 =	simm.s32 $0x100;
	v7 =	vshll.u32 v5, $0x5  }
.LBB2_16:
0x140: {  	p1 =	sne.s32 s26, $0xFC0;
	v8 =	vld [tilespmem:s25+$0x87D0];
	v7 =	vand.u32 $0xFFFFC000, v7;
	v6 =	vshll.u32 v6, $0x9;
	[tilespmem:s24+$0x8FD0] =	vst v3;
	s24 =	smov.u32 s22;
	s22 =	smov.u32 s23  }
0x141: {  	v5 =	vand.u32 $0x1F8, v5;
	s23 =	smov.u32 s25;
	v7 =	vadd.s32 v6, v7;
	v3 =	vld.idx.msk [tilespmem:v4+s10+$0x0], $0xffff  }
.Ltmp7:
0x142: {  	v2 =	vand.u32 $0x7, v2;
	v6 =	vld [tilespmem:s23+$0x8BD0];
	v4 =	vor.u32 v5, v7;
	(pc) =	sbr.rel @p1 .LBB2_16-.Ltmp7, $3  }
0x143: {  	v4 =	vor.u32 v2, v4;
	_ =	sdelay $0x1  }
0x144: {  	v5 =	vadd.s32 $0xC0, v8;
	v2 =	vmov v8  }
0x145: {  	s25 =	sshra.s32 s26, $0x2;
	s26 =	sadd.s32 $0x40, s26;
	v7 =	vshll.u32 v5, $0x5  }
0x146: {  	_ = 	snop  }
0x147: {  	v8 =	vld [tilespmem:s25+$0x87D0]  }
0x148: {  	v7 =	vand.u32 $0xFFFFC000, v7;
	v6 =	vshll.u32 v6, $0x9;
	[tilespmem:s24+$0x8FD0] =	vst v3  }
0x149: {  	v3 =	vand.u32 $0x1F8, v5;
	v5 =	vadd.s32 v6, v7;
	v6 =	vld [tilespmem:s25+$0x8BD0]  }
0x14a: {  	v2 =	vand.u32 $0x7, v2;
	v4 =	vld.idx.msk [tilespmem:v4+s10+$0x0], $0xffff;
	v3 =	vor.u32 v3, v5  }
0x14b: {  	v2 =	vor.u32 v2, v3  }
0x14c: {  	v3 =	vadd.s32 $0xC0, v8  }
0x14d: {  	v5 =	vshll.u32 v3, $0x5  }
0x14e: {  	v6 =	vshll.u32 v6, $0x9;
	v5 =	vand.u32 $0xFFFFC000, v5  }
0x14f: {  	[tilespmem:s22+$0x8FD0] =	vst v4;
	v3 =	vand.u32 $0x1F8, v3;
	v4 =	vadd.s32 v6, v5  }
0x150: {  	v2 =	vld.idx.msk [tilespmem:v2+s10+$0x0], $0xffff;
	v5 =	vand.u32 $0x7, v8;
	v3 =	vor.u32 v3, v4  }
0x151: {  	v3 =	vor.u32 v5, v3;
	_ =	sdelay $0x3  }
0x152: {  	[tilespmem:s23+$0x8FD0] =	vst v2  }
0x153: {  	v2 =	vld.idx.msk [tilespmem:v3+s10+$0x0], $0xffff;
	_ =	sdelay $0x4  }
0x154: {  	[tilespmem:s25+$0x8FD0] =	vst v2  }
0x155: {  	_ =	swait.ge [sflag:s18], $0x8000  }
0x156: {  	[sflag:s18] =	ssyncset.done $0x0  }
0x157: {  	s25 =	simm.s32 $0x0;
	s26 =	rddreg [dreg:$0xb];
	[sflag:s18] =	ssyncadd.s32 $0xFFFF8000  }
0x158: {  	[hbm4b:s26+s25] =	stream.linear.scatter [tilespmem:s17], [sflag:$0x4], $0x8000, $0x38;
	[tilespmem:$0x197D0] =	vst v63  }
0x159: {  	_ =	swait.ge [sflag:s19], $0x8000  }
0x15a: {  	[sflag:s19] =	ssyncset.done $0x0  }
0x15b: {  	s24 =	simm.s32 $0x0;
	[sflag:s19] =	ssyncadd.s32 $0xFFFF8000  }
0x15c: {  	[tilespmem:s14], [sflag:$0x1] =	stream.indirect.gather [spmem:s1], $0x20, s13, s12, $0xb8;
	[tilespmem:$0x197D0] =	vst v63  }
0x15d: {  	v2 =	vld [tilespmem:s24+$0x87D0];
	_ =	sdelay $0x1  }
0x15e: {  	v3 =	vld [tilespmem:s24+$0x8BD0];
	_ =	sdelay $0x2  }
0x15f: {  	s22 =	simm.s32 $0x10;
	v4 =	vadd.s32 $0xE0, v2  }
0x160: {  	v6 =	vld [tilespmem:s22+$0x87D0];
	v5 =	vshll.u32 v4, $0x5  }
0x161: {  	v3 =	vshll.u32 v3, $0x9;
	v5 =	vand.u32 $0xFFFFC000, v5  }
0x162: {  	v4 =	vand.u32 $0x1F8, v4;
	v3 =	vadd.s32 v3, v5;
	v5 =	vld [tilespmem:s22+$0x8BD0]  }
0x163: {  	v2 =	vand.u32 $0x7, v2;
	v3 =	vor.u32 v4, v3  }
0x164: {  	v3 =	vor.u32 v2, v3  }
0x165: {  	v4 =	vadd.s32 $0xE0, v6  }
0x166: {  	s23 =	simm.s32 $0x20;
	v7 =	vshll.u32 v4, $0x5  }
0x167: {  	v2 =	vld [tilespmem:s23+$0x87D0];
	v7 =	vand.u32 $0xFFFFC000, v7;
	v5 =	vshll.u32 v5, $0x9  }
0x168: {  	v4 =	vand.u32 $0x1F8, v4;
	v5 =	vadd.s32 v5, v7;
	v7 =	vand.u32 $0x7, v6;
	v6 =	vld [tilespmem:s23+$0x8BD0]  }
0x169: {  	v3 =	vld.idx.msk [tilespmem:v3+s10+$0x0], $0xffff;
	v4 =	vor.u32 v4, v5  }
0x16a: {  	v4 =	vor.u32 v7, v4;
	_ =	sdelay $0x1  }
0x16b: {  	v5 =	vadd.s32 $0xE0, v2  }
0x16c: {  	s25 =	simm.s32 $0x30;
	s26 =	simm.s32 $0x100;
	v7 =	vshll.u32 v5, $0x5  }
.LBB2_18:
0x16d: {  	p1 =	sne.s32 s26, $0xFC0;
	v8 =	vld [tilespmem:s25+$0x87D0];
	v7 =	vand.u32 $0xFFFFC000, v7;
	v6 =	vshll.u32 v6, $0x9;
	[tilespmem:s24+$0x93D0] =	vst v3;
	s24 =	smov.u32 s22;
	s22 =	smov.u32 s23  }
0x16e: {  	v5 =	vand.u32 $0x1F8, v5;
	s23 =	smov.u32 s25;
	v7 =	vadd.s32 v6, v7;
	v3 =	vld.idx.msk [tilespmem:v4+s10+$0x0], $0xffff  }
.Ltmp8:
0x16f: {  	v2 =	vand.u32 $0x7, v2;
	v6 =	vld [tilespmem:s23+$0x8BD0];
	v4 =	vor.u32 v5, v7;
	(pc) =	sbr.rel @p1 .LBB2_18-.Ltmp8, $3  }
0x170: {  	v4 =	vor.u32 v2, v4;
	_ =	sdelay $0x1  }
0x171: {  	v5 =	vadd.s32 $0xE0, v8;
	v2 =	vmov v8  }
0x172: {  	s25 =	sshra.s32 s26, $0x2;
	s26 =	sadd.s32 $0x40, s26;
	v7 =	vshll.u32 v5, $0x5  }
0x173: {  	_ = 	snop  }
0x174: {  	v8 =	vld [tilespmem:s25+$0x87D0]  }
0x175: {  	v7 =	vand.u32 $0xFFFFC000, v7;
	v6 =	vshll.u32 v6, $0x9;
	[tilespmem:s24+$0x93D0] =	vst v3  }
0x176: {  	v3 =	vand.u32 $0x1F8, v5;
	v5 =	vadd.s32 v6, v7;
	v6 =	vld [tilespmem:s25+$0x8BD0]  }
0x177: {  	v2 =	vand.u32 $0x7, v2;
	v4 =	vld.idx.msk [tilespmem:v4+s10+$0x0], $0xffff;
	v3 =	vor.u32 v3, v5  }
0x178: {  	v2 =	vor.u32 v2, v3  }
0x179: {  	v3 =	vadd.s32 $0xE0, v8  }
0x17a: {  	v5 =	vshll.u32 v3, $0x5  }
0x17b: {  	v6 =	vshll.u32 v6, $0x9;
	v5 =	vand.u32 $0xFFFFC000, v5  }
0x17c: {  	[tilespmem:s22+$0x93D0] =	vst v4;
	v3 =	vand.u32 $0x1F8, v3;
	v4 =	vadd.s32 v6, v5  }
0x17d: {  	v2 =	vld.idx.msk [tilespmem:v2+s10+$0x0], $0xffff;
	v5 =	vand.u32 $0x7, v8;
	v3 =	vor.u32 v3, v4  }
0x17e: {  	v3 =	vor.u32 v5, v3;
	_ =	sdelay $0x3  }
0x17f: {  	[tilespmem:s23+$0x93D0] =	vst v2  }
0x180: {  	v2 =	vld.idx.msk [tilespmem:v3+s10+$0x0], $0xffff;
	_ =	sdelay $0x4  }
0x181: {  	[tilespmem:s25+$0x93D0] =	vst v2  }
0x182: {  	_ =	swait.ge [sflag:s15], $0x8000  }
0x183: {  	[sflag:s15] =	ssyncset.done $0x0  }
0x184: {  	s25 =	simm.s32 $0x0;
	s26 =	rddreg [dreg:$0xc];
	[sflag:s15] =	ssyncadd.s32 $0xFFFF8000  }
0x185: {  	[hbm4b:s26+s25] =	stream.linear.scatter [tilespmem:s14], [sflag:$0x3], $0x8000, $0x38;
	[tilespmem:$0x197D0] =	vst v63  }
0x186: {  	_ =	swait.ge [sflag:s20], $0x8000  }
0x187: {  	[sflag:s20] =	ssyncset.done $0x0  }
0x188: {  	s24 =	simm.s32 $0x0;
	[sflag:s20] =	ssyncadd.s32 $0xFFFF8000  }
0x189: {  	[tilespmem:s17], [sflag:$0x2] =	stream.indirect.gather [spmem:s1], $0x20, s16, s12, $0xb8;
	[tilespmem:$0x197D0] =	vst v63  }
0x18a: {  	v2 =	vld [tilespmem:s24+$0x87D0];
	_ =	sdelay $0x1  }
0x18b: {  	v3 =	vld [tilespmem:s24+$0x8BD0];
	_ =	sdelay $0x2  }
0x18c: {  	s22 =	simm.s32 $0x10;
	v4 =	vadd.s32 $0x100, v2  }
0x18d: {  	v6 =	vld [tilespmem:s22+$0x87D0];
	v5 =	vshll.u32 v4, $0x5  }
0x18e: {  	v3 =	vshll.u32 v3, $0x9;
	v5 =	vand.u32 $0xFFFFC000, v5  }
0x18f: {  	v4 =	vand.u32 $0x1F8, v4;
	v3 =	vadd.s32 v3, v5;
	v5 =	vld [tilespmem:s22+$0x8BD0]  }
0x190: {  	v2 =	vand.u32 $0x7, v2;
	v3 =	vor.u32 v4, v3  }
0x191: {  	v3 =	vor.u32 v2, v3  }
0x192: {  	v4 =	vadd.s32 $0x100, v6  }
0x193: {  	s23 =	simm.s32 $0x20;
	v7 =	vshll.u32 v4, $0x5  }
0x194: {  	v2 =	vld [tilespmem:s23+$0x87D0];
	v7 =	vand.u32 $0xFFFFC000, v7;
	v5 =	vshll.u32 v5, $0x9  }
0x195: {  	v4 =	vand.u32 $0x1F8, v4;
	v5 =	vadd.s32 v5, v7;
	v7 =	vand.u32 $0x7, v6;
	v6 =	vld [tilespmem:s23+$0x8BD0]  }
0x196: {  	v3 =	vld.idx.msk [tilespmem:v3+s10+$0x0], $0xffff;
	v4 =	vor.u32 v4, v5  }
0x197: {  	v4 =	vor.u32 v7, v4;
	_ =	sdelay $0x1  }
0x198: {  	v5 =	vadd.s32 $0x100, v2  }
0x199: {  	s25 =	simm.s32 $0x30;
	s26 =	simm.s32 $0x100;
	v7 =	vshll.u32 v5, $0x5  }
.LBB2_20:
0x19a: {  	p1 =	sne.s32 s26, $0xFC0;
	v8 =	vld [tilespmem:s25+$0x87D0];
	v7 =	vand.u32 $0xFFFFC000, v7;
	v6 =	vshll.u32 v6, $0x9;
	[tilespmem:s24+$0x8FD0] =	vst v3;
	s24 =	smov.u32 s22;
	s22 =	smov.u32 s23  }
0x19b: {  	v5 =	vand.u32 $0x1F8, v5;
	s23 =	smov.u32 s25;
	v7 =	vadd.s32 v6, v7;
	v3 =	vld.idx.msk [tilespmem:v4+s10+$0x0], $0xffff  }
.Ltmp9:
0x19c: {  	v2 =	vand.u32 $0x7, v2;
	v6 =	vld [tilespmem:s23+$0x8BD0];
	v4 =	vor.u32 v5, v7;
	(pc) =	sbr.rel @p1 .LBB2_20-.Ltmp9, $3  }
0x19d: {  	v4 =	vor.u32 v2, v4;
	_ =	sdelay $0x1  }
0x19e: {  	v5 =	vadd.s32 $0x100, v8;
	v2 =	vmov v8  }
0x19f: {  	s25 =	sshra.s32 s26, $0x2;
	s26 =	sadd.s32 $0x40, s26;
	v7 =	vshll.u32 v5, $0x5  }
0x1a0: {  	_ = 	snop  }
0x1a1: {  	v8 =	vld [tilespmem:s25+$0x87D0]  }
0x1a2: {  	v7 =	vand.u32 $0xFFFFC000, v7;
	v6 =	vshll.u32 v6, $0x9;
	[tilespmem:s24+$0x8FD0] =	vst v3  }
0x1a3: {  	v3 =	vand.u32 $0x1F8, v5;
	v5 =	vadd.s32 v6, v7;
	v6 =	vld [tilespmem:s25+$0x8BD0]  }
0x1a4: {  	v2 =	vand.u32 $0x7, v2;
	v4 =	vld.idx.msk [tilespmem:v4+s10+$0x0], $0xffff;
	v3 =	vor.u32 v3, v5  }
0x1a5: {  	v2 =	vor.u32 v2, v3  }
0x1a6: {  	v3 =	vadd.s32 $0x100, v8  }
0x1a7: {  	v5 =	vshll.u32 v3, $0x5  }
0x1a8: {  	v6 =	vshll.u32 v6, $0x9;
	v5 =	vand.u32 $0xFFFFC000, v5  }
0x1a9: {  	[tilespmem:s22+$0x8FD0] =	vst v4;
	v3 =	vand.u32 $0x1F8, v3;
	v4 =	vadd.s32 v6, v5  }
0x1aa: {  	v2 =	vld.idx.msk [tilespmem:v2+s10+$0x0], $0xffff;
	v5 =	vand.u32 $0x7, v8;
	v3 =	vor.u32 v3, v4  }
0x1ab: {  	v3 =	vor.u32 v5, v3;
	_ =	sdelay $0x3  }
0x1ac: {  	[tilespmem:s23+$0x8FD0] =	vst v2  }
0x1ad: {  	v2 =	vld.idx.msk [tilespmem:v3+s10+$0x0], $0xffff;
	_ =	sdelay $0x4  }
0x1ae: {  	[tilespmem:s25+$0x8FD0] =	vst v2  }
0x1af: {  	_ =	swait.ge [sflag:s18], $0x8000  }
0x1b0: {  	[sflag:s18] =	ssyncset.done $0x0  }
0x1b1: {  	s25 =	simm.s32 $0x0;
	s26 =	rddreg [dreg:$0xd];
	[sflag:s18] =	ssyncadd.s32 $0xFFFF8000  }
0x1b2: {  	[hbm4b:s26+s25] =	stream.linear.scatter [tilespmem:s17], [sflag:$0x4], $0x8000, $0x38;
	[tilespmem:$0x197D0] =	vst v63  }
0x1b3: {  	_ =	swait.ge [sflag:s19], $0x8000  }
0x1b4: {  	[sflag:s19] =	ssyncset.done $0x0  }
0x1b5: {  	s24 =	simm.s32 $0x0;
	[sflag:s19] =	ssyncadd.s32 $0xFFFF8000  }
0x1b6: {  	[tilespmem:s14], [sflag:$0x1] =	stream.indirect.gather [spmem:s1], $0x20, s13, s12, $0xb8;
	[tilespmem:$0x197D0] =	vst v63  }
0x1b7: {  	v2 =	vld [tilespmem:s24+$0x87D0];
	_ =	sdelay $0x1  }
0x1b8: {  	v3 =	vld [tilespmem:s24+$0x8BD0];
	_ =	sdelay $0x2  }
0x1b9: {  	s22 =	simm.s32 $0x10;
	v4 =	vadd.s32 $0x120, v2  }
0x1ba: {  	v6 =	vld [tilespmem:s22+$0x87D0];
	v5 =	vshll.u32 v4, $0x5  }
0x1bb: {  	v3 =	vshll.u32 v3, $0x9;
	v5 =	vand.u32 $0xFFFFC000, v5  }
0x1bc: {  	v4 =	vand.u32 $0x1F8, v4;
	v3 =	vadd.s32 v3, v5;
	v5 =	vld [tilespmem:s22+$0x8BD0]  }
0x1bd: {  	v2 =	vand.u32 $0x7, v2;
	v3 =	vor.u32 v4, v3  }
0x1be: {  	v3 =	vor.u32 v2, v3  }
0x1bf: {  	v4 =	vadd.s32 $0x120, v6  }
0x1c0: {  	s23 =	simm.s32 $0x20;
	v7 =	vshll.u32 v4, $0x5  }
0x1c1: {  	v2 =	vld [tilespmem:s23+$0x87D0];
	v7 =	vand.u32 $0xFFFFC000, v7;
	v5 =	vshll.u32 v5, $0x9  }
0x1c2: {  	v4 =	vand.u32 $0x1F8, v4;
	v5 =	vadd.s32 v5, v7;
	v7 =	vand.u32 $0x7, v6;
	v6 =	vld [tilespmem:s23+$0x8BD0]  }
0x1c3: {  	v3 =	vld.idx.msk [tilespmem:v3+s10+$0x0], $0xffff;
	v4 =	vor.u32 v4, v5  }
0x1c4: {  	v4 =	vor.u32 v7, v4;
	_ =	sdelay $0x1  }
0x1c5: {  	v5 =	vadd.s32 $0x120, v2  }
0x1c6: {  	s25 =	simm.s32 $0x30;
	s26 =	simm.s32 $0x100;
	v7 =	vshll.u32 v5, $0x5  }
.LBB2_22:
0x1c7: {  	p1 =	sne.s32 s26, $0xFC0;
	v8 =	vld [tilespmem:s25+$0x87D0];
	v7 =	vand.u32 $0xFFFFC000, v7;
	v6 =	vshll.u32 v6, $0x9;
	[tilespmem:s24+$0x93D0] =	vst v3;
	s24 =	smov.u32 s22;
	s22 =	smov.u32 s23  }
0x1c8: {  	v5 =	vand.u32 $0x1F8, v5;
	s23 =	smov.u32 s25;
	v7 =	vadd.s32 v6, v7;
	v3 =	vld.idx.msk [tilespmem:v4+s10+$0x0], $0xffff  }
.Ltmp10:
0x1c9: {  	v2 =	vand.u32 $0x7, v2;
	v6 =	vld [tilespmem:s23+$0x8BD0];
	v4 =	vor.u32 v5, v7;
	(pc) =	sbr.rel @p1 .LBB2_22-.Ltmp10, $3  }
0x1ca: {  	v4 =	vor.u32 v2, v4;
	_ =	sdelay $0x1  }
0x1cb: {  	v5 =	vadd.s32 $0x120, v8;
	v2 =	vmov v8  }
0x1cc: {  	s25 =	sshra.s32 s26, $0x2;
	s26 =	sadd.s32 $0x40, s26;
	v7 =	vshll.u32 v5, $0x5  }
0x1cd: {  	_ = 	snop  }
0x1ce: {  	v8 =	vld [tilespmem:s25+$0x87D0]  }
0x1cf: {  	v7 =	vand.u32 $0xFFFFC000, v7;
	v6 =	vshll.u32 v6, $0x9;
	[tilespmem:s24+$0x93D0] =	vst v3  }
0x1d0: {  	v3 =	vand.u32 $0x1F8, v5;
	v5 =	vadd.s32 v6, v7;
	v6 =	vld [tilespmem:s25+$0x8BD0]  }
0x1d1: {  	v2 =	vand.u32 $0x7, v2;
	v4 =	vld.idx.msk [tilespmem:v4+s10+$0x0], $0xffff;
	v3 =	vor.u32 v3, v5  }
0x1d2: {  	v2 =	vor.u32 v2, v3  }
0x1d3: {  	v3 =	vadd.s32 $0x120, v8  }
0x1d4: {  	v5 =	vshll.u32 v3, $0x5  }
0x1d5: {  	v6 =	vshll.u32 v6, $0x9;
	v5 =	vand.u32 $0xFFFFC000, v5  }
0x1d6: {  	[tilespmem:s22+$0x93D0] =	vst v4;
	v3 =	vand.u32 $0x1F8, v3;
	v4 =	vadd.s32 v6, v5  }
0x1d7: {  	v2 =	vld.idx.msk [tilespmem:v2+s10+$0x0], $0xffff;
	v5 =	vand.u32 $0x7, v8;
	v3 =	vor.u32 v3, v4  }
0x1d8: {  	v3 =	vor.u32 v5, v3;
	_ =	sdelay $0x3  }
0x1d9: {  	[tilespmem:s23+$0x93D0] =	vst v2  }
0x1da: {  	v2 =	vld.idx.msk [tilespmem:v3+s10+$0x0], $0xffff;
	_ =	sdelay $0x4  }
0x1db: {  	[tilespmem:s25+$0x93D0] =	vst v2  }
0x1dc: {  	_ =	swait.ge [sflag:s15], $0x8000  }
0x1dd: {  	[sflag:s15] =	ssyncset.done $0x0  }
0x1de: {  	s25 =	simm.s32 $0x0;
	s26 =	rddreg [dreg:$0xe];
	[sflag:s15] =	ssyncadd.s32 $0xFFFF8000  }
0x1df: {  	[hbm4b:s26+s25] =	stream.linear.scatter [tilespmem:s14], [sflag:$0x3], $0x8000, $0x38;
	[tilespmem:$0x197D0] =	vst v63  }
0x1e0: {  	_ =	swait.ge [sflag:s20], $0x8000  }
0x1e1: {  	[sflag:s20] =	ssyncset.done $0x0  }
0x1e2: {  	s24 =	simm.s32 $0x0;
	[sflag:s20] =	ssyncadd.s32 $0xFFFF8000  }
0x1e3: {  	[tilespmem:s17], [sflag:$0x2] =	stream.indirect.gather [spmem:s1], $0x20, s16, s12, $0xb8;
	[tilespmem:$0x197D0] =	vst v63  }
0x1e4: {  	v2 =	vld [tilespmem:s24+$0x87D0];
	_ =	sdelay $0x1  }
0x1e5: {  	v3 =	vld [tilespmem:s24+$0x8BD0];
	_ =	sdelay $0x2  }
0x1e6: {  	s22 =	simm.s32 $0x10;
	v4 =	vadd.s32 $0x140, v2  }
0x1e7: {  	v6 =	vld [tilespmem:s22+$0x87D0];
	v5 =	vshll.u32 v4, $0x5  }
0x1e8: {  	v3 =	vshll.u32 v3, $0x9;
	v5 =	vand.u32 $0xFFFFC000, v5  }
0x1e9: {  	v4 =	vand.u32 $0x1F8, v4;
	v3 =	vadd.s32 v3, v5;
	v5 =	vld [tilespmem:s22+$0x8BD0]  }
0x1ea: {  	v2 =	vand.u32 $0x7, v2;
	v3 =	vor.u32 v4, v3  }
0x1eb: {  	v3 =	vor.u32 v2, v3  }
0x1ec: {  	v4 =	vadd.s32 $0x140, v6  }
0x1ed: {  	s23 =	simm.s32 $0x20;
	v7 =	vshll.u32 v4, $0x5  }
0x1ee: {  	v2 =	vld [tilespmem:s23+$0x87D0];
	v7 =	vand.u32 $0xFFFFC000, v7;
	v5 =	vshll.u32 v5, $0x9  }
0x1ef: {  	v4 =	vand.u32 $0x1F8, v4;
	v5 =	vadd.s32 v5, v7;
	v7 =	vand.u32 $0x7, v6;
	v6 =	vld [tilespmem:s23+$0x8BD0]  }
0x1f0: {  	v3 =	vld.idx.msk [tilespmem:v3+s10+$0x0], $0xffff;
	v4 =	vor.u32 v4, v5  }
0x1f1: {  	v4 =	vor.u32 v7, v4;
	_ =	sdelay $0x1  }
0x1f2: {  	v5 =	vadd.s32 $0x140, v2  }
0x1f3: {  	s25 =	simm.s32 $0x30;
	s26 =	simm.s32 $0x100;
	v7 =	vshll.u32 v5, $0x5  }
.LBB2_24:
0x1f4: {  	p1 =	sne.s32 s26, $0xFC0;
	v8 =	vld [tilespmem:s25+$0x87D0];
	v7 =	vand.u32 $0xFFFFC000, v7;
	v6 =	vshll.u32 v6, $0x9;
	[tilespmem:s24+$0x8FD0] =	vst v3;
	s24 =	smov.u32 s22;
	s22 =	smov.u32 s23  }
0x1f5: {  	v5 =	vand.u32 $0x1F8, v5;
	s23 =	smov.u32 s25;
	v7 =	vadd.s32 v6, v7;
	v3 =	vld.idx.msk [tilespmem:v4+s10+$0x0], $0xffff  }
.Ltmp11:
0x1f6: {  	v2 =	vand.u32 $0x7, v2;
	v6 =	vld [tilespmem:s23+$0x8BD0];
	v4 =	vor.u32 v5, v7;
	(pc) =	sbr.rel @p1 .LBB2_24-.Ltmp11, $3  }
0x1f7: {  	v4 =	vor.u32 v2, v4;
	_ =	sdelay $0x1  }
0x1f8: {  	v5 =	vadd.s32 $0x140, v8;
	v2 =	vmov v8  }
0x1f9: {  	s25 =	sshra.s32 s26, $0x2;
	s26 =	sadd.s32 $0x40, s26;
	v7 =	vshll.u32 v5, $0x5  }
0x1fa: {  	_ = 	snop  }
0x1fb: {  	v8 =	vld [tilespmem:s25+$0x87D0]  }
0x1fc: {  	v7 =	vand.u32 $0xFFFFC000, v7;
	v6 =	vshll.u32 v6, $0x9;
	[tilespmem:s24+$0x8FD0] =	vst v3  }
0x1fd: {  	v3 =	vand.u32 $0x1F8, v5;
	v5 =	vadd.s32 v6, v7;
	v6 =	vld [tilespmem:s25+$0x8BD0]  }
0x1fe: {  	v2 =	vand.u32 $0x7, v2;
	v4 =	vld.idx.msk [tilespmem:v4+s10+$0x0], $0xffff;
	v3 =	vor.u32 v3, v5  }
0x1ff: {  	v2 =	vor.u32 v2, v3  }
0x200: {  	v3 =	vadd.s32 $0x140, v8  }
0x201: {  	v5 =	vshll.u32 v3, $0x5  }
0x202: {  	v6 =	vshll.u32 v6, $0x9;
	v5 =	vand.u32 $0xFFFFC000, v5  }
0x203: {  	[tilespmem:s22+$0x8FD0] =	vst v4;
	v3 =	vand.u32 $0x1F8, v3;
	v4 =	vadd.s32 v6, v5  }
0x204: {  	v2 =	vld.idx.msk [tilespmem:v2+s10+$0x0], $0xffff;
	v5 =	vand.u32 $0x7, v8;
	v3 =	vor.u32 v3, v4  }
0x205: {  	v3 =	vor.u32 v5, v3;
	_ =	sdelay $0x3  }
0x206: {  	[tilespmem:s23+$0x8FD0] =	vst v2  }
0x207: {  	v2 =	vld.idx.msk [tilespmem:v3+s10+$0x0], $0xffff;
	_ =	sdelay $0x4  }
0x208: {  	[tilespmem:s25+$0x8FD0] =	vst v2  }
0x209: {  	_ =	swait.ge [sflag:s18], $0x8000  }
0x20a: {  	[sflag:s18] =	ssyncset.done $0x0  }
0x20b: {  	s25 =	simm.s32 $0x0;
	s26 =	rddreg [dreg:$0xf];
	[sflag:s18] =	ssyncadd.s32 $0xFFFF8000  }
0x20c: {  	[hbm4b:s26+s25] =	stream.linear.scatter [tilespmem:s17], [sflag:$0x4], $0x8000, $0x38;
	[tilespmem:$0x197D0] =	vst v63  }
0x20d: {  	_ =	swait.ge [sflag:s19], $0x8000  }
0x20e: {  	[sflag:s19] =	ssyncset.done $0x0  }
0x20f: {  	s24 =	simm.s32 $0x0;
	[sflag:s19] =	ssyncadd.s32 $0xFFFF8000  }
0x210: {  	[tilespmem:s14], [sflag:$0x1] =	stream.indirect.gather [spmem:s1], $0x20, s13, s12, $0xb8;
	[tilespmem:$0x197D0] =	vst v63  }
0x211: {  	v2 =	vld [tilespmem:s24+$0x87D0];
	_ =	sdelay $0x1  }
0x212: {  	v3 =	vld [tilespmem:s24+$0x8BD0];
	_ =	sdelay $0x2  }
0x213: {  	s22 =	simm.s32 $0x10;
	v4 =	vadd.s32 $0x160, v2  }
0x214: {  	v6 =	vld [tilespmem:s22+$0x87D0];
	v5 =	vshll.u32 v4, $0x5  }
0x215: {  	v3 =	vshll.u32 v3, $0x9;
	v5 =	vand.u32 $0xFFFFC000, v5  }
0x216: {  	v4 =	vand.u32 $0x1F8, v4;
	v3 =	vadd.s32 v3, v5;
	v5 =	vld [tilespmem:s22+$0x8BD0]  }
0x217: {  	v2 =	vand.u32 $0x7, v2;
	v3 =	vor.u32 v4, v3  }
0x218: {  	v3 =	vor.u32 v2, v3  }
0x219: {  	v4 =	vadd.s32 $0x160, v6  }
0x21a: {  	s23 =	simm.s32 $0x20;
	v7 =	vshll.u32 v4, $0x5  }
0x21b: {  	v2 =	vld [tilespmem:s23+$0x87D0];
	v7 =	vand.u32 $0xFFFFC000, v7;
	v5 =	vshll.u32 v5, $0x9  }
0x21c: {  	v4 =	vand.u32 $0x1F8, v4;
	v5 =	vadd.s32 v5, v7;
	v7 =	vand.u32 $0x7, v6;
	v6 =	vld [tilespmem:s23+$0x8BD0]  }
0x21d: {  	v3 =	vld.idx.msk [tilespmem:v3+s10+$0x0], $0xffff;
	v4 =	vor.u32 v4, v5  }
0x21e: {  	v4 =	vor.u32 v7, v4;
	_ =	sdelay $0x1  }
0x21f: {  	v5 =	vadd.s32 $0x160, v2  }
0x220: {  	s25 =	simm.s32 $0x30;
	s26 =	simm.s32 $0x100;
	v7 =	vshll.u32 v5, $0x5  }
.LBB2_26:
0x221: {  	p1 =	sne.s32 s26, $0xFC0;
	v8 =	vld [tilespmem:s25+$0x87D0];
	v7 =	vand.u32 $0xFFFFC000, v7;
	v6 =	vshll.u32 v6, $0x9;
	[tilespmem:s24+$0x93D0] =	vst v3;
	s24 =	smov.u32 s22;
	s22 =	smov.u32 s23  }
0x222: {  	v5 =	vand.u32 $0x1F8, v5;
	s23 =	smov.u32 s25;
	v7 =	vadd.s32 v6, v7;
	v3 =	vld.idx.msk [tilespmem:v4+s10+$0x0], $0xffff  }
.Ltmp12:
0x223: {  	v2 =	vand.u32 $0x7, v2;
	v6 =	vld [tilespmem:s23+$0x8BD0];
	v4 =	vor.u32 v5, v7;
	(pc) =	sbr.rel @p1 .LBB2_26-.Ltmp12, $3  }
0x224: {  	v4 =	vor.u32 v2, v4;
	_ =	sdelay $0x1  }
0x225: {  	v5 =	vadd.s32 $0x160, v8;
	v2 =	vmov v8  }
0x226: {  	s25 =	sshra.s32 s26, $0x2;
	s26 =	sadd.s32 $0x40, s26;
	v7 =	vshll.u32 v5, $0x5  }
0x227: {  	_ = 	snop  }
0x228: {  	v8 =	vld [tilespmem:s25+$0x87D0]  }
0x229: {  	v7 =	vand.u32 $0xFFFFC000, v7;
	v6 =	vshll.u32 v6, $0x9;
	[tilespmem:s24+$0x93D0] =	vst v3  }
0x22a: {  	v3 =	vand.u32 $0x1F8, v5;
	v5 =	vadd.s32 v6, v7;
	v6 =	vld [tilespmem:s25+$0x8BD0]  }
0x22b: {  	v2 =	vand.u32 $0x7, v2;
	v4 =	vld.idx.msk [tilespmem:v4+s10+$0x0], $0xffff;
	v3 =	vor.u32 v3, v5  }
0x22c: {  	v2 =	vor.u32 v2, v3  }
0x22d: {  	v3 =	vadd.s32 $0x160, v8  }
0x22e: {  	v5 =	vshll.u32 v3, $0x5  }
0x22f: {  	v6 =	vshll.u32 v6, $0x9;
	v5 =	vand.u32 $0xFFFFC000, v5  }
0x230: {  	[tilespmem:s22+$0x93D0] =	vst v4;
	v3 =	vand.u32 $0x1F8, v3;
	v4 =	vadd.s32 v6, v5  }
0x231: {  	v2 =	vld.idx.msk [tilespmem:v2+s10+$0x0], $0xffff;
	v5 =	vand.u32 $0x7, v8;
	v3 =	vor.u32 v3, v4  }
0x232: {  	v3 =	vor.u32 v5, v3;
	_ =	sdelay $0x3  }
0x233: {  	[tilespmem:s23+$0x93D0] =	vst v2  }
0x234: {  	v2 =	vld.idx.msk [tilespmem:v3+s10+$0x0], $0xffff;
	_ =	sdelay $0x4  }
0x235: {  	[tilespmem:s25+$0x93D0] =	vst v2  }
0x236: {  	_ =	swait.ge [sflag:s15], $0x8000  }
0x237: {  	[sflag:s15] =	ssyncset.done $0x0  }
0x238: {  	s25 =	simm.s32 $0x0;
	s26 =	rddreg [dreg:$0x10];
	[sflag:s15] =	ssyncadd.s32 $0xFFFF8000  }
0x239: {  	[hbm4b:s26+s25] =	stream.linear.scatter [tilespmem:s14], [sflag:$0x3], $0x8000, $0x38;
	[tilespmem:$0x197D0] =	vst v63  }
0x23a: {  	_ =	swait.ge [sflag:s20], $0x8000  }
0x23b: {  	[sflag:s20] =	ssyncset.done $0x0  }
0x23c: {  	s24 =	simm.s32 $0x0;
	[sflag:s20] =	ssyncadd.s32 $0xFFFF8000  }
0x23d: {  	[tilespmem:s17], [sflag:$0x2] =	stream.indirect.gather [spmem:s1], $0x20, s16, s12, $0xb8;
	[tilespmem:$0x197D0] =	vst v63  }
0x23e: {  	v2 =	vld [tilespmem:s24+$0x87D0];
	_ =	sdelay $0x1  }
0x23f: {  	v3 =	vld [tilespmem:s24+$0x8BD0];
	_ =	sdelay $0x2  }
0x240: {  	s22 =	simm.s32 $0x10;
	v4 =	vadd.s32 $0x180, v2  }
0x241: {  	v6 =	vld [tilespmem:s22+$0x87D0];
	v5 =	vshll.u32 v4, $0x5  }
0x242: {  	v3 =	vshll.u32 v3, $0x9;
	v5 =	vand.u32 $0xFFFFC000, v5  }
0x243: {  	v4 =	vand.u32 $0x1F8, v4;
	v3 =	vadd.s32 v3, v5;
	v5 =	vld [tilespmem:s22+$0x8BD0]  }
0x244: {  	v2 =	vand.u32 $0x7, v2;
	v3 =	vor.u32 v4, v3  }
0x245: {  	v3 =	vor.u32 v2, v3  }
0x246: {  	v4 =	vadd.s32 $0x180, v6  }
0x247: {  	s23 =	simm.s32 $0x20;
	v7 =	vshll.u32 v4, $0x5  }
0x248: {  	v2 =	vld [tilespmem:s23+$0x87D0];
	v7 =	vand.u32 $0xFFFFC000, v7;
	v5 =	vshll.u32 v5, $0x9  }
0x249: {  	v4 =	vand.u32 $0x1F8, v4;
	v5 =	vadd.s32 v5, v7;
	v7 =	vand.u32 $0x7, v6;
	v6 =	vld [tilespmem:s23+$0x8BD0]  }
0x24a: {  	v3 =	vld.idx.msk [tilespmem:v3+s10+$0x0], $0xffff;
	v4 =	vor.u32 v4, v5  }
0x24b: {  	v4 =	vor.u32 v7, v4;
	_ =	sdelay $0x1  }
0x24c: {  	v5 =	vadd.s32 $0x180, v2  }
0x24d: {  	s25 =	simm.s32 $0x30;
	s26 =	simm.s32 $0x100;
	v7 =	vshll.u32 v5, $0x5  }
.LBB2_28:
0x24e: {  	p1 =	sne.s32 s26, $0xFC0;
	v8 =	vld [tilespmem:s25+$0x87D0];
	v7 =	vand.u32 $0xFFFFC000, v7;
	v6 =	vshll.u32 v6, $0x9;
	[tilespmem:s24+$0x8FD0] =	vst v3;
	s24 =	smov.u32 s22;
	s22 =	smov.u32 s23  }
0x24f: {  	v5 =	vand.u32 $0x1F8, v5;
	s23 =	smov.u32 s25;
	v7 =	vadd.s32 v6, v7;
	v3 =	vld.idx.msk [tilespmem:v4+s10+$0x0], $0xffff  }
.Ltmp13:
0x250: {  	v2 =	vand.u32 $0x7, v2;
	v6 =	vld [tilespmem:s23+$0x8BD0];
	v4 =	vor.u32 v5, v7;
	(pc) =	sbr.rel @p1 .LBB2_28-.Ltmp13, $3  }
0x251: {  	v4 =	vor.u32 v2, v4;
	_ =	sdelay $0x1  }
0x252: {  	v5 =	vadd.s32 $0x180, v8;
	v2 =	vmov v8  }
0x253: {  	s25 =	sshra.s32 s26, $0x2;
	s26 =	sadd.s32 $0x40, s26;
	v7 =	vshll.u32 v5, $0x5  }
0x254: {  	_ = 	snop  }
0x255: {  	v8 =	vld [tilespmem:s25+$0x87D0]  }
0x256: {  	v7 =	vand.u32 $0xFFFFC000, v7;
	v6 =	vshll.u32 v6, $0x9;
	[tilespmem:s24+$0x8FD0] =	vst v3  }
0x257: {  	v3 =	vand.u32 $0x1F8, v5;
	v5 =	vadd.s32 v6, v7;
	v6 =	vld [tilespmem:s25+$0x8BD0]  }
0x258: {  	v2 =	vand.u32 $0x7, v2;
	v4 =	vld.idx.msk [tilespmem:v4+s10+$0x0], $0xffff;
	v3 =	vor.u32 v3, v5  }
0x259: {  	v2 =	vor.u32 v2, v3  }
0x25a: {  	v3 =	vadd.s32 $0x180, v8  }
0x25b: {  	v5 =	vshll.u32 v3, $0x5  }
0x25c: {  	v6 =	vshll.u32 v6, $0x9;
	v5 =	vand.u32 $0xFFFFC000, v5  }
0x25d: {  	[tilespmem:s22+$0x8FD0] =	vst v4;
	v3 =	vand.u32 $0x1F8, v3;
	v4 =	vadd.s32 v6, v5  }
0x25e: {  	v2 =	vld.idx.msk [tilespmem:v2+s10+$0x0], $0xffff;
	v5 =	vand.u32 $0x7, v8;
	v3 =	vor.u32 v3, v4  }
0x25f: {  	v3 =	vor.u32 v5, v3;
	_ =	sdelay $0x3  }
0x260: {  	[tilespmem:s23+$0x8FD0] =	vst v2  }
0x261: {  	v2 =	vld.idx.msk [tilespmem:v3+s10+$0x0], $0xffff;
	_ =	sdelay $0x4  }
0x262: {  	[tilespmem:s25+$0x8FD0] =	vst v2  }
0x263: {  	_ =	swait.ge [sflag:s18], $0x8000  }
0x264: {  	[sflag:s18] =	ssyncset.done $0x0  }
0x265: {  	s25 =	simm.s32 $0x0;
	s26 =	rddreg [dreg:$0x11];
	[sflag:s18] =	ssyncadd.s32 $0xFFFF8000  }
0x266: {  	[hbm4b:s26+s25] =	stream.linear.scatter [tilespmem:s17], [sflag:$0x4], $0x8000, $0x38;
	[tilespmem:$0x197D0] =	vst v63  }
0x267: {  	_ =	swait.ge [sflag:s19], $0x8000  }
0x268: {  	[sflag:s19] =	ssyncset.done $0x0  }
0x269: {  	s24 =	simm.s32 $0x0;
	[sflag:s19] =	ssyncadd.s32 $0xFFFF8000  }
0x26a: {  	[tilespmem:s14], [sflag:$0x1] =	stream.indirect.gather [spmem:s1], $0x20, s13, s12, $0xb8;
	[tilespmem:$0x197D0] =	vst v63  }
0x26b: {  	v2 =	vld [tilespmem:s24+$0x87D0];
	_ =	sdelay $0x1  }
0x26c: {  	v3 =	vld [tilespmem:s24+$0x8BD0];
	_ =	sdelay $0x2  }
0x26d: {  	s22 =	simm.s32 $0x10;
	v4 =	vadd.s32 $0x1A0, v2  }
0x26e: {  	v6 =	vld [tilespmem:s22+$0x87D0];
	v5 =	vshll.u32 v4, $0x5  }
0x26f: {  	v3 =	vshll.u32 v3, $0x9;
	v5 =	vand.u32 $0xFFFFC000, v5  }
0x270: {  	v4 =	vand.u32 $0x1F8, v4;
	v3 =	vadd.s32 v3, v5;
	v5 =	vld [tilespmem:s22+$0x8BD0]  }
0x271: {  	v2 =	vand.u32 $0x7, v2;
	v3 =	vor.u32 v4, v3  }
0x272: {  	v3 =	vor.u32 v2, v3  }
0x273: {  	v4 =	vadd.s32 $0x1A0, v6  }
0x274: {  	s23 =	simm.s32 $0x20;
	v7 =	vshll.u32 v4, $0x5  }
0x275: {  	v2 =	vld [tilespmem:s23+$0x87D0];
	v7 =	vand.u32 $0xFFFFC000, v7;
	v5 =	vshll.u32 v5, $0x9  }
0x276: {  	v4 =	vand.u32 $0x1F8, v4;
	v5 =	vadd.s32 v5, v7;
	v7 =	vand.u32 $0x7, v6;
	v6 =	vld [tilespmem:s23+$0x8BD0]  }
0x277: {  	v3 =	vld.idx.msk [tilespmem:v3+s10+$0x0], $0xffff;
	v4 =	vor.u32 v4, v5  }
0x278: {  	v4 =	vor.u32 v7, v4;
	_ =	sdelay $0x1  }
0x279: {  	v5 =	vadd.s32 $0x1A0, v2  }
0x27a: {  	s25 =	simm.s32 $0x30;
	s26 =	simm.s32 $0x100;
	v7 =	vshll.u32 v5, $0x5  }
.LBB2_30:
0x27b: {  	p1 =	sne.s32 s26, $0xFC0;
	v8 =	vld [tilespmem:s25+$0x87D0];
	v7 =	vand.u32 $0xFFFFC000, v7;
	v6 =	vshll.u32 v6, $0x9;
	[tilespmem:s24+$0x93D0] =	vst v3;
	s24 =	smov.u32 s22;
	s22 =	smov.u32 s23  }
0x27c: {  	v5 =	vand.u32 $0x1F8, v5;
	s23 =	smov.u32 s25;
	v7 =	vadd.s32 v6, v7;
	v3 =	vld.idx.msk [tilespmem:v4+s10+$0x0], $0xffff  }
.Ltmp14:
0x27d: {  	v2 =	vand.u32 $0x7, v2;
	v6 =	vld [tilespmem:s23+$0x8BD0];
	v4 =	vor.u32 v5, v7;
	(pc) =	sbr.rel @p1 .LBB2_30-.Ltmp14, $3  }
0x27e: {  	v4 =	vor.u32 v2, v4;
	_ =	sdelay $0x1  }
0x27f: {  	v5 =	vadd.s32 $0x1A0, v8;
	v2 =	vmov v8  }
0x280: {  	s25 =	sshra.s32 s26, $0x2;
	s26 =	sadd.s32 $0x40, s26;
	v7 =	vshll.u32 v5, $0x5  }
0x281: {  	_ = 	snop  }
0x282: {  	v8 =	vld [tilespmem:s25+$0x87D0]  }
0x283: {  	v7 =	vand.u32 $0xFFFFC000, v7;
	v6 =	vshll.u32 v6, $0x9;
	[tilespmem:s24+$0x93D0] =	vst v3  }
0x284: {  	v3 =	vand.u32 $0x1F8, v5;
	v5 =	vadd.s32 v6, v7;
	v6 =	vld [tilespmem:s25+$0x8BD0]  }
0x285: {  	v2 =	vand.u32 $0x7, v2;
	v4 =	vld.idx.msk [tilespmem:v4+s10+$0x0], $0xffff;
	v3 =	vor.u32 v3, v5  }
0x286: {  	v2 =	vor.u32 v2, v3  }
0x287: {  	v3 =	vadd.s32 $0x1A0, v8  }
0x288: {  	v5 =	vshll.u32 v3, $0x5  }
0x289: {  	v6 =	vshll.u32 v6, $0x9;
	v5 =	vand.u32 $0xFFFFC000, v5  }
0x28a: {  	[tilespmem:s22+$0x93D0] =	vst v4;
	v3 =	vand.u32 $0x1F8, v3;
	v4 =	vadd.s32 v6, v5  }
0x28b: {  	v2 =	vld.idx.msk [tilespmem:v2+s10+$0x0], $0xffff;
	v5 =	vand.u32 $0x7, v8;
	v3 =	vor.u32 v3, v4  }
0x28c: {  	v3 =	vor.u32 v5, v3;
	_ =	sdelay $0x3  }
0x28d: {  	[tilespmem:s23+$0x93D0] =	vst v2  }
0x28e: {  	v2 =	vld.idx.msk [tilespmem:v3+s10+$0x0], $0xffff;
	_ =	sdelay $0x4  }
0x28f: {  	[tilespmem:s25+$0x93D0] =	vst v2  }
0x290: {  	_ =	swait.ge [sflag:s15], $0x8000  }
0x291: {  	[sflag:s15] =	ssyncset.done $0x0  }
0x292: {  	s25 =	simm.s32 $0x0;
	s26 =	rddreg [dreg:$0x12];
	[sflag:s15] =	ssyncadd.s32 $0xFFFF8000  }
0x293: {  	[hbm4b:s26+s25] =	stream.linear.scatter [tilespmem:s14], [sflag:$0x3], $0x8000, $0x38;
	[tilespmem:$0x197D0] =	vst v63  }
0x294: {  	_ =	swait.ge [sflag:s20], $0x8000  }
0x295: {  	[sflag:s20] =	ssyncset.done $0x0  }
0x296: {  	s24 =	simm.s32 $0x0;
	[sflag:s20] =	ssyncadd.s32 $0xFFFF8000  }
0x297: {  	[tilespmem:s17], [sflag:$0x2] =	stream.indirect.gather [spmem:s1], $0x20, s16, s12, $0xb8;
	[tilespmem:$0x197D0] =	vst v63  }
0x298: {  	v2 =	vld [tilespmem:s24+$0x87D0];
	_ =	sdelay $0x1  }
0x299: {  	v3 =	vld [tilespmem:s24+$0x8BD0];
	_ =	sdelay $0x2  }
0x29a: {  	s22 =	simm.s32 $0x10;
	v4 =	vadd.s32 $0x1C0, v2  }
0x29b: {  	v6 =	vld [tilespmem:s22+$0x87D0];
	v5 =	vshll.u32 v4, $0x5  }
0x29c: {  	v3 =	vshll.u32 v3, $0x9;
	v5 =	vand.u32 $0xFFFFC000, v5  }
0x29d: {  	v4 =	vand.u32 $0x1F8, v4;
	v3 =	vadd.s32 v3, v5;
	v5 =	vld [tilespmem:s22+$0x8BD0]  }
0x29e: {  	v2 =	vand.u32 $0x7, v2;
	v3 =	vor.u32 v4, v3  }
0x29f: {  	v3 =	vor.u32 v2, v3  }
0x2a0: {  	v4 =	vadd.s32 $0x1C0, v6  }
0x2a1: {  	s23 =	simm.s32 $0x20;
	v7 =	vshll.u32 v4, $0x5  }
0x2a2: {  	v2 =	vld [tilespmem:s23+$0x87D0];
	v7 =	vand.u32 $0xFFFFC000, v7;
	v5 =	vshll.u32 v5, $0x9  }
0x2a3: {  	v4 =	vand.u32 $0x1F8, v4;
	v5 =	vadd.s32 v5, v7;
	v7 =	vand.u32 $0x7, v6;
	v6 =	vld [tilespmem:s23+$0x8BD0]  }
0x2a4: {  	v3 =	vld.idx.msk [tilespmem:v3+s10+$0x0], $0xffff;
	v4 =	vor.u32 v4, v5  }
0x2a5: {  	v4 =	vor.u32 v7, v4;
	_ =	sdelay $0x1  }
0x2a6: {  	v5 =	vadd.s32 $0x1C0, v2  }
0x2a7: {  	s25 =	simm.s32 $0x30;
	s26 =	simm.s32 $0x100;
	v7 =	vshll.u32 v5, $0x5  }
.LBB2_32:
0x2a8: {  	p1 =	sne.s32 s26, $0xFC0;
	v8 =	vld [tilespmem:s25+$0x87D0];
	v7 =	vand.u32 $0xFFFFC000, v7;
	v6 =	vshll.u32 v6, $0x9;
	[tilespmem:s24+$0x8FD0] =	vst v3;
	s24 =	smov.u32 s22;
	s22 =	smov.u32 s23  }
0x2a9: {  	v5 =	vand.u32 $0x1F8, v5;
	s23 =	smov.u32 s25;
	v7 =	vadd.s32 v6, v7;
	v3 =	vld.idx.msk [tilespmem:v4+s10+$0x0], $0xffff  }
.Ltmp15:
0x2aa: {  	v2 =	vand.u32 $0x7, v2;
	v6 =	vld [tilespmem:s23+$0x8BD0];
	v4 =	vor.u32 v5, v7;
	(pc) =	sbr.rel @p1 .LBB2_32-.Ltmp15, $3  }
0x2ab: {  	v4 =	vor.u32 v2, v4;
	_ =	sdelay $0x1  }
0x2ac: {  	v5 =	vadd.s32 $0x1C0, v8;
	v2 =	vmov v8  }
0x2ad: {  	s25 =	sshra.s32 s26, $0x2;
	s26 =	sadd.s32 $0x40, s26;
	v7 =	vshll.u32 v5, $0x5  }
0x2ae: {  	_ = 	snop  }
0x2af: {  	v8 =	vld [tilespmem:s25+$0x87D0]  }
0x2b0: {  	v7 =	vand.u32 $0xFFFFC000, v7;
	v6 =	vshll.u32 v6, $0x9;
	[tilespmem:s24+$0x8FD0] =	vst v3  }
0x2b1: {  	v3 =	vand.u32 $0x1F8, v5;
	v5 =	vadd.s32 v6, v7;
	v6 =	vld [tilespmem:s25+$0x8BD0]  }
0x2b2: {  	v2 =	vand.u32 $0x7, v2;
	v4 =	vld.idx.msk [tilespmem:v4+s10+$0x0], $0xffff;
	v3 =	vor.u32 v3, v5  }
0x2b3: {  	v2 =	vor.u32 v2, v3  }
0x2b4: {  	v3 =	vadd.s32 $0x1C0, v8  }
0x2b5: {  	v5 =	vshll.u32 v3, $0x5  }
0x2b6: {  	v6 =	vshll.u32 v6, $0x9;
	v5 =	vand.u32 $0xFFFFC000, v5  }
0x2b7: {  	[tilespmem:s22+$0x8FD0] =	vst v4;
	v3 =	vand.u32 $0x1F8, v3;
	v4 =	vadd.s32 v6, v5  }
0x2b8: {  	v2 =	vld.idx.msk [tilespmem:v2+s10+$0x0], $0xffff;
	v5 =	vand.u32 $0x7, v8;
	v3 =	vor.u32 v3, v4  }
0x2b9: {  	v3 =	vor.u32 v5, v3;
	_ =	sdelay $0x3  }
0x2ba: {  	[tilespmem:s23+$0x8FD0] =	vst v2  }
0x2bb: {  	v2 =	vld.idx.msk [tilespmem:v3+s10+$0x0], $0xffff;
	_ =	sdelay $0x4  }
0x2bc: {  	[tilespmem:s25+$0x8FD0] =	vst v2  }
0x2bd: {  	_ =	swait.ge [sflag:s18], $0x8000  }
0x2be: {  	[sflag:s18] =	ssyncset.done $0x0  }
0x2bf: {  	s25 =	simm.s32 $0x0;
	s26 =	rddreg [dreg:$0x13];
	[sflag:s18] =	ssyncadd.s32 $0xFFFF8000  }
0x2c0: {  	[hbm4b:s26+s25] =	stream.linear.scatter [tilespmem:s17], [sflag:$0x4], $0x8000, $0x38;
	[tilespmem:$0x197D0] =	vst v63  }
0x2c1: {  	_ =	swait.ge [sflag:s19], $0x8000  }
0x2c2: {  	[sflag:s19] =	ssyncset.done $0x0  }
0x2c3: {  	s24 =	simm.s32 $0x0;
	[sflag:s19] =	ssyncadd.s32 $0xFFFF8000  }
0x2c4: {  	[tilespmem:s14], [sflag:$0x1] =	stream.indirect.gather [spmem:s1], $0x20, s13, s12, $0xb8;
	[tilespmem:$0x197D0] =	vst v63  }
0x2c5: {  	v2 =	vld [tilespmem:s24+$0x87D0];
	_ =	sdelay $0x1  }
0x2c6: {  	v3 =	vld [tilespmem:s24+$0x8BD0];
	_ =	sdelay $0x2  }
0x2c7: {  	s22 =	simm.s32 $0x10;
	v4 =	vadd.s32 $0x1E0, v2  }
0x2c8: {  	v6 =	vld [tilespmem:s22+$0x87D0];
	v5 =	vshll.u32 v4, $0x5  }
0x2c9: {  	v3 =	vshll.u32 v3, $0x9;
	v5 =	vand.u32 $0xFFFFC000, v5  }
0x2ca: {  	v4 =	vand.u32 $0x1F8, v4;
	v3 =	vadd.s32 v3, v5;
	v5 =	vld [tilespmem:s22+$0x8BD0]  }
0x2cb: {  	v2 =	vand.u32 $0x7, v2;
	v3 =	vor.u32 v4, v3  }
0x2cc: {  	v3 =	vor.u32 v2, v3  }
0x2cd: {  	v4 =	vadd.s32 $0x1E0, v6  }
0x2ce: {  	s23 =	simm.s32 $0x20;
	v7 =	vshll.u32 v4, $0x5  }
0x2cf: {  	v2 =	vld [tilespmem:s23+$0x87D0];
	v7 =	vand.u32 $0xFFFFC000, v7;
	v5 =	vshll.u32 v5, $0x9  }
0x2d0: {  	v4 =	vand.u32 $0x1F8, v4;
	v5 =	vadd.s32 v5, v7;
	v7 =	vand.u32 $0x7, v6;
	v6 =	vld [tilespmem:s23+$0x8BD0]  }
0x2d1: {  	v3 =	vld.idx.msk [tilespmem:v3+s10+$0x0], $0xffff;
	v4 =	vor.u32 v4, v5  }
0x2d2: {  	v4 =	vor.u32 v7, v4;
	_ =	sdelay $0x1  }
0x2d3: {  	v5 =	vadd.s32 $0x1E0, v2  }
0x2d4: {  	s25 =	simm.s32 $0x30;
	s26 =	simm.s32 $0x100;
	v7 =	vshll.u32 v5, $0x5  }
.LBB2_34:
0x2d5: {  	p1 =	sne.s32 s26, $0xFC0;
	v8 =	vld [tilespmem:s25+$0x87D0];
	v7 =	vand.u32 $0xFFFFC000, v7;
	v6 =	vshll.u32 v6, $0x9;
	[tilespmem:s24+$0x93D0] =	vst v3;
	s24 =	smov.u32 s22;
	s22 =	smov.u32 s23  }
0x2d6: {  	v5 =	vand.u32 $0x1F8, v5;
	s23 =	smov.u32 s25;
	v7 =	vadd.s32 v6, v7;
	v3 =	vld.idx.msk [tilespmem:v4+s10+$0x0], $0xffff  }
.Ltmp16:
0x2d7: {  	v2 =	vand.u32 $0x7, v2;
	v6 =	vld [tilespmem:s23+$0x8BD0];
	v4 =	vor.u32 v5, v7;
	(pc) =	sbr.rel @p1 .LBB2_34-.Ltmp16, $3  }
0x2d8: {  	v4 =	vor.u32 v2, v4;
	_ =	sdelay $0x1  }
0x2d9: {  	v5 =	vadd.s32 $0x1E0, v8;
	v2 =	vmov v8  }
0x2da: {  	s25 =	sshra.s32 s26, $0x2;
	s26 =	sadd.s32 $0x40, s26;
	v7 =	vshll.u32 v5, $0x5  }
0x2db: {  	_ = 	snop  }
0x2dc: {  	v8 =	vld [tilespmem:s25+$0x87D0]  }
0x2dd: {  	v7 =	vand.u32 $0xFFFFC000, v7;
	v6 =	vshll.u32 v6, $0x9;
	[tilespmem:s24+$0x93D0] =	vst v3  }
0x2de: {  	v3 =	vand.u32 $0x1F8, v5;
	v5 =	vadd.s32 v6, v7;
	v6 =	vld [tilespmem:s25+$0x8BD0]  }
0x2df: {  	v2 =	vand.u32 $0x7, v2;
	v4 =	vld.idx.msk [tilespmem:v4+s10+$0x0], $0xffff;
	v3 =	vor.u32 v3, v5  }
0x2e0: {  	v2 =	vor.u32 v2, v3  }
0x2e1: {  	v3 =	vadd.s32 $0x1E0, v8  }
0x2e2: {  	v5 =	vshll.u32 v3, $0x5  }
0x2e3: {  	v6 =	vshll.u32 v6, $0x9;
	v5 =	vand.u32 $0xFFFFC000, v5  }
0x2e4: {  	[tilespmem:s22+$0x93D0] =	vst v4;
	v3 =	vand.u32 $0x1F8, v3;
	v4 =	vadd.s32 v6, v5  }
0x2e5: {  	v2 =	vld.idx.msk [tilespmem:v2+s10+$0x0], $0xffff;
	v5 =	vand.u32 $0x7, v8;
	v3 =	vor.u32 v3, v4  }
0x2e6: {  	v3 =	vor.u32 v5, v3;
	_ =	sdelay $0x3  }
0x2e7: {  	[tilespmem:s23+$0x93D0] =	vst v2  }
0x2e8: {  	v2 =	vld.idx.msk [tilespmem:v3+s10+$0x0], $0xffff;
	_ =	sdelay $0x4  }
0x2e9: {  	[tilespmem:s25+$0x93D0] =	vst v2  }
0x2ea: {  	_ =	swait.ge [sflag:s15], $0x8000  }
0x2eb: {  	[sflag:s15] =	ssyncset.done $0x0  }
0x2ec: {  	s25 =	simm.s32 $0x0;
	s26 =	rddreg [dreg:$0x14];
	[sflag:s15] =	ssyncadd.s32 $0xFFFF8000  }
0x2ed: {  	[hbm4b:s26+s25] =	stream.linear.scatter [tilespmem:s14], [sflag:$0x3], $0x8000, $0x38;
	[tilespmem:$0x197D0] =	vst v63  }
0x2ee: {  	_ =	swait.ge [sflag:s20], $0x8000  }
0x2ef: {  	[sflag:s20] =	ssyncset.done $0x0  }
0x2f0: {  	s23 =	simm.s32 $0x0;
	[sflag:s20] =	ssyncadd.s32 $0xFFFF8000  }
0x2f1: {  	[tilespmem:s17], [sflag:$0x2] =	stream.indirect.gather [spmem:s1], $0x20, s16, s12, $0xb8;
	[tilespmem:$0x197D0] =	vst v63  }
0x2f2: {  	v2 =	vld [tilespmem:s23+$0x87D0];
	_ =	sdelay $0x1  }
0x2f3: {  	v3 =	vld [tilespmem:s23+$0x8BD0];
	_ =	sdelay $0x2  }
0x2f4: {  	v4 =	vshll.u32 v2, $0x5  }
0x2f5: {  	s22 =	simm.s32 $0x10;
	v2 =	vand.u32 $0x1FF, v2;
	v4 =	vand.u32 $0xFFFFC000, v4  }
0x2f6: {  	v6 =	vld [tilespmem:s22+$0x87D0];
	v3 =	vshll.u32 v3, $0x9;
	v2 =	vor.u32 v2, v4  }
0x2f7: {  	v2 =	vadd.s32 v3, v2  }
0x2f8: {  	v3 =	vld [tilespmem:s22+$0x8BD0];
	v4 =	vadd.s32 $0x4000, v2;
	_ =	sdelay $0x2  }
0x2f9: {  	s24 =	simm.s32 $0x20;
	v5 =	vshll.u32 v6, $0x5  }
0x2fa: {  	s25 =	simm.s32 $0xC0;
	v6 =	vand.u32 $0x1FF, v6;
	v5 =	vand.u32 $0xFFFFC000, v5;
	v2 =	vld [tilespmem:s24+$0x87D0]  }
.LBB2_36:
0x2fb: {  	p1 =	sne.s32 s25, $0xFC0;
	v3 =	vshll.u32 v3, $0x9;
	v5 =	vor.u32 v6, v5;
	v7 =	vld.idx.msk [tilespmem:v4+s10+$0x0], $0xffff;
	s26 =	smov.u32 s24  }
0x2fc: {  	v4 =	vadd.s32 v3, v5  }
.Ltmp17:
0x2fd: {  	v3 =	vld [tilespmem:s26+$0x8BD0];
	v4 =	vadd.s32 $0x4000, v4;
	(pc) =	sbr.rel @p1 .LBB2_36-.Ltmp17, $3  }
0x2fe: {  	_ =	sdelay $0x1  }
0x2ff: {  	s24 =	sshra.s32 s25, $0x2;
	v5 =	vshll.u32 v2, $0x5  }
0x300: {  	s25 =	sadd.s32 $0x40, s25;
	v6 =	vand.u32 $0x1FF, v2;
	v5 =	vand.u32 $0xFFFFC000, v5;
	v2 =	vld [tilespmem:s24+$0x87D0];
	[tilespmem:s23+$0x8FD0] =	vst v7;
	s23 =	smov.u32 s22;
	s22 =	smov.u32 s26  }
0x301: {  	_ =	sdelay $0x3  }
0x302: {  	v3 =	vshll.u32 v3, $0x9;
	v5 =	vor.u32 v6, v5;
	v4 =	vld.idx.msk [tilespmem:v4+s10+$0x0], $0xffff  }
0x303: {  	v3 =	vadd.s32 v3, v5;
	v5 =	vld [tilespmem:s24+$0x8BD0]  }
0x304: {  	v3 =	vadd.s32 $0x4000, v3;
	_ =	sdelay $0x1  }
0x305: {  	v6 =	vshll.u32 v2, $0x5  }
0x306: {  	v2 =	vand.u32 $0x1FF, v2;
	v6 =	vand.u32 $0xFFFFC000, v6  }
0x307: {  	[tilespmem:s23+$0x8FD0] =	vst v4;
	v4 =	vshll.u32 v5, $0x9;
	v2 =	vor.u32 v2, v6  }
0x308: {  	v3 =	vld.idx.msk [tilespmem:v3+s10+$0x0], $0xffff;
	v2 =	vadd.s32 v4, v2  }
0x309: {  	v2 =	vadd.s32 $0x4000, v2;
	_ =	sdelay $0x3  }
0x30a: {  	[tilespmem:s22+$0x8FD0] =	vst v3  }
0x30b: {  	v2 =	vld.idx.msk [tilespmem:v2+s10+$0x0], $0xffff;
	_ =	sdelay $0x4  }
0x30c: {  	[tilespmem:s24+$0x8FD0] =	vst v2  }
0x30d: {  	_ =	swait.ge [sflag:s18], $0x8000  }
0x30e: {  	[sflag:s18] =	ssyncset.done $0x0  }
0x30f: {  	s25 =	simm.s32 $0x0;
	s26 =	rddreg [dreg:$0x15];
	[sflag:s18] =	ssyncadd.s32 $0xFFFF8000  }
0x310: {  	[hbm4b:s26+s25] =	stream.linear.scatter [tilespmem:s17], [sflag:$0x4], $0x8000, $0x38;
	[tilespmem:$0x197D0] =	vst v63  }
0x311: {  	_ =	swait.ge [sflag:s19], $0x8000  }
0x312: {  	[sflag:s19] =	ssyncset.done $0x0  }
0x313: {  	s24 =	simm.s32 $0x0;
	[sflag:s19] =	ssyncadd.s32 $0xFFFF8000  }
0x314: {  	[tilespmem:s14], [sflag:$0x1] =	stream.indirect.gather [spmem:s1], $0x20, s13, s12, $0xb8;
	[tilespmem:$0x197D0] =	vst v63  }
0x315: {  	v2 =	vld [tilespmem:s24+$0x87D0];
	_ =	sdelay $0x1  }
0x316: {  	v3 =	vld [tilespmem:s24+$0x8BD0];
	_ =	sdelay $0x2  }
0x317: {  	s22 =	simm.s32 $0x10;
	v4 =	vadd.s32 $0x220, v2  }
0x318: {  	v6 =	vld [tilespmem:s22+$0x87D0];
	v5 =	vshll.u32 v4, $0x5  }
0x319: {  	v3 =	vshll.u32 v3, $0x9;
	v5 =	vand.u32 $0xFFFFC000, v5  }
0x31a: {  	v4 =	vand.u32 $0x1F8, v4;
	v3 =	vadd.s32 v3, v5;
	v5 =	vld [tilespmem:s22+$0x8BD0]  }
0x31b: {  	v2 =	vand.u32 $0x7, v2;
	v3 =	vor.u32 v4, v3  }
0x31c: {  	v3 =	vor.u32 v2, v3  }
0x31d: {  	v4 =	vadd.s32 $0x220, v6  }
0x31e: {  	s23 =	simm.s32 $0x20;
	v7 =	vshll.u32 v4, $0x5  }
0x31f: {  	v2 =	vld [tilespmem:s23+$0x87D0];
	v7 =	vand.u32 $0xFFFFC000, v7;
	v5 =	vshll.u32 v5, $0x9  }
0x320: {  	v4 =	vand.u32 $0x1F8, v4;
	v5 =	vadd.s32 v5, v7;
	v7 =	vand.u32 $0x7, v6;
	v6 =	vld [tilespmem:s23+$0x8BD0]  }
0x321: {  	v3 =	vld.idx.msk [tilespmem:v3+s10+$0x0], $0xffff;
	v4 =	vor.u32 v4, v5  }
0x322: {  	v4 =	vor.u32 v7, v4;
	_ =	sdelay $0x1  }
0x323: {  	v5 =	vadd.s32 $0x220, v2  }
0x324: {  	s25 =	simm.s32 $0x30;
	s26 =	simm.s32 $0x100;
	v7 =	vshll.u32 v5, $0x5  }
.LBB2_38:
0x325: {  	p1 =	sne.s32 s26, $0xFC0;
	v8 =	vld [tilespmem:s25+$0x87D0];
	v7 =	vand.u32 $0xFFFFC000, v7;
	v6 =	vshll.u32 v6, $0x9;
	[tilespmem:s24+$0x93D0] =	vst v3;
	s24 =	smov.u32 s22;
	s22 =	smov.u32 s23  }
0x326: {  	v5 =	vand.u32 $0x1F8, v5;
	s23 =	smov.u32 s25;
	v7 =	vadd.s32 v6, v7;
	v3 =	vld.idx.msk [tilespmem:v4+s10+$0x0], $0xffff  }
.Ltmp18:
0x327: {  	v2 =	vand.u32 $0x7, v2;
	v6 =	vld [tilespmem:s23+$0x8BD0];
	v4 =	vor.u32 v5, v7;
	(pc) =	sbr.rel @p1 .LBB2_38-.Ltmp18, $3  }
0x328: {  	v4 =	vor.u32 v2, v4;
	_ =	sdelay $0x1  }
0x329: {  	v5 =	vadd.s32 $0x220, v8;
	v2 =	vmov v8  }
0x32a: {  	s25 =	sshra.s32 s26, $0x2;
	s26 =	sadd.s32 $0x40, s26;
	v7 =	vshll.u32 v5, $0x5  }
0x32b: {  	_ = 	snop  }
0x32c: {  	v8 =	vld [tilespmem:s25+$0x87D0]  }
0x32d: {  	v7 =	vand.u32 $0xFFFFC000, v7;
	v6 =	vshll.u32 v6, $0x9;
	[tilespmem:s24+$0x93D0] =	vst v3  }
0x32e: {  	v3 =	vand.u32 $0x1F8, v5;
	v5 =	vadd.s32 v6, v7;
	v6 =	vld [tilespmem:s25+$0x8BD0]  }
0x32f: {  	v2 =	vand.u32 $0x7, v2;
	v4 =	vld.idx.msk [tilespmem:v4+s10+$0x0], $0xffff;
	v3 =	vor.u32 v3, v5  }
0x330: {  	v2 =	vor.u32 v2, v3  }
0x331: {  	v3 =	vadd.s32 $0x220, v8  }
0x332: {  	v5 =	vshll.u32 v3, $0x5  }
0x333: {  	v6 =	vshll.u32 v6, $0x9;
	v5 =	vand.u32 $0xFFFFC000, v5  }
0x334: {  	[tilespmem:s22+$0x93D0] =	vst v4;
	v3 =	vand.u32 $0x1F8, v3;
	v4 =	vadd.s32 v6, v5  }
0x335: {  	v2 =	vld.idx.msk [tilespmem:v2+s10+$0x0], $0xffff;
	v5 =	vand.u32 $0x7, v8;
	v3 =	vor.u32 v3, v4  }
0x336: {  	v3 =	vor.u32 v5, v3;
	_ =	sdelay $0x3  }
0x337: {  	[tilespmem:s23+$0x93D0] =	vst v2  }
0x338: {  	v2 =	vld.idx.msk [tilespmem:v3+s10+$0x0], $0xffff;
	_ =	sdelay $0x4  }
0x339: {  	[tilespmem:s25+$0x93D0] =	vst v2  }
0x33a: {  	_ =	swait.ge [sflag:s15], $0x8000  }
0x33b: {  	[sflag:s15] =	ssyncset.done $0x0  }
0x33c: {  	s25 =	simm.s32 $0x0;
	s26 =	rddreg [dreg:$0x16];
	[sflag:s15] =	ssyncadd.s32 $0xFFFF8000  }
0x33d: {  	[hbm4b:s26+s25] =	stream.linear.scatter [tilespmem:s14], [sflag:$0x3], $0x8000, $0x38;
	[tilespmem:$0x197D0] =	vst v63  }
0x33e: {  	_ =	swait.ge [sflag:s20], $0x8000  }
0x33f: {  	[sflag:s20] =	ssyncset.done $0x0  }
0x340: {  	s24 =	simm.s32 $0x0;
	[sflag:s20] =	ssyncadd.s32 $0xFFFF8000  }
0x341: {  	[tilespmem:s17], [sflag:$0x2] =	stream.indirect.gather [spmem:s1], $0x20, s16, s12, $0xb8;
	[tilespmem:$0x197D0] =	vst v63  }
0x342: {  	v2 =	vld [tilespmem:s24+$0x87D0];
	_ =	sdelay $0x1  }
0x343: {  	v3 =	vld [tilespmem:s24+$0x8BD0];
	_ =	sdelay $0x2  }
0x344: {  	s22 =	simm.s32 $0x10;
	v4 =	vadd.s32 $0x240, v2  }
0x345: {  	v6 =	vld [tilespmem:s22+$0x87D0];
	v5 =	vshll.u32 v4, $0x5  }
0x346: {  	v3 =	vshll.u32 v3, $0x9;
	v5 =	vand.u32 $0xFFFFC000, v5  }
0x347: {  	v4 =	vand.u32 $0x1F8, v4;
	v3 =	vadd.s32 v3, v5;
	v5 =	vld [tilespmem:s22+$0x8BD0]  }
0x348: {  	v2 =	vand.u32 $0x7, v2;
	v3 =	vor.u32 v4, v3  }
0x349: {  	v3 =	vor.u32 v2, v3  }
0x34a: {  	v4 =	vadd.s32 $0x240, v6  }
0x34b: {  	s23 =	simm.s32 $0x20;
	v7 =	vshll.u32 v4, $0x5  }
0x34c: {  	v2 =	vld [tilespmem:s23+$0x87D0];
	v7 =	vand.u32 $0xFFFFC000, v7;
	v5 =	vshll.u32 v5, $0x9  }
0x34d: {  	v4 =	vand.u32 $0x1F8, v4;
	v5 =	vadd.s32 v5, v7;
	v7 =	vand.u32 $0x7, v6;
	v6 =	vld [tilespmem:s23+$0x8BD0]  }
0x34e: {  	v3 =	vld.idx.msk [tilespmem:v3+s10+$0x0], $0xffff;
	v4 =	vor.u32 v4, v5  }
0x34f: {  	v4 =	vor.u32 v7, v4;
	_ =	sdelay $0x1  }
0x350: {  	v5 =	vadd.s32 $0x240, v2  }
0x351: {  	s25 =	simm.s32 $0x30;
	s26 =	simm.s32 $0x100;
	v7 =	vshll.u32 v5, $0x5  }
.LBB2_40:
0x352: {  	p1 =	sne.s32 s26, $0xFC0;
	v8 =	vld [tilespmem:s25+$0x87D0];
	v7 =	vand.u32 $0xFFFFC000, v7;
	v6 =	vshll.u32 v6, $0x9;
	[tilespmem:s24+$0x8FD0] =	vst v3;
	s24 =	smov.u32 s22;
	s22 =	smov.u32 s23  }
0x353: {  	v5 =	vand.u32 $0x1F8, v5;
	s23 =	smov.u32 s25;
	v7 =	vadd.s32 v6, v7;
	v3 =	vld.idx.msk [tilespmem:v4+s10+$0x0], $0xffff  }
.Ltmp19:
0x354: {  	v2 =	vand.u32 $0x7, v2;
	v6 =	vld [tilespmem:s23+$0x8BD0];
	v4 =	vor.u32 v5, v7;
	(pc) =	sbr.rel @p1 .LBB2_40-.Ltmp19, $3  }
0x355: {  	v4 =	vor.u32 v2, v4;
	_ =	sdelay $0x1  }
0x356: {  	v5 =	vadd.s32 $0x240, v8;
	v2 =	vmov v8  }
0x357: {  	s25 =	sshra.s32 s26, $0x2;
	s26 =	sadd.s32 $0x40, s26;
	v7 =	vshll.u32 v5, $0x5  }
0x358: {  	_ = 	snop  }
0x359: {  	v8 =	vld [tilespmem:s25+$0x87D0]  }
0x35a: {  	v7 =	vand.u32 $0xFFFFC000, v7;
	v6 =	vshll.u32 v6, $0x9;
	[tilespmem:s24+$0x8FD0] =	vst v3  }
0x35b: {  	v3 =	vand.u32 $0x1F8, v5;
	v5 =	vadd.s32 v6, v7;
	v6 =	vld [tilespmem:s25+$0x8BD0]  }
0x35c: {  	v2 =	vand.u32 $0x7, v2;
	v4 =	vld.idx.msk [tilespmem:v4+s10+$0x0], $0xffff;
	v3 =	vor.u32 v3, v5  }
0x35d: {  	v2 =	vor.u32 v2, v3  }
0x35e: {  	v3 =	vadd.s32 $0x240, v8  }
0x35f: {  	v5 =	vshll.u32 v3, $0x5  }
0x360: {  	v6 =	vshll.u32 v6, $0x9;
	v5 =	vand.u32 $0xFFFFC000, v5  }
0x361: {  	[tilespmem:s22+$0x8FD0] =	vst v4;
	v3 =	vand.u32 $0x1F8, v3;
	v4 =	vadd.s32 v6, v5  }
0x362: {  	v2 =	vld.idx.msk [tilespmem:v2+s10+$0x0], $0xffff;
	v5 =	vand.u32 $0x7, v8;
	v3 =	vor.u32 v3, v4  }
0x363: {  	v3 =	vor.u32 v5, v3;
	_ =	sdelay $0x3  }
0x364: {  	[tilespmem:s23+$0x8FD0] =	vst v2  }
0x365: {  	v2 =	vld.idx.msk [tilespmem:v3+s10+$0x0], $0xffff;
	_ =	sdelay $0x4  }
0x366: {  	[tilespmem:s25+$0x8FD0] =	vst v2  }
0x367: {  	_ =	swait.ge [sflag:s18], $0x8000  }
0x368: {  	[sflag:s18] =	ssyncset.done $0x0  }
0x369: {  	s25 =	simm.s32 $0x0;
	s26 =	rddreg [dreg:$0x17];
	[sflag:s18] =	ssyncadd.s32 $0xFFFF8000  }
0x36a: {  	[hbm4b:s26+s25] =	stream.linear.scatter [tilespmem:s17], [sflag:$0x4], $0x8000, $0x38;
	[tilespmem:$0x197D0] =	vst v63  }
0x36b: {  	_ =	swait.ge [sflag:s19], $0x8000  }
0x36c: {  	[sflag:s19] =	ssyncset.done $0x0  }
0x36d: {  	s24 =	simm.s32 $0x0;
	[sflag:s19] =	ssyncadd.s32 $0xFFFF8000  }
0x36e: {  	[tilespmem:s14], [sflag:$0x1] =	stream.indirect.gather [spmem:s1], $0x20, s13, s12, $0xb8;
	[tilespmem:$0x197D0] =	vst v63  }
0x36f: {  	v2 =	vld [tilespmem:s24+$0x87D0];
	_ =	sdelay $0x1  }
0x370: {  	v3 =	vld [tilespmem:s24+$0x8BD0];
	_ =	sdelay $0x2  }
0x371: {  	s22 =	simm.s32 $0x10;
	v4 =	vadd.s32 $0x260, v2  }
0x372: {  	v6 =	vld [tilespmem:s22+$0x87D0];
	v5 =	vshll.u32 v4, $0x5  }
0x373: {  	v3 =	vshll.u32 v3, $0x9;
	v5 =	vand.u32 $0xFFFFC000, v5  }
0x374: {  	v4 =	vand.u32 $0x1F8, v4;
	v3 =	vadd.s32 v3, v5;
	v5 =	vld [tilespmem:s22+$0x8BD0]  }
0x375: {  	v2 =	vand.u32 $0x7, v2;
	v3 =	vor.u32 v4, v3  }
0x376: {  	v3 =	vor.u32 v2, v3  }
0x377: {  	v4 =	vadd.s32 $0x260, v6  }
0x378: {  	s23 =	simm.s32 $0x20;
	v7 =	vshll.u32 v4, $0x5  }
0x379: {  	v2 =	vld [tilespmem:s23+$0x87D0];
	v7 =	vand.u32 $0xFFFFC000, v7;
	v5 =	vshll.u32 v5, $0x9  }
0x37a: {  	v4 =	vand.u32 $0x1F8, v4;
	v5 =	vadd.s32 v5, v7;
	v7 =	vand.u32 $0x7, v6;
	v6 =	vld [tilespmem:s23+$0x8BD0]  }
0x37b: {  	v3 =	vld.idx.msk [tilespmem:v3+s10+$0x0], $0xffff;
	v4 =	vor.u32 v4, v5  }
0x37c: {  	v4 =	vor.u32 v7, v4;
	_ =	sdelay $0x1  }
0x37d: {  	v5 =	vadd.s32 $0x260, v2  }
0x37e: {  	s25 =	simm.s32 $0x30;
	s26 =	simm.s32 $0x100;
	v7 =	vshll.u32 v5, $0x5  }
.LBB2_42:
0x37f: {  	p1 =	sne.s32 s26, $0xFC0;
	v8 =	vld [tilespmem:s25+$0x87D0];
	v7 =	vand.u32 $0xFFFFC000, v7;
	v6 =	vshll.u32 v6, $0x9;
	[tilespmem:s24+$0x93D0] =	vst v3;
	s24 =	smov.u32 s22;
	s22 =	smov.u32 s23  }
0x380: {  	v5 =	vand.u32 $0x1F8, v5;
	s23 =	smov.u32 s25;
	v7 =	vadd.s32 v6, v7;
	v3 =	vld.idx.msk [tilespmem:v4+s10+$0x0], $0xffff  }
.Ltmp20:
0x381: {  	v2 =	vand.u32 $0x7, v2;
	v6 =	vld [tilespmem:s23+$0x8BD0];
	v4 =	vor.u32 v5, v7;
	(pc) =	sbr.rel @p1 .LBB2_42-.Ltmp20, $3  }
0x382: {  	v4 =	vor.u32 v2, v4;
	_ =	sdelay $0x1  }
0x383: {  	v5 =	vadd.s32 $0x260, v8;
	v2 =	vmov v8  }
0x384: {  	s25 =	sshra.s32 s26, $0x2;
	s26 =	sadd.s32 $0x40, s26;
	v7 =	vshll.u32 v5, $0x5  }
0x385: {  	_ = 	snop  }
0x386: {  	v8 =	vld [tilespmem:s25+$0x87D0]  }
0x387: {  	v7 =	vand.u32 $0xFFFFC000, v7;
	v6 =	vshll.u32 v6, $0x9;
	[tilespmem:s24+$0x93D0] =	vst v3  }
0x388: {  	v3 =	vand.u32 $0x1F8, v5;
	v5 =	vadd.s32 v6, v7;
	v6 =	vld [tilespmem:s25+$0x8BD0]  }
0x389: {  	v2 =	vand.u32 $0x7, v2;
	v4 =	vld.idx.msk [tilespmem:v4+s10+$0x0], $0xffff;
	v3 =	vor.u32 v3, v5  }
0x38a: {  	v2 =	vor.u32 v2, v3  }
0x38b: {  	v3 =	vadd.s32 $0x260, v8  }
0x38c: {  	v5 =	vshll.u32 v3, $0x5  }
0x38d: {  	v6 =	vshll.u32 v6, $0x9;
	v5 =	vand.u32 $0xFFFFC000, v5  }
0x38e: {  	[tilespmem:s22+$0x93D0] =	vst v4;
	v3 =	vand.u32 $0x1F8, v3;
	v4 =	vadd.s32 v6, v5  }
0x38f: {  	v2 =	vld.idx.msk [tilespmem:v2+s10+$0x0], $0xffff;
	v5 =	vand.u32 $0x7, v8;
	v3 =	vor.u32 v3, v4  }
0x390: {  	v3 =	vor.u32 v5, v3;
	_ =	sdelay $0x3  }
0x391: {  	[tilespmem:s23+$0x93D0] =	vst v2  }
0x392: {  	v2 =	vld.idx.msk [tilespmem:v3+s10+$0x0], $0xffff;
	_ =	sdelay $0x4  }
0x393: {  	[tilespmem:s25+$0x93D0] =	vst v2  }
0x394: {  	_ =	swait.ge [sflag:s15], $0x8000  }
0x395: {  	[sflag:s15] =	ssyncset.done $0x0  }
0x396: {  	s25 =	simm.s32 $0x0;
	s26 =	rddreg [dreg:$0x18];
	[sflag:s15] =	ssyncadd.s32 $0xFFFF8000  }
0x397: {  	[hbm4b:s26+s25] =	stream.linear.scatter [tilespmem:s14], [sflag:$0x3], $0x8000, $0x38;
	[tilespmem:$0x197D0] =	vst v63  }
0x398: {  	_ =	swait.ge [sflag:s20], $0x8000  }
0x399: {  	[sflag:s20] =	ssyncset.done $0x0  }
0x39a: {  	s24 =	simm.s32 $0x0;
	[sflag:s20] =	ssyncadd.s32 $0xFFFF8000  }
0x39b: {  	[tilespmem:s17], [sflag:$0x2] =	stream.indirect.gather [spmem:s1], $0x20, s16, s12, $0xb8;
	[tilespmem:$0x197D0] =	vst v63  }
0x39c: {  	v2 =	vld [tilespmem:s24+$0x87D0];
	_ =	sdelay $0x1  }
0x39d: {  	v3 =	vld [tilespmem:s24+$0x8BD0];
	_ =	sdelay $0x2  }
0x39e: {  	s22 =	simm.s32 $0x10;
	v4 =	vadd.s32 $0x280, v2  }
0x39f: {  	v6 =	vld [tilespmem:s22+$0x87D0];
	v5 =	vshll.u32 v4, $0x5  }
0x3a0: {  	v3 =	vshll.u32 v3, $0x9;
	v5 =	vand.u32 $0xFFFFC000, v5  }
0x3a1: {  	v4 =	vand.u32 $0x1F8, v4;
	v3 =	vadd.s32 v3, v5;
	v5 =	vld [tilespmem:s22+$0x8BD0]  }
0x3a2: {  	v2 =	vand.u32 $0x7, v2;
	v3 =	vor.u32 v4, v3  }
0x3a3: {  	v3 =	vor.u32 v2, v3  }
0x3a4: {  	v4 =	vadd.s32 $0x280, v6  }
0x3a5: {  	s23 =	simm.s32 $0x20;
	v7 =	vshll.u32 v4, $0x5  }
0x3a6: {  	v2 =	vld [tilespmem:s23+$0x87D0];
	v7 =	vand.u32 $0xFFFFC000, v7;
	v5 =	vshll.u32 v5, $0x9  }
0x3a7: {  	v4 =	vand.u32 $0x1F8, v4;
	v5 =	vadd.s32 v5, v7;
	v7 =	vand.u32 $0x7, v6;
	v6 =	vld [tilespmem:s23+$0x8BD0]  }
0x3a8: {  	v3 =	vld.idx.msk [tilespmem:v3+s10+$0x0], $0xffff;
	v4 =	vor.u32 v4, v5  }
0x3a9: {  	v4 =	vor.u32 v7, v4;
	_ =	sdelay $0x1  }
0x3aa: {  	v5 =	vadd.s32 $0x280, v2  }
0x3ab: {  	s25 =	simm.s32 $0x30;
	s26 =	simm.s32 $0x100;
	v7 =	vshll.u32 v5, $0x5  }
.LBB2_44:
0x3ac: {  	p1 =	sne.s32 s26, $0xFC0;
	v8 =	vld [tilespmem:s25+$0x87D0];
	v7 =	vand.u32 $0xFFFFC000, v7;
	v6 =	vshll.u32 v6, $0x9;
	[tilespmem:s24+$0x8FD0] =	vst v3;
	s24 =	smov.u32 s22;
	s22 =	smov.u32 s23  }
0x3ad: {  	v5 =	vand.u32 $0x1F8, v5;
	s23 =	smov.u32 s25;
	v7 =	vadd.s32 v6, v7;
	v3 =	vld.idx.msk [tilespmem:v4+s10+$0x0], $0xffff  }
.Ltmp21:
0x3ae: {  	v2 =	vand.u32 $0x7, v2;
	v6 =	vld [tilespmem:s23+$0x8BD0];
	v4 =	vor.u32 v5, v7;
	(pc) =	sbr.rel @p1 .LBB2_44-.Ltmp21, $3  }
0x3af: {  	v4 =	vor.u32 v2, v4;
	_ =	sdelay $0x1  }
0x3b0: {  	v5 =	vadd.s32 $0x280, v8;
	v2 =	vmov v8  }
0x3b1: {  	s25 =	sshra.s32 s26, $0x2;
	s26 =	sadd.s32 $0x40, s26;
	v7 =	vshll.u32 v5, $0x5  }
0x3b2: {  	_ = 	snop  }
0x3b3: {  	v8 =	vld [tilespmem:s25+$0x87D0]  }
0x3b4: {  	v7 =	vand.u32 $0xFFFFC000, v7;
	v6 =	vshll.u32 v6, $0x9;
	[tilespmem:s24+$0x8FD0] =	vst v3  }
0x3b5: {  	v3 =	vand.u32 $0x1F8, v5;
	v5 =	vadd.s32 v6, v7;
	v6 =	vld [tilespmem:s25+$0x8BD0]  }
0x3b6: {  	v2 =	vand.u32 $0x7, v2;
	v4 =	vld.idx.msk [tilespmem:v4+s10+$0x0], $0xffff;
	v3 =	vor.u32 v3, v5  }
0x3b7: {  	v2 =	vor.u32 v2, v3  }
0x3b8: {  	v3 =	vadd.s32 $0x280, v8  }
0x3b9: {  	v5 =	vshll.u32 v3, $0x5  }
0x3ba: {  	v6 =	vshll.u32 v6, $0x9;
	v5 =	vand.u32 $0xFFFFC000, v5  }
0x3bb: {  	[tilespmem:s22+$0x8FD0] =	vst v4;
	v3 =	vand.u32 $0x1F8, v3;
	v4 =	vadd.s32 v6, v5  }
0x3bc: {  	v2 =	vld.idx.msk [tilespmem:v2+s10+$0x0], $0xffff;
	v5 =	vand.u32 $0x7, v8;
	v3 =	vor.u32 v3, v4  }
0x3bd: {  	v3 =	vor.u32 v5, v3;
	_ =	sdelay $0x3  }
0x3be: {  	[tilespmem:s23+$0x8FD0] =	vst v2  }
0x3bf: {  	v2 =	vld.idx.msk [tilespmem:v3+s10+$0x0], $0xffff;
	_ =	sdelay $0x4  }
0x3c0: {  	[tilespmem:s25+$0x8FD0] =	vst v2  }
0x3c1: {  	_ =	swait.ge [sflag:s18], $0x8000  }
0x3c2: {  	[sflag:s18] =	ssyncset.done $0x0  }
0x3c3: {  	s25 =	simm.s32 $0x0;
	s26 =	rddreg [dreg:$0x19];
	[sflag:s18] =	ssyncadd.s32 $0xFFFF8000  }
0x3c4: {  	[hbm4b:s26+s25] =	stream.linear.scatter [tilespmem:s17], [sflag:$0x4], $0x8000, $0x38;
	[tilespmem:$0x197D0] =	vst v63  }
0x3c5: {  	_ =	swait.ge [sflag:s19], $0x8000  }
0x3c6: {  	[sflag:s19] =	ssyncset.done $0x0  }
0x3c7: {  	s24 =	simm.s32 $0x0;
	[sflag:s19] =	ssyncadd.s32 $0xFFFF8000  }
0x3c8: {  	[tilespmem:s14], [sflag:$0x1] =	stream.indirect.gather [spmem:s1], $0x20, s13, s12, $0xb8;
	[tilespmem:$0x197D0] =	vst v63  }
0x3c9: {  	v2 =	vld [tilespmem:s24+$0x87D0];
	_ =	sdelay $0x1  }
0x3ca: {  	v3 =	vld [tilespmem:s24+$0x8BD0];
	_ =	sdelay $0x2  }
0x3cb: {  	s22 =	simm.s32 $0x10;
	v4 =	vadd.s32 $0x2A0, v2  }
0x3cc: {  	v6 =	vld [tilespmem:s22+$0x87D0];
	v5 =	vshll.u32 v4, $0x5  }
0x3cd: {  	v3 =	vshll.u32 v3, $0x9;
	v5 =	vand.u32 $0xFFFFC000, v5  }
0x3ce: {  	v4 =	vand.u32 $0x1F8, v4;
	v3 =	vadd.s32 v3, v5;
	v5 =	vld [tilespmem:s22+$0x8BD0]  }
0x3cf: {  	v2 =	vand.u32 $0x7, v2;
	v3 =	vor.u32 v4, v3  }
0x3d0: {  	v3 =	vor.u32 v2, v3  }
0x3d1: {  	v4 =	vadd.s32 $0x2A0, v6  }
0x3d2: {  	s23 =	simm.s32 $0x20;
	v7 =	vshll.u32 v4, $0x5  }
0x3d3: {  	v2 =	vld [tilespmem:s23+$0x87D0];
	v7 =	vand.u32 $0xFFFFC000, v7;
	v5 =	vshll.u32 v5, $0x9  }
0x3d4: {  	v4 =	vand.u32 $0x1F8, v4;
	v5 =	vadd.s32 v5, v7;
	v7 =	vand.u32 $0x7, v6;
	v6 =	vld [tilespmem:s23+$0x8BD0]  }
0x3d5: {  	v3 =	vld.idx.msk [tilespmem:v3+s10+$0x0], $0xffff;
	v4 =	vor.u32 v4, v5  }
0x3d6: {  	v4 =	vor.u32 v7, v4;
	_ =	sdelay $0x1  }
0x3d7: {  	v5 =	vadd.s32 $0x2A0, v2  }
0x3d8: {  	s25 =	simm.s32 $0x30;
	s26 =	simm.s32 $0x100;
	v7 =	vshll.u32 v5, $0x5  }
.LBB2_46:
0x3d9: {  	p1 =	sne.s32 s26, $0xFC0;
	v8 =	vld [tilespmem:s25+$0x87D0];
	v7 =	vand.u32 $0xFFFFC000, v7;
	v6 =	vshll.u32 v6, $0x9;
	[tilespmem:s24+$0x93D0] =	vst v3;
	s24 =	smov.u32 s22;
	s22 =	smov.u32 s23  }
0x3da: {  	v5 =	vand.u32 $0x1F8, v5;
	s23 =	smov.u32 s25;
	v7 =	vadd.s32 v6, v7;
	v3 =	vld.idx.msk [tilespmem:v4+s10+$0x0], $0xffff  }
.Ltmp22:
0x3db: {  	v2 =	vand.u32 $0x7, v2;
	v6 =	vld [tilespmem:s23+$0x8BD0];
	v4 =	vor.u32 v5, v7;
	(pc) =	sbr.rel @p1 .LBB2_46-.Ltmp22, $3  }
0x3dc: {  	v4 =	vor.u32 v2, v4;
	_ =	sdelay $0x1  }
0x3dd: {  	v5 =	vadd.s32 $0x2A0, v8;
	v2 =	vmov v8  }
0x3de: {  	s25 =	sshra.s32 s26, $0x2;
	s26 =	sadd.s32 $0x40, s26;
	v7 =	vshll.u32 v5, $0x5  }
0x3df: {  	_ = 	snop  }
0x3e0: {  	v8 =	vld [tilespmem:s25+$0x87D0]  }
0x3e1: {  	v7 =	vand.u32 $0xFFFFC000, v7;
	v6 =	vshll.u32 v6, $0x9;
	[tilespmem:s24+$0x93D0] =	vst v3  }
0x3e2: {  	v3 =	vand.u32 $0x1F8, v5;
	v5 =	vadd.s32 v6, v7;
	v6 =	vld [tilespmem:s25+$0x8BD0]  }
0x3e3: {  	v2 =	vand.u32 $0x7, v2;
	v4 =	vld.idx.msk [tilespmem:v4+s10+$0x0], $0xffff;
	v3 =	vor.u32 v3, v5  }
0x3e4: {  	v2 =	vor.u32 v2, v3  }
0x3e5: {  	v3 =	vadd.s32 $0x2A0, v8  }
0x3e6: {  	v5 =	vshll.u32 v3, $0x5  }
0x3e7: {  	v6 =	vshll.u32 v6, $0x9;
	v5 =	vand.u32 $0xFFFFC000, v5  }
0x3e8: {  	[tilespmem:s22+$0x93D0] =	vst v4;
	v3 =	vand.u32 $0x1F8, v3;
	v4 =	vadd.s32 v6, v5  }
0x3e9: {  	v2 =	vld.idx.msk [tilespmem:v2+s10+$0x0], $0xffff;
	v5 =	vand.u32 $0x7, v8;
	v3 =	vor.u32 v3, v4  }
0x3ea: {  	v3 =	vor.u32 v5, v3;
	_ =	sdelay $0x3  }
0x3eb: {  	[tilespmem:s23+$0x93D0] =	vst v2  }
0x3ec: {  	v2 =	vld.idx.msk [tilespmem:v3+s10+$0x0], $0xffff;
	_ =	sdelay $0x4  }
0x3ed: {  	[tilespmem:s25+$0x93D0] =	vst v2  }
0x3ee: {  	_ =	swait.ge [sflag:s15], $0x8000  }
0x3ef: {  	[sflag:s15] =	ssyncset.done $0x0  }
0x3f0: {  	s25 =	simm.s32 $0x0;
	s26 =	rddreg [dreg:$0x1b];
	[sflag:s15] =	ssyncadd.s32 $0xFFFF8000  }
0x3f1: {  	[hbm4b:s26+s25] =	stream.linear.scatter [tilespmem:s14], [sflag:$0x3], $0x8000, $0x38;
	[tilespmem:$0x197D0] =	vst v63  }
0x3f2: {  	_ =	swait.ge [sflag:s20], $0x8000  }
0x3f3: {  	[sflag:s20] =	ssyncset.done $0x0  }
0x3f4: {  	s24 =	simm.s32 $0x0;
	[sflag:s20] =	ssyncadd.s32 $0xFFFF8000  }
0x3f5: {  	[tilespmem:s17], [sflag:$0x2] =	stream.indirect.gather [spmem:s1], $0x20, s16, s12, $0xb8;
	[tilespmem:$0x197D0] =	vst v63  }
0x3f6: {  	v2 =	vld [tilespmem:s24+$0x87D0];
	_ =	sdelay $0x1  }
0x3f7: {  	v3 =	vld [tilespmem:s24+$0x8BD0];
	_ =	sdelay $0x2  }
0x3f8: {  	s22 =	simm.s32 $0x10;
	v4 =	vadd.s32 $0x2C0, v2  }
0x3f9: {  	v6 =	vld [tilespmem:s22+$0x87D0];
	v5 =	vshll.u32 v4, $0x5  }
0x3fa: {  	v3 =	vshll.u32 v3, $0x9;
	v5 =	vand.u32 $0xFFFFC000, v5  }
0x3fb: {  	v4 =	vand.u32 $0x1F8, v4;
	v3 =	vadd.s32 v3, v5;
	v5 =	vld [tilespmem:s22+$0x8BD0]  }
0x3fc: {  	v2 =	vand.u32 $0x7, v2;
	v3 =	vor.u32 v4, v3  }
0x3fd: {  	v3 =	vor.u32 v2, v3  }
0x3fe: {  	v4 =	vadd.s32 $0x2C0, v6  }
0x3ff: {  	s23 =	simm.s32 $0x20;
	v7 =	vshll.u32 v4, $0x5  }
0x400: {  	v2 =	vld [tilespmem:s23+$0x87D0];
	v7 =	vand.u32 $0xFFFFC000, v7;
	v5 =	vshll.u32 v5, $0x9  }
0x401: {  	v4 =	vand.u32 $0x1F8, v4;
	v5 =	vadd.s32 v5, v7;
	v7 =	vand.u32 $0x7, v6;
	v6 =	vld [tilespmem:s23+$0x8BD0]  }
0x402: {  	v3 =	vld.idx.msk [tilespmem:v3+s10+$0x0], $0xffff;
	v4 =	vor.u32 v4, v5  }
0x403: {  	v4 =	vor.u32 v7, v4;
	_ =	sdelay $0x1  }
0x404: {  	v5 =	vadd.s32 $0x2C0, v2  }
0x405: {  	s25 =	simm.s32 $0x30;
	s26 =	simm.s32 $0x100;
	v7 =	vshll.u32 v5, $0x5  }
.LBB2_48:
0x406: {  	p1 =	sne.s32 s26, $0xFC0;
	v8 =	vld [tilespmem:s25+$0x87D0];
	v7 =	vand.u32 $0xFFFFC000, v7;
	v6 =	vshll.u32 v6, $0x9;
	[tilespmem:s24+$0x8FD0] =	vst v3;
	s24 =	smov.u32 s22;
	s22 =	smov.u32 s23  }
0x407: {  	v5 =	vand.u32 $0x1F8, v5;
	s23 =	smov.u32 s25;
	v7 =	vadd.s32 v6, v7;
	v3 =	vld.idx.msk [tilespmem:v4+s10+$0x0], $0xffff  }
.Ltmp23:
0x408: {  	v2 =	vand.u32 $0x7, v2;
	v6 =	vld [tilespmem:s23+$0x8BD0];
	v4 =	vor.u32 v5, v7;
	(pc) =	sbr.rel @p1 .LBB2_48-.Ltmp23, $3  }
0x409: {  	v4 =	vor.u32 v2, v4;
	_ =	sdelay $0x1  }
0x40a: {  	v5 =	vadd.s32 $0x2C0, v8;
	v2 =	vmov v8  }
0x40b: {  	s25 =	sshra.s32 s26, $0x2;
	s26 =	sadd.s32 $0x40, s26;
	v7 =	vshll.u32 v5, $0x5  }
0x40c: {  	_ = 	snop  }
0x40d: {  	v8 =	vld [tilespmem:s25+$0x87D0]  }
0x40e: {  	v7 =	vand.u32 $0xFFFFC000, v7;
	v6 =	vshll.u32 v6, $0x9;
	[tilespmem:s24+$0x8FD0] =	vst v3  }
0x40f: {  	v3 =	vand.u32 $0x1F8, v5;
	v5 =	vadd.s32 v6, v7;
	v6 =	vld [tilespmem:s25+$0x8BD0]  }
0x410: {  	v2 =	vand.u32 $0x7, v2;
	v4 =	vld.idx.msk [tilespmem:v4+s10+$0x0], $0xffff;
	v3 =	vor.u32 v3, v5  }
0x411: {  	v2 =	vor.u32 v2, v3  }
0x412: {  	v3 =	vadd.s32 $0x2C0, v8  }
0x413: {  	v5 =	vshll.u32 v3, $0x5  }
0x414: {  	v6 =	vshll.u32 v6, $0x9;
	v5 =	vand.u32 $0xFFFFC000, v5  }
0x415: {  	[tilespmem:s22+$0x8FD0] =	vst v4;
	v3 =	vand.u32 $0x1F8, v3;
	v4 =	vadd.s32 v6, v5  }
0x416: {  	v2 =	vld.idx.msk [tilespmem:v2+s10+$0x0], $0xffff;
	v5 =	vand.u32 $0x7, v8;
	v3 =	vor.u32 v3, v4  }
0x417: {  	v3 =	vor.u32 v5, v3;
	_ =	sdelay $0x3  }
0x418: {  	[tilespmem:s23+$0x8FD0] =	vst v2  }
0x419: {  	v2 =	vld.idx.msk [tilespmem:v3+s10+$0x0], $0xffff;
	_ =	sdelay $0x4  }
0x41a: {  	[tilespmem:s25+$0x8FD0] =	vst v2  }
0x41b: {  	_ =	swait.ge [sflag:s18], $0x8000  }
0x41c: {  	[sflag:s18] =	ssyncset.done $0x0  }
0x41d: {  	s26 =	simm.s32 $0x0;
	[sflag:s18] =	ssyncadd.s32 $0xFFFF8000  }
0x41e: {  	[hbm4b:s28+s26] =	stream.linear.scatter [tilespmem:s17], [sflag:$0x4], $0x8000, $0x38;
	[tilespmem:$0x197D0] =	vst v63  }
0x41f: {  	_ =	swait.ge [sflag:s19], $0x8000  }
0x420: {  	[sflag:s19] =	ssyncset.done $0x0  }
0x421: {  	s24 =	simm.s32 $0x0;
	[sflag:s19] =	ssyncadd.s32 $0xFFFF8000  }
0x422: {  	[tilespmem:s14], [sflag:$0x1] =	stream.indirect.gather [spmem:s1], $0x20, s13, s12, $0xb8;
	[tilespmem:$0x197D0] =	vst v63  }
0x423: {  	v2 =	vld [tilespmem:s24+$0x87D0];
	_ =	sdelay $0x1  }
0x424: {  	v3 =	vld [tilespmem:s24+$0x8BD0];
	_ =	sdelay $0x2  }
0x425: {  	s22 =	simm.s32 $0x10;
	v4 =	vadd.s32 $0x2E0, v2  }
0x426: {  	v6 =	vld [tilespmem:s22+$0x87D0];
	v5 =	vshll.u32 v4, $0x5  }
0x427: {  	v3 =	vshll.u32 v3, $0x9;
	v5 =	vand.u32 $0xFFFFC000, v5  }
0x428: {  	v4 =	vand.u32 $0x1F8, v4;
	v3 =	vadd.s32 v3, v5;
	v5 =	vld [tilespmem:s22+$0x8BD0]  }
0x429: {  	v2 =	vand.u32 $0x7, v2;
	v3 =	vor.u32 v4, v3  }
0x42a: {  	v3 =	vor.u32 v2, v3  }
0x42b: {  	v4 =	vadd.s32 $0x2E0, v6  }
0x42c: {  	s23 =	simm.s32 $0x20;
	v7 =	vshll.u32 v4, $0x5  }
0x42d: {  	v2 =	vld [tilespmem:s23+$0x87D0];
	v7 =	vand.u32 $0xFFFFC000, v7;
	v5 =	vshll.u32 v5, $0x9  }
0x42e: {  	v4 =	vand.u32 $0x1F8, v4;
	v5 =	vadd.s32 v5, v7;
	v7 =	vand.u32 $0x7, v6;
	v6 =	vld [tilespmem:s23+$0x8BD0]  }
0x42f: {  	v3 =	vld.idx.msk [tilespmem:v3+s10+$0x0], $0xffff;
	v4 =	vor.u32 v4, v5  }
0x430: {  	v4 =	vor.u32 v7, v4;
	_ =	sdelay $0x1  }
0x431: {  	v5 =	vadd.s32 $0x2E0, v2  }
0x432: {  	s25 =	simm.s32 $0x30;
	s26 =	simm.s32 $0x100;
	v7 =	vshll.u32 v5, $0x5  }
.LBB2_50:
0x433: {  	p1 =	sne.s32 s26, $0xFC0;
	v8 =	vld [tilespmem:s25+$0x87D0];
	v7 =	vand.u32 $0xFFFFC000, v7;
	v6 =	vshll.u32 v6, $0x9;
	[tilespmem:s24+$0x93D0] =	vst v3;
	s24 =	smov.u32 s22;
	s22 =	smov.u32 s23  }
0x434: {  	v5 =	vand.u32 $0x1F8, v5;
	s23 =	smov.u32 s25;
	v7 =	vadd.s32 v6, v7;
	v3 =	vld.idx.msk [tilespmem:v4+s10+$0x0], $0xffff  }
.Ltmp24:
0x435: {  	v2 =	vand.u32 $0x7, v2;
	v6 =	vld [tilespmem:s23+$0x8BD0];
	v4 =	vor.u32 v5, v7;
	(pc) =	sbr.rel @p1 .LBB2_50-.Ltmp24, $3  }
0x436: {  	v4 =	vor.u32 v2, v4;
	_ =	sdelay $0x1  }
0x437: {  	v5 =	vadd.s32 $0x2E0, v8;
	v2 =	vmov v8  }
0x438: {  	s25 =	sshra.s32 s26, $0x2;
	s26 =	sadd.s32 $0x40, s26;
	v7 =	vshll.u32 v5, $0x5  }
0x439: {  	_ = 	snop  }
0x43a: {  	v8 =	vld [tilespmem:s25+$0x87D0]  }
0x43b: {  	v7 =	vand.u32 $0xFFFFC000, v7;
	v6 =	vshll.u32 v6, $0x9;
	[tilespmem:s24+$0x93D0] =	vst v3  }
0x43c: {  	v3 =	vand.u32 $0x1F8, v5;
	v5 =	vadd.s32 v6, v7;
	v6 =	vld [tilespmem:s25+$0x8BD0]  }
0x43d: {  	v2 =	vand.u32 $0x7, v2;
	v4 =	vld.idx.msk [tilespmem:v4+s10+$0x0], $0xffff;
	v3 =	vor.u32 v3, v5  }
0x43e: {  	v2 =	vor.u32 v2, v3  }
0x43f: {  	v3 =	vadd.s32 $0x2E0, v8  }
0x440: {  	v5 =	vshll.u32 v3, $0x5  }
0x441: {  	v6 =	vshll.u32 v6, $0x9;
	v5 =	vand.u32 $0xFFFFC000, v5  }
0x442: {  	[tilespmem:s22+$0x93D0] =	vst v4;
	v3 =	vand.u32 $0x1F8, v3;
	v4 =	vadd.s32 v6, v5  }
0x443: {  	v2 =	vld.idx.msk [tilespmem:v2+s10+$0x0], $0xffff;
	v5 =	vand.u32 $0x7, v8;
	v3 =	vor.u32 v3, v4  }
0x444: {  	v3 =	vor.u32 v5, v3;
	_ =	sdelay $0x3  }
0x445: {  	[tilespmem:s23+$0x93D0] =	vst v2  }
0x446: {  	v2 =	vld.idx.msk [tilespmem:v3+s10+$0x0], $0xffff;
	_ =	sdelay $0x4  }
0x447: {  	[tilespmem:s25+$0x93D0] =	vst v2  }
0x448: {  	_ =	swait.ge [sflag:s15], $0x8000  }
0x449: {  	[sflag:s15] =	ssyncset.done $0x0  }
0x44a: {  	s26 =	simm.s32 $0x0;
	[sflag:s15] =	ssyncadd.s32 $0xFFFF8000  }
0x44b: {  	[hbm4b:s29+s26] =	stream.linear.scatter [tilespmem:s14], [sflag:$0x3], $0x8000, $0x38;
	[tilespmem:$0x197D0] =	vst v63  }
0x44c: {  	_ =	swait.ge [sflag:s20], $0x8000  }
0x44d: {  	[sflag:s20] =	ssyncset.done $0x0  }
0x44e: {  	s24 =	simm.s32 $0x0;
	[sflag:s20] =	ssyncadd.s32 $0xFFFF8000  }
0x44f: {  	[tilespmem:s17], [sflag:$0x2] =	stream.indirect.gather [spmem:s1], $0x20, s16, s12, $0xb8;
	[tilespmem:$0x197D0] =	vst v63  }
0x450: {  	v2 =	vld [tilespmem:s24+$0x87D0];
	_ =	sdelay $0x1  }
0x451: {  	v3 =	vld [tilespmem:s24+$0x8BD0];
	_ =	sdelay $0x2  }
0x452: {  	s22 =	simm.s32 $0x10;
	v4 =	vadd.s32 $0x300, v2  }
0x453: {  	v6 =	vld [tilespmem:s22+$0x87D0];
	v5 =	vshll.u32 v4, $0x5  }
0x454: {  	v3 =	vshll.u32 v3, $0x9;
	v5 =	vand.u32 $0xFFFFC000, v5  }
0x455: {  	v4 =	vand.u32 $0x1F8, v4;
	v3 =	vadd.s32 v3, v5;
	v5 =	vld [tilespmem:s22+$0x8BD0]  }
0x456: {  	v2 =	vand.u32 $0x7, v2;
	v3 =	vor.u32 v4, v3  }
0x457: {  	v3 =	vor.u32 v2, v3  }
0x458: {  	v4 =	vadd.s32 $0x300, v6  }
0x459: {  	s23 =	simm.s32 $0x20;
	v7 =	vshll.u32 v4, $0x5  }
0x45a: {  	v2 =	vld [tilespmem:s23+$0x87D0];
	v7 =	vand.u32 $0xFFFFC000, v7;
	v5 =	vshll.u32 v5, $0x9  }
0x45b: {  	v4 =	vand.u32 $0x1F8, v4;
	v5 =	vadd.s32 v5, v7;
	v7 =	vand.u32 $0x7, v6;
	v6 =	vld [tilespmem:s23+$0x8BD0]  }
0x45c: {  	v3 =	vld.idx.msk [tilespmem:v3+s10+$0x0], $0xffff;
	v4 =	vor.u32 v4, v5  }
0x45d: {  	v4 =	vor.u32 v7, v4;
	_ =	sdelay $0x1  }
0x45e: {  	v5 =	vadd.s32 $0x300, v2  }
0x45f: {  	s25 =	simm.s32 $0x30;
	s26 =	simm.s32 $0x100;
	v7 =	vshll.u32 v5, $0x5  }
.LBB2_52:
0x460: {  	p1 =	sne.s32 s26, $0xFC0;
	v8 =	vld [tilespmem:s25+$0x87D0];
	v7 =	vand.u32 $0xFFFFC000, v7;
	v6 =	vshll.u32 v6, $0x9;
	[tilespmem:s24+$0x8FD0] =	vst v3;
	s24 =	smov.u32 s22;
	s22 =	smov.u32 s23  }
0x461: {  	v5 =	vand.u32 $0x1F8, v5;
	s23 =	smov.u32 s25;
	v7 =	vadd.s32 v6, v7;
	v3 =	vld.idx.msk [tilespmem:v4+s10+$0x0], $0xffff  }
.Ltmp25:
0x462: {  	v2 =	vand.u32 $0x7, v2;
	v6 =	vld [tilespmem:s23+$0x8BD0];
	v4 =	vor.u32 v5, v7;
	(pc) =	sbr.rel @p1 .LBB2_52-.Ltmp25, $3  }
0x463: {  	v4 =	vor.u32 v2, v4;
	_ =	sdelay $0x1  }
0x464: {  	v5 =	vadd.s32 $0x300, v8;
	v2 =	vmov v8  }
0x465: {  	s25 =	sshra.s32 s26, $0x2;
	s26 =	sadd.s32 $0x40, s26;
	v7 =	vshll.u32 v5, $0x5  }
0x466: {  	_ = 	snop  }
0x467: {  	v8 =	vld [tilespmem:s25+$0x87D0]  }
0x468: {  	v7 =	vand.u32 $0xFFFFC000, v7;
	v6 =	vshll.u32 v6, $0x9;
	[tilespmem:s24+$0x8FD0] =	vst v3  }
0x469: {  	v3 =	vand.u32 $0x1F8, v5;
	v5 =	vadd.s32 v6, v7;
	v6 =	vld [tilespmem:s25+$0x8BD0]  }
0x46a: {  	v2 =	vand.u32 $0x7, v2;
	v4 =	vld.idx.msk [tilespmem:v4+s10+$0x0], $0xffff;
	v3 =	vor.u32 v3, v5  }
0x46b: {  	v2 =	vor.u32 v2, v3  }
0x46c: {  	v3 =	vadd.s32 $0x300, v8  }
0x46d: {  	v5 =	vshll.u32 v3, $0x5  }
0x46e: {  	v6 =	vshll.u32 v6, $0x9;
	v5 =	vand.u32 $0xFFFFC000, v5  }
0x46f: {  	[tilespmem:s22+$0x8FD0] =	vst v4;
	v3 =	vand.u32 $0x1F8, v3;
	v4 =	vadd.s32 v6, v5  }
0x470: {  	v2 =	vld.idx.msk [tilespmem:v2+s10+$0x0], $0xffff;
	v5 =	vand.u32 $0x7, v8;
	v3 =	vor.u32 v3, v4  }
0x471: {  	v3 =	vor.u32 v5, v3;
	_ =	sdelay $0x3  }
0x472: {  	[tilespmem:s23+$0x8FD0] =	vst v2  }
0x473: {  	v2 =	vld.idx.msk [tilespmem:v3+s10+$0x0], $0xffff;
	_ =	sdelay $0x4  }
0x474: {  	[tilespmem:s25+$0x8FD0] =	vst v2  }
0x475: {  	_ =	swait.ge [sflag:s18], $0x8000  }
0x476: {  	[sflag:s18] =	ssyncset.done $0x0  }
0x477: {  	s26 =	simm.s32 $0x0;
	[sflag:s18] =	ssyncadd.s32 $0xFFFF8000  }
0x478: {  	[hbm4b:s30+s26] =	stream.linear.scatter [tilespmem:s17], [sflag:$0x4], $0x8000, $0x38;
	[tilespmem:$0x197D0] =	vst v63  }
0x479: {  	_ =	swait.ge [sflag:s19], $0x8000  }
0x47a: {  	[sflag:s19] =	ssyncset.done $0x0  }
0x47b: {  	s24 =	simm.s32 $0x0;
	[sflag:s19] =	ssyncadd.s32 $0xFFFF8000  }
0x47c: {  	[tilespmem:s14], [sflag:$0x1] =	stream.indirect.gather [spmem:s1], $0x20, s13, s12, $0xb8;
	[tilespmem:$0x197D0] =	vst v63  }
0x47d: {  	v2 =	vld [tilespmem:s24+$0x87D0];
	_ =	sdelay $0x1  }
0x47e: {  	v3 =	vld [tilespmem:s24+$0x8BD0];
	_ =	sdelay $0x2  }
0x47f: {  	s22 =	simm.s32 $0x10;
	v4 =	vadd.s32 $0x320, v2  }
0x480: {  	v6 =	vld [tilespmem:s22+$0x87D0];
	v5 =	vshll.u32 v4, $0x5  }
0x481: {  	v3 =	vshll.u32 v3, $0x9;
	v5 =	vand.u32 $0xFFFFC000, v5  }
0x482: {  	v4 =	vand.u32 $0x1F8, v4;
	v3 =	vadd.s32 v3, v5;
	v5 =	vld [tilespmem:s22+$0x8BD0]  }
0x483: {  	v2 =	vand.u32 $0x7, v2;
	v3 =	vor.u32 v4, v3  }
0x484: {  	v3 =	vor.u32 v2, v3  }
0x485: {  	v4 =	vadd.s32 $0x320, v6  }
0x486: {  	s23 =	simm.s32 $0x20;
	v7 =	vshll.u32 v4, $0x5  }
0x487: {  	v2 =	vld [tilespmem:s23+$0x87D0];
	v7 =	vand.u32 $0xFFFFC000, v7;
	v5 =	vshll.u32 v5, $0x9  }
0x488: {  	v4 =	vand.u32 $0x1F8, v4;
	v5 =	vadd.s32 v5, v7;
	v7 =	vand.u32 $0x7, v6;
	v6 =	vld [tilespmem:s23+$0x8BD0]  }
0x489: {  	v3 =	vld.idx.msk [tilespmem:v3+s10+$0x0], $0xffff;
	v4 =	vor.u32 v4, v5  }
0x48a: {  	v4 =	vor.u32 v7, v4;
	_ =	sdelay $0x1  }
0x48b: {  	v5 =	vadd.s32 $0x320, v2  }
0x48c: {  	s25 =	simm.s32 $0x30;
	s26 =	simm.s32 $0x100;
	v7 =	vshll.u32 v5, $0x5  }
.LBB2_54:
0x48d: {  	p1 =	sne.s32 s26, $0xFC0;
	v8 =	vld [tilespmem:s25+$0x87D0];
	v7 =	vand.u32 $0xFFFFC000, v7;
	v6 =	vshll.u32 v6, $0x9;
	[tilespmem:s24+$0x93D0] =	vst v3;
	s24 =	smov.u32 s22;
	s22 =	smov.u32 s23  }
0x48e: {  	v5 =	vand.u32 $0x1F8, v5;
	s23 =	smov.u32 s25;
	v7 =	vadd.s32 v6, v7;
	v3 =	vld.idx.msk [tilespmem:v4+s10+$0x0], $0xffff  }
.Ltmp26:
0x48f: {  	v2 =	vand.u32 $0x7, v2;
	v6 =	vld [tilespmem:s23+$0x8BD0];
	v4 =	vor.u32 v5, v7;
	(pc) =	sbr.rel @p1 .LBB2_54-.Ltmp26, $3  }
0x490: {  	v4 =	vor.u32 v2, v4;
	_ =	sdelay $0x1  }
0x491: {  	v5 =	vadd.s32 $0x320, v8;
	v2 =	vmov v8  }
0x492: {  	s25 =	sshra.s32 s26, $0x2;
	s26 =	sadd.s32 $0x40, s26;
	v7 =	vshll.u32 v5, $0x5  }
0x493: {  	_ = 	snop  }
0x494: {  	v8 =	vld [tilespmem:s25+$0x87D0]  }
0x495: {  	v7 =	vand.u32 $0xFFFFC000, v7;
	v6 =	vshll.u32 v6, $0x9;
	[tilespmem:s24+$0x93D0] =	vst v3  }
0x496: {  	v3 =	vand.u32 $0x1F8, v5;
	v5 =	vadd.s32 v6, v7;
	v6 =	vld [tilespmem:s25+$0x8BD0]  }
0x497: {  	v2 =	vand.u32 $0x7, v2;
	v4 =	vld.idx.msk [tilespmem:v4+s10+$0x0], $0xffff;
	v3 =	vor.u32 v3, v5  }
0x498: {  	v2 =	vor.u32 v2, v3  }
0x499: {  	v3 =	vadd.s32 $0x320, v8  }
0x49a: {  	v5 =	vshll.u32 v3, $0x5  }
0x49b: {  	v6 =	vshll.u32 v6, $0x9;
	v5 =	vand.u32 $0xFFFFC000, v5  }
0x49c: {  	[tilespmem:s22+$0x93D0] =	vst v4;
	v3 =	vand.u32 $0x1F8, v3;
	v4 =	vadd.s32 v6, v5  }
0x49d: {  	v2 =	vld.idx.msk [tilespmem:v2+s10+$0x0], $0xffff;
	v5 =	vand.u32 $0x7, v8;
	v3 =	vor.u32 v3, v4  }
0x49e: {  	v3 =	vor.u32 v5, v3;
	_ =	sdelay $0x3  }
0x49f: {  	[tilespmem:s23+$0x93D0] =	vst v2  }
0x4a0: {  	v2 =	vld.idx.msk [tilespmem:v3+s10+$0x0], $0xffff;
	_ =	sdelay $0x4  }
0x4a1: {  	[tilespmem:s25+$0x93D0] =	vst v2  }
0x4a2: {  	_ =	swait.ge [sflag:s15], $0x8000  }
0x4a3: {  	[sflag:s15] =	ssyncset.done $0x0  }
0x4a4: {  	s26 =	simm.s32 $0x0;
	[sflag:s15] =	ssyncadd.s32 $0xFFFF8000  }
0x4a5: {  	[hbm4b:s31+s26] =	stream.linear.scatter [tilespmem:s14], [sflag:$0x3], $0x8000, $0x38;
	[tilespmem:$0x197D0] =	vst v63  }
0x4a6: {  	_ =	swait.ge [sflag:s20], $0x8000  }
0x4a7: {  	[sflag:s20] =	ssyncset.done $0x0  }
0x4a8: {  	s24 =	simm.s32 $0x0;
	[sflag:s20] =	ssyncadd.s32 $0xFFFF8000  }
0x4a9: {  	[tilespmem:s17], [sflag:$0x2] =	stream.indirect.gather [spmem:s1], $0x20, s16, s12, $0xb8;
	[tilespmem:$0x197D0] =	vst v63  }
0x4aa: {  	v2 =	vld [tilespmem:s24+$0x87D0];
	_ =	sdelay $0x1  }
0x4ab: {  	v3 =	vld [tilespmem:s24+$0x8BD0];
	_ =	sdelay $0x2  }
0x4ac: {  	s22 =	simm.s32 $0x10;
	v4 =	vadd.s32 $0x340, v2  }
0x4ad: {  	v6 =	vld [tilespmem:s22+$0x87D0];
	v5 =	vshll.u32 v4, $0x5  }
0x4ae: {  	v3 =	vshll.u32 v3, $0x9;
	v5 =	vand.u32 $0xFFFFC000, v5  }
0x4af: {  	v4 =	vand.u32 $0x1F8, v4;
	v3 =	vadd.s32 v3, v5;
	v5 =	vld [tilespmem:s22+$0x8BD0]  }
0x4b0: {  	v2 =	vand.u32 $0x7, v2;
	v3 =	vor.u32 v4, v3  }
0x4b1: {  	v3 =	vor.u32 v2, v3  }
0x4b2: {  	v4 =	vadd.s32 $0x340, v6  }
0x4b3: {  	s23 =	simm.s32 $0x20;
	v7 =	vshll.u32 v4, $0x5  }
0x4b4: {  	v2 =	vld [tilespmem:s23+$0x87D0];
	v7 =	vand.u32 $0xFFFFC000, v7;
	v5 =	vshll.u32 v5, $0x9  }
0x4b5: {  	v4 =	vand.u32 $0x1F8, v4;
	v5 =	vadd.s32 v5, v7;
	v7 =	vand.u32 $0x7, v6;
	v6 =	vld [tilespmem:s23+$0x8BD0]  }
0x4b6: {  	v3 =	vld.idx.msk [tilespmem:v3+s10+$0x0], $0xffff;
	v4 =	vor.u32 v4, v5  }
0x4b7: {  	v4 =	vor.u32 v7, v4;
	_ =	sdelay $0x1  }
0x4b8: {  	v5 =	vadd.s32 $0x340, v2  }
0x4b9: {  	s25 =	simm.s32 $0x30;
	s26 =	simm.s32 $0x100;
	v7 =	vshll.u32 v5, $0x5  }
.LBB2_56:
0x4ba: {  	p1 =	sne.s32 s26, $0xFC0;
	v8 =	vld [tilespmem:s25+$0x87D0];
	v7 =	vand.u32 $0xFFFFC000, v7;
	v6 =	vshll.u32 v6, $0x9;
	[tilespmem:s24+$0x8FD0] =	vst v3;
	s24 =	smov.u32 s22;
	s22 =	smov.u32 s23  }
0x4bb: {  	v5 =	vand.u32 $0x1F8, v5;
	s23 =	smov.u32 s25;
	v7 =	vadd.s32 v6, v7;
	v3 =	vld.idx.msk [tilespmem:v4+s10+$0x0], $0xffff  }
.Ltmp27:
0x4bc: {  	v2 =	vand.u32 $0x7, v2;
	v6 =	vld [tilespmem:s23+$0x8BD0];
	v4 =	vor.u32 v5, v7;
	(pc) =	sbr.rel @p1 .LBB2_56-.Ltmp27, $3  }
0x4bd: {  	v4 =	vor.u32 v2, v4;
	_ =	sdelay $0x1  }
0x4be: {  	v5 =	vadd.s32 $0x340, v8;
	v2 =	vmov v8  }
0x4bf: {  	s25 =	sshra.s32 s26, $0x2;
	s26 =	sadd.s32 $0x40, s26;
	v7 =	vshll.u32 v5, $0x5  }
0x4c0: {  	_ = 	snop  }
0x4c1: {  	v8 =	vld [tilespmem:s25+$0x87D0]  }
0x4c2: {  	v7 =	vand.u32 $0xFFFFC000, v7;
	v6 =	vshll.u32 v6, $0x9;
	[tilespmem:s24+$0x8FD0] =	vst v3  }
0x4c3: {  	v3 =	vand.u32 $0x1F8, v5;
	v5 =	vadd.s32 v6, v7;
	v6 =	vld [tilespmem:s25+$0x8BD0]  }
0x4c4: {  	v2 =	vand.u32 $0x7, v2;
	v4 =	vld.idx.msk [tilespmem:v4+s10+$0x0], $0xffff;
	v3 =	vor.u32 v3, v5  }
0x4c5: {  	v2 =	vor.u32 v2, v3  }
0x4c6: {  	v3 =	vadd.s32 $0x340, v8  }
0x4c7: {  	v5 =	vshll.u32 v3, $0x5  }
0x4c8: {  	v6 =	vshll.u32 v6, $0x9;
	v5 =	vand.u32 $0xFFFFC000, v5  }
0x4c9: {  	[tilespmem:s22+$0x8FD0] =	vst v4;
	v3 =	vand.u32 $0x1F8, v3;
	v4 =	vadd.s32 v6, v5  }
0x4ca: {  	v2 =	vld.idx.msk [tilespmem:v2+s10+$0x0], $0xffff;
	v5 =	vand.u32 $0x7, v8;
	v3 =	vor.u32 v3, v4  }
0x4cb: {  	v3 =	vor.u32 v5, v3;
	_ =	sdelay $0x3  }
0x4cc: {  	[tilespmem:s23+$0x8FD0] =	vst v2  }
0x4cd: {  	v2 =	vld.idx.msk [tilespmem:v3+s10+$0x0], $0xffff;
	_ =	sdelay $0x4  }
0x4ce: {  	[tilespmem:s25+$0x8FD0] =	vst v2  }
0x4cf: {  	_ =	swait.ge [sflag:s18], $0x8000  }
0x4d0: {  	[sflag:s18] =	ssyncset.done $0x0  }
0x4d1: {  	s26 =	simm.s32 $0x0;
	[sflag:s18] =	ssyncadd.s32 $0xFFFF8000  }
0x4d2: {  	[hbm4b:s0+s26] =	stream.linear.scatter [tilespmem:s17], [sflag:$0x4], $0x8000, $0x38;
	[tilespmem:$0x197D0] =	vst v63  }
0x4d3: {  	_ =	swait.ge [sflag:s19], $0x8000  }
0x4d4: {  	[sflag:s19] =	ssyncset.done $0x0  }
0x4d5: {  	s24 =	simm.s32 $0x0;
	[sflag:s19] =	ssyncadd.s32 $0xFFFF8000  }
0x4d6: {  	[tilespmem:s14], [sflag:$0x1] =	stream.indirect.gather [spmem:s1], $0x20, s13, s12, $0xb8;
	[tilespmem:$0x197D0] =	vst v63  }
0x4d7: {  	v2 =	vld [tilespmem:s24+$0x87D0];
	_ =	sdelay $0x1  }
0x4d8: {  	v3 =	vld [tilespmem:s24+$0x8BD0];
	_ =	sdelay $0x2  }
0x4d9: {  	s22 =	simm.s32 $0x10;
	v4 =	vadd.s32 $0x360, v2  }
0x4da: {  	v6 =	vld [tilespmem:s22+$0x87D0];
	v5 =	vshll.u32 v4, $0x5  }
0x4db: {  	v3 =	vshll.u32 v3, $0x9;
	v5 =	vand.u32 $0xFFFFC000, v5  }
0x4dc: {  	v4 =	vand.u32 $0x1F8, v4;
	v3 =	vadd.s32 v3, v5;
	v5 =	vld [tilespmem:s22+$0x8BD0]  }
0x4dd: {  	v2 =	vand.u32 $0x7, v2;
	v3 =	vor.u32 v4, v3  }
0x4de: {  	v3 =	vor.u32 v2, v3  }
0x4df: {  	v4 =	vadd.s32 $0x360, v6  }
0x4e0: {  	s23 =	simm.s32 $0x20;
	v7 =	vshll.u32 v4, $0x5  }
0x4e1: {  	v2 =	vld [tilespmem:s23+$0x87D0];
	v7 =	vand.u32 $0xFFFFC000, v7;
	v5 =	vshll.u32 v5, $0x9  }
0x4e2: {  	v4 =	vand.u32 $0x1F8, v4;
	v5 =	vadd.s32 v5, v7;
	v7 =	vand.u32 $0x7, v6;
	v6 =	vld [tilespmem:s23+$0x8BD0]  }
0x4e3: {  	v3 =	vld.idx.msk [tilespmem:v3+s10+$0x0], $0xffff;
	v4 =	vor.u32 v4, v5  }
0x4e4: {  	v4 =	vor.u32 v7, v4;
	_ =	sdelay $0x1  }
0x4e5: {  	v5 =	vadd.s32 $0x360, v2  }
0x4e6: {  	s25 =	simm.s32 $0x30;
	s26 =	simm.s32 $0x100;
	v7 =	vshll.u32 v5, $0x5  }
.LBB2_58:
0x4e7: {  	p1 =	sne.s32 s26, $0xFC0;
	v8 =	vld [tilespmem:s25+$0x87D0];
	v7 =	vand.u32 $0xFFFFC000, v7;
	v6 =	vshll.u32 v6, $0x9;
	[tilespmem:s24+$0x93D0] =	vst v3;
	s24 =	smov.u32 s22;
	s22 =	smov.u32 s23  }
0x4e8: {  	v5 =	vand.u32 $0x1F8, v5;
	s23 =	smov.u32 s25;
	v7 =	vadd.s32 v6, v7;
	v3 =	vld.idx.msk [tilespmem:v4+s10+$0x0], $0xffff  }
.Ltmp28:
0x4e9: {  	v2 =	vand.u32 $0x7, v2;
	v6 =	vld [tilespmem:s23+$0x8BD0];
	v4 =	vor.u32 v5, v7;
	(pc) =	sbr.rel @p1 .LBB2_58-.Ltmp28, $3  }
0x4ea: {  	v4 =	vor.u32 v2, v4;
	_ =	sdelay $0x1  }
0x4eb: {  	v5 =	vadd.s32 $0x360, v8;
	v2 =	vmov v8  }
0x4ec: {  	s25 =	sshra.s32 s26, $0x2;
	s26 =	sadd.s32 $0x40, s26;
	v7 =	vshll.u32 v5, $0x5  }
0x4ed: {  	_ = 	snop  }
0x4ee: {  	v8 =	vld [tilespmem:s25+$0x87D0]  }
0x4ef: {  	v7 =	vand.u32 $0xFFFFC000, v7;
	v6 =	vshll.u32 v6, $0x9;
	[tilespmem:s24+$0x93D0] =	vst v3  }
0x4f0: {  	v3 =	vand.u32 $0x1F8, v5;
	v5 =	vadd.s32 v6, v7;
	v6 =	vld [tilespmem:s25+$0x8BD0]  }
0x4f1: {  	v2 =	vand.u32 $0x7, v2;
	v4 =	vld.idx.msk [tilespmem:v4+s10+$0x0], $0xffff;
	v3 =	vor.u32 v3, v5  }
0x4f2: {  	v2 =	vor.u32 v2, v3  }
0x4f3: {  	v3 =	vadd.s32 $0x360, v8  }
0x4f4: {  	v5 =	vshll.u32 v3, $0x5  }
0x4f5: {  	v6 =	vshll.u32 v6, $0x9;
	v5 =	vand.u32 $0xFFFFC000, v5  }
0x4f6: {  	[tilespmem:s22+$0x93D0] =	vst v4;
	v3 =	vand.u32 $0x1F8, v3;
	v4 =	vadd.s32 v6, v5  }
0x4f7: {  	v2 =	vld.idx.msk [tilespmem:v2+s10+$0x0], $0xffff;
	v5 =	vand.u32 $0x7, v8;
	v3 =	vor.u32 v3, v4  }
0x4f8: {  	v3 =	vor.u32 v5, v3;
	_ =	sdelay $0x3  }
0x4f9: {  	[tilespmem:s23+$0x93D0] =	vst v2  }
0x4fa: {  	v2 =	vld.idx.msk [tilespmem:v3+s10+$0x0], $0xffff;
	_ =	sdelay $0x4  }
0x4fb: {  	[tilespmem:s25+$0x93D0] =	vst v2  }
0x4fc: {  	_ =	swait.ge [sflag:s15], $0x8000  }
0x4fd: {  	[sflag:s15] =	ssyncset.done $0x0  }
0x4fe: {  	s26 =	simm.s32 $0x0;
	[sflag:s15] =	ssyncadd.s32 $0xFFFF8000  }
0x4ff: {  	[hbm4b:s3+s26] =	stream.linear.scatter [tilespmem:s14], [sflag:$0x3], $0x8000, $0x38;
	[tilespmem:$0x197D0] =	vst v63  }
0x500: {  	_ =	swait.ge [sflag:s20], $0x8000  }
0x501: {  	[sflag:s20] =	ssyncset.done $0x0  }
0x502: {  	s24 =	simm.s32 $0x0;
	[sflag:s20] =	ssyncadd.s32 $0xFFFF8000  }
0x503: {  	[tilespmem:s17], [sflag:$0x2] =	stream.indirect.gather [spmem:s1], $0x20, s16, s12, $0xb8;
	[tilespmem:$0x197D0] =	vst v63  }
0x504: {  	v2 =	vld [tilespmem:s24+$0x87D0];
	_ =	sdelay $0x1  }
0x505: {  	v3 =	vld [tilespmem:s24+$0x8BD0];
	_ =	sdelay $0x2  }
0x506: {  	s22 =	simm.s32 $0x10;
	v4 =	vadd.s32 $0x380, v2  }
0x507: {  	v6 =	vld [tilespmem:s22+$0x87D0];
	v5 =	vshll.u32 v4, $0x5  }
0x508: {  	v3 =	vshll.u32 v3, $0x9;
	v5 =	vand.u32 $0xFFFFC000, v5  }
0x509: {  	v4 =	vand.u32 $0x1F8, v4;
	v3 =	vadd.s32 v3, v5;
	v5 =	vld [tilespmem:s22+$0x8BD0]  }
0x50a: {  	v2 =	vand.u32 $0x7, v2;
	v3 =	vor.u32 v4, v3  }
0x50b: {  	v3 =	vor.u32 v2, v3  }
0x50c: {  	v4 =	vadd.s32 $0x380, v6  }
0x50d: {  	s23 =	simm.s32 $0x20;
	v7 =	vshll.u32 v4, $0x5  }
0x50e: {  	v2 =	vld [tilespmem:s23+$0x87D0];
	v7 =	vand.u32 $0xFFFFC000, v7;
	v5 =	vshll.u32 v5, $0x9  }
0x50f: {  	v4 =	vand.u32 $0x1F8, v4;
	v5 =	vadd.s32 v5, v7;
	v7 =	vand.u32 $0x7, v6;
	v6 =	vld [tilespmem:s23+$0x8BD0]  }
0x510: {  	v3 =	vld.idx.msk [tilespmem:v3+s10+$0x0], $0xffff;
	v4 =	vor.u32 v4, v5  }
0x511: {  	v4 =	vor.u32 v7, v4;
	_ =	sdelay $0x1  }
0x512: {  	v5 =	vadd.s32 $0x380, v2  }
0x513: {  	s25 =	simm.s32 $0x30;
	s26 =	simm.s32 $0x100;
	v7 =	vshll.u32 v5, $0x5  }
.LBB2_60:
0x514: {  	p1 =	sne.s32 s26, $0xFC0;
	v8 =	vld [tilespmem:s25+$0x87D0];
	v7 =	vand.u32 $0xFFFFC000, v7;
	v6 =	vshll.u32 v6, $0x9;
	[tilespmem:s24+$0x8FD0] =	vst v3;
	s24 =	smov.u32 s22;
	s22 =	smov.u32 s23  }
0x515: {  	v5 =	vand.u32 $0x1F8, v5;
	s23 =	smov.u32 s25;
	v7 =	vadd.s32 v6, v7;
	v3 =	vld.idx.msk [tilespmem:v4+s10+$0x0], $0xffff  }
.Ltmp29:
0x516: {  	v2 =	vand.u32 $0x7, v2;
	v6 =	vld [tilespmem:s23+$0x8BD0];
	v4 =	vor.u32 v5, v7;
	(pc) =	sbr.rel @p1 .LBB2_60-.Ltmp29, $3  }
0x517: {  	v4 =	vor.u32 v2, v4;
	_ =	sdelay $0x1  }
0x518: {  	v5 =	vadd.s32 $0x380, v8;
	v2 =	vmov v8  }
0x519: {  	s25 =	sshra.s32 s26, $0x2;
	s26 =	sadd.s32 $0x40, s26;
	v7 =	vshll.u32 v5, $0x5  }
0x51a: {  	_ = 	snop  }
0x51b: {  	v8 =	vld [tilespmem:s25+$0x87D0]  }
0x51c: {  	v7 =	vand.u32 $0xFFFFC000, v7;
	v6 =	vshll.u32 v6, $0x9;
	[tilespmem:s24+$0x8FD0] =	vst v3  }
0x51d: {  	v3 =	vand.u32 $0x1F8, v5;
	v5 =	vadd.s32 v6, v7;
	v6 =	vld [tilespmem:s25+$0x8BD0]  }
0x51e: {  	v2 =	vand.u32 $0x7, v2;
	v4 =	vld.idx.msk [tilespmem:v4+s10+$0x0], $0xffff;
	v3 =	vor.u32 v3, v5  }
0x51f: {  	v2 =	vor.u32 v2, v3  }
0x520: {  	v3 =	vadd.s32 $0x380, v8  }
0x521: {  	v5 =	vshll.u32 v3, $0x5  }
0x522: {  	v6 =	vshll.u32 v6, $0x9;
	v5 =	vand.u32 $0xFFFFC000, v5  }
0x523: {  	[tilespmem:s22+$0x8FD0] =	vst v4;
	v3 =	vand.u32 $0x1F8, v3;
	v4 =	vadd.s32 v6, v5  }
0x524: {  	v2 =	vld.idx.msk [tilespmem:v2+s10+$0x0], $0xffff;
	v5 =	vand.u32 $0x7, v8;
	v3 =	vor.u32 v3, v4  }
0x525: {  	v3 =	vor.u32 v5, v3;
	_ =	sdelay $0x3  }
0x526: {  	[tilespmem:s23+$0x8FD0] =	vst v2  }
0x527: {  	v2 =	vld.idx.msk [tilespmem:v3+s10+$0x0], $0xffff;
	_ =	sdelay $0x4  }
0x528: {  	[tilespmem:s25+$0x8FD0] =	vst v2  }
0x529: {  	_ =	swait.ge [sflag:s18], $0x8000  }
0x52a: {  	[sflag:s18] =	ssyncset.done $0x0  }
0x52b: {  	s26 =	simm.s32 $0x0;
	[sflag:s18] =	ssyncadd.s32 $0xFFFF8000  }
0x52c: {  	[hbm4b:s4+s26] =	stream.linear.scatter [tilespmem:s17], [sflag:$0x4], $0x8000, $0x38;
	[tilespmem:$0x197D0] =	vst v63  }
0x52d: {  	_ =	swait.ge [sflag:s19], $0x8000  }
0x52e: {  	[sflag:s19] =	ssyncset.done $0x0  }
0x52f: {  	s24 =	simm.s32 $0x0;
	[sflag:s19] =	ssyncadd.s32 $0xFFFF8000  }
0x530: {  	[tilespmem:s14], [sflag:$0x1] =	stream.indirect.gather [spmem:s1], $0x20, s13, s12, $0xb8;
	[tilespmem:$0x197D0] =	vst v63  }
0x531: {  	v2 =	vld [tilespmem:s24+$0x87D0];
	_ =	sdelay $0x1  }
0x532: {  	v3 =	vld [tilespmem:s24+$0x8BD0];
	_ =	sdelay $0x2  }
0x533: {  	s22 =	simm.s32 $0x10;
	v4 =	vadd.s32 $0x3A0, v2  }
0x534: {  	v6 =	vld [tilespmem:s22+$0x87D0];
	v5 =	vshll.u32 v4, $0x5  }
0x535: {  	v3 =	vshll.u32 v3, $0x9;
	v5 =	vand.u32 $0xFFFFC000, v5  }
0x536: {  	v4 =	vand.u32 $0x1F8, v4;
	v3 =	vadd.s32 v3, v5;
	v5 =	vld [tilespmem:s22+$0x8BD0]  }
0x537: {  	v2 =	vand.u32 $0x7, v2;
	v3 =	vor.u32 v4, v3  }
0x538: {  	v3 =	vor.u32 v2, v3  }
0x539: {  	v4 =	vadd.s32 $0x3A0, v6  }
0x53a: {  	s23 =	simm.s32 $0x20;
	v7 =	vshll.u32 v4, $0x5  }
0x53b: {  	v2 =	vld [tilespmem:s23+$0x87D0];
	v7 =	vand.u32 $0xFFFFC000, v7;
	v5 =	vshll.u32 v5, $0x9  }
0x53c: {  	v4 =	vand.u32 $0x1F8, v4;
	v5 =	vadd.s32 v5, v7;
	v7 =	vand.u32 $0x7, v6;
	v6 =	vld [tilespmem:s23+$0x8BD0]  }
0x53d: {  	v3 =	vld.idx.msk [tilespmem:v3+s10+$0x0], $0xffff;
	v4 =	vor.u32 v4, v5  }
0x53e: {  	v4 =	vor.u32 v7, v4;
	_ =	sdelay $0x1  }
0x53f: {  	v5 =	vadd.s32 $0x3A0, v2  }
0x540: {  	s25 =	simm.s32 $0x30;
	s26 =	simm.s32 $0x100;
	v7 =	vshll.u32 v5, $0x5  }
.LBB2_62:
0x541: {  	p1 =	sne.s32 s26, $0xFC0;
	v8 =	vld [tilespmem:s25+$0x87D0];
	v7 =	vand.u32 $0xFFFFC000, v7;
	v6 =	vshll.u32 v6, $0x9;
	[tilespmem:s24+$0x93D0] =	vst v3;
	s24 =	smov.u32 s22;
	s22 =	smov.u32 s23  }
0x542: {  	v5 =	vand.u32 $0x1F8, v5;
	s23 =	smov.u32 s25;
	v7 =	vadd.s32 v6, v7;
	v3 =	vld.idx.msk [tilespmem:v4+s10+$0x0], $0xffff  }
.Ltmp30:
0x543: {  	v2 =	vand.u32 $0x7, v2;
	v6 =	vld [tilespmem:s23+$0x8BD0];
	v4 =	vor.u32 v5, v7;
	(pc) =	sbr.rel @p1 .LBB2_62-.Ltmp30, $3  }
0x544: {  	v4 =	vor.u32 v2, v4;
	_ =	sdelay $0x1  }
0x545: {  	v5 =	vadd.s32 $0x3A0, v8;
	v2 =	vmov v8  }
0x546: {  	s25 =	sshra.s32 s26, $0x2;
	s26 =	sadd.s32 $0x40, s26;
	v7 =	vshll.u32 v5, $0x5  }
0x547: {  	_ = 	snop  }
0x548: {  	v8 =	vld [tilespmem:s25+$0x87D0]  }
0x549: {  	v7 =	vand.u32 $0xFFFFC000, v7;
	v6 =	vshll.u32 v6, $0x9;
	[tilespmem:s24+$0x93D0] =	vst v3  }
0x54a: {  	v3 =	vand.u32 $0x1F8, v5;
	v5 =	vadd.s32 v6, v7;
	v6 =	vld [tilespmem:s25+$0x8BD0]  }
0x54b: {  	v2 =	vand.u32 $0x7, v2;
	v4 =	vld.idx.msk [tilespmem:v4+s10+$0x0], $0xffff;
	v3 =	vor.u32 v3, v5  }
0x54c: {  	v2 =	vor.u32 v2, v3  }
0x54d: {  	v3 =	vadd.s32 $0x3A0, v8  }
0x54e: {  	v5 =	vshll.u32 v3, $0x5  }
0x54f: {  	v6 =	vshll.u32 v6, $0x9;
	v5 =	vand.u32 $0xFFFFC000, v5  }
0x550: {  	[tilespmem:s22+$0x93D0] =	vst v4;
	v3 =	vand.u32 $0x1F8, v3;
	v4 =	vadd.s32 v6, v5  }
0x551: {  	v2 =	vld.idx.msk [tilespmem:v2+s10+$0x0], $0xffff;
	v5 =	vand.u32 $0x7, v8;
	v3 =	vor.u32 v3, v4  }
0x552: {  	v3 =	vor.u32 v5, v3;
	_ =	sdelay $0x3  }
0x553: {  	[tilespmem:s23+$0x93D0] =	vst v2  }
0x554: {  	v2 =	vld.idx.msk [tilespmem:v3+s10+$0x0], $0xffff;
	_ =	sdelay $0x4  }
0x555: {  	[tilespmem:s25+$0x93D0] =	vst v2  }
0x556: {  	_ =	swait.ge [sflag:s15], $0x8000  }
0x557: {  	[sflag:s15] =	ssyncset.done $0x0  }
0x558: {  	s26 =	simm.s32 $0x0;
	[sflag:s15] =	ssyncadd.s32 $0xFFFF8000  }
0x559: {  	[hbm4b:s6+s26] =	stream.linear.scatter [tilespmem:s14], [sflag:$0x3], $0x8000, $0x38;
	[tilespmem:$0x197D0] =	vst v63  }
0x55a: {  	_ =	swait.ge [sflag:s20], $0x8000  }
0x55b: {  	[sflag:s20] =	ssyncset.done $0x0  }
0x55c: {  	s24 =	simm.s32 $0x0;
	[sflag:s20] =	ssyncadd.s32 $0xFFFF8000  }
0x55d: {  	[tilespmem:s17], [sflag:$0x2] =	stream.indirect.gather [spmem:s1], $0x20, s16, s12, $0xb8;
	[tilespmem:$0x197D0] =	vst v63  }
0x55e: {  	v2 =	vld [tilespmem:s24+$0x87D0];
	_ =	sdelay $0x1  }
0x55f: {  	v3 =	vld [tilespmem:s24+$0x8BD0];
	_ =	sdelay $0x2  }
0x560: {  	s22 =	simm.s32 $0x10;
	v4 =	vadd.s32 $0x3C0, v2  }
0x561: {  	v6 =	vld [tilespmem:s22+$0x87D0];
	v5 =	vshll.u32 v4, $0x5  }
0x562: {  	v3 =	vshll.u32 v3, $0x9;
	v5 =	vand.u32 $0xFFFFC000, v5  }
0x563: {  	v4 =	vand.u32 $0x1F8, v4;
	v3 =	vadd.s32 v3, v5;
	v5 =	vld [tilespmem:s22+$0x8BD0]  }
0x564: {  	v2 =	vand.u32 $0x7, v2;
	v3 =	vor.u32 v4, v3  }
0x565: {  	v3 =	vor.u32 v2, v3  }
0x566: {  	v4 =	vadd.s32 $0x3C0, v6  }
0x567: {  	s23 =	simm.s32 $0x20;
	v7 =	vshll.u32 v4, $0x5  }
0x568: {  	v2 =	vld [tilespmem:s23+$0x87D0];
	v7 =	vand.u32 $0xFFFFC000, v7;
	v5 =	vshll.u32 v5, $0x9  }
0x569: {  	v4 =	vand.u32 $0x1F8, v4;
	v5 =	vadd.s32 v5, v7;
	v7 =	vand.u32 $0x7, v6;
	v6 =	vld [tilespmem:s23+$0x8BD0]  }
0x56a: {  	v3 =	vld.idx.msk [tilespmem:v3+s10+$0x0], $0xffff;
	v4 =	vor.u32 v4, v5  }
0x56b: {  	v4 =	vor.u32 v7, v4;
	_ =	sdelay $0x1  }
0x56c: {  	v5 =	vadd.s32 $0x3C0, v2  }
0x56d: {  	s25 =	simm.s32 $0x30;
	s26 =	simm.s32 $0x100;
	v7 =	vshll.u32 v5, $0x5  }
.LBB2_64:
0x56e: {  	p1 =	sne.s32 s26, $0xFC0;
	v8 =	vld [tilespmem:s25+$0x87D0];
	v7 =	vand.u32 $0xFFFFC000, v7;
	v6 =	vshll.u32 v6, $0x9;
	[tilespmem:s24+$0x8FD0] =	vst v3;
	s24 =	smov.u32 s22;
	s22 =	smov.u32 s23  }
0x56f: {  	v5 =	vand.u32 $0x1F8, v5;
	s23 =	smov.u32 s25;
	v7 =	vadd.s32 v6, v7;
	v3 =	vld.idx.msk [tilespmem:v4+s10+$0x0], $0xffff  }
.Ltmp31:
0x570: {  	v2 =	vand.u32 $0x7, v2;
	v6 =	vld [tilespmem:s23+$0x8BD0];
	v4 =	vor.u32 v5, v7;
	(pc) =	sbr.rel @p1 .LBB2_64-.Ltmp31, $3  }
0x571: {  	v4 =	vor.u32 v2, v4;
	_ =	sdelay $0x1  }
0x572: {  	v5 =	vadd.s32 $0x3C0, v8;
	v2 =	vmov v8  }
0x573: {  	s25 =	sshra.s32 s26, $0x2;
	s26 =	sadd.s32 $0x40, s26;
	v7 =	vshll.u32 v5, $0x5  }
0x574: {  	_ = 	snop  }
0x575: {  	v8 =	vld [tilespmem:s25+$0x87D0]  }
0x576: {  	v7 =	vand.u32 $0xFFFFC000, v7;
	v6 =	vshll.u32 v6, $0x9;
	[tilespmem:s24+$0x8FD0] =	vst v3  }
0x577: {  	v3 =	vand.u32 $0x1F8, v5;
	v5 =	vadd.s32 v6, v7;
	v6 =	vld [tilespmem:s25+$0x8BD0]  }
0x578: {  	v2 =	vand.u32 $0x7, v2;
	v4 =	vld.idx.msk [tilespmem:v4+s10+$0x0], $0xffff;
	v3 =	vor.u32 v3, v5  }
0x579: {  	v2 =	vor.u32 v2, v3  }
0x57a: {  	v3 =	vadd.s32 $0x3C0, v8  }
0x57b: {  	v5 =	vshll.u32 v3, $0x5  }
0x57c: {  	v6 =	vshll.u32 v6, $0x9;
	v5 =	vand.u32 $0xFFFFC000, v5  }
0x57d: {  	[tilespmem:s22+$0x8FD0] =	vst v4;
	v3 =	vand.u32 $0x1F8, v3;
	v4 =	vadd.s32 v6, v5  }
0x57e: {  	v2 =	vld.idx.msk [tilespmem:v2+s10+$0x0], $0xffff;
	v5 =	vand.u32 $0x7, v8;
	v3 =	vor.u32 v3, v4  }
0x57f: {  	v3 =	vor.u32 v5, v3;
	_ =	sdelay $0x3  }
0x580: {  	[tilespmem:s23+$0x8FD0] =	vst v2  }
0x581: {  	v2 =	vld.idx.msk [tilespmem:v3+s10+$0x0], $0xffff;
	_ =	sdelay $0x4  }
0x582: {  	[tilespmem:s25+$0x8FD0] =	vst v2  }
0x583: {  	_ =	swait.ge [sflag:s18], $0x8000  }
0x584: {  	[sflag:s18] =	ssyncset.done $0x0  }
0x585: {  	s26 =	simm.s32 $0x0;
	[sflag:s18] =	ssyncadd.s32 $0xFFFF8000  }
0x586: {  	[hbm4b:s7+s26] =	stream.linear.scatter [tilespmem:s17], [sflag:$0x4], $0x8000, $0x38;
	[tilespmem:$0x197D0] =	vst v63  }
0x587: {  	_ =	swait.ge [sflag:s19], $0x8000  }
0x588: {  	[sflag:s19] =	ssyncset.done $0x0  }
0x589: {  	s24 =	simm.s32 $0x0;
	[sflag:s19] =	ssyncadd.s32 $0xFFFF8000  }
0x58a: {  	[tilespmem:s14], [sflag:$0x1] =	stream.indirect.gather [spmem:s1], $0x20, s13, s12, $0xb8;
	[tilespmem:$0x197D0] =	vst v63  }
0x58b: {  	v2 =	vld [tilespmem:s24+$0x87D0];
	_ =	sdelay $0x1  }
0x58c: {  	v3 =	vld [tilespmem:s24+$0x8BD0];
	_ =	sdelay $0x2  }
0x58d: {  	s22 =	simm.s32 $0x10;
	v4 =	vadd.s32 $0x3E0, v2  }
0x58e: {  	v6 =	vld [tilespmem:s22+$0x87D0];
	v5 =	vshll.u32 v4, $0x5  }
0x58f: {  	v3 =	vshll.u32 v3, $0x9;
	v5 =	vand.u32 $0xFFFFC000, v5  }
0x590: {  	v4 =	vand.u32 $0x1F8, v4;
	v3 =	vadd.s32 v3, v5;
	v5 =	vld [tilespmem:s22+$0x8BD0]  }
0x591: {  	v2 =	vand.u32 $0x7, v2;
	v3 =	vor.u32 v4, v3  }
0x592: {  	v3 =	vor.u32 v2, v3  }
0x593: {  	v4 =	vadd.s32 $0x3E0, v6  }
0x594: {  	s23 =	simm.s32 $0x20;
	v7 =	vshll.u32 v4, $0x5  }
0x595: {  	v2 =	vld [tilespmem:s23+$0x87D0];
	v7 =	vand.u32 $0xFFFFC000, v7;
	v5 =	vshll.u32 v5, $0x9  }
0x596: {  	v4 =	vand.u32 $0x1F8, v4;
	v5 =	vadd.s32 v5, v7;
	v7 =	vand.u32 $0x7, v6;
	v6 =	vld [tilespmem:s23+$0x8BD0]  }
0x597: {  	v3 =	vld.idx.msk [tilespmem:v3+s10+$0x0], $0xffff;
	v4 =	vor.u32 v4, v5  }
0x598: {  	v4 =	vor.u32 v7, v4;
	_ =	sdelay $0x1  }
0x599: {  	v5 =	vadd.s32 $0x3E0, v2  }
0x59a: {  	s25 =	simm.s32 $0x30;
	s26 =	simm.s32 $0x100;
	v7 =	vshll.u32 v5, $0x5  }
.LBB2_66:
0x59b: {  	p1 =	sne.s32 s26, $0xFC0;
	v8 =	vld [tilespmem:s25+$0x87D0];
	v7 =	vand.u32 $0xFFFFC000, v7;
	v6 =	vshll.u32 v6, $0x9;
	[tilespmem:s24+$0x93D0] =	vst v3;
	s24 =	smov.u32 s22;
	s22 =	smov.u32 s23  }
0x59c: {  	v5 =	vand.u32 $0x1F8, v5;
	s23 =	smov.u32 s25;
	v7 =	vadd.s32 v6, v7;
	v3 =	vld.idx.msk [tilespmem:v4+s10+$0x0], $0xffff  }
.Ltmp32:
0x59d: {  	v2 =	vand.u32 $0x7, v2;
	v6 =	vld [tilespmem:s23+$0x8BD0];
	v4 =	vor.u32 v5, v7;
	(pc) =	sbr.rel @p1 .LBB2_66-.Ltmp32, $3  }
0x59e: {  	v4 =	vor.u32 v2, v4;
	_ =	sdelay $0x1  }
0x59f: {  	v5 =	vadd.s32 $0x3E0, v8;
	v2 =	vmov v8  }
0x5a0: {  	s25 =	sshra.s32 s26, $0x2;
	s26 =	sadd.s32 $0x40, s26;
	v7 =	vshll.u32 v5, $0x5  }
0x5a1: {  	_ = 	snop  }
0x5a2: {  	v8 =	vld [tilespmem:s25+$0x87D0]  }
0x5a3: {  	v7 =	vand.u32 $0xFFFFC000, v7;
	v6 =	vshll.u32 v6, $0x9;
	[tilespmem:s24+$0x93D0] =	vst v3  }
0x5a4: {  	v3 =	vand.u32 $0x1F8, v5;
	v59 =	vadd.s32 v6, v7;
	v60 =	vld [tilespmem:s25+$0x8BD0]  }
0x5a5: {  	v2 =	vand.u32 $0x7, v2;
	v4 =	vld.idx.msk [tilespmem:v4+s10+$0x0], $0xffff;
	v3 =	vor.u32 v3, v59  }
0x5a6: {  	v2 =	vor.u32 v2, v3  }
0x5a7: {  	v3 =	vadd.s32 $0x3E0, v8  }
0x5a8: {  	v61 =	vshll.u32 v3, $0x5  }
0x5a9: {  	v6 =	vshll.u32 v60, $0x9;
	v5 =	vand.u32 $0xFFFFC000, v61  }
0x5aa: {  	[tilespmem:s22+$0x93D0] =	vst v4;
	v3 =	vand.u32 $0x1F8, v3;
	v62 =	vadd.s32 v6, v5  }
0x5ab: {  	v63 =	vand.u32 $0x7, v8;
	v2 =	vld.idx.msk [tilespmem:v2+s10+$0x0], $0xffff;
	v3 =	vor.u32 v3, v62  }
0x5ac: {  	v3 =	vor.u32 v63, v3;
	_ =	sdelay $0x3  }
0x5ad: {  	[tilespmem:s23+$0x93D0] =	vst v2  }
0x5ae: {  	v2 =	vld.idx.msk [tilespmem:v3+s10+$0x0], $0xffff;
	_ =	sdelay $0x4  }
0x5af: {  	[tilespmem:s25+$0x93D0] =	vst v2  }
0x5b0: {  	_ =	swait.ge [sflag:s15], $0x8000  }
0x5b1: {  	[sflag:s15] =	ssyncset.done $0x0  }
0x5b2: {  	[sflag:s15] =	ssyncadd.s32 $0xFFFF8000  }
0x5b3: {  	[hbm4b:s8+s2] =	stream.linear.scatter [tilespmem:s14], [sflag:$0x3], $0x8000, $0x38;
	[tilespmem:$0x197D0] =	vst v63  }
0x5b4: {  	_ =	swait.ge [sflag:s20], $0x8000  }
0x5b5: {  	[sflag:s20] =	ssyncset.done $0x0  }
0x5b6: {  	[sflag:s20] =	ssyncadd.s32 $0xFFFF8000  }
0x5b7: {  	[tilespmem:s17], [sflag:$0x2] =	stream.indirect.gather [spmem:s1], $0x20, s16, s12, $0xb8;
	[tilespmem:$0x197D0] =	vst v63  }
0x5b8: {  	_ =	swait.ge [sflag:s18], $0x8000  }
0x5b9: {  	[sflag:s18] =	ssyncset.done $0x0  }
0x5ba: {  	[sflag:s18] =	ssyncadd.s32 $0xFFFF8000  }
0x5bb: {  	[hbm4b:s9+s2] =	stream.linear.scatter [tilespmem:s17], [sflag:$0x4], $0x8000, $0x38;
	[tilespmem:$0x197D0] =	vst v63  }
0x5bc: {  	_ =	swait.ge [sflag:s19], $0x8000  }
0x5bd: {  	[sflag:s19] =	ssyncset.done $0x0  }
0x5be: {  	[sflag:s19] =	ssyncadd.s32 $0xFFFF8000  }
0x5bf: {  	_ =	swait.ge [sflag:s20], $0x8000  }
0x5c0: {  	s21 =	sadd.s32 $0x1, s21;
	s26 =	rddreg [dreg:$0x1a]  }
0x5c1: {  	p1 =	sne.s32 s21, s26  }
.Ltmp33:
0x5c2: {  	_ = 	snop;
	(pc) =	sbr.rel @p1 .LBB2_1-.Ltmp33, $3  }
0x5c3: {  	_ =	sdelay $0x1  }
0x5c4: {  	[sflag:s20] =	ssyncset.done $0x0  }
0x5c5: {  	[sflag:s20] =	ssyncadd.s32 $0xFFFF8000  }
0x5c6: {  	_ =	sfence.sel $0x180000  }
0x5c7: {  	[bflag:$0x0] =	sbarrier.arrive $0xFFFF  }
0x5c8: {  	_ =	strace $0x90000047  }
0x5c9: {  	[bflag:$0x2] =	sbarrier.arrive $0xFFFF  }
0x5ca: {  	s0 =	rddreg [dreg:$0x4]  }
0x5cb: {  	s0 =	sadd.s32 @!p0 $0x100000, s0  }
0x5cc: {  	[sflag:s0] =	ssyncadd.tile.s32 @!p0 $0x1;
	_ =	shalt  }
.Lfunc_end2:
_tile_overlayer_lowered:
.L_overlay_start_2:
0x5cd: {  	(tag) =	ssettag $0x2  }
0x5ce: {  	s0 =	rddreg [dreg:$0x0];
	s2 =	stileid.u32  }
0x5cf: {  	s1 =	rddreg [dreg:$0x1];
	p0 =	sne.s32 s2, $0x0  }
0x5d0: {  	s3 =	rddreg [dreg:$0x2];
	[bflag:$0x3] =	sbarrier.arrive $0xFFFF;
	s2 =	simm.s32 @!p0 $0x1C05  }
0x5d1: {  	[timem:s3], [sflag:s2] =	dma.local @!p0 [hbm:s0], s1  }
0x5d2: {  	s0 =	simm.s32 @!p0 $0x5  }
0x5d3: {  	_ =	swait.ge @!p0 [sflag:s0], s1  }
0x5d4: {  	s1 =	ssub.s32 @!p0 $0x0, s1;
	[sflag:s0] =	ssyncset.done @!p0 $0x0  }
0x5d5: {  	[sflag:s0] =	ssyncadd.s32 @!p0 s1  }
0x5d6: {  	[bflag:$0x3] =	sbarrier.arrive $0xFFFF  }
0x5d7: {  	_ =	shalt  }

</sc_bundles>
